<compile_context>
chip_gen: v7x
topology: tpu7x:2x2x1
jax: 0.10.2.dev20260603
libtpu: 0.0.44.dev20260713+nightly
codegen_flags: <defaults>
</compile_context>

<pallas_src>
import jax
import jax.numpy as jnp
from jax import lax
from jax.experimental import pallas as pl
from jax.experimental.pallas import tpu as pltpu
from jax.experimental.pallas import tpu_sc as plsc

NUM_EMBEDDINGS = 100000
EMBEDDING_DIM = 128
BATCH = 4096
SEQ = 200

_NC = 2
_NS = 16
_NW = _NC * _NS

_B = BATCH * SEQ
_G = 128
_ROWS_PER_W = _B // _NW
_STEPS = _ROWS_PER_W // _G
_NRB = 5
_GP = 3
_NIB = 10
_T = _STEPS // _NIB


def _body(idx_hbm, table_hbm, out_hbm, ibufs, rbufs, gsem, osem, isem):
    wid = lax.axis_index("s") * _NC + lax.axis_index("c")
    idx_row0 = wid * _STEPS
    row_base = wid * _ROWS_PER_W

    def start_idx(s, k):
        pltpu.async_copy(idx_hbm.at[idx_row0 + s], ibufs.at[k], isem)

    def wait_idx(k):
        pltpu.make_async_copy(idx_hbm.at[idx_row0], ibufs.at[k], isem).wait()

    def start_gather(j, k):
        pltpu.async_copy(table_hbm.at[ibufs.at[k]], rbufs.at[j], gsem)

    def wait_gather(j, k):
        pltpu.make_async_copy(table_hbm.at[ibufs.at[k]], rbufs.at[j], gsem).wait()

    def start_scatter(s, j):
        pltpu.async_copy(rbufs.at[j], out_hbm.at[pl.ds(row_base + s * _G, _G)], osem)

    def wait_scatter(j):
        pltpu.make_async_copy(
            rbufs.at[j], out_hbm.at[pl.ds(row_base, _G)], osem
        ).wait()

    def step(s, jI, first_pass):
        j = jI % _NRB
        wait_gather(j, jI)
        start_scatter(s, j)
        kg = (jI + _GP) % _NIB
        wait_idx(kg)
        if not (first_pass and jI < 2):
            wait_scatter((j + _GP) % _NRB)
        start_gather((j + _GP) % _NRB, kg)
        start_idx(s + 6, (jI + 6) % _NIB)

    for k in range(6):
        start_idx(k, k)
    for k in range(_GP):
        wait_idx(k)
        start_gather(k, k)

    for jI in range(_NIB):
        step(jI, jI, True)

    def pass_body(t, carry):
        s0 = t * _NIB
        for jI in range(_NIB):
            step(s0 + jI, jI, False)
        return carry

    lax.fori_loop(1, _T - 1, pass_body, 0)

    s0 = _STEPS - _NIB
    for jI in range(_NIB):
        s = s0 + jI
        j = jI % _NRB
        wait_gather(j, jI)
        start_scatter(s, j)
        if jI < _NIB - _GP:
            kg = (jI + _GP) % _NIB
            wait_idx(kg)
            wait_scatter((j + _GP) % _NRB)
            start_gather((j + _GP) % _NRB, kg)
        if jI < 4:
            start_idx(s + 6, (jI + 6) % _NIB)

    for _ in range(_NRB):
        wait_scatter(0)


@jax.jit
def kernel(x, param):
    idx = x.reshape(_B // _G, _G).astype(jnp.int32)
    mesh = plsc.VectorSubcoreMesh(core_axis_name="c", subcore_axis_name="s")
    out = pl.kernel(
        _body,
        out_type=jax.ShapeDtypeStruct((_B, EMBEDDING_DIM), jnp.float32),
        mesh=mesh,
        scratch_types=[
            pltpu.VMEM((_NIB, _G), jnp.int32),
            pltpu.VMEM((_NRB, _G, EMBEDDING_DIM), jnp.float32),
            pltpu.SemaphoreType.DMA,
            pltpu.SemaphoreType.DMA,
            pltpu.SemaphoreType.DMA,
        ],
    )(idx, param)
    return out.reshape(BATCH, SEQ, EMBEDDING_DIM)

# --- scband reference (transcript-rebuilt; emitter-appended) ---
"""Pipeline reference for scband-embedding-80453327389008 (READ-ONLY COPY).

The authoritative reference and input builder live on the scoring server;
editing this copy changes nothing except your own understanding.
"""

import jax, jax.numpy as jnp
import numpy as np

NUM_EMBEDDINGS = 100000
EMBEDDING_DIM = 128
BATCH = 4096
SEQ = 200


def setup_inputs(seed: int = 0) -> dict:
    key = jax.random.key(seed)
    k_idx, k_param = jax.random.split(key)
    x = jax.random.randint(k_idx, (BATCH, SEQ), 0, NUM_EMBEDDINGS, dtype=jnp.int64 if jax.config.read('jax_enable_x64') else jnp.int32)
    # Learned embedding table (trunc_normal init approximated with clipped normal)
    param = jnp.clip(jax.random.normal(k_param, (NUM_EMBEDDINGS, EMBEDDING_DIM), dtype=jnp.float32), -3.0, 3.0)
    return {"x": x, "param": param}


def reference(x, param):
    # Faithful translation of: return self.param[x]
    return jnp.take(param, x, axis=0)

if __name__ == "__main__":
    import jax
    _d = setup_inputs()
    print(jax.jit(kernel)(*tuple(_d.values())))

</pallas_src>

<mosaic_0001>
#map = affine_map<(d0, d1) -> (0, 0)>
module attributes {stable_mosaic.version = 14 : i64} {
  func.func @_body(%arg0: i32, %arg1: i32, %arg2: memref<6400x128xi32, #tpu.memory_space<hbm>>, %arg3: memref<100000x128xf32, #tpu.memory_space<hbm>>, %arg4: memref<819200x128xf32, #tpu.memory_space<hbm>>, %arg5: memref<10x128xi32, #tpu.memory_space<vmem>>, %arg6: memref<5x128x128xf32, #tpu.memory_space<vmem>>, %arg7: memref<!tpu.dma_semaphore, #tpu.memory_space<semaphore_mem>>, %arg8: memref<!tpu.dma_semaphore, #tpu.memory_space<semaphore_mem>>, %arg9: memref<!tpu.dma_semaphore, #tpu.memory_space<semaphore_mem>>) attributes {dimension_semantics = [#tpu.dimension_semantics<core_parallel>, #tpu.dimension_semantics<subcore_parallel>], iteration_bounds = array<i64: 2, 16>, scalar_prefetch = 0 : i64, scratch_operands = 5 : i64, tpu.core_type = #tpu.core_type<sc_vector_subcore>, window_params = [{transform_indices = #map}, {transform_indices = #map}, {transform_indices = #map}]} {
    %mul3A = arith.constant 2 : i32
    %mul3A_0 = arith.muli %arg1, %mul3A : i32
    %add3A = arith.addi %mul3A_0, %arg0 : i32
    %mul3A_1 = arith.constant 200 : i32
    %mul3A_2 = arith.muli %add3A, %mul3A_1 : i32
    %mul3A_3 = arith.constant 25600 : i32
    %mul3A_4 = arith.muli %add3A, %mul3A_3 : i32
    %add3A_5 = arith.constant 0 : i32
    %add3A_6 = arith.addi %mul3A_2, %add3A_5 : i32
    %dma_start3A = arith.constant 0 : i32
    %dma_start3A_7 = arith.constant 0 : i32
    %dma_start3A_8 = tpu.memref_slice %arg5[%dma_start3A, %dma_start3A_7] : memref<10x128xi32, #tpu.memory_space<vmem>> -> memref<1x128xi32, #tpu.memory_space<vmem>>
    %dma_start3A_9 = tpu.memref_squeeze %dma_start3A_8 : memref<1x128xi32, #tpu.memory_space<vmem>> -> memref<128xi32, #tpu.memory_space<vmem>>
    %dma_start3A_10 = arith.constant 0 : i32
    %dma_start3A_11 = tpu.memref_slice %arg2[%add3A_6, %dma_start3A_10] : memref<6400x128xi32, #tpu.memory_space<hbm>> -> memref<1x128xi32, #tpu.memory_space<hbm>>
    %dma_start3A_12 = tpu.memref_squeeze %dma_start3A_11 : memref<1x128xi32, #tpu.memory_space<hbm>> -> memref<128xi32, #tpu.memory_space<hbm>>
    %dma_start3A_13 = arith.constant 0 : i32
    %dma_start3A_14 = tpu.memref_slice %arg5[%dma_start3A, %dma_start3A_13] : memref<10x128xi32, #tpu.memory_space<vmem>> -> memref<1x128xi32, #tpu.memory_space<vmem>>
    %dma_start3A_15 = tpu.memref_squeeze %dma_start3A_14 : memref<1x128xi32, #tpu.memory_space<vmem>> -> memref<128xi32, #tpu.memory_space<vmem>>
    %dma_start3A_16 = arith.constant 0 : i32
    %dma_start3A_17 = tpu.memref_slice %arg2[%add3A_6, %dma_start3A_16] : memref<6400x128xi32, #tpu.memory_space<hbm>> -> memref<1x128xi32, #tpu.memory_space<hbm>>
    %dma_start3A_18 = tpu.memref_squeeze %dma_start3A_17 : memref<1x128xi32, #tpu.memory_space<hbm>> -> memref<128xi32, #tpu.memory_space<hbm>>
    tpu.enqueue_dma source(%dma_start3A_18 : memref<128xi32, #tpu.memory_space<hbm>>) target(%dma_start3A_15 : memref<128xi32, #tpu.memory_space<vmem>>) target_semaphore(%arg9 : memref<!tpu.dma_semaphore, #tpu.memory_space<semaphore_mem>>)
    %add3A_19 = arith.constant 1 : i32
    %add3A_20 = arith.addi %mul3A_2, %add3A_19 : i32
    %dma_start3A_21 = arith.constant 1 : i32
    %dma_start3A_22 = arith.constant 0 : i32
    %dma_start3A_23 = tpu.memref_slice %arg5[%dma_start3A_21, %dma_start3A_22] : memref<10x128xi32, #tpu.memory_space<vmem>> -> memref<1x128xi32, #tpu.memory_space<vmem>>
    %dma_start3A_24 = tpu.memref_squeeze %dma_start3A_23 : memref<1x128xi32, #tpu.memory_space<vmem>> -> memref<128xi32, #tpu.memory_space<vmem>>
    %dma_start3A_25 = arith.constant 0 : i32
    %dma_start3A_26 = tpu.memref_slice %arg2[%add3A_20, %dma_start3A_25] : memref<6400x128xi32, #tpu.memory_space<hbm>> -> memref<1x128xi32, #tpu.memory_space<hbm>>
    %dma_start3A_27 = tpu.memref_squeeze %dma_start3A_26 : memref<1x128xi32, #tpu.memory_space<hbm>> -> memref<128xi32, #tpu.memory_space<hbm>>
    %dma_start3A_28 = arith.constant 0 : i32
    %dma_start3A_29 = tpu.memref_slice %arg5[%dma_start3A_21, %dma_start3A_28] : memref<10x128xi32, #tpu.memory_space<vmem>> -> memref<1x128xi32, #tpu.memory_space<vmem>>
    %dma_start3A_30 = tpu.memref_squeeze %dma_start3A_29 : memref<1x128xi32, #tpu.memory_space<vmem>> -> memref<128xi32, #tpu.memory_space<vmem>>
    %dma_start3A_31 = arith.constant 0 : i32
    %dma_start3A_32 = tpu.memref_slice %arg2[%add3A_20, %dma_start3A_31] : memref<6400x128xi32, #tpu.memory_space<hbm>> -> memref<1x128xi32, #tpu.memory_space<hbm>>
    %dma_start3A_33 = tpu.memref_squeeze %dma_start3A_32 : memref<1x128xi32, #tpu.memory_space<hbm>> -> memref<128xi32, #tpu.memory_space<hbm>>
    tpu.enqueue_dma source(%dma_start3A_33 : memref<128xi32, #tpu.memory_space<hbm>>) target(%dma_start3A_30 : memref<128xi32, #tpu.memory_space<vmem>>) target_semaphore(%arg9 : memref<!tpu.dma_semaphore, #tpu.memory_space<semaphore_mem>>)
    %add3A_34 = arith.constant 2 : i32
    %add3A_35 = arith.addi %mul3A_2, %add3A_34 : i32
    %dma_start3A_36 = arith.constant 2 : i32
    %dma_start3A_37 = arith.constant 0 : i32
    %dma_start3A_38 = tpu.memref_slice %arg5[%dma_start3A_36, %dma_start3A_37] : memref<10x128xi32, #tpu.memory_space<vmem>> -> memref<1x128xi32, #tpu.memory_space<vmem>>
    %dma_start3A_39 = tpu.memref_squeeze %dma_start3A_38 : memref<1x128xi32, #tpu.memory_space<vmem>> -> memref<128xi32, #tpu.memory_space<vmem>>
    %dma_start3A_40 = arith.constant 0 : i32
    %dma_start3A_41 = tpu.memref_slice %arg2[%add3A_35, %dma_start3A_40] : memref<6400x128xi32, #tpu.memory_space<hbm>> -> memref<1x128xi32, #tpu.memory_space<hbm>>
    %dma_start3A_42 = tpu.memref_squeeze %dma_start3A_41 : memref<1x128xi32, #tpu.memory_space<hbm>> -> memref<128xi32, #tpu.memory_space<hbm>>
    %dma_start3A_43 = arith.constant 0 : i32
    %dma_start3A_44 = tpu.memref_slice %arg5[%dma_start3A_36, %dma_start3A_43] : memref<10x128xi32, #tpu.memory_space<vmem>> -> memref<1x128xi32, #tpu.memory_space<vmem>>
    %dma_start3A_45 = tpu.memref_squeeze %dma_start3A_44 : memref<1x128xi32, #tpu.memory_space<vmem>> -> memref<128xi32, #tpu.memory_space<vmem>>
    %dma_start3A_46 = arith.constant 0 : i32
    %dma_start3A_47 = tpu.memref_slice %arg2[%add3A_35, %dma_start3A_46] : memref<6400x128xi32, #tpu.memory_space<hbm>> -> memref<1x128xi32, #tpu.memory_space<hbm>>
    %dma_start3A_48 = tpu.memref_squeeze %dma_start3A_47 : memref<1x128xi32, #tpu.memory_space<hbm>> -> memref<128xi32, #tpu.memory_space<hbm>>
    tpu.enqueue_dma source(%dma_start3A_48 : memref<128xi32, #tpu.memory_space<hbm>>) target(%dma_start3A_45 : memref<128xi32, #tpu.memory_space<vmem>>) target_semaphore(%arg9 : memref<!tpu.dma_semaphore, #tpu.memory_space<semaphore_mem>>)
    %add3A_49 = arith.constant 3 : i32
    %add3A_50 = arith.addi %mul3A_2, %add3A_49 : i32
    %dma_start3A_51 = arith.constant 3 : i32
    %dma_start3A_52 = arith.constant 0 : i32
    %dma_start3A_53 = tpu.memref_slice %arg5[%dma_start3A_51, %dma_start3A_52] : memref<10x128xi32, #tpu.memory_space<vmem>> -> memref<1x128xi32, #tpu.memory_space<vmem>>
    %dma_start3A_54 = tpu.memref_squeeze %dma_start3A_53 : memref<1x128xi32, #tpu.memory_space<vmem>> -> memref<128xi32, #tpu.memory_space<vmem>>
    %dma_start3A_55 = arith.constant 0 : i32
    %dma_start3A_56 = tpu.memref_slice %arg2[%add3A_50, %dma_start3A_55] : memref<6400x128xi32, #tpu.memory_space<hbm>> -> memref<1x128xi32, #tpu.memory_space<hbm>>
    %dma_start3A_57 = tpu.memref_squeeze %dma_start3A_56 : memref<1x128xi32, #tpu.memory_space<hbm>> -> memref<128xi32, #tpu.memory_space<hbm>>
    %dma_start3A_58 = arith.constant 0 : i32
    %dma_start3A_59 = tpu.memref_slice %arg5[%dma_start3A_51, %dma_start3A_58] : memref<10x128xi32, #tpu.memory_space<vmem>> -> memref<1x128xi32, #tpu.memory_space<vmem>>
    %dma_start3A_60 = tpu.memref_squeeze %dma_start3A_59 : memref<1x128xi32, #tpu.memory_space<vmem>> -> memref<128xi32, #tpu.memory_space<vmem>>
    %dma_start3A_61 = arith.constant 0 : i32
    %dma_start3A_62 = tpu.memref_slice %arg2[%add3A_50, %dma_start3A_61] : memref<6400x128xi32, #tpu.memory_space<hbm>> -> memref<1x128xi32, #tpu.memory_space<hbm>>
    %dma_start3A_63 = tpu.memref_squeeze %dma_start3A_62 : memref<1x128xi32, #tpu.memory_space<hbm>> -> memref<128xi32, #tpu.memory_space<hbm>>
    tpu.enqueue_dma source(%dma_start3A_63 : memref<128xi32, #tpu.memory_space<hbm>>) target(%dma_start3A_60 : memref<128xi32, #tpu.memory_space<vmem>>) target_semaphore(%arg9 : memref<!tpu.dma_semaphore, #tpu.memory_space<semaphore_mem>>)
    %add3A_64 = arith.constant 4 : i32
    %add3A_65 = arith.addi %mul3A_2, %add3A_64 : i32
    %dma_start3A_66 = arith.constant 4 : i32
    %dma_start3A_67 = arith.constant 0 : i32
    %dma_start3A_68 = tpu.memref_slice %arg5[%dma_start3A_66, %dma_start3A_67] : memref<10x128xi32, #tpu.memory_space<vmem>> -> memref<1x128xi32, #tpu.memory_space<vmem>>
    %dma_start3A_69 = tpu.memref_squeeze %dma_start3A_68 : memref<1x128xi32, #tpu.memory_space<vmem>> -> memref<128xi32, #tpu.memory_space<vmem>>
    %dma_start3A_70 = arith.constant 0 : i32
    %dma_start3A_71 = tpu.memref_slice %arg2[%add3A_65, %dma_start3A_70] : memref<6400x128xi32, #tpu.memory_space<hbm>> -> memref<1x128xi32, #tpu.memory_space<hbm>>
    %dma_start3A_72 = tpu.memref_squeeze %dma_start3A_71 : memref<1x128xi32, #tpu.memory_space<hbm>> -> memref<128xi32, #tpu.memory_space<hbm>>
    %dma_start3A_73 = arith.constant 0 : i32
    %dma_start3A_74 = tpu.memref_slice %arg5[%dma_start3A_66, %dma_start3A_73] : memref<10x128xi32, #tpu.memory_space<vmem>> -> memref<1x128xi32, #tpu.memory_space<vmem>>
    %dma_start3A_75 = tpu.memref_squeeze %dma_start3A_74 : memref<1x128xi32, #tpu.memory_space<vmem>> -> memref<128xi32, #tpu.memory_space<vmem>>
    %dma_start3A_76 = arith.constant 0 : i32
    %dma_start3A_77 = tpu.memref_slice %arg2[%add3A_65, %dma_start3A_76] : memref<6400x128xi32, #tpu.memory_space<hbm>> -> memref<1x128xi32, #tpu.memory_space<hbm>>
    %dma_start3A_78 = tpu.memref_squeeze %dma_start3A_77 : memref<1x128xi32, #tpu.memory_space<hbm>> -> memref<128xi32, #tpu.memory_space<hbm>>
    tpu.enqueue_dma source(%dma_start3A_78 : memref<128xi32, #tpu.memory_space<hbm>>) target(%dma_start3A_75 : memref<128xi32, #tpu.memory_space<vmem>>) target_semaphore(%arg9 : memref<!tpu.dma_semaphore, #tpu.memory_space<semaphore_mem>>)
    %add3A_79 = arith.constant 5 : i32
    %add3A_80 = arith.addi %mul3A_2, %add3A_79 : i32
    %dma_start3A_81 = arith.constant 5 : i32
    %dma_start3A_82 = arith.constant 0 : i32
    %dma_start3A_83 = tpu.memref_slice %arg5[%dma_start3A_81, %dma_start3A_82] : memref<10x128xi32, #tpu.memory_space<vmem>> -> memref<1x128xi32, #tpu.memory_space<vmem>>
    %dma_start3A_84 = tpu.memref_squeeze %dma_start3A_83 : memref<1x128xi32, #tpu.memory_space<vmem>> -> memref<128xi32, #tpu.memory_space<vmem>>
    %dma_start3A_85 = arith.constant 0 : i32
    %dma_start3A_86 = tpu.memref_slice %arg2[%add3A_80, %dma_start3A_85] : memref<6400x128xi32, #tpu.memory_space<hbm>> -> memref<1x128xi32, #tpu.memory_space<hbm>>
    %dma_start3A_87 = tpu.memref_squeeze %dma_start3A_86 : memref<1x128xi32, #tpu.memory_space<hbm>> -> memref<128xi32, #tpu.memory_space<hbm>>
    %dma_start3A_88 = arith.constant 0 : i32
    %dma_start3A_89 = tpu.memref_slice %arg5[%dma_start3A_81, %dma_start3A_88] : memref<10x128xi32, #tpu.memory_space<vmem>> -> memref<1x128xi32, #tpu.memory_space<vmem>>
    %dma_start3A_90 = tpu.memref_squeeze %dma_start3A_89 : memref<1x128xi32, #tpu.memory_space<vmem>> -> memref<128xi32, #tpu.memory_space<vmem>>
    %dma_start3A_91 = arith.constant 0 : i32
    %dma_start3A_92 = tpu.memref_slice %arg2[%add3A_80, %dma_start3A_91] : memref<6400x128xi32, #tpu.memory_space<hbm>> -> memref<1x128xi32, #tpu.memory_space<hbm>>
    %dma_start3A_93 = tpu.memref_squeeze %dma_start3A_92 : memref<1x128xi32, #tpu.memory_space<hbm>> -> memref<128xi32, #tpu.memory_space<hbm>>
    tpu.enqueue_dma source(%dma_start3A_93 : memref<128xi32, #tpu.memory_space<hbm>>) target(%dma_start3A_90 : memref<128xi32, #tpu.memory_space<vmem>>) target_semaphore(%arg9 : memref<!tpu.dma_semaphore, #tpu.memory_space<semaphore_mem>>)
    %dma_wait3A = arith.constant 0 : i32
    %dma_wait3A_94 = arith.constant 0 : i32
    %dma_wait3A_95 = tpu.memref_slice %arg5[%dma_wait3A, %dma_wait3A_94] : memref<10x128xi32, #tpu.memory_space<vmem>> -> memref<1x128xi32, #tpu.memory_space<vmem>>
    %dma_wait3A_96 = tpu.memref_squeeze %dma_wait3A_95 : memref<1x128xi32, #tpu.memory_space<vmem>> -> memref<128xi32, #tpu.memory_space<vmem>>
    %dma_wait3A_97 = arith.constant 0 : i32
    %dma_wait3A_98 = tpu.memref_slice %arg2[%mul3A_2, %dma_wait3A_97] : memref<6400x128xi32, #tpu.memory_space<hbm>> -> memref<1x128xi32, #tpu.memory_space<hbm>>
    %dma_wait3A_99 = tpu.memref_squeeze %dma_wait3A_98 : memref<1x128xi32, #tpu.memory_space<hbm>> -> memref<128xi32, #tpu.memory_space<hbm>>
    %dma_wait3A_100 = arith.constant 0 : i32
    %dma_wait3A_101 = tpu.memref_slice %arg5[%dma_wait3A, %dma_wait3A_100] : memref<10x128xi32, #tpu.memory_space<vmem>> -> memref<1x128xi32, #tpu.memory_space<vmem>>
    %dma_wait3A_102 = tpu.memref_squeeze %dma_wait3A_101 : memref<1x128xi32, #tpu.memory_space<vmem>> -> memref<128xi32, #tpu.memory_space<vmem>>
    %dma_wait3A_103 = arith.constant 0 : i32
    %dma_wait3A_104 = tpu.memref_slice %arg2[%mul3A_2, %dma_wait3A_103] : memref<6400x128xi32, #tpu.memory_space<hbm>> -> memref<1x128xi32, #tpu.memory_space<hbm>>
    %dma_wait3A_105 = tpu.memref_squeeze %dma_wait3A_104 : memref<1x128xi32, #tpu.memory_space<hbm>> -> memref<128xi32, #tpu.memory_space<hbm>>
    tpu.wait_dma2 semaphore(%arg9 : memref<!tpu.dma_semaphore, #tpu.memory_space<semaphore_mem>>) src(%dma_wait3A_105 : memref<128xi32, #tpu.memory_space<hbm>>) dst(%dma_wait3A_102 : memref<128xi32, #tpu.memory_space<vmem>>)
    %dma_start3A_106 = arith.constant 0 : i32
    %dma_start3A_107 = arith.constant 0 : i32
    %dma_start3A_108 = arith.constant 0 : i32
    %dma_start3A_109 = arith.constant 0 : i32
    %dma_start3A_110 = tpu.memref_slice %arg6[%dma_start3A_107, %dma_start3A_108, %dma_start3A_109] : memref<5x128x128xf32, #tpu.memory_space<vmem>> -> memref<1x128x128xf32, #tpu.memory_space<vmem>>
    %dma_start3A_111 = tpu.memref_squeeze %dma_start3A_110 : memref<1x128x128xf32, #tpu.memory_space<vmem>> -> memref<128x128xf32, #tpu.memory_space<vmem>>
    %dma_start3A_112 = arith.constant 0 : i32
    %dma_start3A_113 = tpu.memref_slice %arg5[%dma_start3A_106, %dma_start3A_112] : memref<10x128xi32, #tpu.memory_space<vmem>> -> memref<1x128xi32, #tpu.memory_space<vmem>>
    %dma_start3A_114 = tpu.memref_squeeze %dma_start3A_113 : memref<1x128xi32, #tpu.memory_space<vmem>> -> memref<128xi32, #tpu.memory_space<vmem>>
    %dma_start3A_115 = arith.constant 0 : i32
    %dma_start3A_116 = arith.constant 0 : i32
    %dma_start3A_117 = tpu.memref_slice %arg3[%dma_start3A_115, %dma_start3A_116] : memref<100000x128xf32, #tpu.memory_space<hbm>> -> memref<100000x128xf32, #tpu.memory_space<hbm>>
    tpu.enqueue_indirect_dma source(%dma_start3A_117 : memref<100000x128xf32, #tpu.memory_space<hbm>>) target(%dma_start3A_111 : memref<128x128xf32, #tpu.memory_space<vmem>>) offsets(%dma_start3A_114 : memref<128xi32, #tpu.memory_space<vmem>>) semaphore(%arg7 : memref<!tpu.dma_semaphore, #tpu.memory_space<semaphore_mem>>)
    %dma_wait3A_118 = arith.constant 1 : i32
    %dma_wait3A_119 = arith.constant 0 : i32
    %dma_wait3A_120 = tpu.memref_slice %arg5[%dma_wait3A_118, %dma_wait3A_119] : memref<10x128xi32, #tpu.memory_space<vmem>> -> memref<1x128xi32, #tpu.memory_space<vmem>>
    %dma_wait3A_121 = tpu.memref_squeeze %dma_wait3A_120 : memref<1x128xi32, #tpu.memory_space<vmem>> -> memref<128xi32, #tpu.memory_space<vmem>>
    %dma_wait3A_122 = arith.constant 0 : i32
    %dma_wait3A_123 = tpu.memref_slice %arg2[%mul3A_2, %dma_wait3A_122] : memref<6400x128xi32, #tpu.memory_space<hbm>> -> memref<1x128xi32, #tpu.memory_space<hbm>>
    %dma_wait3A_124 = tpu.memref_squeeze %dma_wait3A_123 : memref<1x128xi32, #tpu.memory_space<hbm>> -> memref<128xi32, #tpu.memory_space<hbm>>
    %dma_wait3A_125 = arith.constant 0 : i32
    %dma_wait3A_126 = tpu.memref_slice %arg5[%dma_wait3A_118, %dma_wait3A_125] : memref<10x128xi32, #tpu.memory_space<vmem>> -> memref<1x128xi32, #tpu.memory_space<vmem>>
    %dma_wait3A_127 = tpu.memref_squeeze %dma_wait3A_126 : memref<1x128xi32, #tpu.memory_space<vmem>> -> memref<128xi32, #tpu.memory_space<vmem>>
    %dma_wait3A_128 = arith.constant 0 : i32
    %dma_wait3A_129 = tpu.memref_slice %arg2[%mul3A_2, %dma_wait3A_128] : memref<6400x128xi32, #tpu.memory_space<hbm>> -> memref<1x128xi32, #tpu.memory_space<hbm>>
    %dma_wait3A_130 = tpu.memref_squeeze %dma_wait3A_129 : memref<1x128xi32, #tpu.memory_space<hbm>> -> memref<128xi32, #tpu.memory_space<hbm>>
    tpu.wait_dma2 semaphore(%arg9 : memref<!tpu.dma_semaphore, #tpu.memory_space<semaphore_mem>>) src(%dma_wait3A_130 : memref<128xi32, #tpu.memory_space<hbm>>) dst(%dma_wait3A_127 : memref<128xi32, #tpu.memory_space<vmem>>)
    %dma_start3A_131 = arith.constant 1 : i32
    %dma_start3A_132 = arith.constant 1 : i32
    %dma_start3A_133 = arith.constant 0 : i32
    %dma_start3A_134 = arith.constant 0 : i32
    %dma_start3A_135 = tpu.memref_slice %arg6[%dma_start3A_132, %dma_start3A_133, %dma_start3A_134] : memref<5x128x128xf32, #tpu.memory_space<vmem>> -> memref<1x128x128xf32, #tpu.memory_space<vmem>>
    %dma_start3A_136 = tpu.memref_squeeze %dma_start3A_135 : memref<1x128x128xf32, #tpu.memory_space<vmem>> -> memref<128x128xf32, #tpu.memory_space<vmem>>
    %dma_start3A_137 = arith.constant 0 : i32
    %dma_start3A_138 = tpu.memref_slice %arg5[%dma_start3A_131, %dma_start3A_137] : memref<10x128xi32, #tpu.memory_space<vmem>> -> memref<1x128xi32, #tpu.memory_space<vmem>>
    %dma_start3A_139 = tpu.memref_squeeze %dma_start3A_138 : memref<1x128xi32, #tpu.memory_space<vmem>> -> memref<128xi32, #tpu.memory_space<vmem>>
    %dma_start3A_140 = arith.constant 0 : i32
    %dma_start3A_141 = arith.constant 0 : i32
    %dma_start3A_142 = tpu.memref_slice %arg3[%dma_start3A_140, %dma_start3A_141] : memref<100000x128xf32, #tpu.memory_space<hbm>> -> memref<100000x128xf32, #tpu.memory_space<hbm>>
    tpu.enqueue_indirect_dma source(%dma_start3A_142 : memref<100000x128xf32, #tpu.memory_space<hbm>>) target(%dma_start3A_136 : memref<128x128xf32, #tpu.memory_space<vmem>>) offsets(%dma_start3A_139 : memref<128xi32, #tpu.memory_space<vmem>>) semaphore(%arg7 : memref<!tpu.dma_semaphore, #tpu.memory_space<semaphore_mem>>)
    %dma_wait3A_143 = arith.constant 2 : i32
    %dma_wait3A_144 = arith.constant 0 : i32
    %dma_wait3A_145 = tpu.memref_slice %arg5[%dma_wait3A_143, %dma_wait3A_144] : memref<10x128xi32, #tpu.memory_space<vmem>> -> memref<1x128xi32, #tpu.memory_space<vmem>>
    %dma_wait3A_146 = tpu.memref_squeeze %dma_wait3A_145 : memref<1x128xi32, #tpu.memory_space<vmem>> -> memref<128xi32, #tpu.memory_space<vmem>>
    %dma_wait3A_147 = arith.constant 0 : i32
    %dma_wait3A_148 = tpu.memref_slice %arg2[%mul3A_2, %dma_wait3A_147] : memref<6400x128xi32, #tpu.memory_space<hbm>> -> memref<1x128xi32, #tpu.memory_space<hbm>>
    %dma_wait3A_149 = tpu.memref_squeeze %dma_wait3A_148 : memref<1x128xi32, #tpu.memory_space<hbm>> -> memref<128xi32, #tpu.memory_space<hbm>>
    %dma_wait3A_150 = arith.constant 0 : i32
    %dma_wait3A_151 = tpu.memref_slice %arg5[%dma_wait3A_143, %dma_wait3A_150] : memref<10x128xi32, #tpu.memory_space<vmem>> -> memref<1x128xi32, #tpu.memory_space<vmem>>
    %dma_wait3A_152 = tpu.memref_squeeze %dma_wait3A_151 : memref<1x128xi32, #tpu.memory_space<vmem>> -> memref<128xi32, #tpu.memory_space<vmem>>
    %dma_wait3A_153 = arith.constant 0 : i32
    %dma_wait3A_154 = tpu.memref_slice %arg2[%mul3A_2, %dma_wait3A_153] : memref<6400x128xi32, #tpu.memory_space<hbm>> -> memref<1x128xi32, #tpu.memory_space<hbm>>
    %dma_wait3A_155 = tpu.memref_squeeze %dma_wait3A_154 : memref<1x128xi32, #tpu.memory_space<hbm>> -> memref<128xi32, #tpu.memory_space<hbm>>
    tpu.wait_dma2 semaphore(%arg9 : memref<!tpu.dma_semaphore, #tpu.memory_space<semaphore_mem>>) src(%dma_wait3A_155 : memref<128xi32, #tpu.memory_space<hbm>>) dst(%dma_wait3A_152 : memref<128xi32, #tpu.memory_space<vmem>>)
    %dma_start3A_156 = arith.constant 2 : i32
    %dma_start3A_157 = arith.constant 2 : i32
    %dma_start3A_158 = arith.constant 0 : i32
    %dma_start3A_159 = arith.constant 0 : i32
    %dma_start3A_160 = tpu.memref_slice %arg6[%dma_start3A_157, %dma_start3A_158, %dma_start3A_159] : memref<5x128x128xf32, #tpu.memory_space<vmem>> -> memref<1x128x128xf32, #tpu.memory_space<vmem>>
    %dma_start3A_161 = tpu.memref_squeeze %dma_start3A_160 : memref<1x128x128xf32, #tpu.memory_space<vmem>> -> memref<128x128xf32, #tpu.memory_space<vmem>>
    %dma_start3A_162 = arith.constant 0 : i32
    %dma_start3A_163 = tpu.memref_slice %arg5[%dma_start3A_156, %dma_start3A_162] : memref<10x128xi32, #tpu.memory_space<vmem>> -> memref<1x128xi32, #tpu.memory_space<vmem>>
    %dma_start3A_164 = tpu.memref_squeeze %dma_start3A_163 : memref<1x128xi32, #tpu.memory_space<vmem>> -> memref<128xi32, #tpu.memory_space<vmem>>
    %dma_start3A_165 = arith.constant 0 : i32
    %dma_start3A_166 = arith.constant 0 : i32
    %dma_start3A_167 = tpu.memref_slice %arg3[%dma_start3A_165, %dma_start3A_166] : memref<100000x128xf32, #tpu.memory_space<hbm>> -> memref<100000x128xf32, #tpu.memory_space<hbm>>
    tpu.enqueue_indirect_dma source(%dma_start3A_167 : memref<100000x128xf32, #tpu.memory_space<hbm>>) target(%dma_start3A_161 : memref<128x128xf32, #tpu.memory_space<vmem>>) offsets(%dma_start3A_164 : memref<128xi32, #tpu.memory_space<vmem>>) semaphore(%arg7 : memref<!tpu.dma_semaphore, #tpu.memory_space<semaphore_mem>>)
    %dma_wait3A_168 = arith.constant 0 : i32
    %dma_wait3A_169 = arith.constant 0 : i32
    %dma_wait3A_170 = arith.constant 0 : i32
    %dma_wait3A_171 = arith.constant 0 : i32
    %dma_wait3A_172 = tpu.memref_slice %arg6[%dma_wait3A_169, %dma_wait3A_170, %dma_wait3A_171] : memref<5x128x128xf32, #tpu.memory_space<vmem>> -> memref<1x128x128xf32, #tpu.memory_space<vmem>>
    %dma_wait3A_173 = tpu.memref_squeeze %dma_wait3A_172 : memref<1x128x128xf32, #tpu.memory_space<vmem>> -> memref<128x128xf32, #tpu.memory_space<vmem>>
    %dma_wait3A_174 = arith.constant 0 : i32
    %dma_wait3A_175 = tpu.memref_slice %arg5[%dma_wait3A_168, %dma_wait3A_174] : memref<10x128xi32, #tpu.memory_space<vmem>> -> memref<1x128xi32, #tpu.memory_space<vmem>>
    %dma_wait3A_176 = tpu.memref_squeeze %dma_wait3A_175 : memref<1x128xi32, #tpu.memory_space<vmem>> -> memref<128xi32, #tpu.memory_space<vmem>>
    %dma_wait3A_177 = arith.constant 0 : i32
    %dma_wait3A_178 = arith.constant 0 : i32
    %dma_wait3A_179 = tpu.memref_slice %arg3[%dma_wait3A_177, %dma_wait3A_178] : memref<100000x128xf32, #tpu.memory_space<hbm>> -> memref<100000x128xf32, #tpu.memory_space<hbm>>
    tpu.wait_indirect_dma semaphore(%arg7 : memref<!tpu.dma_semaphore, #tpu.memory_space<semaphore_mem>>) src(%dma_wait3A_179 : memref<100000x128xf32, #tpu.memory_space<hbm>>) dst(%dma_wait3A_173 : memref<128x128xf32, #tpu.memory_space<vmem>>)
    %add3A_180 = arith.constant 0 : i32
    %add3A_181 = arith.addi %mul3A_4, %add3A_180 : i32
    %dma_start3A_182 = arith.constant 0 : i32
    %dma_start3A_183 = arith.constant 0 : i32
    %dma_start3A_184 = arith.constant 0 : i32
    %dma_start3A_185 = tpu.memref_slice %arg6[%dma_start3A_182, %dma_start3A_183, %dma_start3A_184] : memref<5x128x128xf32, #tpu.memory_space<vmem>> -> memref<1x128x128xf32, #tpu.memory_space<vmem>>
    %dma_start3A_186 = tpu.memref_squeeze %dma_start3A_185 : memref<1x128x128xf32, #tpu.memory_space<vmem>> -> memref<128x128xf32, #tpu.memory_space<vmem>>
    %dma_start3A_187 = arith.constant 0 : i32
    %dma_start3A_188 = tpu.memref_slice %arg4[%add3A_181, %dma_start3A_187] : memref<819200x128xf32, #tpu.memory_space<hbm>> -> memref<128x128xf32, #tpu.memory_space<hbm>>
    %dma_start3A_189 = arith.constant 0 : i32
    %dma_start3A_190 = tpu.memref_slice %arg4[%add3A_181, %dma_start3A_189] : memref<819200x128xf32, #tpu.memory_space<hbm>> -> memref<128x128xf32, #tpu.memory_space<hbm>>
    %dma_start3A_191 = arith.constant 0 : i32
    %dma_start3A_192 = arith.constant 0 : i32
    %dma_start3A_193 = tpu.memref_slice %arg6[%dma_start3A_182, %dma_start3A_191, %dma_start3A_192] : memref<5x128x128xf32, #tpu.memory_space<vmem>> -> memref<1x128x128xf32, #tpu.memory_space<vmem>>
    %dma_start3A_194 = tpu.memref_squeeze %dma_start3A_193 : memref<1x128x128xf32, #tpu.memory_space<vmem>> -> memref<128x128xf32, #tpu.memory_space<vmem>>
    tpu.enqueue_dma source(%dma_start3A_194 : memref<128x128xf32, #tpu.memory_space<vmem>>) target(%dma_start3A_190 : memref<128x128xf32, #tpu.memory_space<hbm>>) target_semaphore(%arg8 : memref<!tpu.dma_semaphore, #tpu.memory_space<semaphore_mem>>)
    %dma_wait3A_195 = arith.constant 3 : i32
    %dma_wait3A_196 = arith.constant 0 : i32
    %dma_wait3A_197 = tpu.memref_slice %arg5[%dma_wait3A_195, %dma_wait3A_196] : memref<10x128xi32, #tpu.memory_space<vmem>> -> memref<1x128xi32, #tpu.memory_space<vmem>>
    %dma_wait3A_198 = tpu.memref_squeeze %dma_wait3A_197 : memref<1x128xi32, #tpu.memory_space<vmem>> -> memref<128xi32, #tpu.memory_space<vmem>>
    %dma_wait3A_199 = arith.constant 0 : i32
    %dma_wait3A_200 = tpu.memref_slice %arg2[%mul3A_2, %dma_wait3A_199] : memref<6400x128xi32, #tpu.memory_space<hbm>> -> memref<1x128xi32, #tpu.memory_space<hbm>>
    %dma_wait3A_201 = tpu.memref_squeeze %dma_wait3A_200 : memref<1x128xi32, #tpu.memory_space<hbm>> -> memref<128xi32, #tpu.memory_space<hbm>>
    %dma_wait3A_202 = arith.constant 0 : i32
    %dma_wait3A_203 = tpu.memref_slice %arg5[%dma_wait3A_195, %dma_wait3A_202] : memref<10x128xi32, #tpu.memory_space<vmem>> -> memref<1x128xi32, #tpu.memory_space<vmem>>
    %dma_wait3A_204 = tpu.memref_squeeze %dma_wait3A_203 : memref<1x128xi32, #tpu.memory_space<vmem>> -> memref<128xi32, #tpu.memory_space<vmem>>
    %dma_wait3A_205 = arith.constant 0 : i32
    %dma_wait3A_206 = tpu.memref_slice %arg2[%mul3A_2, %dma_wait3A_205] : memref<6400x128xi32, #tpu.memory_space<hbm>> -> memref<1x128xi32, #tpu.memory_space<hbm>>
    %dma_wait3A_207 = tpu.memref_squeeze %dma_wait3A_206 : memref<1x128xi32, #tpu.memory_space<hbm>> -> memref<128xi32, #tpu.memory_space<hbm>>
    tpu.wait_dma2 semaphore(%arg9 : memref<!tpu.dma_semaphore, #tpu.memory_space<semaphore_mem>>) src(%dma_wait3A_207 : memref<128xi32, #tpu.memory_space<hbm>>) dst(%dma_wait3A_204 : memref<128xi32, #tpu.memory_space<vmem>>)
    %dma_start3A_208 = arith.constant 3 : i32
    %dma_start3A_209 = arith.constant 3 : i32
    %dma_start3A_210 = arith.constant 0 : i32
    %dma_start3A_211 = arith.constant 0 : i32
    %dma_start3A_212 = tpu.memref_slice %arg6[%dma_start3A_209, %dma_start3A_210, %dma_start3A_211] : memref<5x128x128xf32, #tpu.memory_space<vmem>> -> memref<1x128x128xf32, #tpu.memory_space<vmem>>
    %dma_start3A_213 = tpu.memref_squeeze %dma_start3A_212 : memref<1x128x128xf32, #tpu.memory_space<vmem>> -> memref<128x128xf32, #tpu.memory_space<vmem>>
    %dma_start3A_214 = arith.constant 0 : i32
    %dma_start3A_215 = tpu.memref_slice %arg5[%dma_start3A_208, %dma_start3A_214] : memref<10x128xi32, #tpu.memory_space<vmem>> -> memref<1x128xi32, #tpu.memory_space<vmem>>
    %dma_start3A_216 = tpu.memref_squeeze %dma_start3A_215 : memref<1x128xi32, #tpu.memory_space<vmem>> -> memref<128xi32, #tpu.memory_space<vmem>>
    %dma_start3A_217 = arith.constant 0 : i32
    %dma_start3A_218 = arith.constant 0 : i32
    %dma_start3A_219 = tpu.memref_slice %arg3[%dma_start3A_217, %dma_start3A_218] : memref<100000x128xf32, #tpu.memory_space<hbm>> -> memref<100000x128xf32, #tpu.memory_space<hbm>>
    tpu.enqueue_indirect_dma source(%dma_start3A_219 : memref<100000x128xf32, #tpu.memory_space<hbm>>) target(%dma_start3A_213 : memref<128x128xf32, #tpu.memory_space<vmem>>) offsets(%dma_start3A_216 : memref<128xi32, #tpu.memory_space<vmem>>) semaphore(%arg7 : memref<!tpu.dma_semaphore, #tpu.memory_space<semaphore_mem>>)
    %add3A_220 = arith.constant 6 : i32
    %add3A_221 = arith.addi %mul3A_2, %add3A_220 : i32
    %dma_start3A_222 = arith.constant 6 : i32
    %dma_start3A_223 = arith.constant 0 : i32
    %dma_start3A_224 = tpu.memref_slice %arg5[%dma_start3A_222, %dma_start3A_223] : memref<10x128xi32, #tpu.memory_space<vmem>> -> memref<1x128xi32, #tpu.memory_space<vmem>>
    %dma_start3A_225 = tpu.memref_squeeze %dma_start3A_224 : memref<1x128xi32, #tpu.memory_space<vmem>> -> memref<128xi32, #tpu.memory_space<vmem>>
    %dma_start3A_226 = arith.constant 0 : i32
    %dma_start3A_227 = tpu.memref_slice %arg2[%add3A_221, %dma_start3A_226] : memref<6400x128xi32, #tpu.memory_space<hbm>> -> memref<1x128xi32, #tpu.memory_space<hbm>>
    %dma_start3A_228 = tpu.memref_squeeze %dma_start3A_227 : memref<1x128xi32, #tpu.memory_space<hbm>> -> memref<128xi32, #tpu.memory_space<hbm>>
    %dma_start3A_229 = arith.constant 0 : i32
    %dma_start3A_230 = tpu.memref_slice %arg5[%dma_start3A_222, %dma_start3A_229] : memref<10x128xi32, #tpu.memory_space<vmem>> -> memref<1x128xi32, #tpu.memory_space<vmem>>
    %dma_start3A_231 = tpu.memref_squeeze %dma_start3A_230 : memref<1x128xi32, #tpu.memory_space<vmem>> -> memref<128xi32, #tpu.memory_space<vmem>>
    %dma_start3A_232 = arith.constant 0 : i32
    %dma_start3A_233 = tpu.memref_slice %arg2[%add3A_221, %dma_start3A_232] : memref<6400x128xi32, #tpu.memory_space<hbm>> -> memref<1x128xi32, #tpu.memory_space<hbm>>
    %dma_start3A_234 = tpu.memref_squeeze %dma_start3A_233 : memref<1x128xi32, #tpu.memory_space<hbm>> -> memref<128xi32, #tpu.memory_space<hbm>>
    tpu.enqueue_dma source(%dma_start3A_234 : memref<128xi32, #tpu.memory_space<hbm>>) target(%dma_start3A_231 : memref<128xi32, #tpu.memory_space<vmem>>) target_semaphore(%arg9 : memref<!tpu.dma_semaphore, #tpu.memory_space<semaphore_mem>>)
    %dma_wait3A_235 = arith.constant 1 : i32
    %dma_wait3A_236 = arith.constant 1 : i32
    %dma_wait3A_237 = arith.constant 0 : i32
    %dma_wait3A_238 = arith.constant 0 : i32
    %dma_wait3A_239 = tpu.memref_slice %arg6[%dma_wait3A_236, %dma_wait3A_237, %dma_wait3A_238] : memref<5x128x128xf32, #tpu.memory_space<vmem>> -> memref<1x128x128xf32, #tpu.memory_space<vmem>>
    %dma_wait3A_240 = tpu.memref_squeeze %dma_wait3A_239 : memref<1x128x128xf32, #tpu.memory_space<vmem>> -> memref<128x128xf32, #tpu.memory_space<vmem>>
    %dma_wait3A_241 = arith.constant 0 : i32
    %dma_wait3A_242 = tpu.memref_slice %arg5[%dma_wait3A_235, %dma_wait3A_241] : memref<10x128xi32, #tpu.memory_space<vmem>> -> memref<1x128xi32, #tpu.memory_space<vmem>>
    %dma_wait3A_243 = tpu.memref_squeeze %dma_wait3A_242 : memref<1x128xi32, #tpu.memory_space<vmem>> -> memref<128xi32, #tpu.memory_space<vmem>>
    %dma_wait3A_244 = arith.constant 0 : i32
    %dma_wait3A_245 = arith.constant 0 : i32
    %dma_wait3A_246 = tpu.memref_slice %arg3[%dma_wait3A_244, %dma_wait3A_245] : memref<100000x128xf32, #tpu.memory_space<hbm>> -> memref<100000x128xf32, #tpu.memory_space<hbm>>
    tpu.wait_indirect_dma semaphore(%arg7 : memref<!tpu.dma_semaphore, #tpu.memory_space<semaphore_mem>>) src(%dma_wait3A_246 : memref<100000x128xf32, #tpu.memory_space<hbm>>) dst(%dma_wait3A_240 : memref<128x128xf32, #tpu.memory_space<vmem>>)
    %add3A_247 = arith.constant 128 : i32
    %add3A_248 = arith.addi %mul3A_4, %add3A_247 : i32
    %dma_start3A_249 = arith.constant 1 : i32
    %dma_start3A_250 = arith.constant 0 : i32
    %dma_start3A_251 = arith.constant 0 : i32
    %dma_start3A_252 = tpu.memref_slice %arg6[%dma_start3A_249, %dma_start3A_250, %dma_start3A_251] : memref<5x128x128xf32, #tpu.memory_space<vmem>> -> memref<1x128x128xf32, #tpu.memory_space<vmem>>
    %dma_start3A_253 = tpu.memref_squeeze %dma_start3A_252 : memref<1x128x128xf32, #tpu.memory_space<vmem>> -> memref<128x128xf32, #tpu.memory_space<vmem>>
    %dma_start3A_254 = arith.constant 0 : i32
    %dma_start3A_255 = tpu.memref_slice %arg4[%add3A_248, %dma_start3A_254] : memref<819200x128xf32, #tpu.memory_space<hbm>> -> memref<128x128xf32, #tpu.memory_space<hbm>>
    %dma_start3A_256 = arith.constant 0 : i32
    %dma_start3A_257 = tpu.memref_slice %arg4[%add3A_248, %dma_start3A_256] : memref<819200x128xf32, #tpu.memory_space<hbm>> -> memref<128x128xf32, #tpu.memory_space<hbm>>
    %dma_start3A_258 = arith.constant 0 : i32
    %dma_start3A_259 = arith.constant 0 : i32
    %dma_start3A_260 = tpu.memref_slice %arg6[%dma_start3A_249, %dma_start3A_258, %dma_start3A_259] : memref<5x128x128xf32, #tpu.memory_space<vmem>> -> memref<1x128x128xf32, #tpu.memory_space<vmem>>
    %dma_start3A_261 = tpu.memref_squeeze %dma_start3A_260 : memref<1x128x128xf32, #tpu.memory_space<vmem>> -> memref<128x128xf32, #tpu.memory_space<vmem>>
    tpu.enqueue_dma source(%dma_start3A_261 : memref<128x128xf32, #tpu.memory_space<vmem>>) target(%dma_start3A_257 : memref<128x128xf32, #tpu.memory_space<hbm>>) target_semaphore(%arg8 : memref<!tpu.dma_semaphore, #tpu.memory_space<semaphore_mem>>)
    %dma_wait3A_262 = arith.constant 4 : i32
    %dma_wait3A_263 = arith.constant 0 : i32
    %dma_wait3A_264 = tpu.memref_slice %arg5[%dma_wait3A_262, %dma_wait3A_263] : memref<10x128xi32, #tpu.memory_space<vmem>> -> memref<1x128xi32, #tpu.memory_space<vmem>>
    %dma_wait3A_265 = tpu.memref_squeeze %dma_wait3A_264 : memref<1x128xi32, #tpu.memory_space<vmem>> -> memref<128xi32, #tpu.memory_space<vmem>>
    %dma_wait3A_266 = arith.constant 0 : i32
    %dma_wait3A_267 = tpu.memref_slice %arg2[%mul3A_2, %dma_wait3A_266] : memref<6400x128xi32, #tpu.memory_space<hbm>> -> memref<1x128xi32, #tpu.memory_space<hbm>>
    %dma_wait3A_268 = tpu.memref_squeeze %dma_wait3A_267 : memref<1x128xi32, #tpu.memory_space<hbm>> -> memref<128xi32, #tpu.memory_space<hbm>>
    %dma_wait3A_269 = arith.constant 0 : i32
    %dma_wait3A_270 = tpu.memref_slice %arg5[%dma_wait3A_262, %dma_wait3A_269] : memref<10x128xi32, #tpu.memory_space<vmem>> -> memref<1x128xi32, #tpu.memory_space<vmem>>
    %dma_wait3A_271 = tpu.memref_squeeze %dma_wait3A_270 : memref<1x128xi32, #tpu.memory_space<vmem>> -> memref<128xi32, #tpu.memory_space<vmem>>
    %dma_wait3A_272 = arith.constant 0 : i32
    %dma_wait3A_273 = tpu.memref_slice %arg2[%mul3A_2, %dma_wait3A_272] : memref<6400x128xi32, #tpu.memory_space<hbm>> -> memref<1x128xi32, #tpu.memory_space<hbm>>
    %dma_wait3A_274 = tpu.memref_squeeze %dma_wait3A_273 : memref<1x128xi32, #tpu.memory_space<hbm>> -> memref<128xi32, #tpu.memory_space<hbm>>
    tpu.wait_dma2 semaphore(%arg9 : memref<!tpu.dma_semaphore, #tpu.memory_space<semaphore_mem>>) src(%dma_wait3A_274 : memref<128xi32, #tpu.memory_space<hbm>>) dst(%dma_wait3A_271 : memref<128xi32, #tpu.memory_space<vmem>>)
    %dma_start3A_275 = arith.constant 4 : i32
    %dma_start3A_276 = arith.constant 4 : i32
    %dma_start3A_277 = arith.constant 0 : i32
    %dma_start3A_278 = arith.constant 0 : i32
    %dma_start3A_279 = tpu.memref_slice %arg6[%dma_start3A_276, %dma_start3A_277, %dma_start3A_278] : memref<5x128x128xf32, #tpu.memory_space<vmem>> -> memref<1x128x128xf32, #tpu.memory_space<vmem>>
    %dma_start3A_280 = tpu.memref_squeeze %dma_start3A_279 : memref<1x128x128xf32, #tpu.memory_space<vmem>> -> memref<128x128xf32, #tpu.memory_space<vmem>>
    %dma_start3A_281 = arith.constant 0 : i32
    %dma_start3A_282 = tpu.memref_slice %arg5[%dma_start3A_275, %dma_start3A_281] : memref<10x128xi32, #tpu.memory_space<vmem>> -> memref<1x128xi32, #tpu.memory_space<vmem>>
    %dma_start3A_283 = tpu.memref_squeeze %dma_start3A_282 : memref<1x128xi32, #tpu.memory_space<vmem>> -> memref<128xi32, #tpu.memory_space<vmem>>
    %dma_start3A_284 = arith.constant 0 : i32
    %dma_start3A_285 = arith.constant 0 : i32
    %dma_start3A_286 = tpu.memref_slice %arg3[%dma_start3A_284, %dma_start3A_285] : memref<100000x128xf32, #tpu.memory_space<hbm>> -> memref<100000x128xf32, #tpu.memory_space<hbm>>
    tpu.enqueue_indirect_dma source(%dma_start3A_286 : memref<100000x128xf32, #tpu.memory_space<hbm>>) target(%dma_start3A_280 : memref<128x128xf32, #tpu.memory_space<vmem>>) offsets(%dma_start3A_283 : memref<128xi32, #tpu.memory_space<vmem>>) semaphore(%arg7 : memref<!tpu.dma_semaphore, #tpu.memory_space<semaphore_mem>>)
    %add3A_287 = arith.constant 7 : i32
    %add3A_288 = arith.addi %mul3A_2, %add3A_287 : i32
    %dma_start3A_289 = arith.constant 7 : i32
    %dma_start3A_290 = arith.constant 0 : i32
    %dma_start3A_291 = tpu.memref_slice %arg5[%dma_start3A_289, %dma_start3A_290] : memref<10x128xi32, #tpu.memory_space<vmem>> -> memref<1x128xi32, #tpu.memory_space<vmem>>
    %dma_start3A_292 = tpu.memref_squeeze %dma_start3A_291 : memref<1x128xi32, #tpu.memory_space<vmem>> -> memref<128xi32, #tpu.memory_space<vmem>>
    %dma_start3A_293 = arith.constant 0 : i32
    %dma_start3A_294 = tpu.memref_slice %arg2[%add3A_288, %dma_start3A_293] : memref<6400x128xi32, #tpu.memory_space<hbm>> -> memref<1x128xi32, #tpu.memory_space<hbm>>
    %dma_start3A_295 = tpu.memref_squeeze %dma_start3A_294 : memref<1x128xi32, #tpu.memory_space<hbm>> -> memref<128xi32, #tpu.memory_space<hbm>>
    %dma_start3A_296 = arith.constant 0 : i32
    %dma_start3A_297 = tpu.memref_slice %arg5[%dma_start3A_289, %dma_start3A_296] : memref<10x128xi32, #tpu.memory_space<vmem>> -> memref<1x128xi32, #tpu.memory_space<vmem>>
    %dma_start3A_298 = tpu.memref_squeeze %dma_start3A_297 : memref<1x128xi32, #tpu.memory_space<vmem>> -> memref<128xi32, #tpu.memory_space<vmem>>
    %dma_start3A_299 = arith.constant 0 : i32
    %dma_start3A_300 = tpu.memref_slice %arg2[%add3A_288, %dma_start3A_299] : memref<6400x128xi32, #tpu.memory_space<hbm>> -> memref<1x128xi32, #tpu.memory_space<hbm>>
    %dma_start3A_301 = tpu.memref_squeeze %dma_start3A_300 : memref<1x128xi32, #tpu.memory_space<hbm>> -> memref<128xi32, #tpu.memory_space<hbm>>
    tpu.enqueue_dma source(%dma_start3A_301 : memref<128xi32, #tpu.memory_space<hbm>>) target(%dma_start3A_298 : memref<128xi32, #tpu.memory_space<vmem>>) target_semaphore(%arg9 : memref<!tpu.dma_semaphore, #tpu.memory_space<semaphore_mem>>)
    %dma_wait3A_302 = arith.constant 2 : i32
    %dma_wait3A_303 = arith.constant 2 : i32
    %dma_wait3A_304 = arith.constant 0 : i32
    %dma_wait3A_305 = arith.constant 0 : i32
    %dma_wait3A_306 = tpu.memref_slice %arg6[%dma_wait3A_303, %dma_wait3A_304, %dma_wait3A_305] : memref<5x128x128xf32, #tpu.memory_space<vmem>> -> memref<1x128x128xf32, #tpu.memory_space<vmem>>
    %dma_wait3A_307 = tpu.memref_squeeze %dma_wait3A_306 : memref<1x128x128xf32, #tpu.memory_space<vmem>> -> memref<128x128xf32, #tpu.memory_space<vmem>>
    %dma_wait3A_308 = arith.constant 0 : i32
    %dma_wait3A_309 = tpu.memref_slice %arg5[%dma_wait3A_302, %dma_wait3A_308] : memref<10x128xi32, #tpu.memory_space<vmem>> -> memref<1x128xi32, #tpu.memory_space<vmem>>
    %dma_wait3A_310 = tpu.memref_squeeze %dma_wait3A_309 : memref<1x128xi32, #tpu.memory_space<vmem>> -> memref<128xi32, #tpu.memory_space<vmem>>
    %dma_wait3A_311 = arith.constant 0 : i32
    %dma_wait3A_312 = arith.constant 0 : i32
    %dma_wait3A_313 = tpu.memref_slice %arg3[%dma_wait3A_311, %dma_wait3A_312] : memref<100000x128xf32, #tpu.memory_space<hbm>> -> memref<100000x128xf32, #tpu.memory_space<hbm>>
    tpu.wait_indirect_dma semaphore(%arg7 : memref<!tpu.dma_semaphore, #tpu.memory_space<semaphore_mem>>) src(%dma_wait3A_313 : memref<100000x128xf32, #tpu.memory_space<hbm>>) dst(%dma_wait3A_307 : memref<128x128xf32, #tpu.memory_space<vmem>>)
    %add3A_314 = arith.constant 256 : i32
    %add3A_315 = arith.addi %mul3A_4, %add3A_314 : i32
    %dma_start3A_316 = arith.constant 2 : i32
    %dma_start3A_317 = arith.constant 0 : i32
    %dma_start3A_318 = arith.constant 0 : i32
    %dma_start3A_319 = tpu.memref_slice %arg6[%dma_start3A_316, %dma_start3A_317, %dma_start3A_318] : memref<5x128x128xf32, #tpu.memory_space<vmem>> -> memref<1x128x128xf32, #tpu.memory_space<vmem>>
    %dma_start3A_320 = tpu.memref_squeeze %dma_start3A_319 : memref<1x128x128xf32, #tpu.memory_space<vmem>> -> memref<128x128xf32, #tpu.memory_space<vmem>>
    %dma_start3A_321 = arith.constant 0 : i32
    %dma_start3A_322 = tpu.memref_slice %arg4[%add3A_315, %dma_start3A_321] : memref<819200x128xf32, #tpu.memory_space<hbm>> -> memref<128x128xf32, #tpu.memory_space<hbm>>
    %dma_start3A_323 = arith.constant 0 : i32
    %dma_start3A_324 = tpu.memref_slice %arg4[%add3A_315, %dma_start3A_323] : memref<819200x128xf32, #tpu.memory_space<hbm>> -> memref<128x128xf32, #tpu.memory_space<hbm>>
    %dma_start3A_325 = arith.constant 0 : i32
    %dma_start3A_326 = arith.constant 0 : i32
    %dma_start3A_327 = tpu.memref_slice %arg6[%dma_start3A_316, %dma_start3A_325, %dma_start3A_326] : memref<5x128x128xf32, #tpu.memory_space<vmem>> -> memref<1x128x128xf32, #tpu.memory_space<vmem>>
    %dma_start3A_328 = tpu.memref_squeeze %dma_start3A_327 : memref<1x128x128xf32, #tpu.memory_space<vmem>> -> memref<128x128xf32, #tpu.memory_space<vmem>>
    tpu.enqueue_dma source(%dma_start3A_328 : memref<128x128xf32, #tpu.memory_space<vmem>>) target(%dma_start3A_324 : memref<128x128xf32, #tpu.memory_space<hbm>>) target_semaphore(%arg8 : memref<!tpu.dma_semaphore, #tpu.memory_space<semaphore_mem>>)
    %dma_wait3A_329 = arith.constant 5 : i32
    %dma_wait3A_330 = arith.constant 0 : i32
    %dma_wait3A_331 = tpu.memref_slice %arg5[%dma_wait3A_329, %dma_wait3A_330] : memref<10x128xi32, #tpu.memory_space<vmem>> -> memref<1x128xi32, #tpu.memory_space<vmem>>
    %dma_wait3A_332 = tpu.memref_squeeze %dma_wait3A_331 : memref<1x128xi32, #tpu.memory_space<vmem>> -> memref<128xi32, #tpu.memory_space<vmem>>
    %dma_wait3A_333 = arith.constant 0 : i32
    %dma_wait3A_334 = tpu.memref_slice %arg2[%mul3A_2, %dma_wait3A_333] : memref<6400x128xi32, #tpu.memory_space<hbm>> -> memref<1x128xi32, #tpu.memory_space<hbm>>
    %dma_wait3A_335 = tpu.memref_squeeze %dma_wait3A_334 : memref<1x128xi32, #tpu.memory_space<hbm>> -> memref<128xi32, #tpu.memory_space<hbm>>
    %dma_wait3A_336 = arith.constant 0 : i32
    %dma_wait3A_337 = tpu.memref_slice %arg5[%dma_wait3A_329, %dma_wait3A_336] : memref<10x128xi32, #tpu.memory_space<vmem>> -> memref<1x128xi32, #tpu.memory_space<vmem>>
    %dma_wait3A_338 = tpu.memref_squeeze %dma_wait3A_337 : memref<1x128xi32, #tpu.memory_space<vmem>> -> memref<128xi32, #tpu.memory_space<vmem>>
    %dma_wait3A_339 = arith.constant 0 : i32
    %dma_wait3A_340 = tpu.memref_slice %arg2[%mul3A_2, %dma_wait3A_339] : memref<6400x128xi32, #tpu.memory_space<hbm>> -> memref<1x128xi32, #tpu.memory_space<hbm>>
    %dma_wait3A_341 = tpu.memref_squeeze %dma_wait3A_340 : memref<1x128xi32, #tpu.memory_space<hbm>> -> memref<128xi32, #tpu.memory_space<hbm>>
    tpu.wait_dma2 semaphore(%arg9 : memref<!tpu.dma_semaphore, #tpu.memory_space<semaphore_mem>>) src(%dma_wait3A_341 : memref<128xi32, #tpu.memory_space<hbm>>) dst(%dma_wait3A_338 : memref<128xi32, #tpu.memory_space<vmem>>)
    %dma_wait3A_342 = arith.constant 0 : i32
    %dma_wait3A_343 = arith.constant 0 : i32
    %dma_wait3A_344 = arith.constant 0 : i32
    %dma_wait3A_345 = tpu.memref_slice %arg6[%dma_wait3A_342, %dma_wait3A_343, %dma_wait3A_344] : memref<5x128x128xf32, #tpu.memory_space<vmem>> -> memref<1x128x128xf32, #tpu.memory_space<vmem>>
    %dma_wait3A_346 = tpu.memref_squeeze %dma_wait3A_345 : memref<1x128x128xf32, #tpu.memory_space<vmem>> -> memref<128x128xf32, #tpu.memory_space<vmem>>
    %dma_wait3A_347 = arith.constant 0 : i32
    %dma_wait3A_348 = tpu.memref_slice %arg4[%mul3A_4, %dma_wait3A_347] : memref<819200x128xf32, #tpu.memory_space<hbm>> -> memref<128x128xf32, #tpu.memory_space<hbm>>
    %dma_wait3A_349 = arith.constant 0 : i32
    %dma_wait3A_350 = tpu.memref_slice %arg4[%mul3A_4, %dma_wait3A_349] : memref<819200x128xf32, #tpu.memory_space<hbm>> -> memref<128x128xf32, #tpu.memory_space<hbm>>
    %dma_wait3A_351 = arith.constant 0 : i32
    %dma_wait3A_352 = arith.constant 0 : i32
    %dma_wait3A_353 = tpu.memref_slice %arg6[%dma_wait3A_342, %dma_wait3A_351, %dma_wait3A_352] : memref<5x128x128xf32, #tpu.memory_space<vmem>> -> memref<1x128x128xf32, #tpu.memory_space<vmem>>
    %dma_wait3A_354 = tpu.memref_squeeze %dma_wait3A_353 : memref<1x128x128xf32, #tpu.memory_space<vmem>> -> memref<128x128xf32, #tpu.memory_space<vmem>>
    tpu.wait_dma2 semaphore(%arg8 : memref<!tpu.dma_semaphore, #tpu.memory_space<semaphore_mem>>) src(%dma_wait3A_354 : memref<128x128xf32, #tpu.memory_space<vmem>>) dst(%dma_wait3A_350 : memref<128x128xf32, #tpu.memory_space<hbm>>)
    %dma_start3A_355 = arith.constant 5 : i32
    %dma_start3A_356 = arith.constant 0 : i32
    %dma_start3A_357 = arith.constant 0 : i32
    %dma_start3A_358 = arith.constant 0 : i32
    %dma_start3A_359 = tpu.memref_slice %arg6[%dma_start3A_356, %dma_start3A_357, %dma_start3A_358] : memref<5x128x128xf32, #tpu.memory_space<vmem>> -> memref<1x128x128xf32, #tpu.memory_space<vmem>>
    %dma_start3A_360 = tpu.memref_squeeze %dma_start3A_359 : memref<1x128x128xf32, #tpu.memory_space<vmem>> -> memref<128x128xf32, #tpu.memory_space<vmem>>
    %dma_start3A_361 = arith.constant 0 : i32
    %dma_start3A_362 = tpu.memref_slice %arg5[%dma_start3A_355, %dma_start3A_361] : memref<10x128xi32, #tpu.memory_space<vmem>> -> memref<1x128xi32, #tpu.memory_space<vmem>>
    %dma_start3A_363 = tpu.memref_squeeze %dma_start3A_362 : memref<1x128xi32, #tpu.memory_space<vmem>> -> memref<128xi32, #tpu.memory_space<vmem>>
    %dma_start3A_364 = arith.constant 0 : i32
    %dma_start3A_365 = arith.constant 0 : i32
    %dma_start3A_366 = tpu.memref_slice %arg3[%dma_start3A_364, %dma_start3A_365] : memref<100000x128xf32, #tpu.memory_space<hbm>> -> memref<100000x128xf32, #tpu.memory_space<hbm>>
    tpu.enqueue_indirect_dma source(%dma_start3A_366 : memref<100000x128xf32, #tpu.memory_space<hbm>>) target(%dma_start3A_360 : memref<128x128xf32, #tpu.memory_space<vmem>>) offsets(%dma_start3A_363 : memref<128xi32, #tpu.memory_space<vmem>>) semaphore(%arg7 : memref<!tpu.dma_semaphore, #tpu.memory_space<semaphore_mem>>)
    %add3A_367 = arith.constant 8 : i32
    %add3A_368 = arith.addi %mul3A_2, %add3A_367 : i32
    %dma_start3A_369 = arith.constant 8 : i32
    %dma_start3A_370 = arith.constant 0 : i32
    %dma_start3A_371 = tpu.memref_slice %arg5[%dma_start3A_369, %dma_start3A_370] : memref<10x128xi32, #tpu.memory_space<vmem>> -> memref<1x128xi32, #tpu.memory_space<vmem>>
    %dma_start3A_372 = tpu.memref_squeeze %dma_start3A_371 : memref<1x128xi32, #tpu.memory_space<vmem>> -> memref<128xi32, #tpu.memory_space<vmem>>
    %dma_start3A_373 = arith.constant 0 : i32
    %dma_start3A_374 = tpu.memref_slice %arg2[%add3A_368, %dma_start3A_373] : memref<6400x128xi32, #tpu.memory_space<hbm>> -> memref<1x128xi32, #tpu.memory_space<hbm>>
    %dma_start3A_375 = tpu.memref_squeeze %dma_start3A_374 : memref<1x128xi32, #tpu.memory_space<hbm>> -> memref<128xi32, #tpu.memory_space<hbm>>
    %dma_start3A_376 = arith.constant 0 : i32
    %dma_start3A_377 = tpu.memref_slice %arg5[%dma_start3A_369, %dma_start3A_376] : memref<10x128xi32, #tpu.memory_space<vmem>> -> memref<1x128xi32, #tpu.memory_space<vmem>>
    %dma_start3A_378 = tpu.memref_squeeze %dma_start3A_377 : memref<1x128xi32, #tpu.memory_space<vmem>> -> memref<128xi32, #tpu.memory_space<vmem>>
    %dma_start3A_379 = arith.constant 0 : i32
    %dma_start3A_380 = tpu.memref_slice %arg2[%add3A_368, %dma_start3A_379] : memref<6400x128xi32, #tpu.memory_space<hbm>> -> memref<1x128xi32, #tpu.memory_space<hbm>>
    %dma_start3A_381 = tpu.memref_squeeze %dma_start3A_380 : memref<1x128xi32, #tpu.memory_space<hbm>> -> memref<128xi32, #tpu.memory_space<hbm>>
    tpu.enqueue_dma source(%dma_start3A_381 : memref<128xi32, #tpu.memory_space<hbm>>) target(%dma_start3A_378 : memref<128xi32, #tpu.memory_space<vmem>>) target_semaphore(%arg9 : memref<!tpu.dma_semaphore, #tpu.memory_space<semaphore_mem>>)
    %dma_wait3A_382 = arith.constant 3 : i32
    %dma_wait3A_383 = arith.constant 3 : i32
    %dma_wait3A_384 = arith.constant 0 : i32
    %dma_wait3A_385 = arith.constant 0 : i32
    %dma_wait3A_386 = tpu.memref_slice %arg6[%dma_wait3A_383, %dma_wait3A_384, %dma_wait3A_385] : memref<5x128x128xf32, #tpu.memory_space<vmem>> -> memref<1x128x128xf32, #tpu.memory_space<vmem>>
    %dma_wait3A_387 = tpu.memref_squeeze %dma_wait3A_386 : memref<1x128x128xf32, #tpu.memory_space<vmem>> -> memref<128x128xf32, #tpu.memory_space<vmem>>
    %dma_wait3A_388 = arith.constant 0 : i32
    %dma_wait3A_389 = tpu.memref_slice %arg5[%dma_wait3A_382, %dma_wait3A_388] : memref<10x128xi32, #tpu.memory_space<vmem>> -> memref<1x128xi32, #tpu.memory_space<vmem>>
    %dma_wait3A_390 = tpu.memref_squeeze %dma_wait3A_389 : memref<1x128xi32, #tpu.memory_space<vmem>> -> memref<128xi32, #tpu.memory_space<vmem>>
    %dma_wait3A_391 = arith.constant 0 : i32
    %dma_wait3A_392 = arith.constant 0 : i32
    %dma_wait3A_393 = tpu.memref_slice %arg3[%dma_wait3A_391, %dma_wait3A_392] : memref<100000x128xf32, #tpu.memory_space<hbm>> -> memref<100000x128xf32, #tpu.memory_space<hbm>>
    tpu.wait_indirect_dma semaphore(%arg7 : memref<!tpu.dma_semaphore, #tpu.memory_space<semaphore_mem>>) src(%dma_wait3A_393 : memref<100000x128xf32, #tpu.memory_space<hbm>>) dst(%dma_wait3A_387 : memref<128x128xf32, #tpu.memory_space<vmem>>)
    %add3A_394 = arith.constant 384 : i32
    %add3A_395 = arith.addi %mul3A_4, %add3A_394 : i32
    %dma_start3A_396 = arith.constant 3 : i32
    %dma_start3A_397 = arith.constant 0 : i32
    %dma_start3A_398 = arith.constant 0 : i32
    %dma_start3A_399 = tpu.memref_slice %arg6[%dma_start3A_396, %dma_start3A_397, %dma_start3A_398] : memref<5x128x128xf32, #tpu.memory_space<vmem>> -> memref<1x128x128xf32, #tpu.memory_space<vmem>>
    %dma_start3A_400 = tpu.memref_squeeze %dma_start3A_399 : memref<1x128x128xf32, #tpu.memory_space<vmem>> -> memref<128x128xf32, #tpu.memory_space<vmem>>
    %dma_start3A_401 = arith.constant 0 : i32
    %dma_start3A_402 = tpu.memref_slice %arg4[%add3A_395, %dma_start3A_401] : memref<819200x128xf32, #tpu.memory_space<hbm>> -> memref<128x128xf32, #tpu.memory_space<hbm>>
    %dma_start3A_403 = arith.constant 0 : i32
    %dma_start3A_404 = tpu.memref_slice %arg4[%add3A_395, %dma_start3A_403] : memref<819200x128xf32, #tpu.memory_space<hbm>> -> memref<128x128xf32, #tpu.memory_space<hbm>>
    %dma_start3A_405 = arith.constant 0 : i32
    %dma_start3A_406 = arith.constant 0 : i32
    %dma_start3A_407 = tpu.memref_slice %arg6[%dma_start3A_396, %dma_start3A_405, %dma_start3A_406] : memref<5x128x128xf32, #tpu.memory_space<vmem>> -> memref<1x128x128xf32, #tpu.memory_space<vmem>>
    %dma_start3A_408 = tpu.memref_squeeze %dma_start3A_407 : memref<1x128x128xf32, #tpu.memory_space<vmem>> -> memref<128x128xf32, #tpu.memory_space<vmem>>
    tpu.enqueue_dma source(%dma_start3A_408 : memref<128x128xf32, #tpu.memory_space<vmem>>) target(%dma_start3A_404 : memref<128x128xf32, #tpu.memory_space<hbm>>) target_semaphore(%arg8 : memref<!tpu.dma_semaphore, #tpu.memory_space<semaphore_mem>>)
    %dma_wait3A_409 = arith.constant 6 : i32
    %dma_wait3A_410 = arith.constant 0 : i32
    %dma_wait3A_411 = tpu.memref_slice %arg5[%dma_wait3A_409, %dma_wait3A_410] : memref<10x128xi32, #tpu.memory_space<vmem>> -> memref<1x128xi32, #tpu.memory_space<vmem>>
    %dma_wait3A_412 = tpu.memref_squeeze %dma_wait3A_411 : memref<1x128xi32, #tpu.memory_space<vmem>> -> memref<128xi32, #tpu.memory_space<vmem>>
    %dma_wait3A_413 = arith.constant 0 : i32
    %dma_wait3A_414 = tpu.memref_slice %arg2[%mul3A_2, %dma_wait3A_413] : memref<6400x128xi32, #tpu.memory_space<hbm>> -> memref<1x128xi32, #tpu.memory_space<hbm>>
    %dma_wait3A_415 = tpu.memref_squeeze %dma_wait3A_414 : memref<1x128xi32, #tpu.memory_space<hbm>> -> memref<128xi32, #tpu.memory_space<hbm>>
    %dma_wait3A_416 = arith.constant 0 : i32
    %dma_wait3A_417 = tpu.memref_slice %arg5[%dma_wait3A_409, %dma_wait3A_416] : memref<10x128xi32, #tpu.memory_space<vmem>> -> memref<1x128xi32, #tpu.memory_space<vmem>>
    %dma_wait3A_418 = tpu.memref_squeeze %dma_wait3A_417 : memref<1x128xi32, #tpu.memory_space<vmem>> -> memref<128xi32, #tpu.memory_space<vmem>>
    %dma_wait3A_419 = arith.constant 0 : i32
    %dma_wait3A_420 = tpu.memref_slice %arg2[%mul3A_2, %dma_wait3A_419] : memref<6400x128xi32, #tpu.memory_space<hbm>> -> memref<1x128xi32, #tpu.memory_space<hbm>>
    %dma_wait3A_421 = tpu.memref_squeeze %dma_wait3A_420 : memref<1x128xi32, #tpu.memory_space<hbm>> -> memref<128xi32, #tpu.memory_space<hbm>>
    tpu.wait_dma2 semaphore(%arg9 : memref<!tpu.dma_semaphore, #tpu.memory_space<semaphore_mem>>) src(%dma_wait3A_421 : memref<128xi32, #tpu.memory_space<hbm>>) dst(%dma_wait3A_418 : memref<128xi32, #tpu.memory_space<vmem>>)
    %dma_wait3A_422 = arith.constant 1 : i32
    %dma_wait3A_423 = arith.constant 0 : i32
    %dma_wait3A_424 = arith.constant 0 : i32
    %dma_wait3A_425 = tpu.memref_slice %arg6[%dma_wait3A_422, %dma_wait3A_423, %dma_wait3A_424] : memref<5x128x128xf32, #tpu.memory_space<vmem>> -> memref<1x128x128xf32, #tpu.memory_space<vmem>>
    %dma_wait3A_426 = tpu.memref_squeeze %dma_wait3A_425 : memref<1x128x128xf32, #tpu.memory_space<vmem>> -> memref<128x128xf32, #tpu.memory_space<vmem>>
    %dma_wait3A_427 = arith.constant 0 : i32
    %dma_wait3A_428 = tpu.memref_slice %arg4[%mul3A_4, %dma_wait3A_427] : memref<819200x128xf32, #tpu.memory_space<hbm>> -> memref<128x128xf32, #tpu.memory_space<hbm>>
    %dma_wait3A_429 = arith.constant 0 : i32
    %dma_wait3A_430 = tpu.memref_slice %arg4[%mul3A_4, %dma_wait3A_429] : memref<819200x128xf32, #tpu.memory_space<hbm>> -> memref<128x128xf32, #tpu.memory_space<hbm>>
    %dma_wait3A_431 = arith.constant 0 : i32
    %dma_wait3A_432 = arith.constant 0 : i32
    %dma_wait3A_433 = tpu.memref_slice %arg6[%dma_wait3A_422, %dma_wait3A_431, %dma_wait3A_432] : memref<5x128x128xf32, #tpu.memory_space<vmem>> -> memref<1x128x128xf32, #tpu.memory_space<vmem>>
    %dma_wait3A_434 = tpu.memref_squeeze %dma_wait3A_433 : memref<1x128x128xf32, #tpu.memory_space<vmem>> -> memref<128x128xf32, #tpu.memory_space<vmem>>
    tpu.wait_dma2 semaphore(%arg8 : memref<!tpu.dma_semaphore, #tpu.memory_space<semaphore_mem>>) src(%dma_wait3A_434 : memref<128x128xf32, #tpu.memory_space<vmem>>) dst(%dma_wait3A_430 : memref<128x128xf32, #tpu.memory_space<hbm>>)
    %dma_start3A_435 = arith.constant 6 : i32
    %dma_start3A_436 = arith.constant 1 : i32
    %dma_start3A_437 = arith.constant 0 : i32
    %dma_start3A_438 = arith.constant 0 : i32
    %dma_start3A_439 = tpu.memref_slice %arg6[%dma_start3A_436, %dma_start3A_437, %dma_start3A_438] : memref<5x128x128xf32, #tpu.memory_space<vmem>> -> memref<1x128x128xf32, #tpu.memory_space<vmem>>
    %dma_start3A_440 = tpu.memref_squeeze %dma_start3A_439 : memref<1x128x128xf32, #tpu.memory_space<vmem>> -> memref<128x128xf32, #tpu.memory_space<vmem>>
    %dma_start3A_441 = arith.constant 0 : i32
    %dma_start3A_442 = tpu.memref_slice %arg5[%dma_start3A_435, %dma_start3A_441] : memref<10x128xi32, #tpu.memory_space<vmem>> -> memref<1x128xi32, #tpu.memory_space<vmem>>
    %dma_start3A_443 = tpu.memref_squeeze %dma_start3A_442 : memref<1x128xi32, #tpu.memory_space<vmem>> -> memref<128xi32, #tpu.memory_space<vmem>>
    %dma_start3A_444 = arith.constant 0 : i32
    %dma_start3A_445 = arith.constant 0 : i32
    %dma_start3A_446 = tpu.memref_slice %arg3[%dma_start3A_444, %dma_start3A_445] : memref<100000x128xf32, #tpu.memory_space<hbm>> -> memref<100000x128xf32, #tpu.memory_space<hbm>>
    tpu.enqueue_indirect_dma source(%dma_start3A_446 : memref<100000x128xf32, #tpu.memory_space<hbm>>) target(%dma_start3A_440 : memref<128x128xf32, #tpu.memory_space<vmem>>) offsets(%dma_start3A_443 : memref<128xi32, #tpu.memory_space<vmem>>) semaphore(%arg7 : memref<!tpu.dma_semaphore, #tpu.memory_space<semaphore_mem>>)
    %add3A_447 = arith.constant 9 : i32
    %add3A_448 = arith.addi %mul3A_2, %add3A_447 : i32
    %dma_start3A_449 = arith.constant 9 : i32
    %dma_start3A_450 = arith.constant 0 : i32
    %dma_start3A_451 = tpu.memref_slice %arg5[%dma_start3A_449, %dma_start3A_450] : memref<10x128xi32, #tpu.memory_space<vmem>> -> memref<1x128xi32, #tpu.memory_space<vmem>>
    %dma_start3A_452 = tpu.memref_squeeze %dma_start3A_451 : memref<1x128xi32, #tpu.memory_space<vmem>> -> memref<128xi32, #tpu.memory_space<vmem>>
    %dma_start3A_453 = arith.constant 0 : i32
    %dma_start3A_454 = tpu.memref_slice %arg2[%add3A_448, %dma_start3A_453] : memref<6400x128xi32, #tpu.memory_space<hbm>> -> memref<1x128xi32, #tpu.memory_space<hbm>>
    %dma_start3A_455 = tpu.memref_squeeze %dma_start3A_454 : memref<1x128xi32, #tpu.memory_space<hbm>> -> memref<128xi32, #tpu.memory_space<hbm>>
    %dma_start3A_456 = arith.constant 0 : i32
    %dma_start3A_457 = tpu.memref_slice %arg5[%dma_start3A_449, %dma_start3A_456] : memref<10x128xi32, #tpu.memory_space<vmem>> -> memref<1x128xi32, #tpu.memory_space<vmem>>
    %dma_start3A_458 = tpu.memref_squeeze %dma_start3A_457 : memref<1x128xi32, #tpu.memory_space<vmem>> -> memref<128xi32, #tpu.memory_space<vmem>>
    %dma_start3A_459 = arith.constant 0 : i32
    %dma_start3A_460 = tpu.memref_slice %arg2[%add3A_448, %dma_start3A_459] : memref<6400x128xi32, #tpu.memory_space<hbm>> -> memref<1x128xi32, #tpu.memory_space<hbm>>
    %dma_start3A_461 = tpu.memref_squeeze %dma_start3A_460 : memref<1x128xi32, #tpu.memory_space<hbm>> -> memref<128xi32, #tpu.memory_space<hbm>>
    tpu.enqueue_dma source(%dma_start3A_461 : memref<128xi32, #tpu.memory_space<hbm>>) target(%dma_start3A_458 : memref<128xi32, #tpu.memory_space<vmem>>) target_semaphore(%arg9 : memref<!tpu.dma_semaphore, #tpu.memory_space<semaphore_mem>>)
    %dma_wait3A_462 = arith.constant 4 : i32
    %dma_wait3A_463 = arith.constant 4 : i32
    %dma_wait3A_464 = arith.constant 0 : i32
    %dma_wait3A_465 = arith.constant 0 : i32
    %dma_wait3A_466 = tpu.memref_slice %arg6[%dma_wait3A_463, %dma_wait3A_464, %dma_wait3A_465] : memref<5x128x128xf32, #tpu.memory_space<vmem>> -> memref<1x128x128xf32, #tpu.memory_space<vmem>>
    %dma_wait3A_467 = tpu.memref_squeeze %dma_wait3A_466 : memref<1x128x128xf32, #tpu.memory_space<vmem>> -> memref<128x128xf32, #tpu.memory_space<vmem>>
    %dma_wait3A_468 = arith.constant 0 : i32
    %dma_wait3A_469 = tpu.memref_slice %arg5[%dma_wait3A_462, %dma_wait3A_468] : memref<10x128xi32, #tpu.memory_space<vmem>> -> memref<1x128xi32, #tpu.memory_space<vmem>>
    %dma_wait3A_470 = tpu.memref_squeeze %dma_wait3A_469 : memref<1x128xi32, #tpu.memory_space<vmem>> -> memref<128xi32, #tpu.memory_space<vmem>>
    %dma_wait3A_471 = arith.constant 0 : i32
    %dma_wait3A_472 = arith.constant 0 : i32
    %dma_wait3A_473 = tpu.memref_slice %arg3[%dma_wait3A_471, %dma_wait3A_472] : memref<100000x128xf32, #tpu.memory_space<hbm>> -> memref<100000x128xf32, #tpu.memory_space<hbm>>
    tpu.wait_indirect_dma semaphore(%arg7 : memref<!tpu.dma_semaphore, #tpu.memory_space<semaphore_mem>>) src(%dma_wait3A_473 : memref<100000x128xf32, #tpu.memory_space<hbm>>) dst(%dma_wait3A_467 : memref<128x128xf32, #tpu.memory_space<vmem>>)
    %add3A_474 = arith.constant 512 : i32
    %add3A_475 = arith.addi %mul3A_4, %add3A_474 : i32
    %dma_start3A_476 = arith.constant 4 : i32
    %dma_start3A_477 = arith.constant 0 : i32
    %dma_start3A_478 = arith.constant 0 : i32
    %dma_start3A_479 = tpu.memref_slice %arg6[%dma_start3A_476, %dma_start3A_477, %dma_start3A_478] : memref<5x128x128xf32, #tpu.memory_space<vmem>> -> memref<1x128x128xf32, #tpu.memory_space<vmem>>
    %dma_start3A_480 = tpu.memref_squeeze %dma_start3A_479 : memref<1x128x128xf32, #tpu.memory_space<vmem>> -> memref<128x128xf32, #tpu.memory_space<vmem>>
    %dma_start3A_481 = arith.constant 0 : i32
    %dma_start3A_482 = tpu.memref_slice %arg4[%add3A_475, %dma_start3A_481] : memref<819200x128xf32, #tpu.memory_space<hbm>> -> memref<128x128xf32, #tpu.memory_space<hbm>>
    %dma_start3A_483 = arith.constant 0 : i32
    %dma_start3A_484 = tpu.memref_slice %arg4[%add3A_475, %dma_start3A_483] : memref<819200x128xf32, #tpu.memory_space<hbm>> -> memref<128x128xf32, #tpu.memory_space<hbm>>
    %dma_start3A_485 = arith.constant 0 : i32
    %dma_start3A_486 = arith.constant 0 : i32
    %dma_start3A_487 = tpu.memref_slice %arg6[%dma_start3A_476, %dma_start3A_485, %dma_start3A_486] : memref<5x128x128xf32, #tpu.memory_space<vmem>> -> memref<1x128x128xf32, #tpu.memory_space<vmem>>
    %dma_start3A_488 = tpu.memref_squeeze %dma_start3A_487 : memref<1x128x128xf32, #tpu.memory_space<vmem>> -> memref<128x128xf32, #tpu.memory_space<vmem>>
    tpu.enqueue_dma source(%dma_start3A_488 : memref<128x128xf32, #tpu.memory_space<vmem>>) target(%dma_start3A_484 : memref<128x128xf32, #tpu.memory_space<hbm>>) target_semaphore(%arg8 : memref<!tpu.dma_semaphore, #tpu.memory_space<semaphore_mem>>)
    %dma_wait3A_489 = arith.constant 7 : i32
    %dma_wait3A_490 = arith.constant 0 : i32
    %dma_wait3A_491 = tpu.memref_slice %arg5[%dma_wait3A_489, %dma_wait3A_490] : memref<10x128xi32, #tpu.memory_space<vmem>> -> memref<1x128xi32, #tpu.memory_space<vmem>>
    %dma_wait3A_492 = tpu.memref_squeeze %dma_wait3A_491 : memref<1x128xi32, #tpu.memory_space<vmem>> -> memref<128xi32, #tpu.memory_space<vmem>>
    %dma_wait3A_493 = arith.constant 0 : i32
    %dma_wait3A_494 = tpu.memref_slice %arg2[%mul3A_2, %dma_wait3A_493] : memref<6400x128xi32, #tpu.memory_space<hbm>> -> memref<1x128xi32, #tpu.memory_space<hbm>>
    %dma_wait3A_495 = tpu.memref_squeeze %dma_wait3A_494 : memref<1x128xi32, #tpu.memory_space<hbm>> -> memref<128xi32, #tpu.memory_space<hbm>>
    %dma_wait3A_496 = arith.constant 0 : i32
    %dma_wait3A_497 = tpu.memref_slice %arg5[%dma_wait3A_489, %dma_wait3A_496] : memref<10x128xi32, #tpu.memory_space<vmem>> -> memref<1x128xi32, #tpu.memory_space<vmem>>
    %dma_wait3A_498 = tpu.memref_squeeze %dma_wait3A_497 : memref<1x128xi32, #tpu.memory_space<vmem>> -> memref<128xi32, #tpu.memory_space<vmem>>
    %dma_wait3A_499 = arith.constant 0 : i32
    %dma_wait3A_500 = tpu.memref_slice %arg2[%mul3A_2, %dma_wait3A_499] : memref<6400x128xi32, #tpu.memory_space<hbm>> -> memref<1x128xi32, #tpu.memory_space<hbm>>
    %dma_wait3A_501 = tpu.memref_squeeze %dma_wait3A_500 : memref<1x128xi32, #tpu.memory_space<hbm>> -> memref<128xi32, #tpu.memory_space<hbm>>
    tpu.wait_dma2 semaphore(%arg9 : memref<!tpu.dma_semaphore, #tpu.memory_space<semaphore_mem>>) src(%dma_wait3A_501 : memref<128xi32, #tpu.memory_space<hbm>>) dst(%dma_wait3A_498 : memref<128xi32, #tpu.memory_space<vmem>>)
    %dma_wait3A_502 = arith.constant 2 : i32
    %dma_wait3A_503 = arith.constant 0 : i32
    %dma_wait3A_504 = arith.constant 0 : i32
    %dma_wait3A_505 = tpu.memref_slice %arg6[%dma_wait3A_502, %dma_wait3A_503, %dma_wait3A_504] : memref<5x128x128xf32, #tpu.memory_space<vmem>> -> memref<1x128x128xf32, #tpu.memory_space<vmem>>
    %dma_wait3A_506 = tpu.memref_squeeze %dma_wait3A_505 : memref<1x128x128xf32, #tpu.memory_space<vmem>> -> memref<128x128xf32, #tpu.memory_space<vmem>>
    %dma_wait3A_507 = arith.constant 0 : i32
    %dma_wait3A_508 = tpu.memref_slice %arg4[%mul3A_4, %dma_wait3A_507] : memref<819200x128xf32, #tpu.memory_space<hbm>> -> memref<128x128xf32, #tpu.memory_space<hbm>>
    %dma_wait3A_509 = arith.constant 0 : i32
    %dma_wait3A_510 = tpu.memref_slice %arg4[%mul3A_4, %dma_wait3A_509] : memref<819200x128xf32, #tpu.memory_space<hbm>> -> memref<128x128xf32, #tpu.memory_space<hbm>>
    %dma_wait3A_511 = arith.constant 0 : i32
    %dma_wait3A_512 = arith.constant 0 : i32
    %dma_wait3A_513 = tpu.memref_slice %arg6[%dma_wait3A_502, %dma_wait3A_511, %dma_wait3A_512] : memref<5x128x128xf32, #tpu.memory_space<vmem>> -> memref<1x128x128xf32, #tpu.memory_space<vmem>>
    %dma_wait3A_514 = tpu.memref_squeeze %dma_wait3A_513 : memref<1x128x128xf32, #tpu.memory_space<vmem>> -> memref<128x128xf32, #tpu.memory_space<vmem>>
    tpu.wait_dma2 semaphore(%arg8 : memref<!tpu.dma_semaphore, #tpu.memory_space<semaphore_mem>>) src(%dma_wait3A_514 : memref<128x128xf32, #tpu.memory_space<vmem>>) dst(%dma_wait3A_510 : memref<128x128xf32, #tpu.memory_space<hbm>>)
    %dma_start3A_515 = arith.constant 7 : i32
    %dma_start3A_516 = arith.constant 2 : i32
    %dma_start3A_517 = arith.constant 0 : i32
    %dma_start3A_518 = arith.constant 0 : i32
    %dma_start3A_519 = tpu.memref_slice %arg6[%dma_start3A_516, %dma_start3A_517, %dma_start3A_518] : memref<5x128x128xf32, #tpu.memory_space<vmem>> -> memref<1x128x128xf32, #tpu.memory_space<vmem>>
    %dma_start3A_520 = tpu.memref_squeeze %dma_start3A_519 : memref<1x128x128xf32, #tpu.memory_space<vmem>> -> memref<128x128xf32, #tpu.memory_space<vmem>>
    %dma_start3A_521 = arith.constant 0 : i32
    %dma_start3A_522 = tpu.memref_slice %arg5[%dma_start3A_515, %dma_start3A_521] : memref<10x128xi32, #tpu.memory_space<vmem>> -> memref<1x128xi32, #tpu.memory_space<vmem>>
    %dma_start3A_523 = tpu.memref_squeeze %dma_start3A_522 : memref<1x128xi32, #tpu.memory_space<vmem>> -> memref<128xi32, #tpu.memory_space<vmem>>
    %dma_start3A_524 = arith.constant 0 : i32
    %dma_start3A_525 = arith.constant 0 : i32
    %dma_start3A_526 = tpu.memref_slice %arg3[%dma_start3A_524, %dma_start3A_525] : memref<100000x128xf32, #tpu.memory_space<hbm>> -> memref<100000x128xf32, #tpu.memory_space<hbm>>
    tpu.enqueue_indirect_dma source(%dma_start3A_526 : memref<100000x128xf32, #tpu.memory_space<hbm>>) target(%dma_start3A_520 : memref<128x128xf32, #tpu.memory_space<vmem>>) offsets(%dma_start3A_523 : memref<128xi32, #tpu.memory_space<vmem>>) semaphore(%arg7 : memref<!tpu.dma_semaphore, #tpu.memory_space<semaphore_mem>>)
    %add3A_527 = arith.constant 10 : i32
    %add3A_528 = arith.addi %mul3A_2, %add3A_527 : i32
    %dma_start3A_529 = arith.constant 0 : i32
    %dma_start3A_530 = arith.constant 0 : i32
    %dma_start3A_531 = tpu.memref_slice %arg5[%dma_start3A_529, %dma_start3A_530] : memref<10x128xi32, #tpu.memory_space<vmem>> -> memref<1x128xi32, #tpu.memory_space<vmem>>
    %dma_start3A_532 = tpu.memref_squeeze %dma_start3A_531 : memref<1x128xi32, #tpu.memory_space<vmem>> -> memref<128xi32, #tpu.memory_space<vmem>>
    %dma_start3A_533 = arith.constant 0 : i32
    %dma_start3A_534 = tpu.memref_slice %arg2[%add3A_528, %dma_start3A_533] : memref<6400x128xi32, #tpu.memory_space<hbm>> -> memref<1x128xi32, #tpu.memory_space<hbm>>
    %dma_start3A_535 = tpu.memref_squeeze %dma_start3A_534 : memref<1x128xi32, #tpu.memory_space<hbm>> -> memref<128xi32, #tpu.memory_space<hbm>>
    %dma_start3A_536 = arith.constant 0 : i32
    %dma_start3A_537 = tpu.memref_slice %arg5[%dma_start3A_529, %dma_start3A_536] : memref<10x128xi32, #tpu.memory_space<vmem>> -> memref<1x128xi32, #tpu.memory_space<vmem>>
    %dma_start3A_538 = tpu.memref_squeeze %dma_start3A_537 : memref<1x128xi32, #tpu.memory_space<vmem>> -> memref<128xi32, #tpu.memory_space<vmem>>
    %dma_start3A_539 = arith.constant 0 : i32
    %dma_start3A_540 = tpu.memref_slice %arg2[%add3A_528, %dma_start3A_539] : memref<6400x128xi32, #tpu.memory_space<hbm>> -> memref<1x128xi32, #tpu.memory_space<hbm>>
    %dma_start3A_541 = tpu.memref_squeeze %dma_start3A_540 : memref<1x128xi32, #tpu.memory_space<hbm>> -> memref<128xi32, #tpu.memory_space<hbm>>
    tpu.enqueue_dma source(%dma_start3A_541 : memref<128xi32, #tpu.memory_space<hbm>>) target(%dma_start3A_538 : memref<128xi32, #tpu.memory_space<vmem>>) target_semaphore(%arg9 : memref<!tpu.dma_semaphore, #tpu.memory_space<semaphore_mem>>)
    %dma_wait3A_542 = arith.constant 5 : i32
    %dma_wait3A_543 = arith.constant 0 : i32
    %dma_wait3A_544 = arith.constant 0 : i32
    %dma_wait3A_545 = arith.constant 0 : i32
    %dma_wait3A_546 = tpu.memref_slice %arg6[%dma_wait3A_543, %dma_wait3A_544, %dma_wait3A_545] : memref<5x128x128xf32, #tpu.memory_space<vmem>> -> memref<1x128x128xf32, #tpu.memory_space<vmem>>
    %dma_wait3A_547 = tpu.memref_squeeze %dma_wait3A_546 : memref<1x128x128xf32, #tpu.memory_space<vmem>> -> memref<128x128xf32, #tpu.memory_space<vmem>>
    %dma_wait3A_548 = arith.constant 0 : i32
    %dma_wait3A_549 = tpu.memref_slice %arg5[%dma_wait3A_542, %dma_wait3A_548] : memref<10x128xi32, #tpu.memory_space<vmem>> -> memref<1x128xi32, #tpu.memory_space<vmem>>
    %dma_wait3A_550 = tpu.memref_squeeze %dma_wait3A_549 : memref<1x128xi32, #tpu.memory_space<vmem>> -> memref<128xi32, #tpu.memory_space<vmem>>
    %dma_wait3A_551 = arith.constant 0 : i32
    %dma_wait3A_552 = arith.constant 0 : i32
    %dma_wait3A_553 = tpu.memref_slice %arg3[%dma_wait3A_551, %dma_wait3A_552] : memref<100000x128xf32, #tpu.memory_space<hbm>> -> memref<100000x128xf32, #tpu.memory_space<hbm>>
    tpu.wait_indirect_dma semaphore(%arg7 : memref<!tpu.dma_semaphore, #tpu.memory_space<semaphore_mem>>) src(%dma_wait3A_553 : memref<100000x128xf32, #tpu.memory_space<hbm>>) dst(%dma_wait3A_547 : memref<128x128xf32, #tpu.memory_space<vmem>>)
    %add3A_554 = arith.constant 640 : i32
    %add3A_555 = arith.addi %mul3A_4, %add3A_554 : i32
    %dma_start3A_556 = arith.constant 0 : i32
    %dma_start3A_557 = arith.constant 0 : i32
    %dma_start3A_558 = arith.constant 0 : i32
    %dma_start3A_559 = tpu.memref_slice %arg6[%dma_start3A_556, %dma_start3A_557, %dma_start3A_558] : memref<5x128x128xf32, #tpu.memory_space<vmem>> -> memref<1x128x128xf32, #tpu.memory_space<vmem>>
    %dma_start3A_560 = tpu.memref_squeeze %dma_start3A_559 : memref<1x128x128xf32, #tpu.memory_space<vmem>> -> memref<128x128xf32, #tpu.memory_space<vmem>>
    %dma_start3A_561 = arith.constant 0 : i32
    %dma_start3A_562 = tpu.memref_slice %arg4[%add3A_555, %dma_start3A_561] : memref<819200x128xf32, #tpu.memory_space<hbm>> -> memref<128x128xf32, #tpu.memory_space<hbm>>
    %dma_start3A_563 = arith.constant 0 : i32
    %dma_start3A_564 = tpu.memref_slice %arg4[%add3A_555, %dma_start3A_563] : memref<819200x128xf32, #tpu.memory_space<hbm>> -> memref<128x128xf32, #tpu.memory_space<hbm>>
    %dma_start3A_565 = arith.constant 0 : i32
    %dma_start3A_566 = arith.constant 0 : i32
    %dma_start3A_567 = tpu.memref_slice %arg6[%dma_start3A_556, %dma_start3A_565, %dma_start3A_566] : memref<5x128x128xf32, #tpu.memory_space<vmem>> -> memref<1x128x128xf32, #tpu.memory_space<vmem>>
    %dma_start3A_568 = tpu.memref_squeeze %dma_start3A_567 : memref<1x128x128xf32, #tpu.memory_space<vmem>> -> memref<128x128xf32, #tpu.memory_space<vmem>>
    tpu.enqueue_dma source(%dma_start3A_568 : memref<128x128xf32, #tpu.memory_space<vmem>>) target(%dma_start3A_564 : memref<128x128xf32, #tpu.memory_space<hbm>>) target_semaphore(%arg8 : memref<!tpu.dma_semaphore, #tpu.memory_space<semaphore_mem>>)
    %dma_wait3A_569 = arith.constant 8 : i32
    %dma_wait3A_570 = arith.constant 0 : i32
    %dma_wait3A_571 = tpu.memref_slice %arg5[%dma_wait3A_569, %dma_wait3A_570] : memref<10x128xi32, #tpu.memory_space<vmem>> -> memref<1x128xi32, #tpu.memory_space<vmem>>
    %dma_wait3A_572 = tpu.memref_squeeze %dma_wait3A_571 : memref<1x128xi32, #tpu.memory_space<vmem>> -> memref<128xi32, #tpu.memory_space<vmem>>
    %dma_wait3A_573 = arith.constant 0 : i32
    %dma_wait3A_574 = tpu.memref_slice %arg2[%mul3A_2, %dma_wait3A_573] : memref<6400x128xi32, #tpu.memory_space<hbm>> -> memref<1x128xi32, #tpu.memory_space<hbm>>
    %dma_wait3A_575 = tpu.memref_squeeze %dma_wait3A_574 : memref<1x128xi32, #tpu.memory_space<hbm>> -> memref<128xi32, #tpu.memory_space<hbm>>
    %dma_wait3A_576 = arith.constant 0 : i32
    %dma_wait3A_577 = tpu.memref_slice %arg5[%dma_wait3A_569, %dma_wait3A_576] : memref<10x128xi32, #tpu.memory_space<vmem>> -> memref<1x128xi32, #tpu.memory_space<vmem>>
    %dma_wait3A_578 = tpu.memref_squeeze %dma_wait3A_577 : memref<1x128xi32, #tpu.memory_space<vmem>> -> memref<128xi32, #tpu.memory_space<vmem>>
    %dma_wait3A_579 = arith.constant 0 : i32
    %dma_wait3A_580 = tpu.memref_slice %arg2[%mul3A_2, %dma_wait3A_579] : memref<6400x128xi32, #tpu.memory_space<hbm>> -> memref<1x128xi32, #tpu.memory_space<hbm>>
    %dma_wait3A_581 = tpu.memref_squeeze %dma_wait3A_580 : memref<1x128xi32, #tpu.memory_space<hbm>> -> memref<128xi32, #tpu.memory_space<hbm>>
    tpu.wait_dma2 semaphore(%arg9 : memref<!tpu.dma_semaphore, #tpu.memory_space<semaphore_mem>>) src(%dma_wait3A_581 : memref<128xi32, #tpu.memory_space<hbm>>) dst(%dma_wait3A_578 : memref<128xi32, #tpu.memory_space<vmem>>)
    %dma_wait3A_582 = arith.constant 3 : i32
    %dma_wait3A_583 = arith.constant 0 : i32
    %dma_wait3A_584 = arith.constant 0 : i32
    %dma_wait3A_585 = tpu.memref_slice %arg6[%dma_wait3A_582, %dma_wait3A_583, %dma_wait3A_584] : memref<5x128x128xf32, #tpu.memory_space<vmem>> -> memref<1x128x128xf32, #tpu.memory_space<vmem>>
    %dma_wait3A_586 = tpu.memref_squeeze %dma_wait3A_585 : memref<1x128x128xf32, #tpu.memory_space<vmem>> -> memref<128x128xf32, #tpu.memory_space<vmem>>
    %dma_wait3A_587 = arith.constant 0 : i32
    %dma_wait3A_588 = tpu.memref_slice %arg4[%mul3A_4, %dma_wait3A_587] : memref<819200x128xf32, #tpu.memory_space<hbm>> -> memref<128x128xf32, #tpu.memory_space<hbm>>
    %dma_wait3A_589 = arith.constant 0 : i32
    %dma_wait3A_590 = tpu.memref_slice %arg4[%mul3A_4, %dma_wait3A_589] : memref<819200x128xf32, #tpu.memory_space<hbm>> -> memref<128x128xf32, #tpu.memory_space<hbm>>
    %dma_wait3A_591 = arith.constant 0 : i32
    %dma_wait3A_592 = arith.constant 0 : i32
    %dma_wait3A_593 = tpu.memref_slice %arg6[%dma_wait3A_582, %dma_wait3A_591, %dma_wait3A_592] : memref<5x128x128xf32, #tpu.memory_space<vmem>> -> memref<1x128x128xf32, #tpu.memory_space<vmem>>
    %dma_wait3A_594 = tpu.memref_squeeze %dma_wait3A_593 : memref<1x128x128xf32, #tpu.memory_space<vmem>> -> memref<128x128xf32, #tpu.memory_space<vmem>>
    tpu.wait_dma2 semaphore(%arg8 : memref<!tpu.dma_semaphore, #tpu.memory_space<semaphore_mem>>) src(%dma_wait3A_594 : memref<128x128xf32, #tpu.memory_space<vmem>>) dst(%dma_wait3A_590 : memref<128x128xf32, #tpu.memory_space<hbm>>)
    %dma_start3A_595 = arith.constant 8 : i32
    %dma_start3A_596 = arith.constant 3 : i32
    %dma_start3A_597 = arith.constant 0 : i32
    %dma_start3A_598 = arith.constant 0 : i32
    %dma_start3A_599 = tpu.memref_slice %arg6[%dma_start3A_596, %dma_start3A_597, %dma_start3A_598] : memref<5x128x128xf32, #tpu.memory_space<vmem>> -> memref<1x128x128xf32, #tpu.memory_space<vmem>>
    %dma_start3A_600 = tpu.memref_squeeze %dma_start3A_599 : memref<1x128x128xf32, #tpu.memory_space<vmem>> -> memref<128x128xf32, #tpu.memory_space<vmem>>
    %dma_start3A_601 = arith.constant 0 : i32
    %dma_start3A_602 = tpu.memref_slice %arg5[%dma_start3A_595, %dma_start3A_601] : memref<10x128xi32, #tpu.memory_space<vmem>> -> memref<1x128xi32, #tpu.memory_space<vmem>>
    %dma_start3A_603 = tpu.memref_squeeze %dma_start3A_602 : memref<1x128xi32, #tpu.memory_space<vmem>> -> memref<128xi32, #tpu.memory_space<vmem>>
    %dma_start3A_604 = arith.constant 0 : i32
    %dma_start3A_605 = arith.constant 0 : i32
    %dma_start3A_606 = tpu.memref_slice %arg3[%dma_start3A_604, %dma_start3A_605] : memref<100000x128xf32, #tpu.memory_space<hbm>> -> memref<100000x128xf32, #tpu.memory_space<hbm>>
    tpu.enqueue_indirect_dma source(%dma_start3A_606 : memref<100000x128xf32, #tpu.memory_space<hbm>>) target(%dma_start3A_600 : memref<128x128xf32, #tpu.memory_space<vmem>>) offsets(%dma_start3A_603 : memref<128xi32, #tpu.memory_space<vmem>>) semaphore(%arg7 : memref<!tpu.dma_semaphore, #tpu.memory_space<semaphore_mem>>)
    %add3A_607 = arith.constant 11 : i32
    %add3A_608 = arith.addi %mul3A_2, %add3A_607 : i32
    %dma_start3A_609 = arith.constant 1 : i32
    %dma_start3A_610 = arith.constant 0 : i32
    %dma_start3A_611 = tpu.memref_slice %arg5[%dma_start3A_609, %dma_start3A_610] : memref<10x128xi32, #tpu.memory_space<vmem>> -> memref<1x128xi32, #tpu.memory_space<vmem>>
    %dma_start3A_612 = tpu.memref_squeeze %dma_start3A_611 : memref<1x128xi32, #tpu.memory_space<vmem>> -> memref<128xi32, #tpu.memory_space<vmem>>
    %dma_start3A_613 = arith.constant 0 : i32
    %dma_start3A_614 = tpu.memref_slice %arg2[%add3A_608, %dma_start3A_613] : memref<6400x128xi32, #tpu.memory_space<hbm>> -> memref<1x128xi32, #tpu.memory_space<hbm>>
    %dma_start3A_615 = tpu.memref_squeeze %dma_start3A_614 : memref<1x128xi32, #tpu.memory_space<hbm>> -> memref<128xi32, #tpu.memory_space<hbm>>
    %dma_start3A_616 = arith.constant 0 : i32
    %dma_start3A_617 = tpu.memref_slice %arg5[%dma_start3A_609, %dma_start3A_616] : memref<10x128xi32, #tpu.memory_space<vmem>> -> memref<1x128xi32, #tpu.memory_space<vmem>>
    %dma_start3A_618 = tpu.memref_squeeze %dma_start3A_617 : memref<1x128xi32, #tpu.memory_space<vmem>> -> memref<128xi32, #tpu.memory_space<vmem>>
    %dma_start3A_619 = arith.constant 0 : i32
    %dma_start3A_620 = tpu.memref_slice %arg2[%add3A_608, %dma_start3A_619] : memref<6400x128xi32, #tpu.memory_space<hbm>> -> memref<1x128xi32, #tpu.memory_space<hbm>>
    %dma_start3A_621 = tpu.memref_squeeze %dma_start3A_620 : memref<1x128xi32, #tpu.memory_space<hbm>> -> memref<128xi32, #tpu.memory_space<hbm>>
    tpu.enqueue_dma source(%dma_start3A_621 : memref<128xi32, #tpu.memory_space<hbm>>) target(%dma_start3A_618 : memref<128xi32, #tpu.memory_space<vmem>>) target_semaphore(%arg9 : memref<!tpu.dma_semaphore, #tpu.memory_space<semaphore_mem>>)
    %dma_wait3A_622 = arith.constant 6 : i32
    %dma_wait3A_623 = arith.constant 1 : i32
    %dma_wait3A_624 = arith.constant 0 : i32
    %dma_wait3A_625 = arith.constant 0 : i32
    %dma_wait3A_626 = tpu.memref_slice %arg6[%dma_wait3A_623, %dma_wait3A_624, %dma_wait3A_625] : memref<5x128x128xf32, #tpu.memory_space<vmem>> -> memref<1x128x128xf32, #tpu.memory_space<vmem>>
    %dma_wait3A_627 = tpu.memref_squeeze %dma_wait3A_626 : memref<1x128x128xf32, #tpu.memory_space<vmem>> -> memref<128x128xf32, #tpu.memory_space<vmem>>
    %dma_wait3A_628 = arith.constant 0 : i32
    %dma_wait3A_629 = tpu.memref_slice %arg5[%dma_wait3A_622, %dma_wait3A_628] : memref<10x128xi32, #tpu.memory_space<vmem>> -> memref<1x128xi32, #tpu.memory_space<vmem>>
    %dma_wait3A_630 = tpu.memref_squeeze %dma_wait3A_629 : memref<1x128xi32, #tpu.memory_space<vmem>> -> memref<128xi32, #tpu.memory_space<vmem>>
    %dma_wait3A_631 = arith.constant 0 : i32
    %dma_wait3A_632 = arith.constant 0 : i32
    %dma_wait3A_633 = tpu.memref_slice %arg3[%dma_wait3A_631, %dma_wait3A_632] : memref<100000x128xf32, #tpu.memory_space<hbm>> -> memref<100000x128xf32, #tpu.memory_space<hbm>>
    tpu.wait_indirect_dma semaphore(%arg7 : memref<!tpu.dma_semaphore, #tpu.memory_space<semaphore_mem>>) src(%dma_wait3A_633 : memref<100000x128xf32, #tpu.memory_space<hbm>>) dst(%dma_wait3A_627 : memref<128x128xf32, #tpu.memory_space<vmem>>)
    %add3A_634 = arith.constant 768 : i32
    %add3A_635 = arith.addi %mul3A_4, %add3A_634 : i32
    %dma_start3A_636 = arith.constant 1 : i32
    %dma_start3A_637 = arith.constant 0 : i32
    %dma_start3A_638 = arith.constant 0 : i32
    %dma_start3A_639 = tpu.memref_slice %arg6[%dma_start3A_636, %dma_start3A_637, %dma_start3A_638] : memref<5x128x128xf32, #tpu.memory_space<vmem>> -> memref<1x128x128xf32, #tpu.memory_space<vmem>>
    %dma_start3A_640 = tpu.memref_squeeze %dma_start3A_639 : memref<1x128x128xf32, #tpu.memory_space<vmem>> -> memref<128x128xf32, #tpu.memory_space<vmem>>
    %dma_start3A_641 = arith.constant 0 : i32
    %dma_start3A_642 = tpu.memref_slice %arg4[%add3A_635, %dma_start3A_641] : memref<819200x128xf32, #tpu.memory_space<hbm>> -> memref<128x128xf32, #tpu.memory_space<hbm>>
    %dma_start3A_643 = arith.constant 0 : i32
    %dma_start3A_644 = tpu.memref_slice %arg4[%add3A_635, %dma_start3A_643] : memref<819200x128xf32, #tpu.memory_space<hbm>> -> memref<128x128xf32, #tpu.memory_space<hbm>>
    %dma_start3A_645 = arith.constant 0 : i32
    %dma_start3A_646 = arith.constant 0 : i32
    %dma_start3A_647 = tpu.memref_slice %arg6[%dma_start3A_636, %dma_start3A_645, %dma_start3A_646] : memref<5x128x128xf32, #tpu.memory_space<vmem>> -> memref<1x128x128xf32, #tpu.memory_space<vmem>>
    %dma_start3A_648 = tpu.memref_squeeze %dma_start3A_647 : memref<1x128x128xf32, #tpu.memory_space<vmem>> -> memref<128x128xf32, #tpu.memory_space<vmem>>
    tpu.enqueue_dma source(%dma_start3A_648 : memref<128x128xf32, #tpu.memory_space<vmem>>) target(%dma_start3A_644 : memref<128x128xf32, #tpu.memory_space<hbm>>) target_semaphore(%arg8 : memref<!tpu.dma_semaphore, #tpu.memory_space<semaphore_mem>>)
    %dma_wait3A_649 = arith.constant 9 : i32
    %dma_wait3A_650 = arith.constant 0 : i32
    %dma_wait3A_651 = tpu.memref_slice %arg5[%dma_wait3A_649, %dma_wait3A_650] : memref<10x128xi32, #tpu.memory_space<vmem>> -> memref<1x128xi32, #tpu.memory_space<vmem>>
    %dma_wait3A_652 = tpu.memref_squeeze %dma_wait3A_651 : memref<1x128xi32, #tpu.memory_space<vmem>> -> memref<128xi32, #tpu.memory_space<vmem>>
    %dma_wait3A_653 = arith.constant 0 : i32
    %dma_wait3A_654 = tpu.memref_slice %arg2[%mul3A_2, %dma_wait3A_653] : memref<6400x128xi32, #tpu.memory_space<hbm>> -> memref<1x128xi32, #tpu.memory_space<hbm>>
    %dma_wait3A_655 = tpu.memref_squeeze %dma_wait3A_654 : memref<1x128xi32, #tpu.memory_space<hbm>> -> memref<128xi32, #tpu.memory_space<hbm>>
    %dma_wait3A_656 = arith.constant 0 : i32
    %dma_wait3A_657 = tpu.memref_slice %arg5[%dma_wait3A_649, %dma_wait3A_656] : memref<10x128xi32, #tpu.memory_space<vmem>> -> memref<1x128xi32, #tpu.memory_space<vmem>>
    %dma_wait3A_658 = tpu.memref_squeeze %dma_wait3A_657 : memref<1x128xi32, #tpu.memory_space<vmem>> -> memref<128xi32, #tpu.memory_space<vmem>>
    %dma_wait3A_659 = arith.constant 0 : i32
    %dma_wait3A_660 = tpu.memref_slice %arg2[%mul3A_2, %dma_wait3A_659] : memref<6400x128xi32, #tpu.memory_space<hbm>> -> memref<1x128xi32, #tpu.memory_space<hbm>>
    %dma_wait3A_661 = tpu.memref_squeeze %dma_wait3A_660 : memref<1x128xi32, #tpu.memory_space<hbm>> -> memref<128xi32, #tpu.memory_space<hbm>>
    tpu.wait_dma2 semaphore(%arg9 : memref<!tpu.dma_semaphore, #tpu.memory_space<semaphore_mem>>) src(%dma_wait3A_661 : memref<128xi32, #tpu.memory_space<hbm>>) dst(%dma_wait3A_658 : memref<128xi32, #tpu.memory_space<vmem>>)
    %dma_wait3A_662 = arith.constant 4 : i32
    %dma_wait3A_663 = arith.constant 0 : i32
    %dma_wait3A_664 = arith.constant 0 : i32
    %dma_wait3A_665 = tpu.memref_slice %arg6[%dma_wait3A_662, %dma_wait3A_663, %dma_wait3A_664] : memref<5x128x128xf32, #tpu.memory_space<vmem>> -> memref<1x128x128xf32, #tpu.memory_space<vmem>>
    %dma_wait3A_666 = tpu.memref_squeeze %dma_wait3A_665 : memref<1x128x128xf32, #tpu.memory_space<vmem>> -> memref<128x128xf32, #tpu.memory_space<vmem>>
    %dma_wait3A_667 = arith.constant 0 : i32
    %dma_wait3A_668 = tpu.memref_slice %arg4[%mul3A_4, %dma_wait3A_667] : memref<819200x128xf32, #tpu.memory_space<hbm>> -> memref<128x128xf32, #tpu.memory_space<hbm>>
    %dma_wait3A_669 = arith.constant 0 : i32
    %dma_wait3A_670 = tpu.memref_slice %arg4[%mul3A_4, %dma_wait3A_669] : memref<819200x128xf32, #tpu.memory_space<hbm>> -> memref<128x128xf32, #tpu.memory_space<hbm>>
    %dma_wait3A_671 = arith.constant 0 : i32
    %dma_wait3A_672 = arith.constant 0 : i32
    %dma_wait3A_673 = tpu.memref_slice %arg6[%dma_wait3A_662, %dma_wait3A_671, %dma_wait3A_672] : memref<5x128x128xf32, #tpu.memory_space<vmem>> -> memref<1x128x128xf32, #tpu.memory_space<vmem>>
    %dma_wait3A_674 = tpu.memref_squeeze %dma_wait3A_673 : memref<1x128x128xf32, #tpu.memory_space<vmem>> -> memref<128x128xf32, #tpu.memory_space<vmem>>
    tpu.wait_dma2 semaphore(%arg8 : memref<!tpu.dma_semaphore, #tpu.memory_space<semaphore_mem>>) src(%dma_wait3A_674 : memref<128x128xf32, #tpu.memory_space<vmem>>) dst(%dma_wait3A_670 : memref<128x128xf32, #tpu.memory_space<hbm>>)
    %dma_start3A_675 = arith.constant 9 : i32
    %dma_start3A_676 = arith.constant 4 : i32
    %dma_start3A_677 = arith.constant 0 : i32
    %dma_start3A_678 = arith.constant 0 : i32
    %dma_start3A_679 = tpu.memref_slice %arg6[%dma_start3A_676, %dma_start3A_677, %dma_start3A_678] : memref<5x128x128xf32, #tpu.memory_space<vmem>> -> memref<1x128x128xf32, #tpu.memory_space<vmem>>
    %dma_start3A_680 = tpu.memref_squeeze %dma_start3A_679 : memref<1x128x128xf32, #tpu.memory_space<vmem>> -> memref<128x128xf32, #tpu.memory_space<vmem>>
    %dma_start3A_681 = arith.constant 0 : i32
    %dma_start3A_682 = tpu.memref_slice %arg5[%dma_start3A_675, %dma_start3A_681] : memref<10x128xi32, #tpu.memory_space<vmem>> -> memref<1x128xi32, #tpu.memory_space<vmem>>
    %dma_start3A_683 = tpu.memref_squeeze %dma_start3A_682 : memref<1x128xi32, #tpu.memory_space<vmem>> -> memref<128xi32, #tpu.memory_space<vmem>>
    %dma_start3A_684 = arith.constant 0 : i32
    %dma_start3A_685 = arith.constant 0 : i32
    %dma_start3A_686 = tpu.memref_slice %arg3[%dma_start3A_684, %dma_start3A_685] : memref<100000x128xf32, #tpu.memory_space<hbm>> -> memref<100000x128xf32, #tpu.memory_space<hbm>>
    tpu.enqueue_indirect_dma source(%dma_start3A_686 : memref<100000x128xf32, #tpu.memory_space<hbm>>) target(%dma_start3A_680 : memref<128x128xf32, #tpu.memory_space<vmem>>) offsets(%dma_start3A_683 : memref<128xi32, #tpu.memory_space<vmem>>) semaphore(%arg7 : memref<!tpu.dma_semaphore, #tpu.memory_space<semaphore_mem>>)
    %add3A_687 = arith.constant 12 : i32
    %add3A_688 = arith.addi %mul3A_2, %add3A_687 : i32
    %dma_start3A_689 = arith.constant 2 : i32
    %dma_start3A_690 = arith.constant 0 : i32
    %dma_start3A_691 = tpu.memref_slice %arg5[%dma_start3A_689, %dma_start3A_690] : memref<10x128xi32, #tpu.memory_space<vmem>> -> memref<1x128xi32, #tpu.memory_space<vmem>>
    %dma_start3A_692 = tpu.memref_squeeze %dma_start3A_691 : memref<1x128xi32, #tpu.memory_space<vmem>> -> memref<128xi32, #tpu.memory_space<vmem>>
    %dma_start3A_693 = arith.constant 0 : i32
    %dma_start3A_694 = tpu.memref_slice %arg2[%add3A_688, %dma_start3A_693] : memref<6400x128xi32, #tpu.memory_space<hbm>> -> memref<1x128xi32, #tpu.memory_space<hbm>>
    %dma_start3A_695 = tpu.memref_squeeze %dma_start3A_694 : memref<1x128xi32, #tpu.memory_space<hbm>> -> memref<128xi32, #tpu.memory_space<hbm>>
    %dma_start3A_696 = arith.constant 0 : i32
    %dma_start3A_697 = tpu.memref_slice %arg5[%dma_start3A_689, %dma_start3A_696] : memref<10x128xi32, #tpu.memory_space<vmem>> -> memref<1x128xi32, #tpu.memory_space<vmem>>
    %dma_start3A_698 = tpu.memref_squeeze %dma_start3A_697 : memref<1x128xi32, #tpu.memory_space<vmem>> -> memref<128xi32, #tpu.memory_space<vmem>>
    %dma_start3A_699 = arith.constant 0 : i32
    %dma_start3A_700 = tpu.memref_slice %arg2[%add3A_688, %dma_start3A_699] : memref<6400x128xi32, #tpu.memory_space<hbm>> -> memref<1x128xi32, #tpu.memory_space<hbm>>
    %dma_start3A_701 = tpu.memref_squeeze %dma_start3A_700 : memref<1x128xi32, #tpu.memory_space<hbm>> -> memref<128xi32, #tpu.memory_space<hbm>>
    tpu.enqueue_dma source(%dma_start3A_701 : memref<128xi32, #tpu.memory_space<hbm>>) target(%dma_start3A_698 : memref<128xi32, #tpu.memory_space<vmem>>) target_semaphore(%arg9 : memref<!tpu.dma_semaphore, #tpu.memory_space<semaphore_mem>>)
    %dma_wait3A_702 = arith.constant 7 : i32
    %dma_wait3A_703 = arith.constant 2 : i32
    %dma_wait3A_704 = arith.constant 0 : i32
    %dma_wait3A_705 = arith.constant 0 : i32
    %dma_wait3A_706 = tpu.memref_slice %arg6[%dma_wait3A_703, %dma_wait3A_704, %dma_wait3A_705] : memref<5x128x128xf32, #tpu.memory_space<vmem>> -> memref<1x128x128xf32, #tpu.memory_space<vmem>>
    %dma_wait3A_707 = tpu.memref_squeeze %dma_wait3A_706 : memref<1x128x128xf32, #tpu.memory_space<vmem>> -> memref<128x128xf32, #tpu.memory_space<vmem>>
    %dma_wait3A_708 = arith.constant 0 : i32
    %dma_wait3A_709 = tpu.memref_slice %arg5[%dma_wait3A_702, %dma_wait3A_708] : memref<10x128xi32, #tpu.memory_space<vmem>> -> memref<1x128xi32, #tpu.memory_space<vmem>>
    %dma_wait3A_710 = tpu.memref_squeeze %dma_wait3A_709 : memref<1x128xi32, #tpu.memory_space<vmem>> -> memref<128xi32, #tpu.memory_space<vmem>>
    %dma_wait3A_711 = arith.constant 0 : i32
    %dma_wait3A_712 = arith.constant 0 : i32
    %dma_wait3A_713 = tpu.memref_slice %arg3[%dma_wait3A_711, %dma_wait3A_712] : memref<100000x128xf32, #tpu.memory_space<hbm>> -> memref<100000x128xf32, #tpu.memory_space<hbm>>
    tpu.wait_indirect_dma semaphore(%arg7 : memref<!tpu.dma_semaphore, #tpu.memory_space<semaphore_mem>>) src(%dma_wait3A_713 : memref<100000x128xf32, #tpu.memory_space<hbm>>) dst(%dma_wait3A_707 : memref<128x128xf32, #tpu.memory_space<vmem>>)
    %add3A_714 = arith.constant 896 : i32
    %add3A_715 = arith.addi %mul3A_4, %add3A_714 : i32
    %dma_start3A_716 = arith.constant 2 : i32
    %dma_start3A_717 = arith.constant 0 : i32
    %dma_start3A_718 = arith.constant 0 : i32
    %dma_start3A_719 = tpu.memref_slice %arg6[%dma_start3A_716, %dma_start3A_717, %dma_start3A_718] : memref<5x128x128xf32, #tpu.memory_space<vmem>> -> memref<1x128x128xf32, #tpu.memory_space<vmem>>
    %dma_start3A_720 = tpu.memref_squeeze %dma_start3A_719 : memref<1x128x128xf32, #tpu.memory_space<vmem>> -> memref<128x128xf32, #tpu.memory_space<vmem>>
    %dma_start3A_721 = arith.constant 0 : i32
    %dma_start3A_722 = tpu.memref_slice %arg4[%add3A_715, %dma_start3A_721] : memref<819200x128xf32, #tpu.memory_space<hbm>> -> memref<128x128xf32, #tpu.memory_space<hbm>>
    %dma_start3A_723 = arith.constant 0 : i32
    %dma_start3A_724 = tpu.memref_slice %arg4[%add3A_715, %dma_start3A_723] : memref<819200x128xf32, #tpu.memory_space<hbm>> -> memref<128x128xf32, #tpu.memory_space<hbm>>
    %dma_start3A_725 = arith.constant 0 : i32
    %dma_start3A_726 = arith.constant 0 : i32
    %dma_start3A_727 = tpu.memref_slice %arg6[%dma_start3A_716, %dma_start3A_725, %dma_start3A_726] : memref<5x128x128xf32, #tpu.memory_space<vmem>> -> memref<1x128x128xf32, #tpu.memory_space<vmem>>
    %dma_start3A_728 = tpu.memref_squeeze %dma_start3A_727 : memref<1x128x128xf32, #tpu.memory_space<vmem>> -> memref<128x128xf32, #tpu.memory_space<vmem>>
    tpu.enqueue_dma source(%dma_start3A_728 : memref<128x128xf32, #tpu.memory_space<vmem>>) target(%dma_start3A_724 : memref<128x128xf32, #tpu.memory_space<hbm>>) target_semaphore(%arg8 : memref<!tpu.dma_semaphore, #tpu.memory_space<semaphore_mem>>)
    %dma_wait3A_729 = arith.constant 0 : i32
    %dma_wait3A_730 = arith.constant 0 : i32
    %dma_wait3A_731 = tpu.memref_slice %arg5[%dma_wait3A_729, %dma_wait3A_730] : memref<10x128xi32, #tpu.memory_space<vmem>> -> memref<1x128xi32, #tpu.memory_space<vmem>>
    %dma_wait3A_732 = tpu.memref_squeeze %dma_wait3A_731 : memref<1x128xi32, #tpu.memory_space<vmem>> -> memref<128xi32, #tpu.memory_space<vmem>>
    %dma_wait3A_733 = arith.constant 0 : i32
    %dma_wait3A_734 = tpu.memref_slice %arg2[%mul3A_2, %dma_wait3A_733] : memref<6400x128xi32, #tpu.memory_space<hbm>> -> memref<1x128xi32, #tpu.memory_space<hbm>>
    %dma_wait3A_735 = tpu.memref_squeeze %dma_wait3A_734 : memref<1x128xi32, #tpu.memory_space<hbm>> -> memref<128xi32, #tpu.memory_space<hbm>>
    %dma_wait3A_736 = arith.constant 0 : i32
    %dma_wait3A_737 = tpu.memref_slice %arg5[%dma_wait3A_729, %dma_wait3A_736] : memref<10x128xi32, #tpu.memory_space<vmem>> -> memref<1x128xi32, #tpu.memory_space<vmem>>
    %dma_wait3A_738 = tpu.memref_squeeze %dma_wait3A_737 : memref<1x128xi32, #tpu.memory_space<vmem>> -> memref<128xi32, #tpu.memory_space<vmem>>
    %dma_wait3A_739 = arith.constant 0 : i32
    %dma_wait3A_740 = tpu.memref_slice %arg2[%mul3A_2, %dma_wait3A_739] : memref<6400x128xi32, #tpu.memory_space<hbm>> -> memref<1x128xi32, #tpu.memory_space<hbm>>
    %dma_wait3A_741 = tpu.memref_squeeze %dma_wait3A_740 : memref<1x128xi32, #tpu.memory_space<hbm>> -> memref<128xi32, #tpu.memory_space<hbm>>
    tpu.wait_dma2 semaphore(%arg9 : memref<!tpu.dma_semaphore, #tpu.memory_space<semaphore_mem>>) src(%dma_wait3A_741 : memref<128xi32, #tpu.memory_space<hbm>>) dst(%dma_wait3A_738 : memref<128xi32, #tpu.memory_space<vmem>>)
    %dma_wait3A_742 = arith.constant 0 : i32
    %dma_wait3A_743 = arith.constant 0 : i32
    %dma_wait3A_744 = arith.constant 0 : i32
    %dma_wait3A_745 = tpu.memref_slice %arg6[%dma_wait3A_742, %dma_wait3A_743, %dma_wait3A_744] : memref<5x128x128xf32, #tpu.memory_space<vmem>> -> memref<1x128x128xf32, #tpu.memory_space<vmem>>
    %dma_wait3A_746 = tpu.memref_squeeze %dma_wait3A_745 : memref<1x128x128xf32, #tpu.memory_space<vmem>> -> memref<128x128xf32, #tpu.memory_space<vmem>>
    %dma_wait3A_747 = arith.constant 0 : i32
    %dma_wait3A_748 = tpu.memref_slice %arg4[%mul3A_4, %dma_wait3A_747] : memref<819200x128xf32, #tpu.memory_space<hbm>> -> memref<128x128xf32, #tpu.memory_space<hbm>>
    %dma_wait3A_749 = arith.constant 0 : i32
    %dma_wait3A_750 = tpu.memref_slice %arg4[%mul3A_4, %dma_wait3A_749] : memref<819200x128xf32, #tpu.memory_space<hbm>> -> memref<128x128xf32, #tpu.memory_space<hbm>>
    %dma_wait3A_751 = arith.constant 0 : i32
    %dma_wait3A_752 = arith.constant 0 : i32
    %dma_wait3A_753 = tpu.memref_slice %arg6[%dma_wait3A_742, %dma_wait3A_751, %dma_wait3A_752] : memref<5x128x128xf32, #tpu.memory_space<vmem>> -> memref<1x128x128xf32, #tpu.memory_space<vmem>>
    %dma_wait3A_754 = tpu.memref_squeeze %dma_wait3A_753 : memref<1x128x128xf32, #tpu.memory_space<vmem>> -> memref<128x128xf32, #tpu.memory_space<vmem>>
    tpu.wait_dma2 semaphore(%arg8 : memref<!tpu.dma_semaphore, #tpu.memory_space<semaphore_mem>>) src(%dma_wait3A_754 : memref<128x128xf32, #tpu.memory_space<vmem>>) dst(%dma_wait3A_750 : memref<128x128xf32, #tpu.memory_space<hbm>>)
    %dma_start3A_755 = arith.constant 0 : i32
    %dma_start3A_756 = arith.constant 0 : i32
    %dma_start3A_757 = arith.constant 0 : i32
    %dma_start3A_758 = arith.constant 0 : i32
    %dma_start3A_759 = tpu.memref_slice %arg6[%dma_start3A_756, %dma_start3A_757, %dma_start3A_758] : memref<5x128x128xf32, #tpu.memory_space<vmem>> -> memref<1x128x128xf32, #tpu.memory_space<vmem>>
    %dma_start3A_760 = tpu.memref_squeeze %dma_start3A_759 : memref<1x128x128xf32, #tpu.memory_space<vmem>> -> memref<128x128xf32, #tpu.memory_space<vmem>>
    %dma_start3A_761 = arith.constant 0 : i32
    %dma_start3A_762 = tpu.memref_slice %arg5[%dma_start3A_755, %dma_start3A_761] : memref<10x128xi32, #tpu.memory_space<vmem>> -> memref<1x128xi32, #tpu.memory_space<vmem>>
    %dma_start3A_763 = tpu.memref_squeeze %dma_start3A_762 : memref<1x128xi32, #tpu.memory_space<vmem>> -> memref<128xi32, #tpu.memory_space<vmem>>
    %dma_start3A_764 = arith.constant 0 : i32
    %dma_start3A_765 = arith.constant 0 : i32
    %dma_start3A_766 = tpu.memref_slice %arg3[%dma_start3A_764, %dma_start3A_765] : memref<100000x128xf32, #tpu.memory_space<hbm>> -> memref<100000x128xf32, #tpu.memory_space<hbm>>
    tpu.enqueue_indirect_dma source(%dma_start3A_766 : memref<100000x128xf32, #tpu.memory_space<hbm>>) target(%dma_start3A_760 : memref<128x128xf32, #tpu.memory_space<vmem>>) offsets(%dma_start3A_763 : memref<128xi32, #tpu.memory_space<vmem>>) semaphore(%arg7 : memref<!tpu.dma_semaphore, #tpu.memory_space<semaphore_mem>>)
    %add3A_767 = arith.constant 13 : i32
    %add3A_768 = arith.addi %mul3A_2, %add3A_767 : i32
    %dma_start3A_769 = arith.constant 3 : i32
    %dma_start3A_770 = arith.constant 0 : i32
    %dma_start3A_771 = tpu.memref_slice %arg5[%dma_start3A_769, %dma_start3A_770] : memref<10x128xi32, #tpu.memory_space<vmem>> -> memref<1x128xi32, #tpu.memory_space<vmem>>
    %dma_start3A_772 = tpu.memref_squeeze %dma_start3A_771 : memref<1x128xi32, #tpu.memory_space<vmem>> -> memref<128xi32, #tpu.memory_space<vmem>>
    %dma_start3A_773 = arith.constant 0 : i32
    %dma_start3A_774 = tpu.memref_slice %arg2[%add3A_768, %dma_start3A_773] : memref<6400x128xi32, #tpu.memory_space<hbm>> -> memref<1x128xi32, #tpu.memory_space<hbm>>
    %dma_start3A_775 = tpu.memref_squeeze %dma_start3A_774 : memref<1x128xi32, #tpu.memory_space<hbm>> -> memref<128xi32, #tpu.memory_space<hbm>>
    %dma_start3A_776 = arith.constant 0 : i32
    %dma_start3A_777 = tpu.memref_slice %arg5[%dma_start3A_769, %dma_start3A_776] : memref<10x128xi32, #tpu.memory_space<vmem>> -> memref<1x128xi32, #tpu.memory_space<vmem>>
    %dma_start3A_778 = tpu.memref_squeeze %dma_start3A_777 : memref<1x128xi32, #tpu.memory_space<vmem>> -> memref<128xi32, #tpu.memory_space<vmem>>
    %dma_start3A_779 = arith.constant 0 : i32
    %dma_start3A_780 = tpu.memref_slice %arg2[%add3A_768, %dma_start3A_779] : memref<6400x128xi32, #tpu.memory_space<hbm>> -> memref<1x128xi32, #tpu.memory_space<hbm>>
    %dma_start3A_781 = tpu.memref_squeeze %dma_start3A_780 : memref<1x128xi32, #tpu.memory_space<hbm>> -> memref<128xi32, #tpu.memory_space<hbm>>
    tpu.enqueue_dma source(%dma_start3A_781 : memref<128xi32, #tpu.memory_space<hbm>>) target(%dma_start3A_778 : memref<128xi32, #tpu.memory_space<vmem>>) target_semaphore(%arg9 : memref<!tpu.dma_semaphore, #tpu.memory_space<semaphore_mem>>)
    %dma_wait3A_782 = arith.constant 8 : i32
    %dma_wait3A_783 = arith.constant 3 : i32
    %dma_wait3A_784 = arith.constant 0 : i32
    %dma_wait3A_785 = arith.constant 0 : i32
    %dma_wait3A_786 = tpu.memref_slice %arg6[%dma_wait3A_783, %dma_wait3A_784, %dma_wait3A_785] : memref<5x128x128xf32, #tpu.memory_space<vmem>> -> memref<1x128x128xf32, #tpu.memory_space<vmem>>
    %dma_wait3A_787 = tpu.memref_squeeze %dma_wait3A_786 : memref<1x128x128xf32, #tpu.memory_space<vmem>> -> memref<128x128xf32, #tpu.memory_space<vmem>>
    %dma_wait3A_788 = arith.constant 0 : i32
    %dma_wait3A_789 = tpu.memref_slice %arg5[%dma_wait3A_782, %dma_wait3A_788] : memref<10x128xi32, #tpu.memory_space<vmem>> -> memref<1x128xi32, #tpu.memory_space<vmem>>
    %dma_wait3A_790 = tpu.memref_squeeze %dma_wait3A_789 : memref<1x128xi32, #tpu.memory_space<vmem>> -> memref<128xi32, #tpu.memory_space<vmem>>
    %dma_wait3A_791 = arith.constant 0 : i32
    %dma_wait3A_792 = arith.constant 0 : i32
    %dma_wait3A_793 = tpu.memref_slice %arg3[%dma_wait3A_791, %dma_wait3A_792] : memref<100000x128xf32, #tpu.memory_space<hbm>> -> memref<100000x128xf32, #tpu.memory_space<hbm>>
    tpu.wait_indirect_dma semaphore(%arg7 : memref<!tpu.dma_semaphore, #tpu.memory_space<semaphore_mem>>) src(%dma_wait3A_793 : memref<100000x128xf32, #tpu.memory_space<hbm>>) dst(%dma_wait3A_787 : memref<128x128xf32, #tpu.memory_space<vmem>>)
    %add3A_794 = arith.constant 1024 : i32
    %add3A_795 = arith.addi %mul3A_4, %add3A_794 : i32
    %dma_start3A_796 = arith.constant 3 : i32
    %dma_start3A_797 = arith.constant 0 : i32
    %dma_start3A_798 = arith.constant 0 : i32
    %dma_start3A_799 = tpu.memref_slice %arg6[%dma_start3A_796, %dma_start3A_797, %dma_start3A_798] : memref<5x128x128xf32, #tpu.memory_space<vmem>> -> memref<1x128x128xf32, #tpu.memory_space<vmem>>
    %dma_start3A_800 = tpu.memref_squeeze %dma_start3A_799 : memref<1x128x128xf32, #tpu.memory_space<vmem>> -> memref<128x128xf32, #tpu.memory_space<vmem>>
    %dma_start3A_801 = arith.constant 0 : i32
    %dma_start3A_802 = tpu.memref_slice %arg4[%add3A_795, %dma_start3A_801] : memref<819200x128xf32, #tpu.memory_space<hbm>> -> memref<128x128xf32, #tpu.memory_space<hbm>>
    %dma_start3A_803 = arith.constant 0 : i32
    %dma_start3A_804 = tpu.memref_slice %arg4[%add3A_795, %dma_start3A_803] : memref<819200x128xf32, #tpu.memory_space<hbm>> -> memref<128x128xf32, #tpu.memory_space<hbm>>
    %dma_start3A_805 = arith.constant 0 : i32
    %dma_start3A_806 = arith.constant 0 : i32
    %dma_start3A_807 = tpu.memref_slice %arg6[%dma_start3A_796, %dma_start3A_805, %dma_start3A_806] : memref<5x128x128xf32, #tpu.memory_space<vmem>> -> memref<1x128x128xf32, #tpu.memory_space<vmem>>
    %dma_start3A_808 = tpu.memref_squeeze %dma_start3A_807 : memref<1x128x128xf32, #tpu.memory_space<vmem>> -> memref<128x128xf32, #tpu.memory_space<vmem>>
    tpu.enqueue_dma source(%dma_start3A_808 : memref<128x128xf32, #tpu.memory_space<vmem>>) target(%dma_start3A_804 : memref<128x128xf32, #tpu.memory_space<hbm>>) target_semaphore(%arg8 : memref<!tpu.dma_semaphore, #tpu.memory_space<semaphore_mem>>)
    %dma_wait3A_809 = arith.constant 1 : i32
    %dma_wait3A_810 = arith.constant 0 : i32
    %dma_wait3A_811 = tpu.memref_slice %arg5[%dma_wait3A_809, %dma_wait3A_810] : memref<10x128xi32, #tpu.memory_space<vmem>> -> memref<1x128xi32, #tpu.memory_space<vmem>>
    %dma_wait3A_812 = tpu.memref_squeeze %dma_wait3A_811 : memref<1x128xi32, #tpu.memory_space<vmem>> -> memref<128xi32, #tpu.memory_space<vmem>>
    %dma_wait3A_813 = arith.constant 0 : i32
    %dma_wait3A_814 = tpu.memref_slice %arg2[%mul3A_2, %dma_wait3A_813] : memref<6400x128xi32, #tpu.memory_space<hbm>> -> memref<1x128xi32, #tpu.memory_space<hbm>>
    %dma_wait3A_815 = tpu.memref_squeeze %dma_wait3A_814 : memref<1x128xi32, #tpu.memory_space<hbm>> -> memref<128xi32, #tpu.memory_space<hbm>>
    %dma_wait3A_816 = arith.constant 0 : i32
    %dma_wait3A_817 = tpu.memref_slice %arg5[%dma_wait3A_809, %dma_wait3A_816] : memref<10x128xi32, #tpu.memory_space<vmem>> -> memref<1x128xi32, #tpu.memory_space<vmem>>
    %dma_wait3A_818 = tpu.memref_squeeze %dma_wait3A_817 : memref<1x128xi32, #tpu.memory_space<vmem>> -> memref<128xi32, #tpu.memory_space<vmem>>
    %dma_wait3A_819 = arith.constant 0 : i32
    %dma_wait3A_820 = tpu.memref_slice %arg2[%mul3A_2, %dma_wait3A_819] : memref<6400x128xi32, #tpu.memory_space<hbm>> -> memref<1x128xi32, #tpu.memory_space<hbm>>
    %dma_wait3A_821 = tpu.memref_squeeze %dma_wait3A_820 : memref<1x128xi32, #tpu.memory_space<hbm>> -> memref<128xi32, #tpu.memory_space<hbm>>
    tpu.wait_dma2 semaphore(%arg9 : memref<!tpu.dma_semaphore, #tpu.memory_space<semaphore_mem>>) src(%dma_wait3A_821 : memref<128xi32, #tpu.memory_space<hbm>>) dst(%dma_wait3A_818 : memref<128xi32, #tpu.memory_space<vmem>>)
    %dma_wait3A_822 = arith.constant 1 : i32
    %dma_wait3A_823 = arith.constant 0 : i32
    %dma_wait3A_824 = arith.constant 0 : i32
    %dma_wait3A_825 = tpu.memref_slice %arg6[%dma_wait3A_822, %dma_wait3A_823, %dma_wait3A_824] : memref<5x128x128xf32, #tpu.memory_space<vmem>> -> memref<1x128x128xf32, #tpu.memory_space<vmem>>
    %dma_wait3A_826 = tpu.memref_squeeze %dma_wait3A_825 : memref<1x128x128xf32, #tpu.memory_space<vmem>> -> memref<128x128xf32, #tpu.memory_space<vmem>>
    %dma_wait3A_827 = arith.constant 0 : i32
    %dma_wait3A_828 = tpu.memref_slice %arg4[%mul3A_4, %dma_wait3A_827] : memref<819200x128xf32, #tpu.memory_space<hbm>> -> memref<128x128xf32, #tpu.memory_space<hbm>>
    %dma_wait3A_829 = arith.constant 0 : i32
    %dma_wait3A_830 = tpu.memref_slice %arg4[%mul3A_4, %dma_wait3A_829] : memref<819200x128xf32, #tpu.memory_space<hbm>> -> memref<128x128xf32, #tpu.memory_space<hbm>>
    %dma_wait3A_831 = arith.constant 0 : i32
    %dma_wait3A_832 = arith.constant 0 : i32
    %dma_wait3A_833 = tpu.memref_slice %arg6[%dma_wait3A_822, %dma_wait3A_831, %dma_wait3A_832] : memref<5x128x128xf32, #tpu.memory_space<vmem>> -> memref<1x128x128xf32, #tpu.memory_space<vmem>>
    %dma_wait3A_834 = tpu.memref_squeeze %dma_wait3A_833 : memref<1x128x128xf32, #tpu.memory_space<vmem>> -> memref<128x128xf32, #tpu.memory_space<vmem>>
    tpu.wait_dma2 semaphore(%arg8 : memref<!tpu.dma_semaphore, #tpu.memory_space<semaphore_mem>>) src(%dma_wait3A_834 : memref<128x128xf32, #tpu.memory_space<vmem>>) dst(%dma_wait3A_830 : memref<128x128xf32, #tpu.memory_space<hbm>>)
    %dma_start3A_835 = arith.constant 1 : i32
    %dma_start3A_836 = arith.constant 1 : i32
    %dma_start3A_837 = arith.constant 0 : i32
    %dma_start3A_838 = arith.constant 0 : i32
    %dma_start3A_839 = tpu.memref_slice %arg6[%dma_start3A_836, %dma_start3A_837, %dma_start3A_838] : memref<5x128x128xf32, #tpu.memory_space<vmem>> -> memref<1x128x128xf32, #tpu.memory_space<vmem>>
    %dma_start3A_840 = tpu.memref_squeeze %dma_start3A_839 : memref<1x128x128xf32, #tpu.memory_space<vmem>> -> memref<128x128xf32, #tpu.memory_space<vmem>>
    %dma_start3A_841 = arith.constant 0 : i32
    %dma_start3A_842 = tpu.memref_slice %arg5[%dma_start3A_835, %dma_start3A_841] : memref<10x128xi32, #tpu.memory_space<vmem>> -> memref<1x128xi32, #tpu.memory_space<vmem>>
    %dma_start3A_843 = tpu.memref_squeeze %dma_start3A_842 : memref<1x128xi32, #tpu.memory_space<vmem>> -> memref<128xi32, #tpu.memory_space<vmem>>
    %dma_start3A_844 = arith.constant 0 : i32
    %dma_start3A_845 = arith.constant 0 : i32
    %dma_start3A_846 = tpu.memref_slice %arg3[%dma_start3A_844, %dma_start3A_845] : memref<100000x128xf32, #tpu.memory_space<hbm>> -> memref<100000x128xf32, #tpu.memory_space<hbm>>
    tpu.enqueue_indirect_dma source(%dma_start3A_846 : memref<100000x128xf32, #tpu.memory_space<hbm>>) target(%dma_start3A_840 : memref<128x128xf32, #tpu.memory_space<vmem>>) offsets(%dma_start3A_843 : memref<128xi32, #tpu.memory_space<vmem>>) semaphore(%arg7 : memref<!tpu.dma_semaphore, #tpu.memory_space<semaphore_mem>>)
    %add3A_847 = arith.constant 14 : i32
    %add3A_848 = arith.addi %mul3A_2, %add3A_847 : i32
    %dma_start3A_849 = arith.constant 4 : i32
    %dma_start3A_850 = arith.constant 0 : i32
    %dma_start3A_851 = tpu.memref_slice %arg5[%dma_start3A_849, %dma_start3A_850] : memref<10x128xi32, #tpu.memory_space<vmem>> -> memref<1x128xi32, #tpu.memory_space<vmem>>
    %dma_start3A_852 = tpu.memref_squeeze %dma_start3A_851 : memref<1x128xi32, #tpu.memory_space<vmem>> -> memref<128xi32, #tpu.memory_space<vmem>>
    %dma_start3A_853 = arith.constant 0 : i32
    %dma_start3A_854 = tpu.memref_slice %arg2[%add3A_848, %dma_start3A_853] : memref<6400x128xi32, #tpu.memory_space<hbm>> -> memref<1x128xi32, #tpu.memory_space<hbm>>
    %dma_start3A_855 = tpu.memref_squeeze %dma_start3A_854 : memref<1x128xi32, #tpu.memory_space<hbm>> -> memref<128xi32, #tpu.memory_space<hbm>>
    %dma_start3A_856 = arith.constant 0 : i32
    %dma_start3A_857 = tpu.memref_slice %arg5[%dma_start3A_849, %dma_start3A_856] : memref<10x128xi32, #tpu.memory_space<vmem>> -> memref<1x128xi32, #tpu.memory_space<vmem>>
    %dma_start3A_858 = tpu.memref_squeeze %dma_start3A_857 : memref<1x128xi32, #tpu.memory_space<vmem>> -> memref<128xi32, #tpu.memory_space<vmem>>
    %dma_start3A_859 = arith.constant 0 : i32
    %dma_start3A_860 = tpu.memref_slice %arg2[%add3A_848, %dma_start3A_859] : memref<6400x128xi32, #tpu.memory_space<hbm>> -> memref<1x128xi32, #tpu.memory_space<hbm>>
    %dma_start3A_861 = tpu.memref_squeeze %dma_start3A_860 : memref<1x128xi32, #tpu.memory_space<hbm>> -> memref<128xi32, #tpu.memory_space<hbm>>
    tpu.enqueue_dma source(%dma_start3A_861 : memref<128xi32, #tpu.memory_space<hbm>>) target(%dma_start3A_858 : memref<128xi32, #tpu.memory_space<vmem>>) target_semaphore(%arg9 : memref<!tpu.dma_semaphore, #tpu.memory_space<semaphore_mem>>)
    %dma_wait3A_862 = arith.constant 9 : i32
    %dma_wait3A_863 = arith.constant 4 : i32
    %dma_wait3A_864 = arith.constant 0 : i32
    %dma_wait3A_865 = arith.constant 0 : i32
    %dma_wait3A_866 = tpu.memref_slice %arg6[%dma_wait3A_863, %dma_wait3A_864, %dma_wait3A_865] : memref<5x128x128xf32, #tpu.memory_space<vmem>> -> memref<1x128x128xf32, #tpu.memory_space<vmem>>
    %dma_wait3A_867 = tpu.memref_squeeze %dma_wait3A_866 : memref<1x128x128xf32, #tpu.memory_space<vmem>> -> memref<128x128xf32, #tpu.memory_space<vmem>>
    %dma_wait3A_868 = arith.constant 0 : i32
    %dma_wait3A_869 = tpu.memref_slice %arg5[%dma_wait3A_862, %dma_wait3A_868] : memref<10x128xi32, #tpu.memory_space<vmem>> -> memref<1x128xi32, #tpu.memory_space<vmem>>
    %dma_wait3A_870 = tpu.memref_squeeze %dma_wait3A_869 : memref<1x128xi32, #tpu.memory_space<vmem>> -> memref<128xi32, #tpu.memory_space<vmem>>
    %dma_wait3A_871 = arith.constant 0 : i32
    %dma_wait3A_872 = arith.constant 0 : i32
    %dma_wait3A_873 = tpu.memref_slice %arg3[%dma_wait3A_871, %dma_wait3A_872] : memref<100000x128xf32, #tpu.memory_space<hbm>> -> memref<100000x128xf32, #tpu.memory_space<hbm>>
    tpu.wait_indirect_dma semaphore(%arg7 : memref<!tpu.dma_semaphore, #tpu.memory_space<semaphore_mem>>) src(%dma_wait3A_873 : memref<100000x128xf32, #tpu.memory_space<hbm>>) dst(%dma_wait3A_867 : memref<128x128xf32, #tpu.memory_space<vmem>>)
    %add3A_874 = arith.constant 1152 : i32
    %add3A_875 = arith.addi %mul3A_4, %add3A_874 : i32
    %dma_start3A_876 = arith.constant 4 : i32
    %dma_start3A_877 = arith.constant 0 : i32
    %dma_start3A_878 = arith.constant 0 : i32
    %dma_start3A_879 = tpu.memref_slice %arg6[%dma_start3A_876, %dma_start3A_877, %dma_start3A_878] : memref<5x128x128xf32, #tpu.memory_space<vmem>> -> memref<1x128x128xf32, #tpu.memory_space<vmem>>
    %dma_start3A_880 = tpu.memref_squeeze %dma_start3A_879 : memref<1x128x128xf32, #tpu.memory_space<vmem>> -> memref<128x128xf32, #tpu.memory_space<vmem>>
    %dma_start3A_881 = arith.constant 0 : i32
    %dma_start3A_882 = tpu.memref_slice %arg4[%add3A_875, %dma_start3A_881] : memref<819200x128xf32, #tpu.memory_space<hbm>> -> memref<128x128xf32, #tpu.memory_space<hbm>>
    %dma_start3A_883 = arith.constant 0 : i32
    %dma_start3A_884 = tpu.memref_slice %arg4[%add3A_875, %dma_start3A_883] : memref<819200x128xf32, #tpu.memory_space<hbm>> -> memref<128x128xf32, #tpu.memory_space<hbm>>
    %dma_start3A_885 = arith.constant 0 : i32
    %dma_start3A_886 = arith.constant 0 : i32
    %dma_start3A_887 = tpu.memref_slice %arg6[%dma_start3A_876, %dma_start3A_885, %dma_start3A_886] : memref<5x128x128xf32, #tpu.memory_space<vmem>> -> memref<1x128x128xf32, #tpu.memory_space<vmem>>
    %dma_start3A_888 = tpu.memref_squeeze %dma_start3A_887 : memref<1x128x128xf32, #tpu.memory_space<vmem>> -> memref<128x128xf32, #tpu.memory_space<vmem>>
    tpu.enqueue_dma source(%dma_start3A_888 : memref<128x128xf32, #tpu.memory_space<vmem>>) target(%dma_start3A_884 : memref<128x128xf32, #tpu.memory_space<hbm>>) target_semaphore(%arg8 : memref<!tpu.dma_semaphore, #tpu.memory_space<semaphore_mem>>)
    %dma_wait3A_889 = arith.constant 2 : i32
    %dma_wait3A_890 = arith.constant 0 : i32
    %dma_wait3A_891 = tpu.memref_slice %arg5[%dma_wait3A_889, %dma_wait3A_890] : memref<10x128xi32, #tpu.memory_space<vmem>> -> memref<1x128xi32, #tpu.memory_space<vmem>>
    %dma_wait3A_892 = tpu.memref_squeeze %dma_wait3A_891 : memref<1x128xi32, #tpu.memory_space<vmem>> -> memref<128xi32, #tpu.memory_space<vmem>>
    %dma_wait3A_893 = arith.constant 0 : i32
    %dma_wait3A_894 = tpu.memref_slice %arg2[%mul3A_2, %dma_wait3A_893] : memref<6400x128xi32, #tpu.memory_space<hbm>> -> memref<1x128xi32, #tpu.memory_space<hbm>>
    %dma_wait3A_895 = tpu.memref_squeeze %dma_wait3A_894 : memref<1x128xi32, #tpu.memory_space<hbm>> -> memref<128xi32, #tpu.memory_space<hbm>>
    %dma_wait3A_896 = arith.constant 0 : i32
    %dma_wait3A_897 = tpu.memref_slice %arg5[%dma_wait3A_889, %dma_wait3A_896] : memref<10x128xi32, #tpu.memory_space<vmem>> -> memref<1x128xi32, #tpu.memory_space<vmem>>
    %dma_wait3A_898 = tpu.memref_squeeze %dma_wait3A_897 : memref<1x128xi32, #tpu.memory_space<vmem>> -> memref<128xi32, #tpu.memory_space<vmem>>
    %dma_wait3A_899 = arith.constant 0 : i32
    %dma_wait3A_900 = tpu.memref_slice %arg2[%mul3A_2, %dma_wait3A_899] : memref<6400x128xi32, #tpu.memory_space<hbm>> -> memref<1x128xi32, #tpu.memory_space<hbm>>
    %dma_wait3A_901 = tpu.memref_squeeze %dma_wait3A_900 : memref<1x128xi32, #tpu.memory_space<hbm>> -> memref<128xi32, #tpu.memory_space<hbm>>
    tpu.wait_dma2 semaphore(%arg9 : memref<!tpu.dma_semaphore, #tpu.memory_space<semaphore_mem>>) src(%dma_wait3A_901 : memref<128xi32, #tpu.memory_space<hbm>>) dst(%dma_wait3A_898 : memref<128xi32, #tpu.memory_space<vmem>>)
    %dma_wait3A_902 = arith.constant 2 : i32
    %dma_wait3A_903 = arith.constant 0 : i32
    %dma_wait3A_904 = arith.constant 0 : i32
    %dma_wait3A_905 = tpu.memref_slice %arg6[%dma_wait3A_902, %dma_wait3A_903, %dma_wait3A_904] : memref<5x128x128xf32, #tpu.memory_space<vmem>> -> memref<1x128x128xf32, #tpu.memory_space<vmem>>
    %dma_wait3A_906 = tpu.memref_squeeze %dma_wait3A_905 : memref<1x128x128xf32, #tpu.memory_space<vmem>> -> memref<128x128xf32, #tpu.memory_space<vmem>>
    %dma_wait3A_907 = arith.constant 0 : i32
    %dma_wait3A_908 = tpu.memref_slice %arg4[%mul3A_4, %dma_wait3A_907] : memref<819200x128xf32, #tpu.memory_space<hbm>> -> memref<128x128xf32, #tpu.memory_space<hbm>>
    %dma_wait3A_909 = arith.constant 0 : i32
    %dma_wait3A_910 = tpu.memref_slice %arg4[%mul3A_4, %dma_wait3A_909] : memref<819200x128xf32, #tpu.memory_space<hbm>> -> memref<128x128xf32, #tpu.memory_space<hbm>>
    %dma_wait3A_911 = arith.constant 0 : i32
    %dma_wait3A_912 = arith.constant 0 : i32
    %dma_wait3A_913 = tpu.memref_slice %arg6[%dma_wait3A_902, %dma_wait3A_911, %dma_wait3A_912] : memref<5x128x128xf32, #tpu.memory_space<vmem>> -> memref<1x128x128xf32, #tpu.memory_space<vmem>>
    %dma_wait3A_914 = tpu.memref_squeeze %dma_wait3A_913 : memref<1x128x128xf32, #tpu.memory_space<vmem>> -> memref<128x128xf32, #tpu.memory_space<vmem>>
    tpu.wait_dma2 semaphore(%arg8 : memref<!tpu.dma_semaphore, #tpu.memory_space<semaphore_mem>>) src(%dma_wait3A_914 : memref<128x128xf32, #tpu.memory_space<vmem>>) dst(%dma_wait3A_910 : memref<128x128xf32, #tpu.memory_space<hbm>>)
    %dma_start3A_915 = arith.constant 2 : i32
    %dma_start3A_916 = arith.constant 2 : i32
    %dma_start3A_917 = arith.constant 0 : i32
    %dma_start3A_918 = arith.constant 0 : i32
    %dma_start3A_919 = tpu.memref_slice %arg6[%dma_start3A_916, %dma_start3A_917, %dma_start3A_918] : memref<5x128x128xf32, #tpu.memory_space<vmem>> -> memref<1x128x128xf32, #tpu.memory_space<vmem>>
    %dma_start3A_920 = tpu.memref_squeeze %dma_start3A_919 : memref<1x128x128xf32, #tpu.memory_space<vmem>> -> memref<128x128xf32, #tpu.memory_space<vmem>>
    %dma_start3A_921 = arith.constant 0 : i32
    %dma_start3A_922 = tpu.memref_slice %arg5[%dma_start3A_915, %dma_start3A_921] : memref<10x128xi32, #tpu.memory_space<vmem>> -> memref<1x128xi32, #tpu.memory_space<vmem>>
    %dma_start3A_923 = tpu.memref_squeeze %dma_start3A_922 : memref<1x128xi32, #tpu.memory_space<vmem>> -> memref<128xi32, #tpu.memory_space<vmem>>
    %dma_start3A_924 = arith.constant 0 : i32
    %dma_start3A_925 = arith.constant 0 : i32
    %dma_start3A_926 = tpu.memref_slice %arg3[%dma_start3A_924, %dma_start3A_925] : memref<100000x128xf32, #tpu.memory_space<hbm>> -> memref<100000x128xf32, #tpu.memory_space<hbm>>
    tpu.enqueue_indirect_dma source(%dma_start3A_926 : memref<100000x128xf32, #tpu.memory_space<hbm>>) target(%dma_start3A_920 : memref<128x128xf32, #tpu.memory_space<vmem>>) offsets(%dma_start3A_923 : memref<128xi32, #tpu.memory_space<vmem>>) semaphore(%arg7 : memref<!tpu.dma_semaphore, #tpu.memory_space<semaphore_mem>>)
    %add3A_927 = arith.constant 15 : i32
    %add3A_928 = arith.addi %mul3A_2, %add3A_927 : i32
    %dma_start3A_929 = arith.constant 5 : i32
    %dma_start3A_930 = arith.constant 0 : i32
    %dma_start3A_931 = tpu.memref_slice %arg5[%dma_start3A_929, %dma_start3A_930] : memref<10x128xi32, #tpu.memory_space<vmem>> -> memref<1x128xi32, #tpu.memory_space<vmem>>
    %dma_start3A_932 = tpu.memref_squeeze %dma_start3A_931 : memref<1x128xi32, #tpu.memory_space<vmem>> -> memref<128xi32, #tpu.memory_space<vmem>>
    %dma_start3A_933 = arith.constant 0 : i32
    %dma_start3A_934 = tpu.memref_slice %arg2[%add3A_928, %dma_start3A_933] : memref<6400x128xi32, #tpu.memory_space<hbm>> -> memref<1x128xi32, #tpu.memory_space<hbm>>
    %dma_start3A_935 = tpu.memref_squeeze %dma_start3A_934 : memref<1x128xi32, #tpu.memory_space<hbm>> -> memref<128xi32, #tpu.memory_space<hbm>>
    %dma_start3A_936 = arith.constant 0 : i32
    %dma_start3A_937 = tpu.memref_slice %arg5[%dma_start3A_929, %dma_start3A_936] : memref<10x128xi32, #tpu.memory_space<vmem>> -> memref<1x128xi32, #tpu.memory_space<vmem>>
    %dma_start3A_938 = tpu.memref_squeeze %dma_start3A_937 : memref<1x128xi32, #tpu.memory_space<vmem>> -> memref<128xi32, #tpu.memory_space<vmem>>
    %dma_start3A_939 = arith.constant 0 : i32
    %dma_start3A_940 = tpu.memref_slice %arg2[%add3A_928, %dma_start3A_939] : memref<6400x128xi32, #tpu.memory_space<hbm>> -> memref<1x128xi32, #tpu.memory_space<hbm>>
    %dma_start3A_941 = tpu.memref_squeeze %dma_start3A_940 : memref<1x128xi32, #tpu.memory_space<hbm>> -> memref<128xi32, #tpu.memory_space<hbm>>
    tpu.enqueue_dma source(%dma_start3A_941 : memref<128xi32, #tpu.memory_space<hbm>>) target(%dma_start3A_938 : memref<128xi32, #tpu.memory_space<vmem>>) target_semaphore(%arg9 : memref<!tpu.dma_semaphore, #tpu.memory_space<semaphore_mem>>)
    %scan3A = arith.constant 0 : i32
    %scan3A_942 = arith.constant 1 : i32
    %scan3A_943 = arith.constant 18 : i32
    %scan3A_944 = arith.addi %scan3A_942, %scan3A_943 : i32
    %scan3A_945 = arith.constant 1 : i32
    scf.for %scan3A_1608 = %scan3A_942 to %scan3A_944 step %scan3A_945  : i32 {
      %mul3A_1609 = arith.constant 10 : i32
      %mul3A_1610 = arith.muli %scan3A_1608, %mul3A_1609 : i32
      %add3A_1611 = arith.constant 0 : i32
      %add3A_1612 = arith.addi %mul3A_1610, %add3A_1611 : i32
      %dma_wait3A_1613 = arith.constant 0 : i32
      %dma_wait3A_1614 = arith.constant 0 : i32
      %dma_wait3A_1615 = arith.constant 0 : i32
      %dma_wait3A_1616 = arith.constant 0 : i32
      %dma_wait3A_1617 = tpu.memref_slice %arg6[%dma_wait3A_1614, %dma_wait3A_1615, %dma_wait3A_1616] : memref<5x128x128xf32, #tpu.memory_space<vmem>> -> memref<1x128x128xf32, #tpu.memory_space<vmem>>
      %dma_wait3A_1618 = tpu.memref_squeeze %dma_wait3A_1617 : memref<1x128x128xf32, #tpu.memory_space<vmem>> -> memref<128x128xf32, #tpu.memory_space<vmem>>
      %dma_wait3A_1619 = arith.constant 0 : i32
      %dma_wait3A_1620 = tpu.memref_slice %arg5[%dma_wait3A_1613, %dma_wait3A_1619] : memref<10x128xi32, #tpu.memory_space<vmem>> -> memref<1x128xi32, #tpu.memory_space<vmem>>
      %dma_wait3A_1621 = tpu.memref_squeeze %dma_wait3A_1620 : memref<1x128xi32, #tpu.memory_space<vmem>> -> memref<128xi32, #tpu.memory_space<vmem>>
      %dma_wait3A_1622 = arith.constant 0 : i32
      %dma_wait3A_1623 = arith.constant 0 : i32
      %dma_wait3A_1624 = tpu.memref_slice %arg3[%dma_wait3A_1622, %dma_wait3A_1623] : memref<100000x128xf32, #tpu.memory_space<hbm>> -> memref<100000x128xf32, #tpu.memory_space<hbm>>
      tpu.wait_indirect_dma semaphore(%arg7 : memref<!tpu.dma_semaphore, #tpu.memory_space<semaphore_mem>>) src(%dma_wait3A_1624 : memref<100000x128xf32, #tpu.memory_space<hbm>>) dst(%dma_wait3A_1618 : memref<128x128xf32, #tpu.memory_space<vmem>>)
      %mul3A_1625 = arith.constant 128 : i32
      %mul3A_1626 = arith.muli %add3A_1612, %mul3A_1625 : i32
      %add3A_1627 = arith.addi %mul3A_4, %mul3A_1626 : i32
      %dma_start3A_1628 = arith.constant 0 : i32
      %dma_start3A_1629 = arith.constant 0 : i32
      %dma_start3A_1630 = arith.constant 0 : i32
      %dma_start3A_1631 = tpu.memref_slice %arg6[%dma_start3A_1628, %dma_start3A_1629, %dma_start3A_1630] : memref<5x128x128xf32, #tpu.memory_space<vmem>> -> memref<1x128x128xf32, #tpu.memory_space<vmem>>
      %dma_start3A_1632 = tpu.memref_squeeze %dma_start3A_1631 : memref<1x128x128xf32, #tpu.memory_space<vmem>> -> memref<128x128xf32, #tpu.memory_space<vmem>>
      %dma_start3A_1633 = arith.constant 0 : i32
      %dma_start3A_1634 = tpu.memref_slice %arg4[%add3A_1627, %dma_start3A_1633] : memref<819200x128xf32, #tpu.memory_space<hbm>> -> memref<128x128xf32, #tpu.memory_space<hbm>>
      %dma_start3A_1635 = arith.constant 0 : i32
      %dma_start3A_1636 = tpu.memref_slice %arg4[%add3A_1627, %dma_start3A_1635] : memref<819200x128xf32, #tpu.memory_space<hbm>> -> memref<128x128xf32, #tpu.memory_space<hbm>>
      %dma_start3A_1637 = arith.constant 0 : i32
      %dma_start3A_1638 = arith.constant 0 : i32
      %dma_start3A_1639 = tpu.memref_slice %arg6[%dma_start3A_1628, %dma_start3A_1637, %dma_start3A_1638] : memref<5x128x128xf32, #tpu.memory_space<vmem>> -> memref<1x128x128xf32, #tpu.memory_space<vmem>>
      %dma_start3A_1640 = tpu.memref_squeeze %dma_start3A_1639 : memref<1x128x128xf32, #tpu.memory_space<vmem>> -> memref<128x128xf32, #tpu.memory_space<vmem>>
      tpu.enqueue_dma source(%dma_start3A_1640 : memref<128x128xf32, #tpu.memory_space<vmem>>) target(%dma_start3A_1636 : memref<128x128xf32, #tpu.memory_space<hbm>>) target_semaphore(%arg8 : memref<!tpu.dma_semaphore, #tpu.memory_space<semaphore_mem>>)
      %dma_wait3A_1641 = arith.constant 3 : i32
      %dma_wait3A_1642 = arith.constant 0 : i32
      %dma_wait3A_1643 = tpu.memref_slice %arg5[%dma_wait3A_1641, %dma_wait3A_1642] : memref<10x128xi32, #tpu.memory_space<vmem>> -> memref<1x128xi32, #tpu.memory_space<vmem>>
      %dma_wait3A_1644 = tpu.memref_squeeze %dma_wait3A_1643 : memref<1x128xi32, #tpu.memory_space<vmem>> -> memref<128xi32, #tpu.memory_space<vmem>>
      %dma_wait3A_1645 = arith.constant 0 : i32
      %dma_wait3A_1646 = tpu.memref_slice %arg2[%mul3A_2, %dma_wait3A_1645] : memref<6400x128xi32, #tpu.memory_space<hbm>> -> memref<1x128xi32, #tpu.memory_space<hbm>>
      %dma_wait3A_1647 = tpu.memref_squeeze %dma_wait3A_1646 : memref<1x128xi32, #tpu.memory_space<hbm>> -> memref<128xi32, #tpu.memory_space<hbm>>
      %dma_wait3A_1648 = arith.constant 0 : i32
      %dma_wait3A_1649 = tpu.memref_slice %arg5[%dma_wait3A_1641, %dma_wait3A_1648] : memref<10x128xi32, #tpu.memory_space<vmem>> -> memref<1x128xi32, #tpu.memory_space<vmem>>
      %dma_wait3A_1650 = tpu.memref_squeeze %dma_wait3A_1649 : memref<1x128xi32, #tpu.memory_space<vmem>> -> memref<128xi32, #tpu.memory_space<vmem>>
      %dma_wait3A_1651 = arith.constant 0 : i32
      %dma_wait3A_1652 = tpu.memref_slice %arg2[%mul3A_2, %dma_wait3A_1651] : memref<6400x128xi32, #tpu.memory_space<hbm>> -> memref<1x128xi32, #tpu.memory_space<hbm>>
      %dma_wait3A_1653 = tpu.memref_squeeze %dma_wait3A_1652 : memref<1x128xi32, #tpu.memory_space<hbm>> -> memref<128xi32, #tpu.memory_space<hbm>>
      tpu.wait_dma2 semaphore(%arg9 : memref<!tpu.dma_semaphore, #tpu.memory_space<semaphore_mem>>) src(%dma_wait3A_1653 : memref<128xi32, #tpu.memory_space<hbm>>) dst(%dma_wait3A_1650 : memref<128xi32, #tpu.memory_space<vmem>>)
      %dma_wait3A_1654 = arith.constant 3 : i32
      %dma_wait3A_1655 = arith.constant 0 : i32
      %dma_wait3A_1656 = arith.constant 0 : i32
      %dma_wait3A_1657 = tpu.memref_slice %arg6[%dma_wait3A_1654, %dma_wait3A_1655, %dma_wait3A_1656] : memref<5x128x128xf32, #tpu.memory_space<vmem>> -> memref<1x128x128xf32, #tpu.memory_space<vmem>>
      %dma_wait3A_1658 = tpu.memref_squeeze %dma_wait3A_1657 : memref<1x128x128xf32, #tpu.memory_space<vmem>> -> memref<128x128xf32, #tpu.memory_space<vmem>>
      %dma_wait3A_1659 = arith.constant 0 : i32
      %dma_wait3A_1660 = tpu.memref_slice %arg4[%mul3A_4, %dma_wait3A_1659] : memref<819200x128xf32, #tpu.memory_space<hbm>> -> memref<128x128xf32, #tpu.memory_space<hbm>>
      %dma_wait3A_1661 = arith.constant 0 : i32
      %dma_wait3A_1662 = tpu.memref_slice %arg4[%mul3A_4, %dma_wait3A_1661] : memref<819200x128xf32, #tpu.memory_space<hbm>> -> memref<128x128xf32, #tpu.memory_space<hbm>>
      %dma_wait3A_1663 = arith.constant 0 : i32
      %dma_wait3A_1664 = arith.constant 0 : i32
      %dma_wait3A_1665 = tpu.memref_slice %arg6[%dma_wait3A_1654, %dma_wait3A_1663, %dma_wait3A_1664] : memref<5x128x128xf32, #tpu.memory_space<vmem>> -> memref<1x128x128xf32, #tpu.memory_space<vmem>>
      %dma_wait3A_1666 = tpu.memref_squeeze %dma_wait3A_1665 : memref<1x128x128xf32, #tpu.memory_space<vmem>> -> memref<128x128xf32, #tpu.memory_space<vmem>>
      tpu.wait_dma2 semaphore(%arg8 : memref<!tpu.dma_semaphore, #tpu.memory_space<semaphore_mem>>) src(%dma_wait3A_1666 : memref<128x128xf32, #tpu.memory_space<vmem>>) dst(%dma_wait3A_1662 : memref<128x128xf32, #tpu.memory_space<hbm>>)
      %dma_start3A_1667 = arith.constant 3 : i32
      %dma_start3A_1668 = arith.constant 3 : i32
      %dma_start3A_1669 = arith.constant 0 : i32
      %dma_start3A_1670 = arith.constant 0 : i32
      %dma_start3A_1671 = tpu.memref_slice %arg6[%dma_start3A_1668, %dma_start3A_1669, %dma_start3A_1670] : memref<5x128x128xf32, #tpu.memory_space<vmem>> -> memref<1x128x128xf32, #tpu.memory_space<vmem>>
      %dma_start3A_1672 = tpu.memref_squeeze %dma_start3A_1671 : memref<1x128x128xf32, #tpu.memory_space<vmem>> -> memref<128x128xf32, #tpu.memory_space<vmem>>
      %dma_start3A_1673 = arith.constant 0 : i32
      %dma_start3A_1674 = tpu.memref_slice %arg5[%dma_start3A_1667, %dma_start3A_1673] : memref<10x128xi32, #tpu.memory_space<vmem>> -> memref<1x128xi32, #tpu.memory_space<vmem>>
      %dma_start3A_1675 = tpu.memref_squeeze %dma_start3A_1674 : memref<1x128xi32, #tpu.memory_space<vmem>> -> memref<128xi32, #tpu.memory_space<vmem>>
      %dma_start3A_1676 = arith.constant 0 : i32
      %dma_start3A_1677 = arith.constant 0 : i32
      %dma_start3A_1678 = tpu.memref_slice %arg3[%dma_start3A_1676, %dma_start3A_1677] : memref<100000x128xf32, #tpu.memory_space<hbm>> -> memref<100000x128xf32, #tpu.memory_space<hbm>>
      tpu.enqueue_indirect_dma source(%dma_start3A_1678 : memref<100000x128xf32, #tpu.memory_space<hbm>>) target(%dma_start3A_1672 : memref<128x128xf32, #tpu.memory_space<vmem>>) offsets(%dma_start3A_1675 : memref<128xi32, #tpu.memory_space<vmem>>) semaphore(%arg7 : memref<!tpu.dma_semaphore, #tpu.memory_space<semaphore_mem>>)
      %add3A_1679 = arith.constant 6 : i32
      %add3A_1680 = arith.addi %add3A_1612, %add3A_1679 : i32
      %add3A_1681 = arith.addi %mul3A_2, %add3A_1680 : i32
      %dma_start3A_1682 = arith.constant 6 : i32
      %dma_start3A_1683 = arith.constant 0 : i32
      %dma_start3A_1684 = tpu.memref_slice %arg5[%dma_start3A_1682, %dma_start3A_1683] : memref<10x128xi32, #tpu.memory_space<vmem>> -> memref<1x128xi32, #tpu.memory_space<vmem>>
      %dma_start3A_1685 = tpu.memref_squeeze %dma_start3A_1684 : memref<1x128xi32, #tpu.memory_space<vmem>> -> memref<128xi32, #tpu.memory_space<vmem>>
      %dma_start3A_1686 = arith.constant 0 : i32
      %dma_start3A_1687 = tpu.memref_slice %arg2[%add3A_1681, %dma_start3A_1686] : memref<6400x128xi32, #tpu.memory_space<hbm>> -> memref<1x128xi32, #tpu.memory_space<hbm>>
      %dma_start3A_1688 = tpu.memref_squeeze %dma_start3A_1687 : memref<1x128xi32, #tpu.memory_space<hbm>> -> memref<128xi32, #tpu.memory_space<hbm>>
      %dma_start3A_1689 = arith.constant 0 : i32
      %dma_start3A_1690 = tpu.memref_slice %arg5[%dma_start3A_1682, %dma_start3A_1689] : memref<10x128xi32, #tpu.memory_space<vmem>> -> memref<1x128xi32, #tpu.memory_space<vmem>>
      %dma_start3A_1691 = tpu.memref_squeeze %dma_start3A_1690 : memref<1x128xi32, #tpu.memory_space<vmem>> -> memref<128xi32, #tpu.memory_space<vmem>>
      %dma_start3A_1692 = arith.constant 0 : i32
      %dma_start3A_1693 = tpu.memref_slice %arg2[%add3A_1681, %dma_start3A_1692] : memref<6400x128xi32, #tpu.memory_space<hbm>> -> memref<1x128xi32, #tpu.memory_space<hbm>>
      %dma_start3A_1694 = tpu.memref_squeeze %dma_start3A_1693 : memref<1x128xi32, #tpu.memory_space<hbm>> -> memref<128xi32, #tpu.memory_space<hbm>>
      tpu.enqueue_dma source(%dma_start3A_1694 : memref<128xi32, #tpu.memory_space<hbm>>) target(%dma_start3A_1691 : memref<128xi32, #tpu.memory_space<vmem>>) target_semaphore(%arg9 : memref<!tpu.dma_semaphore, #tpu.memory_space<semaphore_mem>>)
      %add3A_1695 = arith.constant 1 : i32
      %add3A_1696 = arith.addi %mul3A_1610, %add3A_1695 : i32
      %dma_wait3A_1697 = arith.constant 1 : i32
      %dma_wait3A_1698 = arith.constant 1 : i32
      %dma_wait3A_1699 = arith.constant 0 : i32
      %dma_wait3A_1700 = arith.constant 0 : i32
      %dma_wait3A_1701 = tpu.memref_slice %arg6[%dma_wait3A_1698, %dma_wait3A_1699, %dma_wait3A_1700] : memref<5x128x128xf32, #tpu.memory_space<vmem>> -> memref<1x128x128xf32, #tpu.memory_space<vmem>>
      %dma_wait3A_1702 = tpu.memref_squeeze %dma_wait3A_1701 : memref<1x128x128xf32, #tpu.memory_space<vmem>> -> memref<128x128xf32, #tpu.memory_space<vmem>>
      %dma_wait3A_1703 = arith.constant 0 : i32
      %dma_wait3A_1704 = tpu.memref_slice %arg5[%dma_wait3A_1697, %dma_wait3A_1703] : memref<10x128xi32, #tpu.memory_space<vmem>> -> memref<1x128xi32, #tpu.memory_space<vmem>>
      %dma_wait3A_1705 = tpu.memref_squeeze %dma_wait3A_1704 : memref<1x128xi32, #tpu.memory_space<vmem>> -> memref<128xi32, #tpu.memory_space<vmem>>
      %dma_wait3A_1706 = arith.constant 0 : i32
      %dma_wait3A_1707 = arith.constant 0 : i32
      %dma_wait3A_1708 = tpu.memref_slice %arg3[%dma_wait3A_1706, %dma_wait3A_1707] : memref<100000x128xf32, #tpu.memory_space<hbm>> -> memref<100000x128xf32, #tpu.memory_space<hbm>>
      tpu.wait_indirect_dma semaphore(%arg7 : memref<!tpu.dma_semaphore, #tpu.memory_space<semaphore_mem>>) src(%dma_wait3A_1708 : memref<100000x128xf32, #tpu.memory_space<hbm>>) dst(%dma_wait3A_1702 : memref<128x128xf32, #tpu.memory_space<vmem>>)
      %mul3A_1709 = arith.constant 128 : i32
      %mul3A_1710 = arith.muli %add3A_1696, %mul3A_1709 : i32
      %add3A_1711 = arith.addi %mul3A_4, %mul3A_1710 : i32
      %dma_start3A_1712 = arith.constant 1 : i32
      %dma_start3A_1713 = arith.constant 0 : i32
      %dma_start3A_1714 = arith.constant 0 : i32
      %dma_start3A_1715 = tpu.memref_slice %arg6[%dma_start3A_1712, %dma_start3A_1713, %dma_start3A_1714] : memref<5x128x128xf32, #tpu.memory_space<vmem>> -> memref<1x128x128xf32, #tpu.memory_space<vmem>>
      %dma_start3A_1716 = tpu.memref_squeeze %dma_start3A_1715 : memref<1x128x128xf32, #tpu.memory_space<vmem>> -> memref<128x128xf32, #tpu.memory_space<vmem>>
      %dma_start3A_1717 = arith.constant 0 : i32
      %dma_start3A_1718 = tpu.memref_slice %arg4[%add3A_1711, %dma_start3A_1717] : memref<819200x128xf32, #tpu.memory_space<hbm>> -> memref<128x128xf32, #tpu.memory_space<hbm>>
      %dma_start3A_1719 = arith.constant 0 : i32
      %dma_start3A_1720 = tpu.memref_slice %arg4[%add3A_1711, %dma_start3A_1719] : memref<819200x128xf32, #tpu.memory_space<hbm>> -> memref<128x128xf32, #tpu.memory_space<hbm>>
      %dma_start3A_1721 = arith.constant 0 : i32
      %dma_start3A_1722 = arith.constant 0 : i32
      %dma_start3A_1723 = tpu.memref_slice %arg6[%dma_start3A_1712, %dma_start3A_1721, %dma_start3A_1722] : memref<5x128x128xf32, #tpu.memory_space<vmem>> -> memref<1x128x128xf32, #tpu.memory_space<vmem>>
      %dma_start3A_1724 = tpu.memref_squeeze %dma_start3A_1723 : memref<1x128x128xf32, #tpu.memory_space<vmem>> -> memref<128x128xf32, #tpu.memory_space<vmem>>
      tpu.enqueue_dma source(%dma_start3A_1724 : memref<128x128xf32, #tpu.memory_space<vmem>>) target(%dma_start3A_1720 : memref<128x128xf32, #tpu.memory_space<hbm>>) target_semaphore(%arg8 : memref<!tpu.dma_semaphore, #tpu.memory_space<semaphore_mem>>)
      %dma_wait3A_1725 = arith.constant 4 : i32
      %dma_wait3A_1726 = arith.constant 0 : i32
      %dma_wait3A_1727 = tpu.memref_slice %arg5[%dma_wait3A_1725, %dma_wait3A_1726] : memref<10x128xi32, #tpu.memory_space<vmem>> -> memref<1x128xi32, #tpu.memory_space<vmem>>
      %dma_wait3A_1728 = tpu.memref_squeeze %dma_wait3A_1727 : memref<1x128xi32, #tpu.memory_space<vmem>> -> memref<128xi32, #tpu.memory_space<vmem>>
      %dma_wait3A_1729 = arith.constant 0 : i32
      %dma_wait3A_1730 = tpu.memref_slice %arg2[%mul3A_2, %dma_wait3A_1729] : memref<6400x128xi32, #tpu.memory_space<hbm>> -> memref<1x128xi32, #tpu.memory_space<hbm>>
      %dma_wait3A_1731 = tpu.memref_squeeze %dma_wait3A_1730 : memref<1x128xi32, #tpu.memory_space<hbm>> -> memref<128xi32, #tpu.memory_space<hbm>>
      %dma_wait3A_1732 = arith.constant 0 : i32
      %dma_wait3A_1733 = tpu.memref_slice %arg5[%dma_wait3A_1725, %dma_wait3A_1732] : memref<10x128xi32, #tpu.memory_space<vmem>> -> memref<1x128xi32, #tpu.memory_space<vmem>>
      %dma_wait3A_1734 = tpu.memref_squeeze %dma_wait3A_1733 : memref<1x128xi32, #tpu.memory_space<vmem>> -> memref<128xi32, #tpu.memory_space<vmem>>
      %dma_wait3A_1735 = arith.constant 0 : i32
      %dma_wait3A_1736 = tpu.memref_slice %arg2[%mul3A_2, %dma_wait3A_1735] : memref<6400x128xi32, #tpu.memory_space<hbm>> -> memref<1x128xi32, #tpu.memory_space<hbm>>
      %dma_wait3A_1737 = tpu.memref_squeeze %dma_wait3A_1736 : memref<1x128xi32, #tpu.memory_space<hbm>> -> memref<128xi32, #tpu.memory_space<hbm>>
      tpu.wait_dma2 semaphore(%arg9 : memref<!tpu.dma_semaphore, #tpu.memory_space<semaphore_mem>>) src(%dma_wait3A_1737 : memref<128xi32, #tpu.memory_space<hbm>>) dst(%dma_wait3A_1734 : memref<128xi32, #tpu.memory_space<vmem>>)
      %dma_wait3A_1738 = arith.constant 4 : i32
      %dma_wait3A_1739 = arith.constant 0 : i32
      %dma_wait3A_1740 = arith.constant 0 : i32
      %dma_wait3A_1741 = tpu.memref_slice %arg6[%dma_wait3A_1738, %dma_wait3A_1739, %dma_wait3A_1740] : memref<5x128x128xf32, #tpu.memory_space<vmem>> -> memref<1x128x128xf32, #tpu.memory_space<vmem>>
      %dma_wait3A_1742 = tpu.memref_squeeze %dma_wait3A_1741 : memref<1x128x128xf32, #tpu.memory_space<vmem>> -> memref<128x128xf32, #tpu.memory_space<vmem>>
      %dma_wait3A_1743 = arith.constant 0 : i32
      %dma_wait3A_1744 = tpu.memref_slice %arg4[%mul3A_4, %dma_wait3A_1743] : memref<819200x128xf32, #tpu.memory_space<hbm>> -> memref<128x128xf32, #tpu.memory_space<hbm>>
      %dma_wait3A_1745 = arith.constant 0 : i32
      %dma_wait3A_1746 = tpu.memref_slice %arg4[%mul3A_4, %dma_wait3A_1745] : memref<819200x128xf32, #tpu.memory_space<hbm>> -> memref<128x128xf32, #tpu.memory_space<hbm>>
      %dma_wait3A_1747 = arith.constant 0 : i32
      %dma_wait3A_1748 = arith.constant 0 : i32
      %dma_wait3A_1749 = tpu.memref_slice %arg6[%dma_wait3A_1738, %dma_wait3A_1747, %dma_wait3A_1748] : memref<5x128x128xf32, #tpu.memory_space<vmem>> -> memref<1x128x128xf32, #tpu.memory_space<vmem>>
      %dma_wait3A_1750 = tpu.memref_squeeze %dma_wait3A_1749 : memref<1x128x128xf32, #tpu.memory_space<vmem>> -> memref<128x128xf32, #tpu.memory_space<vmem>>
      tpu.wait_dma2 semaphore(%arg8 : memref<!tpu.dma_semaphore, #tpu.memory_space<semaphore_mem>>) src(%dma_wait3A_1750 : memref<128x128xf32, #tpu.memory_space<vmem>>) dst(%dma_wait3A_1746 : memref<128x128xf32, #tpu.memory_space<hbm>>)
      %dma_start3A_1751 = arith.constant 4 : i32
      %dma_start3A_1752 = arith.constant 4 : i32
      %dma_start3A_1753 = arith.constant 0 : i32
      %dma_start3A_1754 = arith.constant 0 : i32
      %dma_start3A_1755 = tpu.memref_slice %arg6[%dma_start3A_1752, %dma_start3A_1753, %dma_start3A_1754] : memref<5x128x128xf32, #tpu.memory_space<vmem>> -> memref<1x128x128xf32, #tpu.memory_space<vmem>>
      %dma_start3A_1756 = tpu.memref_squeeze %dma_start3A_1755 : memref<1x128x128xf32, #tpu.memory_space<vmem>> -> memref<128x128xf32, #tpu.memory_space<vmem>>
      %dma_start3A_1757 = arith.constant 0 : i32
      %dma_start3A_1758 = tpu.memref_slice %arg5[%dma_start3A_1751, %dma_start3A_1757] : memref<10x128xi32, #tpu.memory_space<vmem>> -> memref<1x128xi32, #tpu.memory_space<vmem>>
      %dma_start3A_1759 = tpu.memref_squeeze %dma_start3A_1758 : memref<1x128xi32, #tpu.memory_space<vmem>> -> memref<128xi32, #tpu.memory_space<vmem>>
      %dma_start3A_1760 = arith.constant 0 : i32
      %dma_start3A_1761 = arith.constant 0 : i32
      %dma_start3A_1762 = tpu.memref_slice %arg3[%dma_start3A_1760, %dma_start3A_1761] : memref<100000x128xf32, #tpu.memory_space<hbm>> -> memref<100000x128xf32, #tpu.memory_space<hbm>>
      tpu.enqueue_indirect_dma source(%dma_start3A_1762 : memref<100000x128xf32, #tpu.memory_space<hbm>>) target(%dma_start3A_1756 : memref<128x128xf32, #tpu.memory_space<vmem>>) offsets(%dma_start3A_1759 : memref<128xi32, #tpu.memory_space<vmem>>) semaphore(%arg7 : memref<!tpu.dma_semaphore, #tpu.memory_space<semaphore_mem>>)
      %add3A_1763 = arith.constant 6 : i32
      %add3A_1764 = arith.addi %add3A_1696, %add3A_1763 : i32
      %add3A_1765 = arith.addi %mul3A_2, %add3A_1764 : i32
      %dma_start3A_1766 = arith.constant 7 : i32
      %dma_start3A_1767 = arith.constant 0 : i32
      %dma_start3A_1768 = tpu.memref_slice %arg5[%dma_start3A_1766, %dma_start3A_1767] : memref<10x128xi32, #tpu.memory_space<vmem>> -> memref<1x128xi32, #tpu.memory_space<vmem>>
      %dma_start3A_1769 = tpu.memref_squeeze %dma_start3A_1768 : memref<1x128xi32, #tpu.memory_space<vmem>> -> memref<128xi32, #tpu.memory_space<vmem>>
      %dma_start3A_1770 = arith.constant 0 : i32
      %dma_start3A_1771 = tpu.memref_slice %arg2[%add3A_1765, %dma_start3A_1770] : memref<6400x128xi32, #tpu.memory_space<hbm>> -> memref<1x128xi32, #tpu.memory_space<hbm>>
      %dma_start3A_1772 = tpu.memref_squeeze %dma_start3A_1771 : memref<1x128xi32, #tpu.memory_space<hbm>> -> memref<128xi32, #tpu.memory_space<hbm>>
      %dma_start3A_1773 = arith.constant 0 : i32
      %dma_start3A_1774 = tpu.memref_slice %arg5[%dma_start3A_1766, %dma_start3A_1773] : memref<10x128xi32, #tpu.memory_space<vmem>> -> memref<1x128xi32, #tpu.memory_space<vmem>>
      %dma_start3A_1775 = tpu.memref_squeeze %dma_start3A_1774 : memref<1x128xi32, #tpu.memory_space<vmem>> -> memref<128xi32, #tpu.memory_space<vmem>>
      %dma_start3A_1776 = arith.constant 0 : i32
      %dma_start3A_1777 = tpu.memref_slice %arg2[%add3A_1765, %dma_start3A_1776] : memref<6400x128xi32, #tpu.memory_space<hbm>> -> memref<1x128xi32, #tpu.memory_space<hbm>>
      %dma_start3A_1778 = tpu.memref_squeeze %dma_start3A_1777 : memref<1x128xi32, #tpu.memory_space<hbm>> -> memref<128xi32, #tpu.memory_space<hbm>>
      tpu.enqueue_dma source(%dma_start3A_1778 : memref<128xi32, #tpu.memory_space<hbm>>) target(%dma_start3A_1775 : memref<128xi32, #tpu.memory_space<vmem>>) target_semaphore(%arg9 : memref<!tpu.dma_semaphore, #tpu.memory_space<semaphore_mem>>)
      %add3A_1779 = arith.constant 2 : i32
      %add3A_1780 = arith.addi %mul3A_1610, %add3A_1779 : i32
      %dma_wait3A_1781 = arith.constant 2 : i32
      %dma_wait3A_1782 = arith.constant 2 : i32
      %dma_wait3A_1783 = arith.constant 0 : i32
      %dma_wait3A_1784 = arith.constant 0 : i32
      %dma_wait3A_1785 = tpu.memref_slice %arg6[%dma_wait3A_1782, %dma_wait3A_1783, %dma_wait3A_1784] : memref<5x128x128xf32, #tpu.memory_space<vmem>> -> memref<1x128x128xf32, #tpu.memory_space<vmem>>
      %dma_wait3A_1786 = tpu.memref_squeeze %dma_wait3A_1785 : memref<1x128x128xf32, #tpu.memory_space<vmem>> -> memref<128x128xf32, #tpu.memory_space<vmem>>
      %dma_wait3A_1787 = arith.constant 0 : i32
      %dma_wait3A_1788 = tpu.memref_slice %arg5[%dma_wait3A_1781, %dma_wait3A_1787] : memref<10x128xi32, #tpu.memory_space<vmem>> -> memref<1x128xi32, #tpu.memory_space<vmem>>
      %dma_wait3A_1789 = tpu.memref_squeeze %dma_wait3A_1788 : memref<1x128xi32, #tpu.memory_space<vmem>> -> memref<128xi32, #tpu.memory_space<vmem>>
      %dma_wait3A_1790 = arith.constant 0 : i32
      %dma_wait3A_1791 = arith.constant 0 : i32
      %dma_wait3A_1792 = tpu.memref_slice %arg3[%dma_wait3A_1790, %dma_wait3A_1791] : memref<100000x128xf32, #tpu.memory_space<hbm>> -> memref<100000x128xf32, #tpu.memory_space<hbm>>
      tpu.wait_indirect_dma semaphore(%arg7 : memref<!tpu.dma_semaphore, #tpu.memory_space<semaphore_mem>>) src(%dma_wait3A_1792 : memref<100000x128xf32, #tpu.memory_space<hbm>>) dst(%dma_wait3A_1786 : memref<128x128xf32, #tpu.memory_space<vmem>>)
      %mul3A_1793 = arith.constant 128 : i32
      %mul3A_1794 = arith.muli %add3A_1780, %mul3A_1793 : i32
      %add3A_1795 = arith.addi %mul3A_4, %mul3A_1794 : i32
      %dma_start3A_1796 = arith.constant 2 : i32
      %dma_start3A_1797 = arith.constant 0 : i32
      %dma_start3A_1798 = arith.constant 0 : i32
      %dma_start3A_1799 = tpu.memref_slice %arg6[%dma_start3A_1796, %dma_start3A_1797, %dma_start3A_1798] : memref<5x128x128xf32, #tpu.memory_space<vmem>> -> memref<1x128x128xf32, #tpu.memory_space<vmem>>
      %dma_start3A_1800 = tpu.memref_squeeze %dma_start3A_1799 : memref<1x128x128xf32, #tpu.memory_space<vmem>> -> memref<128x128xf32, #tpu.memory_space<vmem>>
      %dma_start3A_1801 = arith.constant 0 : i32
      %dma_start3A_1802 = tpu.memref_slice %arg4[%add3A_1795, %dma_start3A_1801] : memref<819200x128xf32, #tpu.memory_space<hbm>> -> memref<128x128xf32, #tpu.memory_space<hbm>>
      %dma_start3A_1803 = arith.constant 0 : i32
      %dma_start3A_1804 = tpu.memref_slice %arg4[%add3A_1795, %dma_start3A_1803] : memref<819200x128xf32, #tpu.memory_space<hbm>> -> memref<128x128xf32, #tpu.memory_space<hbm>>
      %dma_start3A_1805 = arith.constant 0 : i32
      %dma_start3A_1806 = arith.constant 0 : i32
      %dma_start3A_1807 = tpu.memref_slice %arg6[%dma_start3A_1796, %dma_start3A_1805, %dma_start3A_1806] : memref<5x128x128xf32, #tpu.memory_space<vmem>> -> memref<1x128x128xf32, #tpu.memory_space<vmem>>
      %dma_start3A_1808 = tpu.memref_squeeze %dma_start3A_1807 : memref<1x128x128xf32, #tpu.memory_space<vmem>> -> memref<128x128xf32, #tpu.memory_space<vmem>>
      tpu.enqueue_dma source(%dma_start3A_1808 : memref<128x128xf32, #tpu.memory_space<vmem>>) target(%dma_start3A_1804 : memref<128x128xf32, #tpu.memory_space<hbm>>) target_semaphore(%arg8 : memref<!tpu.dma_semaphore, #tpu.memory_space<semaphore_mem>>)
      %dma_wait3A_1809 = arith.constant 5 : i32
      %dma_wait3A_1810 = arith.constant 0 : i32
      %dma_wait3A_1811 = tpu.memref_slice %arg5[%dma_wait3A_1809, %dma_wait3A_1810] : memref<10x128xi32, #tpu.memory_space<vmem>> -> memref<1x128xi32, #tpu.memory_space<vmem>>
      %dma_wait3A_1812 = tpu.memref_squeeze %dma_wait3A_1811 : memref<1x128xi32, #tpu.memory_space<vmem>> -> memref<128xi32, #tpu.memory_space<vmem>>
      %dma_wait3A_1813 = arith.constant 0 : i32
      %dma_wait3A_1814 = tpu.memref_slice %arg2[%mul3A_2, %dma_wait3A_1813] : memref<6400x128xi32, #tpu.memory_space<hbm>> -> memref<1x128xi32, #tpu.memory_space<hbm>>
      %dma_wait3A_1815 = tpu.memref_squeeze %dma_wait3A_1814 : memref<1x128xi32, #tpu.memory_space<hbm>> -> memref<128xi32, #tpu.memory_space<hbm>>
      %dma_wait3A_1816 = arith.constant 0 : i32
      %dma_wait3A_1817 = tpu.memref_slice %arg5[%dma_wait3A_1809, %dma_wait3A_1816] : memref<10x128xi32, #tpu.memory_space<vmem>> -> memref<1x128xi32, #tpu.memory_space<vmem>>
      %dma_wait3A_1818 = tpu.memref_squeeze %dma_wait3A_1817 : memref<1x128xi32, #tpu.memory_space<vmem>> -> memref<128xi32, #tpu.memory_space<vmem>>
      %dma_wait3A_1819 = arith.constant 0 : i32
      %dma_wait3A_1820 = tpu.memref_slice %arg2[%mul3A_2, %dma_wait3A_1819] : memref<6400x128xi32, #tpu.memory_space<hbm>> -> memref<1x128xi32, #tpu.memory_space<hbm>>
      %dma_wait3A_1821 = tpu.memref_squeeze %dma_wait3A_1820 : memref<1x128xi32, #tpu.memory_space<hbm>> -> memref<128xi32, #tpu.memory_space<hbm>>
      tpu.wait_dma2 semaphore(%arg9 : memref<!tpu.dma_semaphore, #tpu.memory_space<semaphore_mem>>) src(%dma_wait3A_1821 : memref<128xi32, #tpu.memory_space<hbm>>) dst(%dma_wait3A_1818 : memref<128xi32, #tpu.memory_space<vmem>>)
      %dma_wait3A_1822 = arith.constant 0 : i32
      %dma_wait3A_1823 = arith.constant 0 : i32
      %dma_wait3A_1824 = arith.constant 0 : i32
      %dma_wait3A_1825 = tpu.memref_slice %arg6[%dma_wait3A_1822, %dma_wait3A_1823, %dma_wait3A_1824] : memref<5x128x128xf32, #tpu.memory_space<vmem>> -> memref<1x128x128xf32, #tpu.memory_space<vmem>>
      %dma_wait3A_1826 = tpu.memref_squeeze %dma_wait3A_1825 : memref<1x128x128xf32, #tpu.memory_space<vmem>> -> memref<128x128xf32, #tpu.memory_space<vmem>>
      %dma_wait3A_1827 = arith.constant 0 : i32
      %dma_wait3A_1828 = tpu.memref_slice %arg4[%mul3A_4, %dma_wait3A_1827] : memref<819200x128xf32, #tpu.memory_space<hbm>> -> memref<128x128xf32, #tpu.memory_space<hbm>>
      %dma_wait3A_1829 = arith.constant 0 : i32
      %dma_wait3A_1830 = tpu.memref_slice %arg4[%mul3A_4, %dma_wait3A_1829] : memref<819200x128xf32, #tpu.memory_space<hbm>> -> memref<128x128xf32, #tpu.memory_space<hbm>>
      %dma_wait3A_1831 = arith.constant 0 : i32
      %dma_wait3A_1832 = arith.constant 0 : i32
      %dma_wait3A_1833 = tpu.memref_slice %arg6[%dma_wait3A_1822, %dma_wait3A_1831, %dma_wait3A_1832] : memref<5x128x128xf32, #tpu.memory_space<vmem>> -> memref<1x128x128xf32, #tpu.memory_space<vmem>>
      %dma_wait3A_1834 = tpu.memref_squeeze %dma_wait3A_1833 : memref<1x128x128xf32, #tpu.memory_space<vmem>> -> memref<128x128xf32, #tpu.memory_space<vmem>>
      tpu.wait_dma2 semaphore(%arg8 : memref<!tpu.dma_semaphore, #tpu.memory_space<semaphore_mem>>) src(%dma_wait3A_1834 : memref<128x128xf32, #tpu.memory_space<vmem>>) dst(%dma_wait3A_1830 : memref<128x128xf32, #tpu.memory_space<hbm>>)
      %dma_start3A_1835 = arith.constant 5 : i32
      %dma_start3A_1836 = arith.constant 0 : i32
      %dma_start3A_1837 = arith.constant 0 : i32
      %dma_start3A_1838 = arith.constant 0 : i32
      %dma_start3A_1839 = tpu.memref_slice %arg6[%dma_start3A_1836, %dma_start3A_1837, %dma_start3A_1838] : memref<5x128x128xf32, #tpu.memory_space<vmem>> -> memref<1x128x128xf32, #tpu.memory_space<vmem>>
      %dma_start3A_1840 = tpu.memref_squeeze %dma_start3A_1839 : memref<1x128x128xf32, #tpu.memory_space<vmem>> -> memref<128x128xf32, #tpu.memory_space<vmem>>
      %dma_start3A_1841 = arith.constant 0 : i32
      %dma_start3A_1842 = tpu.memref_slice %arg5[%dma_start3A_1835, %dma_start3A_1841] : memref<10x128xi32, #tpu.memory_space<vmem>> -> memref<1x128xi32, #tpu.memory_space<vmem>>
      %dma_start3A_1843 = tpu.memref_squeeze %dma_start3A_1842 : memref<1x128xi32, #tpu.memory_space<vmem>> -> memref<128xi32, #tpu.memory_space<vmem>>
      %dma_start3A_1844 = arith.constant 0 : i32
      %dma_start3A_1845 = arith.constant 0 : i32
      %dma_start3A_1846 = tpu.memref_slice %arg3[%dma_start3A_1844, %dma_start3A_1845] : memref<100000x128xf32, #tpu.memory_space<hbm>> -> memref<100000x128xf32, #tpu.memory_space<hbm>>
      tpu.enqueue_indirect_dma source(%dma_start3A_1846 : memref<100000x128xf32, #tpu.memory_space<hbm>>) target(%dma_start3A_1840 : memref<128x128xf32, #tpu.memory_space<vmem>>) offsets(%dma_start3A_1843 : memref<128xi32, #tpu.memory_space<vmem>>) semaphore(%arg7 : memref<!tpu.dma_semaphore, #tpu.memory_space<semaphore_mem>>)
      %add3A_1847 = arith.constant 6 : i32
      %add3A_1848 = arith.addi %add3A_1780, %add3A_1847 : i32
      %add3A_1849 = arith.addi %mul3A_2, %add3A_1848 : i32
      %dma_start3A_1850 = arith.constant 8 : i32
      %dma_start3A_1851 = arith.constant 0 : i32
      %dma_start3A_1852 = tpu.memref_slice %arg5[%dma_start3A_1850, %dma_start3A_1851] : memref<10x128xi32, #tpu.memory_space<vmem>> -> memref<1x128xi32, #tpu.memory_space<vmem>>
      %dma_start3A_1853 = tpu.memref_squeeze %dma_start3A_1852 : memref<1x128xi32, #tpu.memory_space<vmem>> -> memref<128xi32, #tpu.memory_space<vmem>>
      %dma_start3A_1854 = arith.constant 0 : i32
      %dma_start3A_1855 = tpu.memref_slice %arg2[%add3A_1849, %dma_start3A_1854] : memref<6400x128xi32, #tpu.memory_space<hbm>> -> memref<1x128xi32, #tpu.memory_space<hbm>>
      %dma_start3A_1856 = tpu.memref_squeeze %dma_start3A_1855 : memref<1x128xi32, #tpu.memory_space<hbm>> -> memref<128xi32, #tpu.memory_space<hbm>>
      %dma_start3A_1857 = arith.constant 0 : i32
      %dma_start3A_1858 = tpu.memref_slice %arg5[%dma_start3A_1850, %dma_start3A_1857] : memref<10x128xi32, #tpu.memory_space<vmem>> -> memref<1x128xi32, #tpu.memory_space<vmem>>
      %dma_start3A_1859 = tpu.memref_squeeze %dma_start3A_1858 : memref<1x128xi32, #tpu.memory_space<vmem>> -> memref<128xi32, #tpu.memory_space<vmem>>
      %dma_start3A_1860 = arith.constant 0 : i32
      %dma_start3A_1861 = tpu.memref_slice %arg2[%add3A_1849, %dma_start3A_1860] : memref<6400x128xi32, #tpu.memory_space<hbm>> -> memref<1x128xi32, #tpu.memory_space<hbm>>
      %dma_start3A_1862 = tpu.memref_squeeze %dma_start3A_1861 : memref<1x128xi32, #tpu.memory_space<hbm>> -> memref<128xi32, #tpu.memory_space<hbm>>
      tpu.enqueue_dma source(%dma_start3A_1862 : memref<128xi32, #tpu.memory_space<hbm>>) target(%dma_start3A_1859 : memref<128xi32, #tpu.memory_space<vmem>>) target_semaphore(%arg9 : memref<!tpu.dma_semaphore, #tpu.memory_space<semaphore_mem>>)
      %add3A_1863 = arith.constant 3 : i32
      %add3A_1864 = arith.addi %mul3A_1610, %add3A_1863 : i32
      %dma_wait3A_1865 = arith.constant 3 : i32
      %dma_wait3A_1866 = arith.constant 3 : i32
      %dma_wait3A_1867 = arith.constant 0 : i32
      %dma_wait3A_1868 = arith.constant 0 : i32
      %dma_wait3A_1869 = tpu.memref_slice %arg6[%dma_wait3A_1866, %dma_wait3A_1867, %dma_wait3A_1868] : memref<5x128x128xf32, #tpu.memory_space<vmem>> -> memref<1x128x128xf32, #tpu.memory_space<vmem>>
      %dma_wait3A_1870 = tpu.memref_squeeze %dma_wait3A_1869 : memref<1x128x128xf32, #tpu.memory_space<vmem>> -> memref<128x128xf32, #tpu.memory_space<vmem>>
      %dma_wait3A_1871 = arith.constant 0 : i32
      %dma_wait3A_1872 = tpu.memref_slice %arg5[%dma_wait3A_1865, %dma_wait3A_1871] : memref<10x128xi32, #tpu.memory_space<vmem>> -> memref<1x128xi32, #tpu.memory_space<vmem>>
      %dma_wait3A_1873 = tpu.memref_squeeze %dma_wait3A_1872 : memref<1x128xi32, #tpu.memory_space<vmem>> -> memref<128xi32, #tpu.memory_space<vmem>>
      %dma_wait3A_1874 = arith.constant 0 : i32
      %dma_wait3A_1875 = arith.constant 0 : i32
      %dma_wait3A_1876 = tpu.memref_slice %arg3[%dma_wait3A_1874, %dma_wait3A_1875] : memref<100000x128xf32, #tpu.memory_space<hbm>> -> memref<100000x128xf32, #tpu.memory_space<hbm>>
      tpu.wait_indirect_dma semaphore(%arg7 : memref<!tpu.dma_semaphore, #tpu.memory_space<semaphore_mem>>) src(%dma_wait3A_1876 : memref<100000x128xf32, #tpu.memory_space<hbm>>) dst(%dma_wait3A_1870 : memref<128x128xf32, #tpu.memory_space<vmem>>)
      %mul3A_1877 = arith.constant 128 : i32
      %mul3A_1878 = arith.muli %add3A_1864, %mul3A_1877 : i32
      %add3A_1879 = arith.addi %mul3A_4, %mul3A_1878 : i32
      %dma_start3A_1880 = arith.constant 3 : i32
      %dma_start3A_1881 = arith.constant 0 : i32
      %dma_start3A_1882 = arith.constant 0 : i32
      %dma_start3A_1883 = tpu.memref_slice %arg6[%dma_start3A_1880, %dma_start3A_1881, %dma_start3A_1882] : memref<5x128x128xf32, #tpu.memory_space<vmem>> -> memref<1x128x128xf32, #tpu.memory_space<vmem>>
      %dma_start3A_1884 = tpu.memref_squeeze %dma_start3A_1883 : memref<1x128x128xf32, #tpu.memory_space<vmem>> -> memref<128x128xf32, #tpu.memory_space<vmem>>
      %dma_start3A_1885 = arith.constant 0 : i32
      %dma_start3A_1886 = tpu.memref_slice %arg4[%add3A_1879, %dma_start3A_1885] : memref<819200x128xf32, #tpu.memory_space<hbm>> -> memref<128x128xf32, #tpu.memory_space<hbm>>
      %dma_start3A_1887 = arith.constant 0 : i32
      %dma_start3A_1888 = tpu.memref_slice %arg4[%add3A_1879, %dma_start3A_1887] : memref<819200x128xf32, #tpu.memory_space<hbm>> -> memref<128x128xf32, #tpu.memory_space<hbm>>
      %dma_start3A_1889 = arith.constant 0 : i32
      %dma_start3A_1890 = arith.constant 0 : i32
      %dma_start3A_1891 = tpu.memref_slice %arg6[%dma_start3A_1880, %dma_start3A_1889, %dma_start3A_1890] : memref<5x128x128xf32, #tpu.memory_space<vmem>> -> memref<1x128x128xf32, #tpu.memory_space<vmem>>
      %dma_start3A_1892 = tpu.memref_squeeze %dma_start3A_1891 : memref<1x128x128xf32, #tpu.memory_space<vmem>> -> memref<128x128xf32, #tpu.memory_space<vmem>>
      tpu.enqueue_dma source(%dma_start3A_1892 : memref<128x128xf32, #tpu.memory_space<vmem>>) target(%dma_start3A_1888 : memref<128x128xf32, #tpu.memory_space<hbm>>) target_semaphore(%arg8 : memref<!tpu.dma_semaphore, #tpu.memory_space<semaphore_mem>>)
      %dma_wait3A_1893 = arith.constant 6 : i32
      %dma_wait3A_1894 = arith.constant 0 : i32
      %dma_wait3A_1895 = tpu.memref_slice %arg5[%dma_wait3A_1893, %dma_wait3A_1894] : memref<10x128xi32, #tpu.memory_space<vmem>> -> memref<1x128xi32, #tpu.memory_space<vmem>>
      %dma_wait3A_1896 = tpu.memref_squeeze %dma_wait3A_1895 : memref<1x128xi32, #tpu.memory_space<vmem>> -> memref<128xi32, #tpu.memory_space<vmem>>
      %dma_wait3A_1897 = arith.constant 0 : i32
      %dma_wait3A_1898 = tpu.memref_slice %arg2[%mul3A_2, %dma_wait3A_1897] : memref<6400x128xi32, #tpu.memory_space<hbm>> -> memref<1x128xi32, #tpu.memory_space<hbm>>
      %dma_wait3A_1899 = tpu.memref_squeeze %dma_wait3A_1898 : memref<1x128xi32, #tpu.memory_space<hbm>> -> memref<128xi32, #tpu.memory_space<hbm>>
      %dma_wait3A_1900 = arith.constant 0 : i32
      %dma_wait3A_1901 = tpu.memref_slice %arg5[%dma_wait3A_1893, %dma_wait3A_1900] : memref<10x128xi32, #tpu.memory_space<vmem>> -> memref<1x128xi32, #tpu.memory_space<vmem>>
      %dma_wait3A_1902 = tpu.memref_squeeze %dma_wait3A_1901 : memref<1x128xi32, #tpu.memory_space<vmem>> -> memref<128xi32, #tpu.memory_space<vmem>>
      %dma_wait3A_1903 = arith.constant 0 : i32
      %dma_wait3A_1904 = tpu.memref_slice %arg2[%mul3A_2, %dma_wait3A_1903] : memref<6400x128xi32, #tpu.memory_space<hbm>> -> memref<1x128xi32, #tpu.memory_space<hbm>>
      %dma_wait3A_1905 = tpu.memref_squeeze %dma_wait3A_1904 : memref<1x128xi32, #tpu.memory_space<hbm>> -> memref<128xi32, #tpu.memory_space<hbm>>
      tpu.wait_dma2 semaphore(%arg9 : memref<!tpu.dma_semaphore, #tpu.memory_space<semaphore_mem>>) src(%dma_wait3A_1905 : memref<128xi32, #tpu.memory_space<hbm>>) dst(%dma_wait3A_1902 : memref<128xi32, #tpu.memory_space<vmem>>)
      %dma_wait3A_1906 = arith.constant 1 : i32
      %dma_wait3A_1907 = arith.constant 0 : i32
      %dma_wait3A_1908 = arith.constant 0 : i32
      %dma_wait3A_1909 = tpu.memref_slice %arg6[%dma_wait3A_1906, %dma_wait3A_1907, %dma_wait3A_1908] : memref<5x128x128xf32, #tpu.memory_space<vmem>> -> memref<1x128x128xf32, #tpu.memory_space<vmem>>
      %dma_wait3A_1910 = tpu.memref_squeeze %dma_wait3A_1909 : memref<1x128x128xf32, #tpu.memory_space<vmem>> -> memref<128x128xf32, #tpu.memory_space<vmem>>
      %dma_wait3A_1911 = arith.constant 0 : i32
      %dma_wait3A_1912 = tpu.memref_slice %arg4[%mul3A_4, %dma_wait3A_1911] : memref<819200x128xf32, #tpu.memory_space<hbm>> -> memref<128x128xf32, #tpu.memory_space<hbm>>
      %dma_wait3A_1913 = arith.constant 0 : i32
      %dma_wait3A_1914 = tpu.memref_slice %arg4[%mul3A_4, %dma_wait3A_1913] : memref<819200x128xf32, #tpu.memory_space<hbm>> -> memref<128x128xf32, #tpu.memory_space<hbm>>
      %dma_wait3A_1915 = arith.constant 0 : i32
      %dma_wait3A_1916 = arith.constant 0 : i32
      %dma_wait3A_1917 = tpu.memref_slice %arg6[%dma_wait3A_1906, %dma_wait3A_1915, %dma_wait3A_1916] : memref<5x128x128xf32, #tpu.memory_space<vmem>> -> memref<1x128x128xf32, #tpu.memory_space<vmem>>
      %dma_wait3A_1918 = tpu.memref_squeeze %dma_wait3A_1917 : memref<1x128x128xf32, #tpu.memory_space<vmem>> -> memref<128x128xf32, #tpu.memory_space<vmem>>
      tpu.wait_dma2 semaphore(%arg8 : memref<!tpu.dma_semaphore, #tpu.memory_space<semaphore_mem>>) src(%dma_wait3A_1918 : memref<128x128xf32, #tpu.memory_space<vmem>>) dst(%dma_wait3A_1914 : memref<128x128xf32, #tpu.memory_space<hbm>>)
      %dma_start3A_1919 = arith.constant 6 : i32
      %dma_start3A_1920 = arith.constant 1 : i32
      %dma_start3A_1921 = arith.constant 0 : i32
      %dma_start3A_1922 = arith.constant 0 : i32
      %dma_start3A_1923 = tpu.memref_slice %arg6[%dma_start3A_1920, %dma_start3A_1921, %dma_start3A_1922] : memref<5x128x128xf32, #tpu.memory_space<vmem>> -> memref<1x128x128xf32, #tpu.memory_space<vmem>>
      %dma_start3A_1924 = tpu.memref_squeeze %dma_start3A_1923 : memref<1x128x128xf32, #tpu.memory_space<vmem>> -> memref<128x128xf32, #tpu.memory_space<vmem>>
      %dma_start3A_1925 = arith.constant 0 : i32
      %dma_start3A_1926 = tpu.memref_slice %arg5[%dma_start3A_1919, %dma_start3A_1925] : memref<10x128xi32, #tpu.memory_space<vmem>> -> memref<1x128xi32, #tpu.memory_space<vmem>>
      %dma_start3A_1927 = tpu.memref_squeeze %dma_start3A_1926 : memref<1x128xi32, #tpu.memory_space<vmem>> -> memref<128xi32, #tpu.memory_space<vmem>>
      %dma_start3A_1928 = arith.constant 0 : i32
      %dma_start3A_1929 = arith.constant 0 : i32
      %dma_start3A_1930 = tpu.memref_slice %arg3[%dma_start3A_1928, %dma_start3A_1929] : memref<100000x128xf32, #tpu.memory_space<hbm>> -> memref<100000x128xf32, #tpu.memory_space<hbm>>
      tpu.enqueue_indirect_dma source(%dma_start3A_1930 : memref<100000x128xf32, #tpu.memory_space<hbm>>) target(%dma_start3A_1924 : memref<128x128xf32, #tpu.memory_space<vmem>>) offsets(%dma_start3A_1927 : memref<128xi32, #tpu.memory_space<vmem>>) semaphore(%arg7 : memref<!tpu.dma_semaphore, #tpu.memory_space<semaphore_mem>>)
      %add3A_1931 = arith.constant 6 : i32
      %add3A_1932 = arith.addi %add3A_1864, %add3A_1931 : i32
      %add3A_1933 = arith.addi %mul3A_2, %add3A_1932 : i32
      %dma_start3A_1934 = arith.constant 9 : i32
      %dma_start3A_1935 = arith.constant 0 : i32
      %dma_start3A_1936 = tpu.memref_slice %arg5[%dma_start3A_1934, %dma_start3A_1935] : memref<10x128xi32, #tpu.memory_space<vmem>> -> memref<1x128xi32, #tpu.memory_space<vmem>>
      %dma_start3A_1937 = tpu.memref_squeeze %dma_start3A_1936 : memref<1x128xi32, #tpu.memory_space<vmem>> -> memref<128xi32, #tpu.memory_space<vmem>>
      %dma_start3A_1938 = arith.constant 0 : i32
      %dma_start3A_1939 = tpu.memref_slice %arg2[%add3A_1933, %dma_start3A_1938] : memref<6400x128xi32, #tpu.memory_space<hbm>> -> memref<1x128xi32, #tpu.memory_space<hbm>>
      %dma_start3A_1940 = tpu.memref_squeeze %dma_start3A_1939 : memref<1x128xi32, #tpu.memory_space<hbm>> -> memref<128xi32, #tpu.memory_space<hbm>>
      %dma_start3A_1941 = arith.constant 0 : i32
      %dma_start3A_1942 = tpu.memref_slice %arg5[%dma_start3A_1934, %dma_start3A_1941] : memref<10x128xi32, #tpu.memory_space<vmem>> -> memref<1x128xi32, #tpu.memory_space<vmem>>
      %dma_start3A_1943 = tpu.memref_squeeze %dma_start3A_1942 : memref<1x128xi32, #tpu.memory_space<vmem>> -> memref<128xi32, #tpu.memory_space<vmem>>
      %dma_start3A_1944 = arith.constant 0 : i32
      %dma_start3A_1945 = tpu.memref_slice %arg2[%add3A_1933, %dma_start3A_1944] : memref<6400x128xi32, #tpu.memory_space<hbm>> -> memref<1x128xi32, #tpu.memory_space<hbm>>
      %dma_start3A_1946 = tpu.memref_squeeze %dma_start3A_1945 : memref<1x128xi32, #tpu.memory_space<hbm>> -> memref<128xi32, #tpu.memory_space<hbm>>
      tpu.enqueue_dma source(%dma_start3A_1946 : memref<128xi32, #tpu.memory_space<hbm>>) target(%dma_start3A_1943 : memref<128xi32, #tpu.memory_space<vmem>>) target_semaphore(%arg9 : memref<!tpu.dma_semaphore, #tpu.memory_space<semaphore_mem>>)
      %add3A_1947 = arith.constant 4 : i32
      %add3A_1948 = arith.addi %mul3A_1610, %add3A_1947 : i32
      %dma_wait3A_1949 = arith.constant 4 : i32
      %dma_wait3A_1950 = arith.constant 4 : i32
      %dma_wait3A_1951 = arith.constant 0 : i32
      %dma_wait3A_1952 = arith.constant 0 : i32
      %dma_wait3A_1953 = tpu.memref_slice %arg6[%dma_wait3A_1950, %dma_wait3A_1951, %dma_wait3A_1952] : memref<5x128x128xf32, #tpu.memory_space<vmem>> -> memref<1x128x128xf32, #tpu.memory_space<vmem>>
      %dma_wait3A_1954 = tpu.memref_squeeze %dma_wait3A_1953 : memref<1x128x128xf32, #tpu.memory_space<vmem>> -> memref<128x128xf32, #tpu.memory_space<vmem>>
      %dma_wait3A_1955 = arith.constant 0 : i32
      %dma_wait3A_1956 = tpu.memref_slice %arg5[%dma_wait3A_1949, %dma_wait3A_1955] : memref<10x128xi32, #tpu.memory_space<vmem>> -> memref<1x128xi32, #tpu.memory_space<vmem>>
      %dma_wait3A_1957 = tpu.memref_squeeze %dma_wait3A_1956 : memref<1x128xi32, #tpu.memory_space<vmem>> -> memref<128xi32, #tpu.memory_space<vmem>>
      %dma_wait3A_1958 = arith.constant 0 : i32
      %dma_wait3A_1959 = arith.constant 0 : i32
      %dma_wait3A_1960 = tpu.memref_slice %arg3[%dma_wait3A_1958, %dma_wait3A_1959] : memref<100000x128xf32, #tpu.memory_space<hbm>> -> memref<100000x128xf32, #tpu.memory_space<hbm>>
      tpu.wait_indirect_dma semaphore(%arg7 : memref<!tpu.dma_semaphore, #tpu.memory_space<semaphore_mem>>) src(%dma_wait3A_1960 : memref<100000x128xf32, #tpu.memory_space<hbm>>) dst(%dma_wait3A_1954 : memref<128x128xf32, #tpu.memory_space<vmem>>)
      %mul3A_1961 = arith.constant 128 : i32
      %mul3A_1962 = arith.muli %add3A_1948, %mul3A_1961 : i32
      %add3A_1963 = arith.addi %mul3A_4, %mul3A_1962 : i32
      %dma_start3A_1964 = arith.constant 4 : i32
      %dma_start3A_1965 = arith.constant 0 : i32
      %dma_start3A_1966 = arith.constant 0 : i32
      %dma_start3A_1967 = tpu.memref_slice %arg6[%dma_start3A_1964, %dma_start3A_1965, %dma_start3A_1966] : memref<5x128x128xf32, #tpu.memory_space<vmem>> -> memref<1x128x128xf32, #tpu.memory_space<vmem>>
      %dma_start3A_1968 = tpu.memref_squeeze %dma_start3A_1967 : memref<1x128x128xf32, #tpu.memory_space<vmem>> -> memref<128x128xf32, #tpu.memory_space<vmem>>
      %dma_start3A_1969 = arith.constant 0 : i32
      %dma_start3A_1970 = tpu.memref_slice %arg4[%add3A_1963, %dma_start3A_1969] : memref<819200x128xf32, #tpu.memory_space<hbm>> -> memref<128x128xf32, #tpu.memory_space<hbm>>
      %dma_start3A_1971 = arith.constant 0 : i32
      %dma_start3A_1972 = tpu.memref_slice %arg4[%add3A_1963, %dma_start3A_1971] : memref<819200x128xf32, #tpu.memory_space<hbm>> -> memref<128x128xf32, #tpu.memory_space<hbm>>
      %dma_start3A_1973 = arith.constant 0 : i32
      %dma_start3A_1974 = arith.constant 0 : i32
      %dma_start3A_1975 = tpu.memref_slice %arg6[%dma_start3A_1964, %dma_start3A_1973, %dma_start3A_1974] : memref<5x128x128xf32, #tpu.memory_space<vmem>> -> memref<1x128x128xf32, #tpu.memory_space<vmem>>
      %dma_start3A_1976 = tpu.memref_squeeze %dma_start3A_1975 : memref<1x128x128xf32, #tpu.memory_space<vmem>> -> memref<128x128xf32, #tpu.memory_space<vmem>>
      tpu.enqueue_dma source(%dma_start3A_1976 : memref<128x128xf32, #tpu.memory_space<vmem>>) target(%dma_start3A_1972 : memref<128x128xf32, #tpu.memory_space<hbm>>) target_semaphore(%arg8 : memref<!tpu.dma_semaphore, #tpu.memory_space<semaphore_mem>>)
      %dma_wait3A_1977 = arith.constant 7 : i32
      %dma_wait3A_1978 = arith.constant 0 : i32
      %dma_wait3A_1979 = tpu.memref_slice %arg5[%dma_wait3A_1977, %dma_wait3A_1978] : memref<10x128xi32, #tpu.memory_space<vmem>> -> memref<1x128xi32, #tpu.memory_space<vmem>>
      %dma_wait3A_1980 = tpu.memref_squeeze %dma_wait3A_1979 : memref<1x128xi32, #tpu.memory_space<vmem>> -> memref<128xi32, #tpu.memory_space<vmem>>
      %dma_wait3A_1981 = arith.constant 0 : i32
      %dma_wait3A_1982 = tpu.memref_slice %arg2[%mul3A_2, %dma_wait3A_1981] : memref<6400x128xi32, #tpu.memory_space<hbm>> -> memref<1x128xi32, #tpu.memory_space<hbm>>
      %dma_wait3A_1983 = tpu.memref_squeeze %dma_wait3A_1982 : memref<1x128xi32, #tpu.memory_space<hbm>> -> memref<128xi32, #tpu.memory_space<hbm>>
      %dma_wait3A_1984 = arith.constant 0 : i32
      %dma_wait3A_1985 = tpu.memref_slice %arg5[%dma_wait3A_1977, %dma_wait3A_1984] : memref<10x128xi32, #tpu.memory_space<vmem>> -> memref<1x128xi32, #tpu.memory_space<vmem>>
      %dma_wait3A_1986 = tpu.memref_squeeze %dma_wait3A_1985 : memref<1x128xi32, #tpu.memory_space<vmem>> -> memref<128xi32, #tpu.memory_space<vmem>>
      %dma_wait3A_1987 = arith.constant 0 : i32
      %dma_wait3A_1988 = tpu.memref_slice %arg2[%mul3A_2, %dma_wait3A_1987] : memref<6400x128xi32, #tpu.memory_space<hbm>> -> memref<1x128xi32, #tpu.memory_space<hbm>>
      %dma_wait3A_1989 = tpu.memref_squeeze %dma_wait3A_1988 : memref<1x128xi32, #tpu.memory_space<hbm>> -> memref<128xi32, #tpu.memory_space<hbm>>
      tpu.wait_dma2 semaphore(%arg9 : memref<!tpu.dma_semaphore, #tpu.memory_space<semaphore_mem>>) src(%dma_wait3A_1989 : memref<128xi32, #tpu.memory_space<hbm>>) dst(%dma_wait3A_1986 : memref<128xi32, #tpu.memory_space<vmem>>)
      %dma_wait3A_1990 = arith.constant 2 : i32
      %dma_wait3A_1991 = arith.constant 0 : i32
      %dma_wait3A_1992 = arith.constant 0 : i32
      %dma_wait3A_1993 = tpu.memref_slice %arg6[%dma_wait3A_1990, %dma_wait3A_1991, %dma_wait3A_1992] : memref<5x128x128xf32, #tpu.memory_space<vmem>> -> memref<1x128x128xf32, #tpu.memory_space<vmem>>
      %dma_wait3A_1994 = tpu.memref_squeeze %dma_wait3A_1993 : memref<1x128x128xf32, #tpu.memory_space<vmem>> -> memref<128x128xf32, #tpu.memory_space<vmem>>
      %dma_wait3A_1995 = arith.constant 0 : i32
      %dma_wait3A_1996 = tpu.memref_slice %arg4[%mul3A_4, %dma_wait3A_1995] : memref<819200x128xf32, #tpu.memory_space<hbm>> -> memref<128x128xf32, #tpu.memory_space<hbm>>
      %dma_wait3A_1997 = arith.constant 0 : i32
      %dma_wait3A_1998 = tpu.memref_slice %arg4[%mul3A_4, %dma_wait3A_1997] : memref<819200x128xf32, #tpu.memory_space<hbm>> -> memref<128x128xf32, #tpu.memory_space<hbm>>
      %dma_wait3A_1999 = arith.constant 0 : i32
      %dma_wait3A_2000 = arith.constant 0 : i32
      %dma_wait3A_2001 = tpu.memref_slice %arg6[%dma_wait3A_1990, %dma_wait3A_1999, %dma_wait3A_2000] : memref<5x128x128xf32, #tpu.memory_space<vmem>> -> memref<1x128x128xf32, #tpu.memory_space<vmem>>
      %dma_wait3A_2002 = tpu.memref_squeeze %dma_wait3A_2001 : memref<1x128x128xf32, #tpu.memory_space<vmem>> -> memref<128x128xf32, #tpu.memory_space<vmem>>
      tpu.wait_dma2 semaphore(%arg8 : memref<!tpu.dma_semaphore, #tpu.memory_space<semaphore_mem>>) src(%dma_wait3A_2002 : memref<128x128xf32, #tpu.memory_space<vmem>>) dst(%dma_wait3A_1998 : memref<128x128xf32, #tpu.memory_space<hbm>>)
      %dma_start3A_2003 = arith.constant 7 : i32
      %dma_start3A_2004 = arith.constant 2 : i32
      %dma_start3A_2005 = arith.constant 0 : i32
      %dma_start3A_2006 = arith.constant 0 : i32
      %dma_start3A_2007 = tpu.memref_slice %arg6[%dma_start3A_2004, %dma_start3A_2005, %dma_start3A_2006] : memref<5x128x128xf32, #tpu.memory_space<vmem>> -> memref<1x128x128xf32, #tpu.memory_space<vmem>>
      %dma_start3A_2008 = tpu.memref_squeeze %dma_start3A_2007 : memref<1x128x128xf32, #tpu.memory_space<vmem>> -> memref<128x128xf32, #tpu.memory_space<vmem>>
      %dma_start3A_2009 = arith.constant 0 : i32
      %dma_start3A_2010 = tpu.memref_slice %arg5[%dma_start3A_2003, %dma_start3A_2009] : memref<10x128xi32, #tpu.memory_space<vmem>> -> memref<1x128xi32, #tpu.memory_space<vmem>>
      %dma_start3A_2011 = tpu.memref_squeeze %dma_start3A_2010 : memref<1x128xi32, #tpu.memory_space<vmem>> -> memref<128xi32, #tpu.memory_space<vmem>>
      %dma_start3A_2012 = arith.constant 0 : i32
      %dma_start3A_2013 = arith.constant 0 : i32
      %dma_start3A_2014 = tpu.memref_slice %arg3[%dma_start3A_2012, %dma_start3A_2013] : memref<100000x128xf32, #tpu.memory_space<hbm>> -> memref<100000x128xf32, #tpu.memory_space<hbm>>
      tpu.enqueue_indirect_dma source(%dma_start3A_2014 : memref<100000x128xf32, #tpu.memory_space<hbm>>) target(%dma_start3A_2008 : memref<128x128xf32, #tpu.memory_space<vmem>>) offsets(%dma_start3A_2011 : memref<128xi32, #tpu.memory_space<vmem>>) semaphore(%arg7 : memref<!tpu.dma_semaphore, #tpu.memory_space<semaphore_mem>>)
      %add3A_2015 = arith.constant 6 : i32
      %add3A_2016 = arith.addi %add3A_1948, %add3A_2015 : i32
      %add3A_2017 = arith.addi %mul3A_2, %add3A_2016 : i32
      %dma_start3A_2018 = arith.constant 0 : i32
      %dma_start3A_2019 = arith.constant 0 : i32
      %dma_start3A_2020 = tpu.memref_slice %arg5[%dma_start3A_2018, %dma_start3A_2019] : memref<10x128xi32, #tpu.memory_space<vmem>> -> memref<1x128xi32, #tpu.memory_space<vmem>>
      %dma_start3A_2021 = tpu.memref_squeeze %dma_start3A_2020 : memref<1x128xi32, #tpu.memory_space<vmem>> -> memref<128xi32, #tpu.memory_space<vmem>>
      %dma_start3A_2022 = arith.constant 0 : i32
      %dma_start3A_2023 = tpu.memref_slice %arg2[%add3A_2017, %dma_start3A_2022] : memref<6400x128xi32, #tpu.memory_space<hbm>> -> memref<1x128xi32, #tpu.memory_space<hbm>>
      %dma_start3A_2024 = tpu.memref_squeeze %dma_start3A_2023 : memref<1x128xi32, #tpu.memory_space<hbm>> -> memref<128xi32, #tpu.memory_space<hbm>>
      %dma_start3A_2025 = arith.constant 0 : i32
      %dma_start3A_2026 = tpu.memref_slice %arg5[%dma_start3A_2018, %dma_start3A_2025] : memref<10x128xi32, #tpu.memory_space<vmem>> -> memref<1x128xi32, #tpu.memory_space<vmem>>
      %dma_start3A_2027 = tpu.memref_squeeze %dma_start3A_2026 : memref<1x128xi32, #tpu.memory_space<vmem>> -> memref<128xi32, #tpu.memory_space<vmem>>
      %dma_start3A_2028 = arith.constant 0 : i32
      %dma_start3A_2029 = tpu.memref_slice %arg2[%add3A_2017, %dma_start3A_2028] : memref<6400x128xi32, #tpu.memory_space<hbm>> -> memref<1x128xi32, #tpu.memory_space<hbm>>
      %dma_start3A_2030 = tpu.memref_squeeze %dma_start3A_2029 : memref<1x128xi32, #tpu.memory_space<hbm>> -> memref<128xi32, #tpu.memory_space<hbm>>
      tpu.enqueue_dma source(%dma_start3A_2030 : memref<128xi32, #tpu.memory_space<hbm>>) target(%dma_start3A_2027 : memref<128xi32, #tpu.memory_space<vmem>>) target_semaphore(%arg9 : memref<!tpu.dma_semaphore, #tpu.memory_space<semaphore_mem>>)
      %add3A_2031 = arith.constant 5 : i32
      %add3A_2032 = arith.addi %mul3A_1610, %add3A_2031 : i32
      %dma_wait3A_2033 = arith.constant 5 : i32
      %dma_wait3A_2034 = arith.constant 0 : i32
      %dma_wait3A_2035 = arith.constant 0 : i32
      %dma_wait3A_2036 = arith.constant 0 : i32
      %dma_wait3A_2037 = tpu.memref_slice %arg6[%dma_wait3A_2034, %dma_wait3A_2035, %dma_wait3A_2036] : memref<5x128x128xf32, #tpu.memory_space<vmem>> -> memref<1x128x128xf32, #tpu.memory_space<vmem>>
      %dma_wait3A_2038 = tpu.memref_squeeze %dma_wait3A_2037 : memref<1x128x128xf32, #tpu.memory_space<vmem>> -> memref<128x128xf32, #tpu.memory_space<vmem>>
      %dma_wait3A_2039 = arith.constant 0 : i32
      %dma_wait3A_2040 = tpu.memref_slice %arg5[%dma_wait3A_2033, %dma_wait3A_2039] : memref<10x128xi32, #tpu.memory_space<vmem>> -> memref<1x128xi32, #tpu.memory_space<vmem>>
      %dma_wait3A_2041 = tpu.memref_squeeze %dma_wait3A_2040 : memref<1x128xi32, #tpu.memory_space<vmem>> -> memref<128xi32, #tpu.memory_space<vmem>>
      %dma_wait3A_2042 = arith.constant 0 : i32
      %dma_wait3A_2043 = arith.constant 0 : i32
      %dma_wait3A_2044 = tpu.memref_slice %arg3[%dma_wait3A_2042, %dma_wait3A_2043] : memref<100000x128xf32, #tpu.memory_space<hbm>> -> memref<100000x128xf32, #tpu.memory_space<hbm>>
      tpu.wait_indirect_dma semaphore(%arg7 : memref<!tpu.dma_semaphore, #tpu.memory_space<semaphore_mem>>) src(%dma_wait3A_2044 : memref<100000x128xf32, #tpu.memory_space<hbm>>) dst(%dma_wait3A_2038 : memref<128x128xf32, #tpu.memory_space<vmem>>)
      %mul3A_2045 = arith.constant 128 : i32
      %mul3A_2046 = arith.muli %add3A_2032, %mul3A_2045 : i32
      %add3A_2047 = arith.addi %mul3A_4, %mul3A_2046 : i32
      %dma_start3A_2048 = arith.constant 0 : i32
      %dma_start3A_2049 = arith.constant 0 : i32
      %dma_start3A_2050 = arith.constant 0 : i32
      %dma_start3A_2051 = tpu.memref_slice %arg6[%dma_start3A_2048, %dma_start3A_2049, %dma_start3A_2050] : memref<5x128x128xf32, #tpu.memory_space<vmem>> -> memref<1x128x128xf32, #tpu.memory_space<vmem>>
      %dma_start3A_2052 = tpu.memref_squeeze %dma_start3A_2051 : memref<1x128x128xf32, #tpu.memory_space<vmem>> -> memref<128x128xf32, #tpu.memory_space<vmem>>
      %dma_start3A_2053 = arith.constant 0 : i32
      %dma_start3A_2054 = tpu.memref_slice %arg4[%add3A_2047, %dma_start3A_2053] : memref<819200x128xf32, #tpu.memory_space<hbm>> -> memref<128x128xf32, #tpu.memory_space<hbm>>
      %dma_start3A_2055 = arith.constant 0 : i32
      %dma_start3A_2056 = tpu.memref_slice %arg4[%add3A_2047, %dma_start3A_2055] : memref<819200x128xf32, #tpu.memory_space<hbm>> -> memref<128x128xf32, #tpu.memory_space<hbm>>
      %dma_start3A_2057 = arith.constant 0 : i32
      %dma_start3A_2058 = arith.constant 0 : i32
      %dma_start3A_2059 = tpu.memref_slice %arg6[%dma_start3A_2048, %dma_start3A_2057, %dma_start3A_2058] : memref<5x128x128xf32, #tpu.memory_space<vmem>> -> memref<1x128x128xf32, #tpu.memory_space<vmem>>
      %dma_start3A_2060 = tpu.memref_squeeze %dma_start3A_2059 : memref<1x128x128xf32, #tpu.memory_space<vmem>> -> memref<128x128xf32, #tpu.memory_space<vmem>>
      tpu.enqueue_dma source(%dma_start3A_2060 : memref<128x128xf32, #tpu.memory_space<vmem>>) target(%dma_start3A_2056 : memref<128x128xf32, #tpu.memory_space<hbm>>) target_semaphore(%arg8 : memref<!tpu.dma_semaphore, #tpu.memory_space<semaphore_mem>>)
      %dma_wait3A_2061 = arith.constant 8 : i32
      %dma_wait3A_2062 = arith.constant 0 : i32
      %dma_wait3A_2063 = tpu.memref_slice %arg5[%dma_wait3A_2061, %dma_wait3A_2062] : memref<10x128xi32, #tpu.memory_space<vmem>> -> memref<1x128xi32, #tpu.memory_space<vmem>>
      %dma_wait3A_2064 = tpu.memref_squeeze %dma_wait3A_2063 : memref<1x128xi32, #tpu.memory_space<vmem>> -> memref<128xi32, #tpu.memory_space<vmem>>
      %dma_wait3A_2065 = arith.constant 0 : i32
      %dma_wait3A_2066 = tpu.memref_slice %arg2[%mul3A_2, %dma_wait3A_2065] : memref<6400x128xi32, #tpu.memory_space<hbm>> -> memref<1x128xi32, #tpu.memory_space<hbm>>
      %dma_wait3A_2067 = tpu.memref_squeeze %dma_wait3A_2066 : memref<1x128xi32, #tpu.memory_space<hbm>> -> memref<128xi32, #tpu.memory_space<hbm>>
      %dma_wait3A_2068 = arith.constant 0 : i32
      %dma_wait3A_2069 = tpu.memref_slice %arg5[%dma_wait3A_2061, %dma_wait3A_2068] : memref<10x128xi32, #tpu.memory_space<vmem>> -> memref<1x128xi32, #tpu.memory_space<vmem>>
      %dma_wait3A_2070 = tpu.memref_squeeze %dma_wait3A_2069 : memref<1x128xi32, #tpu.memory_space<vmem>> -> memref<128xi32, #tpu.memory_space<vmem>>
      %dma_wait3A_2071 = arith.constant 0 : i32
      %dma_wait3A_2072 = tpu.memref_slice %arg2[%mul3A_2, %dma_wait3A_2071] : memref<6400x128xi32, #tpu.memory_space<hbm>> -> memref<1x128xi32, #tpu.memory_space<hbm>>
      %dma_wait3A_2073 = tpu.memref_squeeze %dma_wait3A_2072 : memref<1x128xi32, #tpu.memory_space<hbm>> -> memref<128xi32, #tpu.memory_space<hbm>>
      tpu.wait_dma2 semaphore(%arg9 : memref<!tpu.dma_semaphore, #tpu.memory_space<semaphore_mem>>) src(%dma_wait3A_2073 : memref<128xi32, #tpu.memory_space<hbm>>) dst(%dma_wait3A_2070 : memref<128xi32, #tpu.memory_space<vmem>>)
      %dma_wait3A_2074 = arith.constant 3 : i32
      %dma_wait3A_2075 = arith.constant 0 : i32
      %dma_wait3A_2076 = arith.constant 0 : i32
      %dma_wait3A_2077 = tpu.memref_slice %arg6[%dma_wait3A_2074, %dma_wait3A_2075, %dma_wait3A_2076] : memref<5x128x128xf32, #tpu.memory_space<vmem>> -> memref<1x128x128xf32, #tpu.memory_space<vmem>>
      %dma_wait3A_2078 = tpu.memref_squeeze %dma_wait3A_2077 : memref<1x128x128xf32, #tpu.memory_space<vmem>> -> memref<128x128xf32, #tpu.memory_space<vmem>>
      %dma_wait3A_2079 = arith.constant 0 : i32
      %dma_wait3A_2080 = tpu.memref_slice %arg4[%mul3A_4, %dma_wait3A_2079] : memref<819200x128xf32, #tpu.memory_space<hbm>> -> memref<128x128xf32, #tpu.memory_space<hbm>>
      %dma_wait3A_2081 = arith.constant 0 : i32
      %dma_wait3A_2082 = tpu.memref_slice %arg4[%mul3A_4, %dma_wait3A_2081] : memref<819200x128xf32, #tpu.memory_space<hbm>> -> memref<128x128xf32, #tpu.memory_space<hbm>>
      %dma_wait3A_2083 = arith.constant 0 : i32
      %dma_wait3A_2084 = arith.constant 0 : i32
      %dma_wait3A_2085 = tpu.memref_slice %arg6[%dma_wait3A_2074, %dma_wait3A_2083, %dma_wait3A_2084] : memref<5x128x128xf32, #tpu.memory_space<vmem>> -> memref<1x128x128xf32, #tpu.memory_space<vmem>>
      %dma_wait3A_2086 = tpu.memref_squeeze %dma_wait3A_2085 : memref<1x128x128xf32, #tpu.memory_space<vmem>> -> memref<128x128xf32, #tpu.memory_space<vmem>>
      tpu.wait_dma2 semaphore(%arg8 : memref<!tpu.dma_semaphore, #tpu.memory_space<semaphore_mem>>) src(%dma_wait3A_2086 : memref<128x128xf32, #tpu.memory_space<vmem>>) dst(%dma_wait3A_2082 : memref<128x128xf32, #tpu.memory_space<hbm>>)
      %dma_start3A_2087 = arith.constant 8 : i32
      %dma_start3A_2088 = arith.constant 3 : i32
      %dma_start3A_2089 = arith.constant 0 : i32
      %dma_start3A_2090 = arith.constant 0 : i32
      %dma_start3A_2091 = tpu.memref_slice %arg6[%dma_start3A_2088, %dma_start3A_2089, %dma_start3A_2090] : memref<5x128x128xf32, #tpu.memory_space<vmem>> -> memref<1x128x128xf32, #tpu.memory_space<vmem>>
      %dma_start3A_2092 = tpu.memref_squeeze %dma_start3A_2091 : memref<1x128x128xf32, #tpu.memory_space<vmem>> -> memref<128x128xf32, #tpu.memory_space<vmem>>
      %dma_start3A_2093 = arith.constant 0 : i32
      %dma_start3A_2094 = tpu.memref_slice %arg5[%dma_start3A_2087, %dma_start3A_2093] : memref<10x128xi32, #tpu.memory_space<vmem>> -> memref<1x128xi32, #tpu.memory_space<vmem>>
      %dma_start3A_2095 = tpu.memref_squeeze %dma_start3A_2094 : memref<1x128xi32, #tpu.memory_space<vmem>> -> memref<128xi32, #tpu.memory_space<vmem>>
      %dma_start3A_2096 = arith.constant 0 : i32
      %dma_start3A_2097 = arith.constant 0 : i32
      %dma_start3A_2098 = tpu.memref_slice %arg3[%dma_start3A_2096, %dma_start3A_2097] : memref<100000x128xf32, #tpu.memory_space<hbm>> -> memref<100000x128xf32, #tpu.memory_space<hbm>>
      tpu.enqueue_indirect_dma source(%dma_start3A_2098 : memref<100000x128xf32, #tpu.memory_space<hbm>>) target(%dma_start3A_2092 : memref<128x128xf32, #tpu.memory_space<vmem>>) offsets(%dma_start3A_2095 : memref<128xi32, #tpu.memory_space<vmem>>) semaphore(%arg7 : memref<!tpu.dma_semaphore, #tpu.memory_space<semaphore_mem>>)
      %add3A_2099 = arith.constant 6 : i32
      %add3A_2100 = arith.addi %add3A_2032, %add3A_2099 : i32
      %add3A_2101 = arith.addi %mul3A_2, %add3A_2100 : i32
      %dma_start3A_2102 = arith.constant 1 : i32
      %dma_start3A_2103 = arith.constant 0 : i32
      %dma_start3A_2104 = tpu.memref_slice %arg5[%dma_start3A_2102, %dma_start3A_2103] : memref<10x128xi32, #tpu.memory_space<vmem>> -> memref<1x128xi32, #tpu.memory_space<vmem>>
      %dma_start3A_2105 = tpu.memref_squeeze %dma_start3A_2104 : memref<1x128xi32, #tpu.memory_space<vmem>> -> memref<128xi32, #tpu.memory_space<vmem>>
      %dma_start3A_2106 = arith.constant 0 : i32
      %dma_start3A_2107 = tpu.memref_slice %arg2[%add3A_2101, %dma_start3A_2106] : memref<6400x128xi32, #tpu.memory_space<hbm>> -> memref<1x128xi32, #tpu.memory_space<hbm>>
      %dma_start3A_2108 = tpu.memref_squeeze %dma_start3A_2107 : memref<1x128xi32, #tpu.memory_space<hbm>> -> memref<128xi32, #tpu.memory_space<hbm>>
      %dma_start3A_2109 = arith.constant 0 : i32
      %dma_start3A_2110 = tpu.memref_slice %arg5[%dma_start3A_2102, %dma_start3A_2109] : memref<10x128xi32, #tpu.memory_space<vmem>> -> memref<1x128xi32, #tpu.memory_space<vmem>>
      %dma_start3A_2111 = tpu.memref_squeeze %dma_start3A_2110 : memref<1x128xi32, #tpu.memory_space<vmem>> -> memref<128xi32, #tpu.memory_space<vmem>>
      %dma_start3A_2112 = arith.constant 0 : i32
      %dma_start3A_2113 = tpu.memref_slice %arg2[%add3A_2101, %dma_start3A_2112] : memref<6400x128xi32, #tpu.memory_space<hbm>> -> memref<1x128xi32, #tpu.memory_space<hbm>>
      %dma_start3A_2114 = tpu.memref_squeeze %dma_start3A_2113 : memref<1x128xi32, #tpu.memory_space<hbm>> -> memref<128xi32, #tpu.memory_space<hbm>>
      tpu.enqueue_dma source(%dma_start3A_2114 : memref<128xi32, #tpu.memory_space<hbm>>) target(%dma_start3A_2111 : memref<128xi32, #tpu.memory_space<vmem>>) target_semaphore(%arg9 : memref<!tpu.dma_semaphore, #tpu.memory_space<semaphore_mem>>)
      %add3A_2115 = arith.constant 6 : i32
      %add3A_2116 = arith.addi %mul3A_1610, %add3A_2115 : i32
      %dma_wait3A_2117 = arith.constant 6 : i32
      %dma_wait3A_2118 = arith.constant 1 : i32
      %dma_wait3A_2119 = arith.constant 0 : i32
      %dma_wait3A_2120 = arith.constant 0 : i32
      %dma_wait3A_2121 = tpu.memref_slice %arg6[%dma_wait3A_2118, %dma_wait3A_2119, %dma_wait3A_2120] : memref<5x128x128xf32, #tpu.memory_space<vmem>> -> memref<1x128x128xf32, #tpu.memory_space<vmem>>
      %dma_wait3A_2122 = tpu.memref_squeeze %dma_wait3A_2121 : memref<1x128x128xf32, #tpu.memory_space<vmem>> -> memref<128x128xf32, #tpu.memory_space<vmem>>
      %dma_wait3A_2123 = arith.constant 0 : i32
      %dma_wait3A_2124 = tpu.memref_slice %arg5[%dma_wait3A_2117, %dma_wait3A_2123] : memref<10x128xi32, #tpu.memory_space<vmem>> -> memref<1x128xi32, #tpu.memory_space<vmem>>
      %dma_wait3A_2125 = tpu.memref_squeeze %dma_wait3A_2124 : memref<1x128xi32, #tpu.memory_space<vmem>> -> memref<128xi32, #tpu.memory_space<vmem>>
      %dma_wait3A_2126 = arith.constant 0 : i32
      %dma_wait3A_2127 = arith.constant 0 : i32
      %dma_wait3A_2128 = tpu.memref_slice %arg3[%dma_wait3A_2126, %dma_wait3A_2127] : memref<100000x128xf32, #tpu.memory_space<hbm>> -> memref<100000x128xf32, #tpu.memory_space<hbm>>
      tpu.wait_indirect_dma semaphore(%arg7 : memref<!tpu.dma_semaphore, #tpu.memory_space<semaphore_mem>>) src(%dma_wait3A_2128 : memref<100000x128xf32, #tpu.memory_space<hbm>>) dst(%dma_wait3A_2122 : memref<128x128xf32, #tpu.memory_space<vmem>>)
      %mul3A_2129 = arith.constant 128 : i32
      %mul3A_2130 = arith.muli %add3A_2116, %mul3A_2129 : i32
      %add3A_2131 = arith.addi %mul3A_4, %mul3A_2130 : i32
      %dma_start3A_2132 = arith.constant 1 : i32
      %dma_start3A_2133 = arith.constant 0 : i32
      %dma_start3A_2134 = arith.constant 0 : i32
      %dma_start3A_2135 = tpu.memref_slice %arg6[%dma_start3A_2132, %dma_start3A_2133, %dma_start3A_2134] : memref<5x128x128xf32, #tpu.memory_space<vmem>> -> memref<1x128x128xf32, #tpu.memory_space<vmem>>
      %dma_start3A_2136 = tpu.memref_squeeze %dma_start3A_2135 : memref<1x128x128xf32, #tpu.memory_space<vmem>> -> memref<128x128xf32, #tpu.memory_space<vmem>>
      %dma_start3A_2137 = arith.constant 0 : i32
      %dma_start3A_2138 = tpu.memref_slice %arg4[%add3A_2131, %dma_start3A_2137] : memref<819200x128xf32, #tpu.memory_space<hbm>> -> memref<128x128xf32, #tpu.memory_space<hbm>>
      %dma_start3A_2139 = arith.constant 0 : i32
      %dma_start3A_2140 = tpu.memref_slice %arg4[%add3A_2131, %dma_start3A_2139] : memref<819200x128xf32, #tpu.memory_space<hbm>> -> memref<128x128xf32, #tpu.memory_space<hbm>>
      %dma_start3A_2141 = arith.constant 0 : i32
      %dma_start3A_2142 = arith.constant 0 : i32
      %dma_start3A_2143 = tpu.memref_slice %arg6[%dma_start3A_2132, %dma_start3A_2141, %dma_start3A_2142] : memref<5x128x128xf32, #tpu.memory_space<vmem>> -> memref<1x128x128xf32, #tpu.memory_space<vmem>>
      %dma_start3A_2144 = tpu.memref_squeeze %dma_start3A_2143 : memref<1x128x128xf32, #tpu.memory_space<vmem>> -> memref<128x128xf32, #tpu.memory_space<vmem>>
      tpu.enqueue_dma source(%dma_start3A_2144 : memref<128x128xf32, #tpu.memory_space<vmem>>) target(%dma_start3A_2140 : memref<128x128xf32, #tpu.memory_space<hbm>>) target_semaphore(%arg8 : memref<!tpu.dma_semaphore, #tpu.memory_space<semaphore_mem>>)
      %dma_wait3A_2145 = arith.constant 9 : i32
      %dma_wait3A_2146 = arith.constant 0 : i32
      %dma_wait3A_2147 = tpu.memref_slice %arg5[%dma_wait3A_2145, %dma_wait3A_2146] : memref<10x128xi32, #tpu.memory_space<vmem>> -> memref<1x128xi32, #tpu.memory_space<vmem>>
      %dma_wait3A_2148 = tpu.memref_squeeze %dma_wait3A_2147 : memref<1x128xi32, #tpu.memory_space<vmem>> -> memref<128xi32, #tpu.memory_space<vmem>>
      %dma_wait3A_2149 = arith.constant 0 : i32
      %dma_wait3A_2150 = tpu.memref_slice %arg2[%mul3A_2, %dma_wait3A_2149] : memref<6400x128xi32, #tpu.memory_space<hbm>> -> memref<1x128xi32, #tpu.memory_space<hbm>>
      %dma_wait3A_2151 = tpu.memref_squeeze %dma_wait3A_2150 : memref<1x128xi32, #tpu.memory_space<hbm>> -> memref<128xi32, #tpu.memory_space<hbm>>
      %dma_wait3A_2152 = arith.constant 0 : i32
      %dma_wait3A_2153 = tpu.memref_slice %arg5[%dma_wait3A_2145, %dma_wait3A_2152] : memref<10x128xi32, #tpu.memory_space<vmem>> -> memref<1x128xi32, #tpu.memory_space<vmem>>
      %dma_wait3A_2154 = tpu.memref_squeeze %dma_wait3A_2153 : memref<1x128xi32, #tpu.memory_space<vmem>> -> memref<128xi32, #tpu.memory_space<vmem>>
      %dma_wait3A_2155 = arith.constant 0 : i32
      %dma_wait3A_2156 = tpu.memref_slice %arg2[%mul3A_2, %dma_wait3A_2155] : memref<6400x128xi32, #tpu.memory_space<hbm>> -> memref<1x128xi32, #tpu.memory_space<hbm>>
      %dma_wait3A_2157 = tpu.memref_squeeze %dma_wait3A_2156 : memref<1x128xi32, #tpu.memory_space<hbm>> -> memref<128xi32, #tpu.memory_space<hbm>>
      tpu.wait_dma2 semaphore(%arg9 : memref<!tpu.dma_semaphore, #tpu.memory_space<semaphore_mem>>) src(%dma_wait3A_2157 : memref<128xi32, #tpu.memory_space<hbm>>) dst(%dma_wait3A_2154 : memref<128xi32, #tpu.memory_space<vmem>>)
      %dma_wait3A_2158 = arith.constant 4 : i32
      %dma_wait3A_2159 = arith.constant 0 : i32
      %dma_wait3A_2160 = arith.constant 0 : i32
      %dma_wait3A_2161 = tpu.memref_slice %arg6[%dma_wait3A_2158, %dma_wait3A_2159, %dma_wait3A_2160] : memref<5x128x128xf32, #tpu.memory_space<vmem>> -> memref<1x128x128xf32, #tpu.memory_space<vmem>>
      %dma_wait3A_2162 = tpu.memref_squeeze %dma_wait3A_2161 : memref<1x128x128xf32, #tpu.memory_space<vmem>> -> memref<128x128xf32, #tpu.memory_space<vmem>>
      %dma_wait3A_2163 = arith.constant 0 : i32
      %dma_wait3A_2164 = tpu.memref_slice %arg4[%mul3A_4, %dma_wait3A_2163] : memref<819200x128xf32, #tpu.memory_space<hbm>> -> memref<128x128xf32, #tpu.memory_space<hbm>>
      %dma_wait3A_2165 = arith.constant 0 : i32
      %dma_wait3A_2166 = tpu.memref_slice %arg4[%mul3A_4, %dma_wait3A_2165] : memref<819200x128xf32, #tpu.memory_space<hbm>> -> memref<128x128xf32, #tpu.memory_space<hbm>>
      %dma_wait3A_2167 = arith.constant 0 : i32
      %dma_wait3A_2168 = arith.constant 0 : i32
      %dma_wait3A_2169 = tpu.memref_slice %arg6[%dma_wait3A_2158, %dma_wait3A_2167, %dma_wait3A_2168] : memref<5x128x128xf32, #tpu.memory_space<vmem>> -> memref<1x128x128xf32, #tpu.memory_space<vmem>>
      %dma_wait3A_2170 = tpu.memref_squeeze %dma_wait3A_2169 : memref<1x128x128xf32, #tpu.memory_space<vmem>> -> memref<128x128xf32, #tpu.memory_space<vmem>>
      tpu.wait_dma2 semaphore(%arg8 : memref<!tpu.dma_semaphore, #tpu.memory_space<semaphore_mem>>) src(%dma_wait3A_2170 : memref<128x128xf32, #tpu.memory_space<vmem>>) dst(%dma_wait3A_2166 : memref<128x128xf32, #tpu.memory_space<hbm>>)
      %dma_start3A_2171 = arith.constant 9 : i32
      %dma_start3A_2172 = arith.constant 4 : i32
      %dma_start3A_2173 = arith.constant 0 : i32
      %dma_start3A_2174 = arith.constant 0 : i32
      %dma_start3A_2175 = tpu.memref_slice %arg6[%dma_start3A_2172, %dma_start3A_2173, %dma_start3A_2174] : memref<5x128x128xf32, #tpu.memory_space<vmem>> -> memref<1x128x128xf32, #tpu.memory_space<vmem>>
      %dma_start3A_2176 = tpu.memref_squeeze %dma_start3A_2175 : memref<1x128x128xf32, #tpu.memory_space<vmem>> -> memref<128x128xf32, #tpu.memory_space<vmem>>
      %dma_start3A_2177 = arith.constant 0 : i32
      %dma_start3A_2178 = tpu.memref_slice %arg5[%dma_start3A_2171, %dma_start3A_2177] : memref<10x128xi32, #tpu.memory_space<vmem>> -> memref<1x128xi32, #tpu.memory_space<vmem>>
      %dma_start3A_2179 = tpu.memref_squeeze %dma_start3A_2178 : memref<1x128xi32, #tpu.memory_space<vmem>> -> memref<128xi32, #tpu.memory_space<vmem>>
      %dma_start3A_2180 = arith.constant 0 : i32
      %dma_start3A_2181 = arith.constant 0 : i32
      %dma_start3A_2182 = tpu.memref_slice %arg3[%dma_start3A_2180, %dma_start3A_2181] : memref<100000x128xf32, #tpu.memory_space<hbm>> -> memref<100000x128xf32, #tpu.memory_space<hbm>>
      tpu.enqueue_indirect_dma source(%dma_start3A_2182 : memref<100000x128xf32, #tpu.memory_space<hbm>>) target(%dma_start3A_2176 : memref<128x128xf32, #tpu.memory_space<vmem>>) offsets(%dma_start3A_2179 : memref<128xi32, #tpu.memory_space<vmem>>) semaphore(%arg7 : memref<!tpu.dma_semaphore, #tpu.memory_space<semaphore_mem>>)
      %add3A_2183 = arith.constant 6 : i32
      %add3A_2184 = arith.addi %add3A_2116, %add3A_2183 : i32
      %add3A_2185 = arith.addi %mul3A_2, %add3A_2184 : i32
      %dma_start3A_2186 = arith.constant 2 : i32
      %dma_start3A_2187 = arith.constant 0 : i32
      %dma_start3A_2188 = tpu.memref_slice %arg5[%dma_start3A_2186, %dma_start3A_2187] : memref<10x128xi32, #tpu.memory_space<vmem>> -> memref<1x128xi32, #tpu.memory_space<vmem>>
      %dma_start3A_2189 = tpu.memref_squeeze %dma_start3A_2188 : memref<1x128xi32, #tpu.memory_space<vmem>> -> memref<128xi32, #tpu.memory_space<vmem>>
      %dma_start3A_2190 = arith.constant 0 : i32
      %dma_start3A_2191 = tpu.memref_slice %arg2[%add3A_2185, %dma_start3A_2190] : memref<6400x128xi32, #tpu.memory_space<hbm>> -> memref<1x128xi32, #tpu.memory_space<hbm>>
      %dma_start3A_2192 = tpu.memref_squeeze %dma_start3A_2191 : memref<1x128xi32, #tpu.memory_space<hbm>> -> memref<128xi32, #tpu.memory_space<hbm>>
      %dma_start3A_2193 = arith.constant 0 : i32
      %dma_start3A_2194 = tpu.memref_slice %arg5[%dma_start3A_2186, %dma_start3A_2193] : memref<10x128xi32, #tpu.memory_space<vmem>> -> memref<1x128xi32, #tpu.memory_space<vmem>>
      %dma_start3A_2195 = tpu.memref_squeeze %dma_start3A_2194 : memref<1x128xi32, #tpu.memory_space<vmem>> -> memref<128xi32, #tpu.memory_space<vmem>>
      %dma_start3A_2196 = arith.constant 0 : i32
      %dma_start3A_2197 = tpu.memref_slice %arg2[%add3A_2185, %dma_start3A_2196] : memref<6400x128xi32, #tpu.memory_space<hbm>> -> memref<1x128xi32, #tpu.memory_space<hbm>>
      %dma_start3A_2198 = tpu.memref_squeeze %dma_start3A_2197 : memref<1x128xi32, #tpu.memory_space<hbm>> -> memref<128xi32, #tpu.memory_space<hbm>>
      tpu.enqueue_dma source(%dma_start3A_2198 : memref<128xi32, #tpu.memory_space<hbm>>) target(%dma_start3A_2195 : memref<128xi32, #tpu.memory_space<vmem>>) target_semaphore(%arg9 : memref<!tpu.dma_semaphore, #tpu.memory_space<semaphore_mem>>)
      %add3A_2199 = arith.constant 7 : i32
      %add3A_2200 = arith.addi %mul3A_1610, %add3A_2199 : i32
      %dma_wait3A_2201 = arith.constant 7 : i32
      %dma_wait3A_2202 = arith.constant 2 : i32
      %dma_wait3A_2203 = arith.constant 0 : i32
      %dma_wait3A_2204 = arith.constant 0 : i32
      %dma_wait3A_2205 = tpu.memref_slice %arg6[%dma_wait3A_2202, %dma_wait3A_2203, %dma_wait3A_2204] : memref<5x128x128xf32, #tpu.memory_space<vmem>> -> memref<1x128x128xf32, #tpu.memory_space<vmem>>
      %dma_wait3A_2206 = tpu.memref_squeeze %dma_wait3A_2205 : memref<1x128x128xf32, #tpu.memory_space<vmem>> -> memref<128x128xf32, #tpu.memory_space<vmem>>
      %dma_wait3A_2207 = arith.constant 0 : i32
      %dma_wait3A_2208 = tpu.memref_slice %arg5[%dma_wait3A_2201, %dma_wait3A_2207] : memref<10x128xi32, #tpu.memory_space<vmem>> -> memref<1x128xi32, #tpu.memory_space<vmem>>
      %dma_wait3A_2209 = tpu.memref_squeeze %dma_wait3A_2208 : memref<1x128xi32, #tpu.memory_space<vmem>> -> memref<128xi32, #tpu.memory_space<vmem>>
      %dma_wait3A_2210 = arith.constant 0 : i32
      %dma_wait3A_2211 = arith.constant 0 : i32
      %dma_wait3A_2212 = tpu.memref_slice %arg3[%dma_wait3A_2210, %dma_wait3A_2211] : memref<100000x128xf32, #tpu.memory_space<hbm>> -> memref<100000x128xf32, #tpu.memory_space<hbm>>
      tpu.wait_indirect_dma semaphore(%arg7 : memref<!tpu.dma_semaphore, #tpu.memory_space<semaphore_mem>>) src(%dma_wait3A_2212 : memref<100000x128xf32, #tpu.memory_space<hbm>>) dst(%dma_wait3A_2206 : memref<128x128xf32, #tpu.memory_space<vmem>>)
      %mul3A_2213 = arith.constant 128 : i32
      %mul3A_2214 = arith.muli %add3A_2200, %mul3A_2213 : i32
      %add3A_2215 = arith.addi %mul3A_4, %mul3A_2214 : i32
      %dma_start3A_2216 = arith.constant 2 : i32
      %dma_start3A_2217 = arith.constant 0 : i32
      %dma_start3A_2218 = arith.constant 0 : i32
      %dma_start3A_2219 = tpu.memref_slice %arg6[%dma_start3A_2216, %dma_start3A_2217, %dma_start3A_2218] : memref<5x128x128xf32, #tpu.memory_space<vmem>> -> memref<1x128x128xf32, #tpu.memory_space<vmem>>
      %dma_start3A_2220 = tpu.memref_squeeze %dma_start3A_2219 : memref<1x128x128xf32, #tpu.memory_space<vmem>> -> memref<128x128xf32, #tpu.memory_space<vmem>>
      %dma_start3A_2221 = arith.constant 0 : i32
      %dma_start3A_2222 = tpu.memref_slice %arg4[%add3A_2215, %dma_start3A_2221] : memref<819200x128xf32, #tpu.memory_space<hbm>> -> memref<128x128xf32, #tpu.memory_space<hbm>>
      %dma_start3A_2223 = arith.constant 0 : i32
      %dma_start3A_2224 = tpu.memref_slice %arg4[%add3A_2215, %dma_start3A_2223] : memref<819200x128xf32, #tpu.memory_space<hbm>> -> memref<128x128xf32, #tpu.memory_space<hbm>>
      %dma_start3A_2225 = arith.constant 0 : i32
      %dma_start3A_2226 = arith.constant 0 : i32
      %dma_start3A_2227 = tpu.memref_slice %arg6[%dma_start3A_2216, %dma_start3A_2225, %dma_start3A_2226] : memref<5x128x128xf32, #tpu.memory_space<vmem>> -> memref<1x128x128xf32, #tpu.memory_space<vmem>>
      %dma_start3A_2228 = tpu.memref_squeeze %dma_start3A_2227 : memref<1x128x128xf32, #tpu.memory_space<vmem>> -> memref<128x128xf32, #tpu.memory_space<vmem>>
      tpu.enqueue_dma source(%dma_start3A_2228 : memref<128x128xf32, #tpu.memory_space<vmem>>) target(%dma_start3A_2224 : memref<128x128xf32, #tpu.memory_space<hbm>>) target_semaphore(%arg8 : memref<!tpu.dma_semaphore, #tpu.memory_space<semaphore_mem>>)
      %dma_wait3A_2229 = arith.constant 0 : i32
      %dma_wait3A_2230 = arith.constant 0 : i32
      %dma_wait3A_2231 = tpu.memref_slice %arg5[%dma_wait3A_2229, %dma_wait3A_2230] : memref<10x128xi32, #tpu.memory_space<vmem>> -> memref<1x128xi32, #tpu.memory_space<vmem>>
      %dma_wait3A_2232 = tpu.memref_squeeze %dma_wait3A_2231 : memref<1x128xi32, #tpu.memory_space<vmem>> -> memref<128xi32, #tpu.memory_space<vmem>>
      %dma_wait3A_2233 = arith.constant 0 : i32
      %dma_wait3A_2234 = tpu.memref_slice %arg2[%mul3A_2, %dma_wait3A_2233] : memref<6400x128xi32, #tpu.memory_space<hbm>> -> memref<1x128xi32, #tpu.memory_space<hbm>>
      %dma_wait3A_2235 = tpu.memref_squeeze %dma_wait3A_2234 : memref<1x128xi32, #tpu.memory_space<hbm>> -> memref<128xi32, #tpu.memory_space<hbm>>
      %dma_wait3A_2236 = arith.constant 0 : i32
      %dma_wait3A_2237 = tpu.memref_slice %arg5[%dma_wait3A_2229, %dma_wait3A_2236] : memref<10x128xi32, #tpu.memory_space<vmem>> -> memref<1x128xi32, #tpu.memory_space<vmem>>
      %dma_wait3A_2238 = tpu.memref_squeeze %dma_wait3A_2237 : memref<1x128xi32, #tpu.memory_space<vmem>> -> memref<128xi32, #tpu.memory_space<vmem>>
      %dma_wait3A_2239 = arith.constant 0 : i32
      %dma_wait3A_2240 = tpu.memref_slice %arg2[%mul3A_2, %dma_wait3A_2239] : memref<6400x128xi32, #tpu.memory_space<hbm>> -> memref<1x128xi32, #tpu.memory_space<hbm>>
      %dma_wait3A_2241 = tpu.memref_squeeze %dma_wait3A_2240 : memref<1x128xi32, #tpu.memory_space<hbm>> -> memref<128xi32, #tpu.memory_space<hbm>>
      tpu.wait_dma2 semaphore(%arg9 : memref<!tpu.dma_semaphore, #tpu.memory_space<semaphore_mem>>) src(%dma_wait3A_2241 : memref<128xi32, #tpu.memory_space<hbm>>) dst(%dma_wait3A_2238 : memref<128xi32, #tpu.memory_space<vmem>>)
      %dma_wait3A_2242 = arith.constant 0 : i32
      %dma_wait3A_2243 = arith.constant 0 : i32
      %dma_wait3A_2244 = arith.constant 0 : i32
      %dma_wait3A_2245 = tpu.memref_slice %arg6[%dma_wait3A_2242, %dma_wait3A_2243, %dma_wait3A_2244] : memref<5x128x128xf32, #tpu.memory_space<vmem>> -> memref<1x128x128xf32, #tpu.memory_space<vmem>>
      %dma_wait3A_2246 = tpu.memref_squeeze %dma_wait3A_2245 : memref<1x128x128xf32, #tpu.memory_space<vmem>> -> memref<128x128xf32, #tpu.memory_space<vmem>>
      %dma_wait3A_2247 = arith.constant 0 : i32
      %dma_wait3A_2248 = tpu.memref_slice %arg4[%mul3A_4, %dma_wait3A_2247] : memref<819200x128xf32, #tpu.memory_space<hbm>> -> memref<128x128xf32, #tpu.memory_space<hbm>>
      %dma_wait3A_2249 = arith.constant 0 : i32
      %dma_wait3A_2250 = tpu.memref_slice %arg4[%mul3A_4, %dma_wait3A_2249] : memref<819200x128xf32, #tpu.memory_space<hbm>> -> memref<128x128xf32, #tpu.memory_space<hbm>>
      %dma_wait3A_2251 = arith.constant 0 : i32
      %dma_wait3A_2252 = arith.constant 0 : i32
      %dma_wait3A_2253 = tpu.memref_slice %arg6[%dma_wait3A_2242, %dma_wait3A_2251, %dma_wait3A_2252] : memref<5x128x128xf32, #tpu.memory_space<vmem>> -> memref<1x128x128xf32, #tpu.memory_space<vmem>>
      %dma_wait3A_2254 = tpu.memref_squeeze %dma_wait3A_2253 : memref<1x128x128xf32, #tpu.memory_space<vmem>> -> memref<128x128xf32, #tpu.memory_space<vmem>>
      tpu.wait_dma2 semaphore(%arg8 : memref<!tpu.dma_semaphore, #tpu.memory_space<semaphore_mem>>) src(%dma_wait3A_2254 : memref<128x128xf32, #tpu.memory_space<vmem>>) dst(%dma_wait3A_2250 : memref<128x128xf32, #tpu.memory_space<hbm>>)
      %dma_start3A_2255 = arith.constant 0 : i32
      %dma_start3A_2256 = arith.constant 0 : i32
      %dma_start3A_2257 = arith.constant 0 : i32
      %dma_start3A_2258 = arith.constant 0 : i32
      %dma_start3A_2259 = tpu.memref_slice %arg6[%dma_start3A_2256, %dma_start3A_2257, %dma_start3A_2258] : memref<5x128x128xf32, #tpu.memory_space<vmem>> -> memref<1x128x128xf32, #tpu.memory_space<vmem>>
      %dma_start3A_2260 = tpu.memref_squeeze %dma_start3A_2259 : memref<1x128x128xf32, #tpu.memory_space<vmem>> -> memref<128x128xf32, #tpu.memory_space<vmem>>
      %dma_start3A_2261 = arith.constant 0 : i32
      %dma_start3A_2262 = tpu.memref_slice %arg5[%dma_start3A_2255, %dma_start3A_2261] : memref<10x128xi32, #tpu.memory_space<vmem>> -> memref<1x128xi32, #tpu.memory_space<vmem>>
      %dma_start3A_2263 = tpu.memref_squeeze %dma_start3A_2262 : memref<1x128xi32, #tpu.memory_space<vmem>> -> memref<128xi32, #tpu.memory_space<vmem>>
      %dma_start3A_2264 = arith.constant 0 : i32
      %dma_start3A_2265 = arith.constant 0 : i32
      %dma_start3A_2266 = tpu.memref_slice %arg3[%dma_start3A_2264, %dma_start3A_2265] : memref<100000x128xf32, #tpu.memory_space<hbm>> -> memref<100000x128xf32, #tpu.memory_space<hbm>>
      tpu.enqueue_indirect_dma source(%dma_start3A_2266 : memref<100000x128xf32, #tpu.memory_space<hbm>>) target(%dma_start3A_2260 : memref<128x128xf32, #tpu.memory_space<vmem>>) offsets(%dma_start3A_2263 : memref<128xi32, #tpu.memory_space<vmem>>) semaphore(%arg7 : memref<!tpu.dma_semaphore, #tpu.memory_space<semaphore_mem>>)
      %add3A_2267 = arith.constant 6 : i32
      %add3A_2268 = arith.addi %add3A_2200, %add3A_2267 : i32
      %add3A_2269 = arith.addi %mul3A_2, %add3A_2268 : i32
      %dma_start3A_2270 = arith.constant 3 : i32
      %dma_start3A_2271 = arith.constant 0 : i32
      %dma_start3A_2272 = tpu.memref_slice %arg5[%dma_start3A_2270, %dma_start3A_2271] : memref<10x128xi32, #tpu.memory_space<vmem>> -> memref<1x128xi32, #tpu.memory_space<vmem>>
      %dma_start3A_2273 = tpu.memref_squeeze %dma_start3A_2272 : memref<1x128xi32, #tpu.memory_space<vmem>> -> memref<128xi32, #tpu.memory_space<vmem>>
      %dma_start3A_2274 = arith.constant 0 : i32
      %dma_start3A_2275 = tpu.memref_slice %arg2[%add3A_2269, %dma_start3A_2274] : memref<6400x128xi32, #tpu.memory_space<hbm>> -> memref<1x128xi32, #tpu.memory_space<hbm>>
      %dma_start3A_2276 = tpu.memref_squeeze %dma_start3A_2275 : memref<1x128xi32, #tpu.memory_space<hbm>> -> memref<128xi32, #tpu.memory_space<hbm>>
      %dma_start3A_2277 = arith.constant 0 : i32
      %dma_start3A_2278 = tpu.memref_slice %arg5[%dma_start3A_2270, %dma_start3A_2277] : memref<10x128xi32, #tpu.memory_space<vmem>> -> memref<1x128xi32, #tpu.memory_space<vmem>>
      %dma_start3A_2279 = tpu.memref_squeeze %dma_start3A_2278 : memref<1x128xi32, #tpu.memory_space<vmem>> -> memref<128xi32, #tpu.memory_space<vmem>>
      %dma_start3A_2280 = arith.constant 0 : i32
      %dma_start3A_2281 = tpu.memref_slice %arg2[%add3A_2269, %dma_start3A_2280] : memref<6400x128xi32, #tpu.memory_space<hbm>> -> memref<1x128xi32, #tpu.memory_space<hbm>>
      %dma_start3A_2282 = tpu.memref_squeeze %dma_start3A_2281 : memref<1x128xi32, #tpu.memory_space<hbm>> -> memref<128xi32, #tpu.memory_space<hbm>>
      tpu.enqueue_dma source(%dma_start3A_2282 : memref<128xi32, #tpu.memory_space<hbm>>) target(%dma_start3A_2279 : memref<128xi32, #tpu.memory_space<vmem>>) target_semaphore(%arg9 : memref<!tpu.dma_semaphore, #tpu.memory_space<semaphore_mem>>)
      %add3A_2283 = arith.constant 8 : i32
      %add3A_2284 = arith.addi %mul3A_1610, %add3A_2283 : i32
      %dma_wait3A_2285 = arith.constant 8 : i32
      %dma_wait3A_2286 = arith.constant 3 : i32
      %dma_wait3A_2287 = arith.constant 0 : i32
      %dma_wait3A_2288 = arith.constant 0 : i32
      %dma_wait3A_2289 = tpu.memref_slice %arg6[%dma_wait3A_2286, %dma_wait3A_2287, %dma_wait3A_2288] : memref<5x128x128xf32, #tpu.memory_space<vmem>> -> memref<1x128x128xf32, #tpu.memory_space<vmem>>
      %dma_wait3A_2290 = tpu.memref_squeeze %dma_wait3A_2289 : memref<1x128x128xf32, #tpu.memory_space<vmem>> -> memref<128x128xf32, #tpu.memory_space<vmem>>
      %dma_wait3A_2291 = arith.constant 0 : i32
      %dma_wait3A_2292 = tpu.memref_slice %arg5[%dma_wait3A_2285, %dma_wait3A_2291] : memref<10x128xi32, #tpu.memory_space<vmem>> -> memref<1x128xi32, #tpu.memory_space<vmem>>
      %dma_wait3A_2293 = tpu.memref_squeeze %dma_wait3A_2292 : memref<1x128xi32, #tpu.memory_space<vmem>> -> memref<128xi32, #tpu.memory_space<vmem>>
      %dma_wait3A_2294 = arith.constant 0 : i32
      %dma_wait3A_2295 = arith.constant 0 : i32
      %dma_wait3A_2296 = tpu.memref_slice %arg3[%dma_wait3A_2294, %dma_wait3A_2295] : memref<100000x128xf32, #tpu.memory_space<hbm>> -> memref<100000x128xf32, #tpu.memory_space<hbm>>
      tpu.wait_indirect_dma semaphore(%arg7 : memref<!tpu.dma_semaphore, #tpu.memory_space<semaphore_mem>>) src(%dma_wait3A_2296 : memref<100000x128xf32, #tpu.memory_space<hbm>>) dst(%dma_wait3A_2290 : memref<128x128xf32, #tpu.memory_space<vmem>>)
      %mul3A_2297 = arith.constant 128 : i32
      %mul3A_2298 = arith.muli %add3A_2284, %mul3A_2297 : i32
      %add3A_2299 = arith.addi %mul3A_4, %mul3A_2298 : i32
      %dma_start3A_2300 = arith.constant 3 : i32
      %dma_start3A_2301 = arith.constant 0 : i32
      %dma_start3A_2302 = arith.constant 0 : i32
      %dma_start3A_2303 = tpu.memref_slice %arg6[%dma_start3A_2300, %dma_start3A_2301, %dma_start3A_2302] : memref<5x128x128xf32, #tpu.memory_space<vmem>> -> memref<1x128x128xf32, #tpu.memory_space<vmem>>
      %dma_start3A_2304 = tpu.memref_squeeze %dma_start3A_2303 : memref<1x128x128xf32, #tpu.memory_space<vmem>> -> memref<128x128xf32, #tpu.memory_space<vmem>>
      %dma_start3A_2305 = arith.constant 0 : i32
      %dma_start3A_2306 = tpu.memref_slice %arg4[%add3A_2299, %dma_start3A_2305] : memref<819200x128xf32, #tpu.memory_space<hbm>> -> memref<128x128xf32, #tpu.memory_space<hbm>>
      %dma_start3A_2307 = arith.constant 0 : i32
      %dma_start3A_2308 = tpu.memref_slice %arg4[%add3A_2299, %dma_start3A_2307] : memref<819200x128xf32, #tpu.memory_space<hbm>> -> memref<128x128xf32, #tpu.memory_space<hbm>>
      %dma_start3A_2309 = arith.constant 0 : i32
      %dma_start3A_2310 = arith.constant 0 : i32
      %dma_start3A_2311 = tpu.memref_slice %arg6[%dma_start3A_2300, %dma_start3A_2309, %dma_start3A_2310] : memref<5x128x128xf32, #tpu.memory_space<vmem>> -> memref<1x128x128xf32, #tpu.memory_space<vmem>>
      %dma_start3A_2312 = tpu.memref_squeeze %dma_start3A_2311 : memref<1x128x128xf32, #tpu.memory_space<vmem>> -> memref<128x128xf32, #tpu.memory_space<vmem>>
      tpu.enqueue_dma source(%dma_start3A_2312 : memref<128x128xf32, #tpu.memory_space<vmem>>) target(%dma_start3A_2308 : memref<128x128xf32, #tpu.memory_space<hbm>>) target_semaphore(%arg8 : memref<!tpu.dma_semaphore, #tpu.memory_space<semaphore_mem>>)
      %dma_wait3A_2313 = arith.constant 1 : i32
      %dma_wait3A_2314 = arith.constant 0 : i32
      %dma_wait3A_2315 = tpu.memref_slice %arg5[%dma_wait3A_2313, %dma_wait3A_2314] : memref<10x128xi32, #tpu.memory_space<vmem>> -> memref<1x128xi32, #tpu.memory_space<vmem>>
      %dma_wait3A_2316 = tpu.memref_squeeze %dma_wait3A_2315 : memref<1x128xi32, #tpu.memory_space<vmem>> -> memref<128xi32, #tpu.memory_space<vmem>>
      %dma_wait3A_2317 = arith.constant 0 : i32
      %dma_wait3A_2318 = tpu.memref_slice %arg2[%mul3A_2, %dma_wait3A_2317] : memref<6400x128xi32, #tpu.memory_space<hbm>> -> memref<1x128xi32, #tpu.memory_space<hbm>>
      %dma_wait3A_2319 = tpu.memref_squeeze %dma_wait3A_2318 : memref<1x128xi32, #tpu.memory_space<hbm>> -> memref<128xi32, #tpu.memory_space<hbm>>
      %dma_wait3A_2320 = arith.constant 0 : i32
      %dma_wait3A_2321 = tpu.memref_slice %arg5[%dma_wait3A_2313, %dma_wait3A_2320] : memref<10x128xi32, #tpu.memory_space<vmem>> -> memref<1x128xi32, #tpu.memory_space<vmem>>
      %dma_wait3A_2322 = tpu.memref_squeeze %dma_wait3A_2321 : memref<1x128xi32, #tpu.memory_space<vmem>> -> memref<128xi32, #tpu.memory_space<vmem>>
      %dma_wait3A_2323 = arith.constant 0 : i32
      %dma_wait3A_2324 = tpu.memref_slice %arg2[%mul3A_2, %dma_wait3A_2323] : memref<6400x128xi32, #tpu.memory_space<hbm>> -> memref<1x128xi32, #tpu.memory_space<hbm>>
      %dma_wait3A_2325 = tpu.memref_squeeze %dma_wait3A_2324 : memref<1x128xi32, #tpu.memory_space<hbm>> -> memref<128xi32, #tpu.memory_space<hbm>>
      tpu.wait_dma2 semaphore(%arg9 : memref<!tpu.dma_semaphore, #tpu.memory_space<semaphore_mem>>) src(%dma_wait3A_2325 : memref<128xi32, #tpu.memory_space<hbm>>) dst(%dma_wait3A_2322 : memref<128xi32, #tpu.memory_space<vmem>>)
      %dma_wait3A_2326 = arith.constant 1 : i32
      %dma_wait3A_2327 = arith.constant 0 : i32
      %dma_wait3A_2328 = arith.constant 0 : i32
      %dma_wait3A_2329 = tpu.memref_slice %arg6[%dma_wait3A_2326, %dma_wait3A_2327, %dma_wait3A_2328] : memref<5x128x128xf32, #tpu.memory_space<vmem>> -> memref<1x128x128xf32, #tpu.memory_space<vmem>>
      %dma_wait3A_2330 = tpu.memref_squeeze %dma_wait3A_2329 : memref<1x128x128xf32, #tpu.memory_space<vmem>> -> memref<128x128xf32, #tpu.memory_space<vmem>>
      %dma_wait3A_2331 = arith.constant 0 : i32
      %dma_wait3A_2332 = tpu.memref_slice %arg4[%mul3A_4, %dma_wait3A_2331] : memref<819200x128xf32, #tpu.memory_space<hbm>> -> memref<128x128xf32, #tpu.memory_space<hbm>>
      %dma_wait3A_2333 = arith.constant 0 : i32
      %dma_wait3A_2334 = tpu.memref_slice %arg4[%mul3A_4, %dma_wait3A_2333] : memref<819200x128xf32, #tpu.memory_space<hbm>> -> memref<128x128xf32, #tpu.memory_space<hbm>>
      %dma_wait3A_2335 = arith.constant 0 : i32
      %dma_wait3A_2336 = arith.constant 0 : i32
      %dma_wait3A_2337 = tpu.memref_slice %arg6[%dma_wait3A_2326, %dma_wait3A_2335, %dma_wait3A_2336] : memref<5x128x128xf32, #tpu.memory_space<vmem>> -> memref<1x128x128xf32, #tpu.memory_space<vmem>>
      %dma_wait3A_2338 = tpu.memref_squeeze %dma_wait3A_2337 : memref<1x128x128xf32, #tpu.memory_space<vmem>> -> memref<128x128xf32, #tpu.memory_space<vmem>>
      tpu.wait_dma2 semaphore(%arg8 : memref<!tpu.dma_semaphore, #tpu.memory_space<semaphore_mem>>) src(%dma_wait3A_2338 : memref<128x128xf32, #tpu.memory_space<vmem>>) dst(%dma_wait3A_2334 : memref<128x128xf32, #tpu.memory_space<hbm>>)
      %dma_start3A_2339 = arith.constant 1 : i32
      %dma_start3A_2340 = arith.constant 1 : i32
      %dma_start3A_2341 = arith.constant 0 : i32
      %dma_start3A_2342 = arith.constant 0 : i32
      %dma_start3A_2343 = tpu.memref_slice %arg6[%dma_start3A_2340, %dma_start3A_2341, %dma_start3A_2342] : memref<5x128x128xf32, #tpu.memory_space<vmem>> -> memref<1x128x128xf32, #tpu.memory_space<vmem>>
      %dma_start3A_2344 = tpu.memref_squeeze %dma_start3A_2343 : memref<1x128x128xf32, #tpu.memory_space<vmem>> -> memref<128x128xf32, #tpu.memory_space<vmem>>
      %dma_start3A_2345 = arith.constant 0 : i32
      %dma_start3A_2346 = tpu.memref_slice %arg5[%dma_start3A_2339, %dma_start3A_2345] : memref<10x128xi32, #tpu.memory_space<vmem>> -> memref<1x128xi32, #tpu.memory_space<vmem>>
      %dma_start3A_2347 = tpu.memref_squeeze %dma_start3A_2346 : memref<1x128xi32, #tpu.memory_space<vmem>> -> memref<128xi32, #tpu.memory_space<vmem>>
      %dma_start3A_2348 = arith.constant 0 : i32
      %dma_start3A_2349 = arith.constant 0 : i32
      %dma_start3A_2350 = tpu.memref_slice %arg3[%dma_start3A_2348, %dma_start3A_2349] : memref<100000x128xf32, #tpu.memory_space<hbm>> -> memref<100000x128xf32, #tpu.memory_space<hbm>>
      tpu.enqueue_indirect_dma source(%dma_start3A_2350 : memref<100000x128xf32, #tpu.memory_space<hbm>>) target(%dma_start3A_2344 : memref<128x128xf32, #tpu.memory_space<vmem>>) offsets(%dma_start3A_2347 : memref<128xi32, #tpu.memory_space<vmem>>) semaphore(%arg7 : memref<!tpu.dma_semaphore, #tpu.memory_space<semaphore_mem>>)
      %add3A_2351 = arith.constant 6 : i32
      %add3A_2352 = arith.addi %add3A_2284, %add3A_2351 : i32
      %add3A_2353 = arith.addi %mul3A_2, %add3A_2352 : i32
      %dma_start3A_2354 = arith.constant 4 : i32
      %dma_start3A_2355 = arith.constant 0 : i32
      %dma_start3A_2356 = tpu.memref_slice %arg5[%dma_start3A_2354, %dma_start3A_2355] : memref<10x128xi32, #tpu.memory_space<vmem>> -> memref<1x128xi32, #tpu.memory_space<vmem>>
      %dma_start3A_2357 = tpu.memref_squeeze %dma_start3A_2356 : memref<1x128xi32, #tpu.memory_space<vmem>> -> memref<128xi32, #tpu.memory_space<vmem>>
      %dma_start3A_2358 = arith.constant 0 : i32
      %dma_start3A_2359 = tpu.memref_slice %arg2[%add3A_2353, %dma_start3A_2358] : memref<6400x128xi32, #tpu.memory_space<hbm>> -> memref<1x128xi32, #tpu.memory_space<hbm>>
      %dma_start3A_2360 = tpu.memref_squeeze %dma_start3A_2359 : memref<1x128xi32, #tpu.memory_space<hbm>> -> memref<128xi32, #tpu.memory_space<hbm>>
      %dma_start3A_2361 = arith.constant 0 : i32
      %dma_start3A_2362 = tpu.memref_slice %arg5[%dma_start3A_2354, %dma_start3A_2361] : memref<10x128xi32, #tpu.memory_space<vmem>> -> memref<1x128xi32, #tpu.memory_space<vmem>>
      %dma_start3A_2363 = tpu.memref_squeeze %dma_start3A_2362 : memref<1x128xi32, #tpu.memory_space<vmem>> -> memref<128xi32, #tpu.memory_space<vmem>>
      %dma_start3A_2364 = arith.constant 0 : i32
      %dma_start3A_2365 = tpu.memref_slice %arg2[%add3A_2353, %dma_start3A_2364] : memref<6400x128xi32, #tpu.memory_space<hbm>> -> memref<1x128xi32, #tpu.memory_space<hbm>>
      %dma_start3A_2366 = tpu.memref_squeeze %dma_start3A_2365 : memref<1x128xi32, #tpu.memory_space<hbm>> -> memref<128xi32, #tpu.memory_space<hbm>>
      tpu.enqueue_dma source(%dma_start3A_2366 : memref<128xi32, #tpu.memory_space<hbm>>) target(%dma_start3A_2363 : memref<128xi32, #tpu.memory_space<vmem>>) target_semaphore(%arg9 : memref<!tpu.dma_semaphore, #tpu.memory_space<semaphore_mem>>)
      %add3A_2367 = arith.constant 9 : i32
      %add3A_2368 = arith.addi %mul3A_1610, %add3A_2367 : i32
      %dma_wait3A_2369 = arith.constant 9 : i32
      %dma_wait3A_2370 = arith.constant 4 : i32
      %dma_wait3A_2371 = arith.constant 0 : i32
      %dma_wait3A_2372 = arith.constant 0 : i32
      %dma_wait3A_2373 = tpu.memref_slice %arg6[%dma_wait3A_2370, %dma_wait3A_2371, %dma_wait3A_2372] : memref<5x128x128xf32, #tpu.memory_space<vmem>> -> memref<1x128x128xf32, #tpu.memory_space<vmem>>
      %dma_wait3A_2374 = tpu.memref_squeeze %dma_wait3A_2373 : memref<1x128x128xf32, #tpu.memory_space<vmem>> -> memref<128x128xf32, #tpu.memory_space<vmem>>
      %dma_wait3A_2375 = arith.constant 0 : i32
      %dma_wait3A_2376 = tpu.memref_slice %arg5[%dma_wait3A_2369, %dma_wait3A_2375] : memref<10x128xi32, #tpu.memory_space<vmem>> -> memref<1x128xi32, #tpu.memory_space<vmem>>
      %dma_wait3A_2377 = tpu.memref_squeeze %dma_wait3A_2376 : memref<1x128xi32, #tpu.memory_space<vmem>> -> memref<128xi32, #tpu.memory_space<vmem>>
      %dma_wait3A_2378 = arith.constant 0 : i32
      %dma_wait3A_2379 = arith.constant 0 : i32
      %dma_wait3A_2380 = tpu.memref_slice %arg3[%dma_wait3A_2378, %dma_wait3A_2379] : memref<100000x128xf32, #tpu.memory_space<hbm>> -> memref<100000x128xf32, #tpu.memory_space<hbm>>
      tpu.wait_indirect_dma semaphore(%arg7 : memref<!tpu.dma_semaphore, #tpu.memory_space<semaphore_mem>>) src(%dma_wait3A_2380 : memref<100000x128xf32, #tpu.memory_space<hbm>>) dst(%dma_wait3A_2374 : memref<128x128xf32, #tpu.memory_space<vmem>>)
      %mul3A_2381 = arith.constant 128 : i32
      %mul3A_2382 = arith.muli %add3A_2368, %mul3A_2381 : i32
      %add3A_2383 = arith.addi %mul3A_4, %mul3A_2382 : i32
      %dma_start3A_2384 = arith.constant 4 : i32
      %dma_start3A_2385 = arith.constant 0 : i32
      %dma_start3A_2386 = arith.constant 0 : i32
      %dma_start3A_2387 = tpu.memref_slice %arg6[%dma_start3A_2384, %dma_start3A_2385, %dma_start3A_2386] : memref<5x128x128xf32, #tpu.memory_space<vmem>> -> memref<1x128x128xf32, #tpu.memory_space<vmem>>
      %dma_start3A_2388 = tpu.memref_squeeze %dma_start3A_2387 : memref<1x128x128xf32, #tpu.memory_space<vmem>> -> memref<128x128xf32, #tpu.memory_space<vmem>>
      %dma_start3A_2389 = arith.constant 0 : i32
      %dma_start3A_2390 = tpu.memref_slice %arg4[%add3A_2383, %dma_start3A_2389] : memref<819200x128xf32, #tpu.memory_space<hbm>> -> memref<128x128xf32, #tpu.memory_space<hbm>>
      %dma_start3A_2391 = arith.constant 0 : i32
      %dma_start3A_2392 = tpu.memref_slice %arg4[%add3A_2383, %dma_start3A_2391] : memref<819200x128xf32, #tpu.memory_space<hbm>> -> memref<128x128xf32, #tpu.memory_space<hbm>>
      %dma_start3A_2393 = arith.constant 0 : i32
      %dma_start3A_2394 = arith.constant 0 : i32
      %dma_start3A_2395 = tpu.memref_slice %arg6[%dma_start3A_2384, %dma_start3A_2393, %dma_start3A_2394] : memref<5x128x128xf32, #tpu.memory_space<vmem>> -> memref<1x128x128xf32, #tpu.memory_space<vmem>>
      %dma_start3A_2396 = tpu.memref_squeeze %dma_start3A_2395 : memref<1x128x128xf32, #tpu.memory_space<vmem>> -> memref<128x128xf32, #tpu.memory_space<vmem>>
      tpu.enqueue_dma source(%dma_start3A_2396 : memref<128x128xf32, #tpu.memory_space<vmem>>) target(%dma_start3A_2392 : memref<128x128xf32, #tpu.memory_space<hbm>>) target_semaphore(%arg8 : memref<!tpu.dma_semaphore, #tpu.memory_space<semaphore_mem>>)
      %dma_wait3A_2397 = arith.constant 2 : i32
      %dma_wait3A_2398 = arith.constant 0 : i32
      %dma_wait3A_2399 = tpu.memref_slice %arg5[%dma_wait3A_2397, %dma_wait3A_2398] : memref<10x128xi32, #tpu.memory_space<vmem>> -> memref<1x128xi32, #tpu.memory_space<vmem>>
      %dma_wait3A_2400 = tpu.memref_squeeze %dma_wait3A_2399 : memref<1x128xi32, #tpu.memory_space<vmem>> -> memref<128xi32, #tpu.memory_space<vmem>>
      %dma_wait3A_2401 = arith.constant 0 : i32
      %dma_wait3A_2402 = tpu.memref_slice %arg2[%mul3A_2, %dma_wait3A_2401] : memref<6400x128xi32, #tpu.memory_space<hbm>> -> memref<1x128xi32, #tpu.memory_space<hbm>>
      %dma_wait3A_2403 = tpu.memref_squeeze %dma_wait3A_2402 : memref<1x128xi32, #tpu.memory_space<hbm>> -> memref<128xi32, #tpu.memory_space<hbm>>
      %dma_wait3A_2404 = arith.constant 0 : i32
      %dma_wait3A_2405 = tpu.memref_slice %arg5[%dma_wait3A_2397, %dma_wait3A_2404] : memref<10x128xi32, #tpu.memory_space<vmem>> -> memref<1x128xi32, #tpu.memory_space<vmem>>
      %dma_wait3A_2406 = tpu.memref_squeeze %dma_wait3A_2405 : memref<1x128xi32, #tpu.memory_space<vmem>> -> memref<128xi32, #tpu.memory_space<vmem>>
      %dma_wait3A_2407 = arith.constant 0 : i32
      %dma_wait3A_2408 = tpu.memref_slice %arg2[%mul3A_2, %dma_wait3A_2407] : memref<6400x128xi32, #tpu.memory_space<hbm>> -> memref<1x128xi32, #tpu.memory_space<hbm>>
      %dma_wait3A_2409 = tpu.memref_squeeze %dma_wait3A_2408 : memref<1x128xi32, #tpu.memory_space<hbm>> -> memref<128xi32, #tpu.memory_space<hbm>>
      tpu.wait_dma2 semaphore(%arg9 : memref<!tpu.dma_semaphore, #tpu.memory_space<semaphore_mem>>) src(%dma_wait3A_2409 : memref<128xi32, #tpu.memory_space<hbm>>) dst(%dma_wait3A_2406 : memref<128xi32, #tpu.memory_space<vmem>>)
      %dma_wait3A_2410 = arith.constant 2 : i32
      %dma_wait3A_2411 = arith.constant 0 : i32
      %dma_wait3A_2412 = arith.constant 0 : i32
      %dma_wait3A_2413 = tpu.memref_slice %arg6[%dma_wait3A_2410, %dma_wait3A_2411, %dma_wait3A_2412] : memref<5x128x128xf32, #tpu.memory_space<vmem>> -> memref<1x128x128xf32, #tpu.memory_space<vmem>>
      %dma_wait3A_2414 = tpu.memref_squeeze %dma_wait3A_2413 : memref<1x128x128xf32, #tpu.memory_space<vmem>> -> memref<128x128xf32, #tpu.memory_space<vmem>>
      %dma_wait3A_2415 = arith.constant 0 : i32
      %dma_wait3A_2416 = tpu.memref_slice %arg4[%mul3A_4, %dma_wait3A_2415] : memref<819200x128xf32, #tpu.memory_space<hbm>> -> memref<128x128xf32, #tpu.memory_space<hbm>>
      %dma_wait3A_2417 = arith.constant 0 : i32
      %dma_wait3A_2418 = tpu.memref_slice %arg4[%mul3A_4, %dma_wait3A_2417] : memref<819200x128xf32, #tpu.memory_space<hbm>> -> memref<128x128xf32, #tpu.memory_space<hbm>>
      %dma_wait3A_2419 = arith.constant 0 : i32
      %dma_wait3A_2420 = arith.constant 0 : i32
      %dma_wait3A_2421 = tpu.memref_slice %arg6[%dma_wait3A_2410, %dma_wait3A_2419, %dma_wait3A_2420] : memref<5x128x128xf32, #tpu.memory_space<vmem>> -> memref<1x128x128xf32, #tpu.memory_space<vmem>>
      %dma_wait3A_2422 = tpu.memref_squeeze %dma_wait3A_2421 : memref<1x128x128xf32, #tpu.memory_space<vmem>> -> memref<128x128xf32, #tpu.memory_space<vmem>>
      tpu.wait_dma2 semaphore(%arg8 : memref<!tpu.dma_semaphore, #tpu.memory_space<semaphore_mem>>) src(%dma_wait3A_2422 : memref<128x128xf32, #tpu.memory_space<vmem>>) dst(%dma_wait3A_2418 : memref<128x128xf32, #tpu.memory_space<hbm>>)
      %dma_start3A_2423 = arith.constant 2 : i32
      %dma_start3A_2424 = arith.constant 2 : i32
      %dma_start3A_2425 = arith.constant 0 : i32
      %dma_start3A_2426 = arith.constant 0 : i32
      %dma_start3A_2427 = tpu.memref_slice %arg6[%dma_start3A_2424, %dma_start3A_2425, %dma_start3A_2426] : memref<5x128x128xf32, #tpu.memory_space<vmem>> -> memref<1x128x128xf32, #tpu.memory_space<vmem>>
      %dma_start3A_2428 = tpu.memref_squeeze %dma_start3A_2427 : memref<1x128x128xf32, #tpu.memory_space<vmem>> -> memref<128x128xf32, #tpu.memory_space<vmem>>
      %dma_start3A_2429 = arith.constant 0 : i32
      %dma_start3A_2430 = tpu.memref_slice %arg5[%dma_start3A_2423, %dma_start3A_2429] : memref<10x128xi32, #tpu.memory_space<vmem>> -> memref<1x128xi32, #tpu.memory_space<vmem>>
      %dma_start3A_2431 = tpu.memref_squeeze %dma_start3A_2430 : memref<1x128xi32, #tpu.memory_space<vmem>> -> memref<128xi32, #tpu.memory_space<vmem>>
      %dma_start3A_2432 = arith.constant 0 : i32
      %dma_start3A_2433 = arith.constant 0 : i32
      %dma_start3A_2434 = tpu.memref_slice %arg3[%dma_start3A_2432, %dma_start3A_2433] : memref<100000x128xf32, #tpu.memory_space<hbm>> -> memref<100000x128xf32, #tpu.memory_space<hbm>>
      tpu.enqueue_indirect_dma source(%dma_start3A_2434 : memref<100000x128xf32, #tpu.memory_space<hbm>>) target(%dma_start3A_2428 : memref<128x128xf32, #tpu.memory_space<vmem>>) offsets(%dma_start3A_2431 : memref<128xi32, #tpu.memory_space<vmem>>) semaphore(%arg7 : memref<!tpu.dma_semaphore, #tpu.memory_space<semaphore_mem>>)
      %add3A_2435 = arith.constant 6 : i32
      %add3A_2436 = arith.addi %add3A_2368, %add3A_2435 : i32
      %add3A_2437 = arith.addi %mul3A_2, %add3A_2436 : i32
      %dma_start3A_2438 = arith.constant 5 : i32
      %dma_start3A_2439 = arith.constant 0 : i32
      %dma_start3A_2440 = tpu.memref_slice %arg5[%dma_start3A_2438, %dma_start3A_2439] : memref<10x128xi32, #tpu.memory_space<vmem>> -> memref<1x128xi32, #tpu.memory_space<vmem>>
      %dma_start3A_2441 = tpu.memref_squeeze %dma_start3A_2440 : memref<1x128xi32, #tpu.memory_space<vmem>> -> memref<128xi32, #tpu.memory_space<vmem>>
      %dma_start3A_2442 = arith.constant 0 : i32
      %dma_start3A_2443 = tpu.memref_slice %arg2[%add3A_2437, %dma_start3A_2442] : memref<6400x128xi32, #tpu.memory_space<hbm>> -> memref<1x128xi32, #tpu.memory_space<hbm>>
      %dma_start3A_2444 = tpu.memref_squeeze %dma_start3A_2443 : memref<1x128xi32, #tpu.memory_space<hbm>> -> memref<128xi32, #tpu.memory_space<hbm>>
      %dma_start3A_2445 = arith.constant 0 : i32
      %dma_start3A_2446 = tpu.memref_slice %arg5[%dma_start3A_2438, %dma_start3A_2445] : memref<10x128xi32, #tpu.memory_space<vmem>> -> memref<1x128xi32, #tpu.memory_space<vmem>>
      %dma_start3A_2447 = tpu.memref_squeeze %dma_start3A_2446 : memref<1x128xi32, #tpu.memory_space<vmem>> -> memref<128xi32, #tpu.memory_space<vmem>>
      %dma_start3A_2448 = arith.constant 0 : i32
      %dma_start3A_2449 = tpu.memref_slice %arg2[%add3A_2437, %dma_start3A_2448] : memref<6400x128xi32, #tpu.memory_space<hbm>> -> memref<1x128xi32, #tpu.memory_space<hbm>>
      %dma_start3A_2450 = tpu.memref_squeeze %dma_start3A_2449 : memref<1x128xi32, #tpu.memory_space<hbm>> -> memref<128xi32, #tpu.memory_space<hbm>>
      tpu.enqueue_dma source(%dma_start3A_2450 : memref<128xi32, #tpu.memory_space<hbm>>) target(%dma_start3A_2447 : memref<128xi32, #tpu.memory_space<vmem>>) target_semaphore(%arg9 : memref<!tpu.dma_semaphore, #tpu.memory_space<semaphore_mem>>)
    }
    %scan3A_946 = arith.constant 18 : i32
    %dma_wait3A_947 = arith.constant 0 : i32
    %dma_wait3A_948 = arith.constant 0 : i32
    %dma_wait3A_949 = arith.constant 0 : i32
    %dma_wait3A_950 = arith.constant 0 : i32
    %dma_wait3A_951 = tpu.memref_slice %arg6[%dma_wait3A_948, %dma_wait3A_949, %dma_wait3A_950] : memref<5x128x128xf32, #tpu.memory_space<vmem>> -> memref<1x128x128xf32, #tpu.memory_space<vmem>>
    %dma_wait3A_952 = tpu.memref_squeeze %dma_wait3A_951 : memref<1x128x128xf32, #tpu.memory_space<vmem>> -> memref<128x128xf32, #tpu.memory_space<vmem>>
    %dma_wait3A_953 = arith.constant 0 : i32
    %dma_wait3A_954 = tpu.memref_slice %arg5[%dma_wait3A_947, %dma_wait3A_953] : memref<10x128xi32, #tpu.memory_space<vmem>> -> memref<1x128xi32, #tpu.memory_space<vmem>>
    %dma_wait3A_955 = tpu.memref_squeeze %dma_wait3A_954 : memref<1x128xi32, #tpu.memory_space<vmem>> -> memref<128xi32, #tpu.memory_space<vmem>>
    %dma_wait3A_956 = arith.constant 0 : i32
    %dma_wait3A_957 = arith.constant 0 : i32
    %dma_wait3A_958 = tpu.memref_slice %arg3[%dma_wait3A_956, %dma_wait3A_957] : memref<100000x128xf32, #tpu.memory_space<hbm>> -> memref<100000x128xf32, #tpu.memory_space<hbm>>
    tpu.wait_indirect_dma semaphore(%arg7 : memref<!tpu.dma_semaphore, #tpu.memory_space<semaphore_mem>>) src(%dma_wait3A_958 : memref<100000x128xf32, #tpu.memory_space<hbm>>) dst(%dma_wait3A_952 : memref<128x128xf32, #tpu.memory_space<vmem>>)
    %add3A_959 = arith.constant 24320 : i32
    %add3A_960 = arith.addi %mul3A_4, %add3A_959 : i32
    %dma_start3A_961 = arith.constant 0 : i32
    %dma_start3A_962 = arith.constant 0 : i32
    %dma_start3A_963 = arith.constant 0 : i32
    %dma_start3A_964 = tpu.memref_slice %arg6[%dma_start3A_961, %dma_start3A_962, %dma_start3A_963] : memref<5x128x128xf32, #tpu.memory_space<vmem>> -> memref<1x128x128xf32, #tpu.memory_space<vmem>>
    %dma_start3A_965 = tpu.memref_squeeze %dma_start3A_964 : memref<1x128x128xf32, #tpu.memory_space<vmem>> -> memref<128x128xf32, #tpu.memory_space<vmem>>
    %dma_start3A_966 = arith.constant 0 : i32
    %dma_start3A_967 = tpu.memref_slice %arg4[%add3A_960, %dma_start3A_966] : memref<819200x128xf32, #tpu.memory_space<hbm>> -> memref<128x128xf32, #tpu.memory_space<hbm>>
    %dma_start3A_968 = arith.constant 0 : i32
    %dma_start3A_969 = tpu.memref_slice %arg4[%add3A_960, %dma_start3A_968] : memref<819200x128xf32, #tpu.memory_space<hbm>> -> memref<128x128xf32, #tpu.memory_space<hbm>>
    %dma_start3A_970 = arith.constant 0 : i32
    %dma_start3A_971 = arith.constant 0 : i32
    %dma_start3A_972 = tpu.memref_slice %arg6[%dma_start3A_961, %dma_start3A_970, %dma_start3A_971] : memref<5x128x128xf32, #tpu.memory_space<vmem>> -> memref<1x128x128xf32, #tpu.memory_space<vmem>>
    %dma_start3A_973 = tpu.memref_squeeze %dma_start3A_972 : memref<1x128x128xf32, #tpu.memory_space<vmem>> -> memref<128x128xf32, #tpu.memory_space<vmem>>
    tpu.enqueue_dma source(%dma_start3A_973 : memref<128x128xf32, #tpu.memory_space<vmem>>) target(%dma_start3A_969 : memref<128x128xf32, #tpu.memory_space<hbm>>) target_semaphore(%arg8 : memref<!tpu.dma_semaphore, #tpu.memory_space<semaphore_mem>>)
    %dma_wait3A_974 = arith.constant 3 : i32
    %dma_wait3A_975 = arith.constant 0 : i32
    %dma_wait3A_976 = tpu.memref_slice %arg5[%dma_wait3A_974, %dma_wait3A_975] : memref<10x128xi32, #tpu.memory_space<vmem>> -> memref<1x128xi32, #tpu.memory_space<vmem>>
    %dma_wait3A_977 = tpu.memref_squeeze %dma_wait3A_976 : memref<1x128xi32, #tpu.memory_space<vmem>> -> memref<128xi32, #tpu.memory_space<vmem>>
    %dma_wait3A_978 = arith.constant 0 : i32
    %dma_wait3A_979 = tpu.memref_slice %arg2[%mul3A_2, %dma_wait3A_978] : memref<6400x128xi32, #tpu.memory_space<hbm>> -> memref<1x128xi32, #tpu.memory_space<hbm>>
    %dma_wait3A_980 = tpu.memref_squeeze %dma_wait3A_979 : memref<1x128xi32, #tpu.memory_space<hbm>> -> memref<128xi32, #tpu.memory_space<hbm>>
    %dma_wait3A_981 = arith.constant 0 : i32
    %dma_wait3A_982 = tpu.memref_slice %arg5[%dma_wait3A_974, %dma_wait3A_981] : memref<10x128xi32, #tpu.memory_space<vmem>> -> memref<1x128xi32, #tpu.memory_space<vmem>>
    %dma_wait3A_983 = tpu.memref_squeeze %dma_wait3A_982 : memref<1x128xi32, #tpu.memory_space<vmem>> -> memref<128xi32, #tpu.memory_space<vmem>>
    %dma_wait3A_984 = arith.constant 0 : i32
    %dma_wait3A_985 = tpu.memref_slice %arg2[%mul3A_2, %dma_wait3A_984] : memref<6400x128xi32, #tpu.memory_space<hbm>> -> memref<1x128xi32, #tpu.memory_space<hbm>>
    %dma_wait3A_986 = tpu.memref_squeeze %dma_wait3A_985 : memref<1x128xi32, #tpu.memory_space<hbm>> -> memref<128xi32, #tpu.memory_space<hbm>>
    tpu.wait_dma2 semaphore(%arg9 : memref<!tpu.dma_semaphore, #tpu.memory_space<semaphore_mem>>) src(%dma_wait3A_986 : memref<128xi32, #tpu.memory_space<hbm>>) dst(%dma_wait3A_983 : memref<128xi32, #tpu.memory_space<vmem>>)
    %dma_wait3A_987 = arith.constant 3 : i32
    %dma_wait3A_988 = arith.constant 0 : i32
    %dma_wait3A_989 = arith.constant 0 : i32
    %dma_wait3A_990 = tpu.memref_slice %arg6[%dma_wait3A_987, %dma_wait3A_988, %dma_wait3A_989] : memref<5x128x128xf32, #tpu.memory_space<vmem>> -> memref<1x128x128xf32, #tpu.memory_space<vmem>>
    %dma_wait3A_991 = tpu.memref_squeeze %dma_wait3A_990 : memref<1x128x128xf32, #tpu.memory_space<vmem>> -> memref<128x128xf32, #tpu.memory_space<vmem>>
    %dma_wait3A_992 = arith.constant 0 : i32
    %dma_wait3A_993 = tpu.memref_slice %arg4[%mul3A_4, %dma_wait3A_992] : memref<819200x128xf32, #tpu.memory_space<hbm>> -> memref<128x128xf32, #tpu.memory_space<hbm>>
    %dma_wait3A_994 = arith.constant 0 : i32
    %dma_wait3A_995 = tpu.memref_slice %arg4[%mul3A_4, %dma_wait3A_994] : memref<819200x128xf32, #tpu.memory_space<hbm>> -> memref<128x128xf32, #tpu.memory_space<hbm>>
    %dma_wait3A_996 = arith.constant 0 : i32
    %dma_wait3A_997 = arith.constant 0 : i32
    %dma_wait3A_998 = tpu.memref_slice %arg6[%dma_wait3A_987, %dma_wait3A_996, %dma_wait3A_997] : memref<5x128x128xf32, #tpu.memory_space<vmem>> -> memref<1x128x128xf32, #tpu.memory_space<vmem>>
    %dma_wait3A_999 = tpu.memref_squeeze %dma_wait3A_998 : memref<1x128x128xf32, #tpu.memory_space<vmem>> -> memref<128x128xf32, #tpu.memory_space<vmem>>
    tpu.wait_dma2 semaphore(%arg8 : memref<!tpu.dma_semaphore, #tpu.memory_space<semaphore_mem>>) src(%dma_wait3A_999 : memref<128x128xf32, #tpu.memory_space<vmem>>) dst(%dma_wait3A_995 : memref<128x128xf32, #tpu.memory_space<hbm>>)
    %dma_start3A_1000 = arith.constant 3 : i32
    %dma_start3A_1001 = arith.constant 3 : i32
    %dma_start3A_1002 = arith.constant 0 : i32
    %dma_start3A_1003 = arith.constant 0 : i32
    %dma_start3A_1004 = tpu.memref_slice %arg6[%dma_start3A_1001, %dma_start3A_1002, %dma_start3A_1003] : memref<5x128x128xf32, #tpu.memory_space<vmem>> -> memref<1x128x128xf32, #tpu.memory_space<vmem>>
    %dma_start3A_1005 = tpu.memref_squeeze %dma_start3A_1004 : memref<1x128x128xf32, #tpu.memory_space<vmem>> -> memref<128x128xf32, #tpu.memory_space<vmem>>
    %dma_start3A_1006 = arith.constant 0 : i32
    %dma_start3A_1007 = tpu.memref_slice %arg5[%dma_start3A_1000, %dma_start3A_1006] : memref<10x128xi32, #tpu.memory_space<vmem>> -> memref<1x128xi32, #tpu.memory_space<vmem>>
    %dma_start3A_1008 = tpu.memref_squeeze %dma_start3A_1007 : memref<1x128xi32, #tpu.memory_space<vmem>> -> memref<128xi32, #tpu.memory_space<vmem>>
    %dma_start3A_1009 = arith.constant 0 : i32
    %dma_start3A_1010 = arith.constant 0 : i32
    %dma_start3A_1011 = tpu.memref_slice %arg3[%dma_start3A_1009, %dma_start3A_1010] : memref<100000x128xf32, #tpu.memory_space<hbm>> -> memref<100000x128xf32, #tpu.memory_space<hbm>>
    tpu.enqueue_indirect_dma source(%dma_start3A_1011 : memref<100000x128xf32, #tpu.memory_space<hbm>>) target(%dma_start3A_1005 : memref<128x128xf32, #tpu.memory_space<vmem>>) offsets(%dma_start3A_1008 : memref<128xi32, #tpu.memory_space<vmem>>) semaphore(%arg7 : memref<!tpu.dma_semaphore, #tpu.memory_space<semaphore_mem>>)
    %add3A_1012 = arith.constant 196 : i32
    %add3A_1013 = arith.addi %mul3A_2, %add3A_1012 : i32
    %dma_start3A_1014 = arith.constant 6 : i32
    %dma_start3A_1015 = arith.constant 0 : i32
    %dma_start3A_1016 = tpu.memref_slice %arg5[%dma_start3A_1014, %dma_start3A_1015] : memref<10x128xi32, #tpu.memory_space<vmem>> -> memref<1x128xi32, #tpu.memory_space<vmem>>
    %dma_start3A_1017 = tpu.memref_squeeze %dma_start3A_1016 : memref<1x128xi32, #tpu.memory_space<vmem>> -> memref<128xi32, #tpu.memory_space<vmem>>
    %dma_start3A_1018 = arith.constant 0 : i32
    %dma_start3A_1019 = tpu.memref_slice %arg2[%add3A_1013, %dma_start3A_1018] : memref<6400x128xi32, #tpu.memory_space<hbm>> -> memref<1x128xi32, #tpu.memory_space<hbm>>
    %dma_start3A_1020 = tpu.memref_squeeze %dma_start3A_1019 : memref<1x128xi32, #tpu.memory_space<hbm>> -> memref<128xi32, #tpu.memory_space<hbm>>
    %dma_start3A_1021 = arith.constant 0 : i32
    %dma_start3A_1022 = tpu.memref_slice %arg5[%dma_start3A_1014, %dma_start3A_1021] : memref<10x128xi32, #tpu.memory_space<vmem>> -> memref<1x128xi32, #tpu.memory_space<vmem>>
    %dma_start3A_1023 = tpu.memref_squeeze %dma_start3A_1022 : memref<1x128xi32, #tpu.memory_space<vmem>> -> memref<128xi32, #tpu.memory_space<vmem>>
    %dma_start3A_1024 = arith.constant 0 : i32
    %dma_start3A_1025 = tpu.memref_slice %arg2[%add3A_1013, %dma_start3A_1024] : memref<6400x128xi32, #tpu.memory_space<hbm>> -> memref<1x128xi32, #tpu.memory_space<hbm>>
    %dma_start3A_1026 = tpu.memref_squeeze %dma_start3A_1025 : memref<1x128xi32, #tpu.memory_space<hbm>> -> memref<128xi32, #tpu.memory_space<hbm>>
    tpu.enqueue_dma source(%dma_start3A_1026 : memref<128xi32, #tpu.memory_space<hbm>>) target(%dma_start3A_1023 : memref<128xi32, #tpu.memory_space<vmem>>) target_semaphore(%arg9 : memref<!tpu.dma_semaphore, #tpu.memory_space<semaphore_mem>>)
    %dma_wait3A_1027 = arith.constant 1 : i32
    %dma_wait3A_1028 = arith.constant 1 : i32
    %dma_wait3A_1029 = arith.constant 0 : i32
    %dma_wait3A_1030 = arith.constant 0 : i32
    %dma_wait3A_1031 = tpu.memref_slice %arg6[%dma_wait3A_1028, %dma_wait3A_1029, %dma_wait3A_1030] : memref<5x128x128xf32, #tpu.memory_space<vmem>> -> memref<1x128x128xf32, #tpu.memory_space<vmem>>
    %dma_wait3A_1032 = tpu.memref_squeeze %dma_wait3A_1031 : memref<1x128x128xf32, #tpu.memory_space<vmem>> -> memref<128x128xf32, #tpu.memory_space<vmem>>
    %dma_wait3A_1033 = arith.constant 0 : i32
    %dma_wait3A_1034 = tpu.memref_slice %arg5[%dma_wait3A_1027, %dma_wait3A_1033] : memref<10x128xi32, #tpu.memory_space<vmem>> -> memref<1x128xi32, #tpu.memory_space<vmem>>
    %dma_wait3A_1035 = tpu.memref_squeeze %dma_wait3A_1034 : memref<1x128xi32, #tpu.memory_space<vmem>> -> memref<128xi32, #tpu.memory_space<vmem>>
    %dma_wait3A_1036 = arith.constant 0 : i32
    %dma_wait3A_1037 = arith.constant 0 : i32
    %dma_wait3A_1038 = tpu.memref_slice %arg3[%dma_wait3A_1036, %dma_wait3A_1037] : memref<100000x128xf32, #tpu.memory_space<hbm>> -> memref<100000x128xf32, #tpu.memory_space<hbm>>
    tpu.wait_indirect_dma semaphore(%arg7 : memref<!tpu.dma_semaphore, #tpu.memory_space<semaphore_mem>>) src(%dma_wait3A_1038 : memref<100000x128xf32, #tpu.memory_space<hbm>>) dst(%dma_wait3A_1032 : memref<128x128xf32, #tpu.memory_space<vmem>>)
    %add3A_1039 = arith.constant 24448 : i32
    %add3A_1040 = arith.addi %mul3A_4, %add3A_1039 : i32
    %dma_start3A_1041 = arith.constant 1 : i32
    %dma_start3A_1042 = arith.constant 0 : i32
    %dma_start3A_1043 = arith.constant 0 : i32
    %dma_start3A_1044 = tpu.memref_slice %arg6[%dma_start3A_1041, %dma_start3A_1042, %dma_start3A_1043] : memref<5x128x128xf32, #tpu.memory_space<vmem>> -> memref<1x128x128xf32, #tpu.memory_space<vmem>>
    %dma_start3A_1045 = tpu.memref_squeeze %dma_start3A_1044 : memref<1x128x128xf32, #tpu.memory_space<vmem>> -> memref<128x128xf32, #tpu.memory_space<vmem>>
    %dma_start3A_1046 = arith.constant 0 : i32
    %dma_start3A_1047 = tpu.memref_slice %arg4[%add3A_1040, %dma_start3A_1046] : memref<819200x128xf32, #tpu.memory_space<hbm>> -> memref<128x128xf32, #tpu.memory_space<hbm>>
    %dma_start3A_1048 = arith.constant 0 : i32
    %dma_start3A_1049 = tpu.memref_slice %arg4[%add3A_1040, %dma_start3A_1048] : memref<819200x128xf32, #tpu.memory_space<hbm>> -> memref<128x128xf32, #tpu.memory_space<hbm>>
    %dma_start3A_1050 = arith.constant 0 : i32
    %dma_start3A_1051 = arith.constant 0 : i32
    %dma_start3A_1052 = tpu.memref_slice %arg6[%dma_start3A_1041, %dma_start3A_1050, %dma_start3A_1051] : memref<5x128x128xf32, #tpu.memory_space<vmem>> -> memref<1x128x128xf32, #tpu.memory_space<vmem>>
    %dma_start3A_1053 = tpu.memref_squeeze %dma_start3A_1052 : memref<1x128x128xf32, #tpu.memory_space<vmem>> -> memref<128x128xf32, #tpu.memory_space<vmem>>
    tpu.enqueue_dma source(%dma_start3A_1053 : memref<128x128xf32, #tpu.memory_space<vmem>>) target(%dma_start3A_1049 : memref<128x128xf32, #tpu.memory_space<hbm>>) target_semaphore(%arg8 : memref<!tpu.dma_semaphore, #tpu.memory_space<semaphore_mem>>)
    %dma_wait3A_1054 = arith.constant 4 : i32
    %dma_wait3A_1055 = arith.constant 0 : i32
    %dma_wait3A_1056 = tpu.memref_slice %arg5[%dma_wait3A_1054, %dma_wait3A_1055] : memref<10x128xi32, #tpu.memory_space<vmem>> -> memref<1x128xi32, #tpu.memory_space<vmem>>
    %dma_wait3A_1057 = tpu.memref_squeeze %dma_wait3A_1056 : memref<1x128xi32, #tpu.memory_space<vmem>> -> memref<128xi32, #tpu.memory_space<vmem>>
    %dma_wait3A_1058 = arith.constant 0 : i32
    %dma_wait3A_1059 = tpu.memref_slice %arg2[%mul3A_2, %dma_wait3A_1058] : memref<6400x128xi32, #tpu.memory_space<hbm>> -> memref<1x128xi32, #tpu.memory_space<hbm>>
    %dma_wait3A_1060 = tpu.memref_squeeze %dma_wait3A_1059 : memref<1x128xi32, #tpu.memory_space<hbm>> -> memref<128xi32, #tpu.memory_space<hbm>>
    %dma_wait3A_1061 = arith.constant 0 : i32
    %dma_wait3A_1062 = tpu.memref_slice %arg5[%dma_wait3A_1054, %dma_wait3A_1061] : memref<10x128xi32, #tpu.memory_space<vmem>> -> memref<1x128xi32, #tpu.memory_space<vmem>>
    %dma_wait3A_1063 = tpu.memref_squeeze %dma_wait3A_1062 : memref<1x128xi32, #tpu.memory_space<vmem>> -> memref<128xi32, #tpu.memory_space<vmem>>
    %dma_wait3A_1064 = arith.constant 0 : i32
    %dma_wait3A_1065 = tpu.memref_slice %arg2[%mul3A_2, %dma_wait3A_1064] : memref<6400x128xi32, #tpu.memory_space<hbm>> -> memref<1x128xi32, #tpu.memory_space<hbm>>
    %dma_wait3A_1066 = tpu.memref_squeeze %dma_wait3A_1065 : memref<1x128xi32, #tpu.memory_space<hbm>> -> memref<128xi32, #tpu.memory_space<hbm>>
    tpu.wait_dma2 semaphore(%arg9 : memref<!tpu.dma_semaphore, #tpu.memory_space<semaphore_mem>>) src(%dma_wait3A_1066 : memref<128xi32, #tpu.memory_space<hbm>>) dst(%dma_wait3A_1063 : memref<128xi32, #tpu.memory_space<vmem>>)
    %dma_wait3A_1067 = arith.constant 4 : i32
    %dma_wait3A_1068 = arith.constant 0 : i32
    %dma_wait3A_1069 = arith.constant 0 : i32
    %dma_wait3A_1070 = tpu.memref_slice %arg6[%dma_wait3A_1067, %dma_wait3A_1068, %dma_wait3A_1069] : memref<5x128x128xf32, #tpu.memory_space<vmem>> -> memref<1x128x128xf32, #tpu.memory_space<vmem>>
    %dma_wait3A_1071 = tpu.memref_squeeze %dma_wait3A_1070 : memref<1x128x128xf32, #tpu.memory_space<vmem>> -> memref<128x128xf32, #tpu.memory_space<vmem>>
    %dma_wait3A_1072 = arith.constant 0 : i32
    %dma_wait3A_1073 = tpu.memref_slice %arg4[%mul3A_4, %dma_wait3A_1072] : memref<819200x128xf32, #tpu.memory_space<hbm>> -> memref<128x128xf32, #tpu.memory_space<hbm>>
    %dma_wait3A_1074 = arith.constant 0 : i32
    %dma_wait3A_1075 = tpu.memref_slice %arg4[%mul3A_4, %dma_wait3A_1074] : memref<819200x128xf32, #tpu.memory_space<hbm>> -> memref<128x128xf32, #tpu.memory_space<hbm>>
    %dma_wait3A_1076 = arith.constant 0 : i32
    %dma_wait3A_1077 = arith.constant 0 : i32
    %dma_wait3A_1078 = tpu.memref_slice %arg6[%dma_wait3A_1067, %dma_wait3A_1076, %dma_wait3A_1077] : memref<5x128x128xf32, #tpu.memory_space<vmem>> -> memref<1x128x128xf32, #tpu.memory_space<vmem>>
    %dma_wait3A_1079 = tpu.memref_squeeze %dma_wait3A_1078 : memref<1x128x128xf32, #tpu.memory_space<vmem>> -> memref<128x128xf32, #tpu.memory_space<vmem>>
    tpu.wait_dma2 semaphore(%arg8 : memref<!tpu.dma_semaphore, #tpu.memory_space<semaphore_mem>>) src(%dma_wait3A_1079 : memref<128x128xf32, #tpu.memory_space<vmem>>) dst(%dma_wait3A_1075 : memref<128x128xf32, #tpu.memory_space<hbm>>)
    %dma_start3A_1080 = arith.constant 4 : i32
    %dma_start3A_1081 = arith.constant 4 : i32
    %dma_start3A_1082 = arith.constant 0 : i32
    %dma_start3A_1083 = arith.constant 0 : i32
    %dma_start3A_1084 = tpu.memref_slice %arg6[%dma_start3A_1081, %dma_start3A_1082, %dma_start3A_1083] : memref<5x128x128xf32, #tpu.memory_space<vmem>> -> memref<1x128x128xf32, #tpu.memory_space<vmem>>
    %dma_start3A_1085 = tpu.memref_squeeze %dma_start3A_1084 : memref<1x128x128xf32, #tpu.memory_space<vmem>> -> memref<128x128xf32, #tpu.memory_space<vmem>>
    %dma_start3A_1086 = arith.constant 0 : i32
    %dma_start3A_1087 = tpu.memref_slice %arg5[%dma_start3A_1080, %dma_start3A_1086] : memref<10x128xi32, #tpu.memory_space<vmem>> -> memref<1x128xi32, #tpu.memory_space<vmem>>
    %dma_start3A_1088 = tpu.memref_squeeze %dma_start3A_1087 : memref<1x128xi32, #tpu.memory_space<vmem>> -> memref<128xi32, #tpu.memory_space<vmem>>
    %dma_start3A_1089 = arith.constant 0 : i32
    %dma_start3A_1090 = arith.constant 0 : i32
    %dma_start3A_1091 = tpu.memref_slice %arg3[%dma_start3A_1089, %dma_start3A_1090] : memref<100000x128xf32, #tpu.memory_space<hbm>> -> memref<100000x128xf32, #tpu.memory_space<hbm>>
    tpu.enqueue_indirect_dma source(%dma_start3A_1091 : memref<100000x128xf32, #tpu.memory_space<hbm>>) target(%dma_start3A_1085 : memref<128x128xf32, #tpu.memory_space<vmem>>) offsets(%dma_start3A_1088 : memref<128xi32, #tpu.memory_space<vmem>>) semaphore(%arg7 : memref<!tpu.dma_semaphore, #tpu.memory_space<semaphore_mem>>)
    %add3A_1092 = arith.constant 197 : i32
    %add3A_1093 = arith.addi %mul3A_2, %add3A_1092 : i32
    %dma_start3A_1094 = arith.constant 7 : i32
    %dma_start3A_1095 = arith.constant 0 : i32
    %dma_start3A_1096 = tpu.memref_slice %arg5[%dma_start3A_1094, %dma_start3A_1095] : memref<10x128xi32, #tpu.memory_space<vmem>> -> memref<1x128xi32, #tpu.memory_space<vmem>>
    %dma_start3A_1097 = tpu.memref_squeeze %dma_start3A_1096 : memref<1x128xi32, #tpu.memory_space<vmem>> -> memref<128xi32, #tpu.memory_space<vmem>>
    %dma_start3A_1098 = arith.constant 0 : i32
    %dma_start3A_1099 = tpu.memref_slice %arg2[%add3A_1093, %dma_start3A_1098] : memref<6400x128xi32, #tpu.memory_space<hbm>> -> memref<1x128xi32, #tpu.memory_space<hbm>>
    %dma_start3A_1100 = tpu.memref_squeeze %dma_start3A_1099 : memref<1x128xi32, #tpu.memory_space<hbm>> -> memref<128xi32, #tpu.memory_space<hbm>>
    %dma_start3A_1101 = arith.constant 0 : i32
    %dma_start3A_1102 = tpu.memref_slice %arg5[%dma_start3A_1094, %dma_start3A_1101] : memref<10x128xi32, #tpu.memory_space<vmem>> -> memref<1x128xi32, #tpu.memory_space<vmem>>
    %dma_start3A_1103 = tpu.memref_squeeze %dma_start3A_1102 : memref<1x128xi32, #tpu.memory_space<vmem>> -> memref<128xi32, #tpu.memory_space<vmem>>
    %dma_start3A_1104 = arith.constant 0 : i32
    %dma_start3A_1105 = tpu.memref_slice %arg2[%add3A_1093, %dma_start3A_1104] : memref<6400x128xi32, #tpu.memory_space<hbm>> -> memref<1x128xi32, #tpu.memory_space<hbm>>
    %dma_start3A_1106 = tpu.memref_squeeze %dma_start3A_1105 : memref<1x128xi32, #tpu.memory_space<hbm>> -> memref<128xi32, #tpu.memory_space<hbm>>
    tpu.enqueue_dma source(%dma_start3A_1106 : memref<128xi32, #tpu.memory_space<hbm>>) target(%dma_start3A_1103 : memref<128xi32, #tpu.memory_space<vmem>>) target_semaphore(%arg9 : memref<!tpu.dma_semaphore, #tpu.memory_space<semaphore_mem>>)
    %dma_wait3A_1107 = arith.constant 2 : i32
    %dma_wait3A_1108 = arith.constant 2 : i32
    %dma_wait3A_1109 = arith.constant 0 : i32
    %dma_wait3A_1110 = arith.constant 0 : i32
    %dma_wait3A_1111 = tpu.memref_slice %arg6[%dma_wait3A_1108, %dma_wait3A_1109, %dma_wait3A_1110] : memref<5x128x128xf32, #tpu.memory_space<vmem>> -> memref<1x128x128xf32, #tpu.memory_space<vmem>>
    %dma_wait3A_1112 = tpu.memref_squeeze %dma_wait3A_1111 : memref<1x128x128xf32, #tpu.memory_space<vmem>> -> memref<128x128xf32, #tpu.memory_space<vmem>>
    %dma_wait3A_1113 = arith.constant 0 : i32
    %dma_wait3A_1114 = tpu.memref_slice %arg5[%dma_wait3A_1107, %dma_wait3A_1113] : memref<10x128xi32, #tpu.memory_space<vmem>> -> memref<1x128xi32, #tpu.memory_space<vmem>>
    %dma_wait3A_1115 = tpu.memref_squeeze %dma_wait3A_1114 : memref<1x128xi32, #tpu.memory_space<vmem>> -> memref<128xi32, #tpu.memory_space<vmem>>
    %dma_wait3A_1116 = arith.constant 0 : i32
    %dma_wait3A_1117 = arith.constant 0 : i32
    %dma_wait3A_1118 = tpu.memref_slice %arg3[%dma_wait3A_1116, %dma_wait3A_1117] : memref<100000x128xf32, #tpu.memory_space<hbm>> -> memref<100000x128xf32, #tpu.memory_space<hbm>>
    tpu.wait_indirect_dma semaphore(%arg7 : memref<!tpu.dma_semaphore, #tpu.memory_space<semaphore_mem>>) src(%dma_wait3A_1118 : memref<100000x128xf32, #tpu.memory_space<hbm>>) dst(%dma_wait3A_1112 : memref<128x128xf32, #tpu.memory_space<vmem>>)
    %add3A_1119 = arith.constant 24576 : i32
    %add3A_1120 = arith.addi %mul3A_4, %add3A_1119 : i32
    %dma_start3A_1121 = arith.constant 2 : i32
    %dma_start3A_1122 = arith.constant 0 : i32
    %dma_start3A_1123 = arith.constant 0 : i32
    %dma_start3A_1124 = tpu.memref_slice %arg6[%dma_start3A_1121, %dma_start3A_1122, %dma_start3A_1123] : memref<5x128x128xf32, #tpu.memory_space<vmem>> -> memref<1x128x128xf32, #tpu.memory_space<vmem>>
    %dma_start3A_1125 = tpu.memref_squeeze %dma_start3A_1124 : memref<1x128x128xf32, #tpu.memory_space<vmem>> -> memref<128x128xf32, #tpu.memory_space<vmem>>
    %dma_start3A_1126 = arith.constant 0 : i32
    %dma_start3A_1127 = tpu.memref_slice %arg4[%add3A_1120, %dma_start3A_1126] : memref<819200x128xf32, #tpu.memory_space<hbm>> -> memref<128x128xf32, #tpu.memory_space<hbm>>
    %dma_start3A_1128 = arith.constant 0 : i32
    %dma_start3A_1129 = tpu.memref_slice %arg4[%add3A_1120, %dma_start3A_1128] : memref<819200x128xf32, #tpu.memory_space<hbm>> -> memref<128x128xf32, #tpu.memory_space<hbm>>
    %dma_start3A_1130 = arith.constant 0 : i32
    %dma_start3A_1131 = arith.constant 0 : i32
    %dma_start3A_1132 = tpu.memref_slice %arg6[%dma_start3A_1121, %dma_start3A_1130, %dma_start3A_1131] : memref<5x128x128xf32, #tpu.memory_space<vmem>> -> memref<1x128x128xf32, #tpu.memory_space<vmem>>
    %dma_start3A_1133 = tpu.memref_squeeze %dma_start3A_1132 : memref<1x128x128xf32, #tpu.memory_space<vmem>> -> memref<128x128xf32, #tpu.memory_space<vmem>>
    tpu.enqueue_dma source(%dma_start3A_1133 : memref<128x128xf32, #tpu.memory_space<vmem>>) target(%dma_start3A_1129 : memref<128x128xf32, #tpu.memory_space<hbm>>) target_semaphore(%arg8 : memref<!tpu.dma_semaphore, #tpu.memory_space<semaphore_mem>>)
    %dma_wait3A_1134 = arith.constant 5 : i32
    %dma_wait3A_1135 = arith.constant 0 : i32
    %dma_wait3A_1136 = tpu.memref_slice %arg5[%dma_wait3A_1134, %dma_wait3A_1135] : memref<10x128xi32, #tpu.memory_space<vmem>> -> memref<1x128xi32, #tpu.memory_space<vmem>>
    %dma_wait3A_1137 = tpu.memref_squeeze %dma_wait3A_1136 : memref<1x128xi32, #tpu.memory_space<vmem>> -> memref<128xi32, #tpu.memory_space<vmem>>
    %dma_wait3A_1138 = arith.constant 0 : i32
    %dma_wait3A_1139 = tpu.memref_slice %arg2[%mul3A_2, %dma_wait3A_1138] : memref<6400x128xi32, #tpu.memory_space<hbm>> -> memref<1x128xi32, #tpu.memory_space<hbm>>
    %dma_wait3A_1140 = tpu.memref_squeeze %dma_wait3A_1139 : memref<1x128xi32, #tpu.memory_space<hbm>> -> memref<128xi32, #tpu.memory_space<hbm>>
    %dma_wait3A_1141 = arith.constant 0 : i32
    %dma_wait3A_1142 = tpu.memref_slice %arg5[%dma_wait3A_1134, %dma_wait3A_1141] : memref<10x128xi32, #tpu.memory_space<vmem>> -> memref<1x128xi32, #tpu.memory_space<vmem>>
    %dma_wait3A_1143 = tpu.memref_squeeze %dma_wait3A_1142 : memref<1x128xi32, #tpu.memory_space<vmem>> -> memref<128xi32, #tpu.memory_space<vmem>>
    %dma_wait3A_1144 = arith.constant 0 : i32
    %dma_wait3A_1145 = tpu.memref_slice %arg2[%mul3A_2, %dma_wait3A_1144] : memref<6400x128xi32, #tpu.memory_space<hbm>> -> memref<1x128xi32, #tpu.memory_space<hbm>>
    %dma_wait3A_1146 = tpu.memref_squeeze %dma_wait3A_1145 : memref<1x128xi32, #tpu.memory_space<hbm>> -> memref<128xi32, #tpu.memory_space<hbm>>
    tpu.wait_dma2 semaphore(%arg9 : memref<!tpu.dma_semaphore, #tpu.memory_space<semaphore_mem>>) src(%dma_wait3A_1146 : memref<128xi32, #tpu.memory_space<hbm>>) dst(%dma_wait3A_1143 : memref<128xi32, #tpu.memory_space<vmem>>)
    %dma_wait3A_1147 = arith.constant 0 : i32
    %dma_wait3A_1148 = arith.constant 0 : i32
    %dma_wait3A_1149 = arith.constant 0 : i32
    %dma_wait3A_1150 = tpu.memref_slice %arg6[%dma_wait3A_1147, %dma_wait3A_1148, %dma_wait3A_1149] : memref<5x128x128xf32, #tpu.memory_space<vmem>> -> memref<1x128x128xf32, #tpu.memory_space<vmem>>
    %dma_wait3A_1151 = tpu.memref_squeeze %dma_wait3A_1150 : memref<1x128x128xf32, #tpu.memory_space<vmem>> -> memref<128x128xf32, #tpu.memory_space<vmem>>
    %dma_wait3A_1152 = arith.constant 0 : i32
    %dma_wait3A_1153 = tpu.memref_slice %arg4[%mul3A_4, %dma_wait3A_1152] : memref<819200x128xf32, #tpu.memory_space<hbm>> -> memref<128x128xf32, #tpu.memory_space<hbm>>
    %dma_wait3A_1154 = arith.constant 0 : i32
    %dma_wait3A_1155 = tpu.memref_slice %arg4[%mul3A_4, %dma_wait3A_1154] : memref<819200x128xf32, #tpu.memory_space<hbm>> -> memref<128x128xf32, #tpu.memory_space<hbm>>
    %dma_wait3A_1156 = arith.constant 0 : i32
    %dma_wait3A_1157 = arith.constant 0 : i32
    %dma_wait3A_1158 = tpu.memref_slice %arg6[%dma_wait3A_1147, %dma_wait3A_1156, %dma_wait3A_1157] : memref<5x128x128xf32, #tpu.memory_space<vmem>> -> memref<1x128x128xf32, #tpu.memory_space<vmem>>
    %dma_wait3A_1159 = tpu.memref_squeeze %dma_wait3A_1158 : memref<1x128x128xf32, #tpu.memory_space<vmem>> -> memref<128x128xf32, #tpu.memory_space<vmem>>
    tpu.wait_dma2 semaphore(%arg8 : memref<!tpu.dma_semaphore, #tpu.memory_space<semaphore_mem>>) src(%dma_wait3A_1159 : memref<128x128xf32, #tpu.memory_space<vmem>>) dst(%dma_wait3A_1155 : memref<128x128xf32, #tpu.memory_space<hbm>>)
    %dma_start3A_1160 = arith.constant 5 : i32
    %dma_start3A_1161 = arith.constant 0 : i32
    %dma_start3A_1162 = arith.constant 0 : i32
    %dma_start3A_1163 = arith.constant 0 : i32
    %dma_start3A_1164 = tpu.memref_slice %arg6[%dma_start3A_1161, %dma_start3A_1162, %dma_start3A_1163] : memref<5x128x128xf32, #tpu.memory_space<vmem>> -> memref<1x128x128xf32, #tpu.memory_space<vmem>>
    %dma_start3A_1165 = tpu.memref_squeeze %dma_start3A_1164 : memref<1x128x128xf32, #tpu.memory_space<vmem>> -> memref<128x128xf32, #tpu.memory_space<vmem>>
    %dma_start3A_1166 = arith.constant 0 : i32
    %dma_start3A_1167 = tpu.memref_slice %arg5[%dma_start3A_1160, %dma_start3A_1166] : memref<10x128xi32, #tpu.memory_space<vmem>> -> memref<1x128xi32, #tpu.memory_space<vmem>>
    %dma_start3A_1168 = tpu.memref_squeeze %dma_start3A_1167 : memref<1x128xi32, #tpu.memory_space<vmem>> -> memref<128xi32, #tpu.memory_space<vmem>>
    %dma_start3A_1169 = arith.constant 0 : i32
    %dma_start3A_1170 = arith.constant 0 : i32
    %dma_start3A_1171 = tpu.memref_slice %arg3[%dma_start3A_1169, %dma_start3A_1170] : memref<100000x128xf32, #tpu.memory_space<hbm>> -> memref<100000x128xf32, #tpu.memory_space<hbm>>
    tpu.enqueue_indirect_dma source(%dma_start3A_1171 : memref<100000x128xf32, #tpu.memory_space<hbm>>) target(%dma_start3A_1165 : memref<128x128xf32, #tpu.memory_space<vmem>>) offsets(%dma_start3A_1168 : memref<128xi32, #tpu.memory_space<vmem>>) semaphore(%arg7 : memref<!tpu.dma_semaphore, #tpu.memory_space<semaphore_mem>>)
    %add3A_1172 = arith.constant 198 : i32
    %add3A_1173 = arith.addi %mul3A_2, %add3A_1172 : i32
    %dma_start3A_1174 = arith.constant 8 : i32
    %dma_start3A_1175 = arith.constant 0 : i32
    %dma_start3A_1176 = tpu.memref_slice %arg5[%dma_start3A_1174, %dma_start3A_1175] : memref<10x128xi32, #tpu.memory_space<vmem>> -> memref<1x128xi32, #tpu.memory_space<vmem>>
    %dma_start3A_1177 = tpu.memref_squeeze %dma_start3A_1176 : memref<1x128xi32, #tpu.memory_space<vmem>> -> memref<128xi32, #tpu.memory_space<vmem>>
    %dma_start3A_1178 = arith.constant 0 : i32
    %dma_start3A_1179 = tpu.memref_slice %arg2[%add3A_1173, %dma_start3A_1178] : memref<6400x128xi32, #tpu.memory_space<hbm>> -> memref<1x128xi32, #tpu.memory_space<hbm>>
    %dma_start3A_1180 = tpu.memref_squeeze %dma_start3A_1179 : memref<1x128xi32, #tpu.memory_space<hbm>> -> memref<128xi32, #tpu.memory_space<hbm>>
    %dma_start3A_1181 = arith.constant 0 : i32
    %dma_start3A_1182 = tpu.memref_slice %arg5[%dma_start3A_1174, %dma_start3A_1181] : memref<10x128xi32, #tpu.memory_space<vmem>> -> memref<1x128xi32, #tpu.memory_space<vmem>>
    %dma_start3A_1183 = tpu.memref_squeeze %dma_start3A_1182 : memref<1x128xi32, #tpu.memory_space<vmem>> -> memref<128xi32, #tpu.memory_space<vmem>>
    %dma_start3A_1184 = arith.constant 0 : i32
    %dma_start3A_1185 = tpu.memref_slice %arg2[%add3A_1173, %dma_start3A_1184] : memref<6400x128xi32, #tpu.memory_space<hbm>> -> memref<1x128xi32, #tpu.memory_space<hbm>>
    %dma_start3A_1186 = tpu.memref_squeeze %dma_start3A_1185 : memref<1x128xi32, #tpu.memory_space<hbm>> -> memref<128xi32, #tpu.memory_space<hbm>>
    tpu.enqueue_dma source(%dma_start3A_1186 : memref<128xi32, #tpu.memory_space<hbm>>) target(%dma_start3A_1183 : memref<128xi32, #tpu.memory_space<vmem>>) target_semaphore(%arg9 : memref<!tpu.dma_semaphore, #tpu.memory_space<semaphore_mem>>)
    %dma_wait3A_1187 = arith.constant 3 : i32
    %dma_wait3A_1188 = arith.constant 3 : i32
    %dma_wait3A_1189 = arith.constant 0 : i32
    %dma_wait3A_1190 = arith.constant 0 : i32
    %dma_wait3A_1191 = tpu.memref_slice %arg6[%dma_wait3A_1188, %dma_wait3A_1189, %dma_wait3A_1190] : memref<5x128x128xf32, #tpu.memory_space<vmem>> -> memref<1x128x128xf32, #tpu.memory_space<vmem>>
    %dma_wait3A_1192 = tpu.memref_squeeze %dma_wait3A_1191 : memref<1x128x128xf32, #tpu.memory_space<vmem>> -> memref<128x128xf32, #tpu.memory_space<vmem>>
    %dma_wait3A_1193 = arith.constant 0 : i32
    %dma_wait3A_1194 = tpu.memref_slice %arg5[%dma_wait3A_1187, %dma_wait3A_1193] : memref<10x128xi32, #tpu.memory_space<vmem>> -> memref<1x128xi32, #tpu.memory_space<vmem>>
    %dma_wait3A_1195 = tpu.memref_squeeze %dma_wait3A_1194 : memref<1x128xi32, #tpu.memory_space<vmem>> -> memref<128xi32, #tpu.memory_space<vmem>>
    %dma_wait3A_1196 = arith.constant 0 : i32
    %dma_wait3A_1197 = arith.constant 0 : i32
    %dma_wait3A_1198 = tpu.memref_slice %arg3[%dma_wait3A_1196, %dma_wait3A_1197] : memref<100000x128xf32, #tpu.memory_space<hbm>> -> memref<100000x128xf32, #tpu.memory_space<hbm>>
    tpu.wait_indirect_dma semaphore(%arg7 : memref<!tpu.dma_semaphore, #tpu.memory_space<semaphore_mem>>) src(%dma_wait3A_1198 : memref<100000x128xf32, #tpu.memory_space<hbm>>) dst(%dma_wait3A_1192 : memref<128x128xf32, #tpu.memory_space<vmem>>)
    %add3A_1199 = arith.constant 24704 : i32
    %add3A_1200 = arith.addi %mul3A_4, %add3A_1199 : i32
    %dma_start3A_1201 = arith.constant 3 : i32
    %dma_start3A_1202 = arith.constant 0 : i32
    %dma_start3A_1203 = arith.constant 0 : i32
    %dma_start3A_1204 = tpu.memref_slice %arg6[%dma_start3A_1201, %dma_start3A_1202, %dma_start3A_1203] : memref<5x128x128xf32, #tpu.memory_space<vmem>> -> memref<1x128x128xf32, #tpu.memory_space<vmem>>
    %dma_start3A_1205 = tpu.memref_squeeze %dma_start3A_1204 : memref<1x128x128xf32, #tpu.memory_space<vmem>> -> memref<128x128xf32, #tpu.memory_space<vmem>>
    %dma_start3A_1206 = arith.constant 0 : i32
    %dma_start3A_1207 = tpu.memref_slice %arg4[%add3A_1200, %dma_start3A_1206] : memref<819200x128xf32, #tpu.memory_space<hbm>> -> memref<128x128xf32, #tpu.memory_space<hbm>>
    %dma_start3A_1208 = arith.constant 0 : i32
    %dma_start3A_1209 = tpu.memref_slice %arg4[%add3A_1200, %dma_start3A_1208] : memref<819200x128xf32, #tpu.memory_space<hbm>> -> memref<128x128xf32, #tpu.memory_space<hbm>>
    %dma_start3A_1210 = arith.constant 0 : i32
    %dma_start3A_1211 = arith.constant 0 : i32
    %dma_start3A_1212 = tpu.memref_slice %arg6[%dma_start3A_1201, %dma_start3A_1210, %dma_start3A_1211] : memref<5x128x128xf32, #tpu.memory_space<vmem>> -> memref<1x128x128xf32, #tpu.memory_space<vmem>>
    %dma_start3A_1213 = tpu.memref_squeeze %dma_start3A_1212 : memref<1x128x128xf32, #tpu.memory_space<vmem>> -> memref<128x128xf32, #tpu.memory_space<vmem>>
    tpu.enqueue_dma source(%dma_start3A_1213 : memref<128x128xf32, #tpu.memory_space<vmem>>) target(%dma_start3A_1209 : memref<128x128xf32, #tpu.memory_space<hbm>>) target_semaphore(%arg8 : memref<!tpu.dma_semaphore, #tpu.memory_space<semaphore_mem>>)
    %dma_wait3A_1214 = arith.constant 6 : i32
    %dma_wait3A_1215 = arith.constant 0 : i32
    %dma_wait3A_1216 = tpu.memref_slice %arg5[%dma_wait3A_1214, %dma_wait3A_1215] : memref<10x128xi32, #tpu.memory_space<vmem>> -> memref<1x128xi32, #tpu.memory_space<vmem>>
    %dma_wait3A_1217 = tpu.memref_squeeze %dma_wait3A_1216 : memref<1x128xi32, #tpu.memory_space<vmem>> -> memref<128xi32, #tpu.memory_space<vmem>>
    %dma_wait3A_1218 = arith.constant 0 : i32
    %dma_wait3A_1219 = tpu.memref_slice %arg2[%mul3A_2, %dma_wait3A_1218] : memref<6400x128xi32, #tpu.memory_space<hbm>> -> memref<1x128xi32, #tpu.memory_space<hbm>>
    %dma_wait3A_1220 = tpu.memref_squeeze %dma_wait3A_1219 : memref<1x128xi32, #tpu.memory_space<hbm>> -> memref<128xi32, #tpu.memory_space<hbm>>
    %dma_wait3A_1221 = arith.constant 0 : i32
    %dma_wait3A_1222 = tpu.memref_slice %arg5[%dma_wait3A_1214, %dma_wait3A_1221] : memref<10x128xi32, #tpu.memory_space<vmem>> -> memref<1x128xi32, #tpu.memory_space<vmem>>
    %dma_wait3A_1223 = tpu.memref_squeeze %dma_wait3A_1222 : memref<1x128xi32, #tpu.memory_space<vmem>> -> memref<128xi32, #tpu.memory_space<vmem>>
    %dma_wait3A_1224 = arith.constant 0 : i32
    %dma_wait3A_1225 = tpu.memref_slice %arg2[%mul3A_2, %dma_wait3A_1224] : memref<6400x128xi32, #tpu.memory_space<hbm>> -> memref<1x128xi32, #tpu.memory_space<hbm>>
    %dma_wait3A_1226 = tpu.memref_squeeze %dma_wait3A_1225 : memref<1x128xi32, #tpu.memory_space<hbm>> -> memref<128xi32, #tpu.memory_space<hbm>>
    tpu.wait_dma2 semaphore(%arg9 : memref<!tpu.dma_semaphore, #tpu.memory_space<semaphore_mem>>) src(%dma_wait3A_1226 : memref<128xi32, #tpu.memory_space<hbm>>) dst(%dma_wait3A_1223 : memref<128xi32, #tpu.memory_space<vmem>>)
    %dma_wait3A_1227 = arith.constant 1 : i32
    %dma_wait3A_1228 = arith.constant 0 : i32
    %dma_wait3A_1229 = arith.constant 0 : i32
    %dma_wait3A_1230 = tpu.memref_slice %arg6[%dma_wait3A_1227, %dma_wait3A_1228, %dma_wait3A_1229] : memref<5x128x128xf32, #tpu.memory_space<vmem>> -> memref<1x128x128xf32, #tpu.memory_space<vmem>>
    %dma_wait3A_1231 = tpu.memref_squeeze %dma_wait3A_1230 : memref<1x128x128xf32, #tpu.memory_space<vmem>> -> memref<128x128xf32, #tpu.memory_space<vmem>>
    %dma_wait3A_1232 = arith.constant 0 : i32
    %dma_wait3A_1233 = tpu.memref_slice %arg4[%mul3A_4, %dma_wait3A_1232] : memref<819200x128xf32, #tpu.memory_space<hbm>> -> memref<128x128xf32, #tpu.memory_space<hbm>>
    %dma_wait3A_1234 = arith.constant 0 : i32
    %dma_wait3A_1235 = tpu.memref_slice %arg4[%mul3A_4, %dma_wait3A_1234] : memref<819200x128xf32, #tpu.memory_space<hbm>> -> memref<128x128xf32, #tpu.memory_space<hbm>>
    %dma_wait3A_1236 = arith.constant 0 : i32
    %dma_wait3A_1237 = arith.constant 0 : i32
    %dma_wait3A_1238 = tpu.memref_slice %arg6[%dma_wait3A_1227, %dma_wait3A_1236, %dma_wait3A_1237] : memref<5x128x128xf32, #tpu.memory_space<vmem>> -> memref<1x128x128xf32, #tpu.memory_space<vmem>>
    %dma_wait3A_1239 = tpu.memref_squeeze %dma_wait3A_1238 : memref<1x128x128xf32, #tpu.memory_space<vmem>> -> memref<128x128xf32, #tpu.memory_space<vmem>>
    tpu.wait_dma2 semaphore(%arg8 : memref<!tpu.dma_semaphore, #tpu.memory_space<semaphore_mem>>) src(%dma_wait3A_1239 : memref<128x128xf32, #tpu.memory_space<vmem>>) dst(%dma_wait3A_1235 : memref<128x128xf32, #tpu.memory_space<hbm>>)
    %dma_start3A_1240 = arith.constant 6 : i32
    %dma_start3A_1241 = arith.constant 1 : i32
    %dma_start3A_1242 = arith.constant 0 : i32
    %dma_start3A_1243 = arith.constant 0 : i32
    %dma_start3A_1244 = tpu.memref_slice %arg6[%dma_start3A_1241, %dma_start3A_1242, %dma_start3A_1243] : memref<5x128x128xf32, #tpu.memory_space<vmem>> -> memref<1x128x128xf32, #tpu.memory_space<vmem>>
    %dma_start3A_1245 = tpu.memref_squeeze %dma_start3A_1244 : memref<1x128x128xf32, #tpu.memory_space<vmem>> -> memref<128x128xf32, #tpu.memory_space<vmem>>
    %dma_start3A_1246 = arith.constant 0 : i32
    %dma_start3A_1247 = tpu.memref_slice %arg5[%dma_start3A_1240, %dma_start3A_1246] : memref<10x128xi32, #tpu.memory_space<vmem>> -> memref<1x128xi32, #tpu.memory_space<vmem>>
    %dma_start3A_1248 = tpu.memref_squeeze %dma_start3A_1247 : memref<1x128xi32, #tpu.memory_space<vmem>> -> memref<128xi32, #tpu.memory_space<vmem>>
    %dma_start3A_1249 = arith.constant 0 : i32
    %dma_start3A_1250 = arith.constant 0 : i32
    %dma_start3A_1251 = tpu.memref_slice %arg3[%dma_start3A_1249, %dma_start3A_1250] : memref<100000x128xf32, #tpu.memory_space<hbm>> -> memref<100000x128xf32, #tpu.memory_space<hbm>>
    tpu.enqueue_indirect_dma source(%dma_start3A_1251 : memref<100000x128xf32, #tpu.memory_space<hbm>>) target(%dma_start3A_1245 : memref<128x128xf32, #tpu.memory_space<vmem>>) offsets(%dma_start3A_1248 : memref<128xi32, #tpu.memory_space<vmem>>) semaphore(%arg7 : memref<!tpu.dma_semaphore, #tpu.memory_space<semaphore_mem>>)
    %add3A_1252 = arith.constant 199 : i32
    %add3A_1253 = arith.addi %mul3A_2, %add3A_1252 : i32
    %dma_start3A_1254 = arith.constant 9 : i32
    %dma_start3A_1255 = arith.constant 0 : i32
    %dma_start3A_1256 = tpu.memref_slice %arg5[%dma_start3A_1254, %dma_start3A_1255] : memref<10x128xi32, #tpu.memory_space<vmem>> -> memref<1x128xi32, #tpu.memory_space<vmem>>
    %dma_start3A_1257 = tpu.memref_squeeze %dma_start3A_1256 : memref<1x128xi32, #tpu.memory_space<vmem>> -> memref<128xi32, #tpu.memory_space<vmem>>
    %dma_start3A_1258 = arith.constant 0 : i32
    %dma_start3A_1259 = tpu.memref_slice %arg2[%add3A_1253, %dma_start3A_1258] : memref<6400x128xi32, #tpu.memory_space<hbm>> -> memref<1x128xi32, #tpu.memory_space<hbm>>
    %dma_start3A_1260 = tpu.memref_squeeze %dma_start3A_1259 : memref<1x128xi32, #tpu.memory_space<hbm>> -> memref<128xi32, #tpu.memory_space<hbm>>
    %dma_start3A_1261 = arith.constant 0 : i32
    %dma_start3A_1262 = tpu.memref_slice %arg5[%dma_start3A_1254, %dma_start3A_1261] : memref<10x128xi32, #tpu.memory_space<vmem>> -> memref<1x128xi32, #tpu.memory_space<vmem>>
    %dma_start3A_1263 = tpu.memref_squeeze %dma_start3A_1262 : memref<1x128xi32, #tpu.memory_space<vmem>> -> memref<128xi32, #tpu.memory_space<vmem>>
    %dma_start3A_1264 = arith.constant 0 : i32
    %dma_start3A_1265 = tpu.memref_slice %arg2[%add3A_1253, %dma_start3A_1264] : memref<6400x128xi32, #tpu.memory_space<hbm>> -> memref<1x128xi32, #tpu.memory_space<hbm>>
    %dma_start3A_1266 = tpu.memref_squeeze %dma_start3A_1265 : memref<1x128xi32, #tpu.memory_space<hbm>> -> memref<128xi32, #tpu.memory_space<hbm>>
    tpu.enqueue_dma source(%dma_start3A_1266 : memref<128xi32, #tpu.memory_space<hbm>>) target(%dma_start3A_1263 : memref<128xi32, #tpu.memory_space<vmem>>) target_semaphore(%arg9 : memref<!tpu.dma_semaphore, #tpu.memory_space<semaphore_mem>>)
    %dma_wait3A_1267 = arith.constant 4 : i32
    %dma_wait3A_1268 = arith.constant 4 : i32
    %dma_wait3A_1269 = arith.constant 0 : i32
    %dma_wait3A_1270 = arith.constant 0 : i32
    %dma_wait3A_1271 = tpu.memref_slice %arg6[%dma_wait3A_1268, %dma_wait3A_1269, %dma_wait3A_1270] : memref<5x128x128xf32, #tpu.memory_space<vmem>> -> memref<1x128x128xf32, #tpu.memory_space<vmem>>
    %dma_wait3A_1272 = tpu.memref_squeeze %dma_wait3A_1271 : memref<1x128x128xf32, #tpu.memory_space<vmem>> -> memref<128x128xf32, #tpu.memory_space<vmem>>
    %dma_wait3A_1273 = arith.constant 0 : i32
    %dma_wait3A_1274 = tpu.memref_slice %arg5[%dma_wait3A_1267, %dma_wait3A_1273] : memref<10x128xi32, #tpu.memory_space<vmem>> -> memref<1x128xi32, #tpu.memory_space<vmem>>
    %dma_wait3A_1275 = tpu.memref_squeeze %dma_wait3A_1274 : memref<1x128xi32, #tpu.memory_space<vmem>> -> memref<128xi32, #tpu.memory_space<vmem>>
    %dma_wait3A_1276 = arith.constant 0 : i32
    %dma_wait3A_1277 = arith.constant 0 : i32
    %dma_wait3A_1278 = tpu.memref_slice %arg3[%dma_wait3A_1276, %dma_wait3A_1277] : memref<100000x128xf32, #tpu.memory_space<hbm>> -> memref<100000x128xf32, #tpu.memory_space<hbm>>
    tpu.wait_indirect_dma semaphore(%arg7 : memref<!tpu.dma_semaphore, #tpu.memory_space<semaphore_mem>>) src(%dma_wait3A_1278 : memref<100000x128xf32, #tpu.memory_space<hbm>>) dst(%dma_wait3A_1272 : memref<128x128xf32, #tpu.memory_space<vmem>>)
    %add3A_1279 = arith.constant 24832 : i32
    %add3A_1280 = arith.addi %mul3A_4, %add3A_1279 : i32
    %dma_start3A_1281 = arith.constant 4 : i32
    %dma_start3A_1282 = arith.constant 0 : i32
    %dma_start3A_1283 = arith.constant 0 : i32
    %dma_start3A_1284 = tpu.memref_slice %arg6[%dma_start3A_1281, %dma_start3A_1282, %dma_start3A_1283] : memref<5x128x128xf32, #tpu.memory_space<vmem>> -> memref<1x128x128xf32, #tpu.memory_space<vmem>>
    %dma_start3A_1285 = tpu.memref_squeeze %dma_start3A_1284 : memref<1x128x128xf32, #tpu.memory_space<vmem>> -> memref<128x128xf32, #tpu.memory_space<vmem>>
    %dma_start3A_1286 = arith.constant 0 : i32
    %dma_start3A_1287 = tpu.memref_slice %arg4[%add3A_1280, %dma_start3A_1286] : memref<819200x128xf32, #tpu.memory_space<hbm>> -> memref<128x128xf32, #tpu.memory_space<hbm>>
    %dma_start3A_1288 = arith.constant 0 : i32
    %dma_start3A_1289 = tpu.memref_slice %arg4[%add3A_1280, %dma_start3A_1288] : memref<819200x128xf32, #tpu.memory_space<hbm>> -> memref<128x128xf32, #tpu.memory_space<hbm>>
    %dma_start3A_1290 = arith.constant 0 : i32
    %dma_start3A_1291 = arith.constant 0 : i32
    %dma_start3A_1292 = tpu.memref_slice %arg6[%dma_start3A_1281, %dma_start3A_1290, %dma_start3A_1291] : memref<5x128x128xf32, #tpu.memory_space<vmem>> -> memref<1x128x128xf32, #tpu.memory_space<vmem>>
    %dma_start3A_1293 = tpu.memref_squeeze %dma_start3A_1292 : memref<1x128x128xf32, #tpu.memory_space<vmem>> -> memref<128x128xf32, #tpu.memory_space<vmem>>
    tpu.enqueue_dma source(%dma_start3A_1293 : memref<128x128xf32, #tpu.memory_space<vmem>>) target(%dma_start3A_1289 : memref<128x128xf32, #tpu.memory_space<hbm>>) target_semaphore(%arg8 : memref<!tpu.dma_semaphore, #tpu.memory_space<semaphore_mem>>)
    %dma_wait3A_1294 = arith.constant 7 : i32
    %dma_wait3A_1295 = arith.constant 0 : i32
    %dma_wait3A_1296 = tpu.memref_slice %arg5[%dma_wait3A_1294, %dma_wait3A_1295] : memref<10x128xi32, #tpu.memory_space<vmem>> -> memref<1x128xi32, #tpu.memory_space<vmem>>
    %dma_wait3A_1297 = tpu.memref_squeeze %dma_wait3A_1296 : memref<1x128xi32, #tpu.memory_space<vmem>> -> memref<128xi32, #tpu.memory_space<vmem>>
    %dma_wait3A_1298 = arith.constant 0 : i32
    %dma_wait3A_1299 = tpu.memref_slice %arg2[%mul3A_2, %dma_wait3A_1298] : memref<6400x128xi32, #tpu.memory_space<hbm>> -> memref<1x128xi32, #tpu.memory_space<hbm>>
    %dma_wait3A_1300 = tpu.memref_squeeze %dma_wait3A_1299 : memref<1x128xi32, #tpu.memory_space<hbm>> -> memref<128xi32, #tpu.memory_space<hbm>>
    %dma_wait3A_1301 = arith.constant 0 : i32
    %dma_wait3A_1302 = tpu.memref_slice %arg5[%dma_wait3A_1294, %dma_wait3A_1301] : memref<10x128xi32, #tpu.memory_space<vmem>> -> memref<1x128xi32, #tpu.memory_space<vmem>>
    %dma_wait3A_1303 = tpu.memref_squeeze %dma_wait3A_1302 : memref<1x128xi32, #tpu.memory_space<vmem>> -> memref<128xi32, #tpu.memory_space<vmem>>
    %dma_wait3A_1304 = arith.constant 0 : i32
    %dma_wait3A_1305 = tpu.memref_slice %arg2[%mul3A_2, %dma_wait3A_1304] : memref<6400x128xi32, #tpu.memory_space<hbm>> -> memref<1x128xi32, #tpu.memory_space<hbm>>
    %dma_wait3A_1306 = tpu.memref_squeeze %dma_wait3A_1305 : memref<1x128xi32, #tpu.memory_space<hbm>> -> memref<128xi32, #tpu.memory_space<hbm>>
    tpu.wait_dma2 semaphore(%arg9 : memref<!tpu.dma_semaphore, #tpu.memory_space<semaphore_mem>>) src(%dma_wait3A_1306 : memref<128xi32, #tpu.memory_space<hbm>>) dst(%dma_wait3A_1303 : memref<128xi32, #tpu.memory_space<vmem>>)
    %dma_wait3A_1307 = arith.constant 2 : i32
    %dma_wait3A_1308 = arith.constant 0 : i32
    %dma_wait3A_1309 = arith.constant 0 : i32
    %dma_wait3A_1310 = tpu.memref_slice %arg6[%dma_wait3A_1307, %dma_wait3A_1308, %dma_wait3A_1309] : memref<5x128x128xf32, #tpu.memory_space<vmem>> -> memref<1x128x128xf32, #tpu.memory_space<vmem>>
    %dma_wait3A_1311 = tpu.memref_squeeze %dma_wait3A_1310 : memref<1x128x128xf32, #tpu.memory_space<vmem>> -> memref<128x128xf32, #tpu.memory_space<vmem>>
    %dma_wait3A_1312 = arith.constant 0 : i32
    %dma_wait3A_1313 = tpu.memref_slice %arg4[%mul3A_4, %dma_wait3A_1312] : memref<819200x128xf32, #tpu.memory_space<hbm>> -> memref<128x128xf32, #tpu.memory_space<hbm>>
    %dma_wait3A_1314 = arith.constant 0 : i32
    %dma_wait3A_1315 = tpu.memref_slice %arg4[%mul3A_4, %dma_wait3A_1314] : memref<819200x128xf32, #tpu.memory_space<hbm>> -> memref<128x128xf32, #tpu.memory_space<hbm>>
    %dma_wait3A_1316 = arith.constant 0 : i32
    %dma_wait3A_1317 = arith.constant 0 : i32
    %dma_wait3A_1318 = tpu.memref_slice %arg6[%dma_wait3A_1307, %dma_wait3A_1316, %dma_wait3A_1317] : memref<5x128x128xf32, #tpu.memory_space<vmem>> -> memref<1x128x128xf32, #tpu.memory_space<vmem>>
    %dma_wait3A_1319 = tpu.memref_squeeze %dma_wait3A_1318 : memref<1x128x128xf32, #tpu.memory_space<vmem>> -> memref<128x128xf32, #tpu.memory_space<vmem>>
    tpu.wait_dma2 semaphore(%arg8 : memref<!tpu.dma_semaphore, #tpu.memory_space<semaphore_mem>>) src(%dma_wait3A_1319 : memref<128x128xf32, #tpu.memory_space<vmem>>) dst(%dma_wait3A_1315 : memref<128x128xf32, #tpu.memory_space<hbm>>)
    %dma_start3A_1320 = arith.constant 7 : i32
    %dma_start3A_1321 = arith.constant 2 : i32
    %dma_start3A_1322 = arith.constant 0 : i32
    %dma_start3A_1323 = arith.constant 0 : i32
    %dma_start3A_1324 = tpu.memref_slice %arg6[%dma_start3A_1321, %dma_start3A_1322, %dma_start3A_1323] : memref<5x128x128xf32, #tpu.memory_space<vmem>> -> memref<1x128x128xf32, #tpu.memory_space<vmem>>
    %dma_start3A_1325 = tpu.memref_squeeze %dma_start3A_1324 : memref<1x128x128xf32, #tpu.memory_space<vmem>> -> memref<128x128xf32, #tpu.memory_space<vmem>>
    %dma_start3A_1326 = arith.constant 0 : i32
    %dma_start3A_1327 = tpu.memref_slice %arg5[%dma_start3A_1320, %dma_start3A_1326] : memref<10x128xi32, #tpu.memory_space<vmem>> -> memref<1x128xi32, #tpu.memory_space<vmem>>
    %dma_start3A_1328 = tpu.memref_squeeze %dma_start3A_1327 : memref<1x128xi32, #tpu.memory_space<vmem>> -> memref<128xi32, #tpu.memory_space<vmem>>
    %dma_start3A_1329 = arith.constant 0 : i32
    %dma_start3A_1330 = arith.constant 0 : i32
    %dma_start3A_1331 = tpu.memref_slice %arg3[%dma_start3A_1329, %dma_start3A_1330] : memref<100000x128xf32, #tpu.memory_space<hbm>> -> memref<100000x128xf32, #tpu.memory_space<hbm>>
    tpu.enqueue_indirect_dma source(%dma_start3A_1331 : memref<100000x128xf32, #tpu.memory_space<hbm>>) target(%dma_start3A_1325 : memref<128x128xf32, #tpu.memory_space<vmem>>) offsets(%dma_start3A_1328 : memref<128xi32, #tpu.memory_space<vmem>>) semaphore(%arg7 : memref<!tpu.dma_semaphore, #tpu.memory_space<semaphore_mem>>)
    %dma_wait3A_1332 = arith.constant 5 : i32
    %dma_wait3A_1333 = arith.constant 0 : i32
    %dma_wait3A_1334 = arith.constant 0 : i32
    %dma_wait3A_1335 = arith.constant 0 : i32
    %dma_wait3A_1336 = tpu.memref_slice %arg6[%dma_wait3A_1333, %dma_wait3A_1334, %dma_wait3A_1335] : memref<5x128x128xf32, #tpu.memory_space<vmem>> -> memref<1x128x128xf32, #tpu.memory_space<vmem>>
    %dma_wait3A_1337 = tpu.memref_squeeze %dma_wait3A_1336 : memref<1x128x128xf32, #tpu.memory_space<vmem>> -> memref<128x128xf32, #tpu.memory_space<vmem>>
    %dma_wait3A_1338 = arith.constant 0 : i32
    %dma_wait3A_1339 = tpu.memref_slice %arg5[%dma_wait3A_1332, %dma_wait3A_1338] : memref<10x128xi32, #tpu.memory_space<vmem>> -> memref<1x128xi32, #tpu.memory_space<vmem>>
    %dma_wait3A_1340 = tpu.memref_squeeze %dma_wait3A_1339 : memref<1x128xi32, #tpu.memory_space<vmem>> -> memref<128xi32, #tpu.memory_space<vmem>>
    %dma_wait3A_1341 = arith.constant 0 : i32
    %dma_wait3A_1342 = arith.constant 0 : i32
    %dma_wait3A_1343 = tpu.memref_slice %arg3[%dma_wait3A_1341, %dma_wait3A_1342] : memref<100000x128xf32, #tpu.memory_space<hbm>> -> memref<100000x128xf32, #tpu.memory_space<hbm>>
    tpu.wait_indirect_dma semaphore(%arg7 : memref<!tpu.dma_semaphore, #tpu.memory_space<semaphore_mem>>) src(%dma_wait3A_1343 : memref<100000x128xf32, #tpu.memory_space<hbm>>) dst(%dma_wait3A_1337 : memref<128x128xf32, #tpu.memory_space<vmem>>)
    %add3A_1344 = arith.constant 24960 : i32
    %add3A_1345 = arith.addi %mul3A_4, %add3A_1344 : i32
    %dma_start3A_1346 = arith.constant 0 : i32
    %dma_start3A_1347 = arith.constant 0 : i32
    %dma_start3A_1348 = arith.constant 0 : i32
    %dma_start3A_1349 = tpu.memref_slice %arg6[%dma_start3A_1346, %dma_start3A_1347, %dma_start3A_1348] : memref<5x128x128xf32, #tpu.memory_space<vmem>> -> memref<1x128x128xf32, #tpu.memory_space<vmem>>
    %dma_start3A_1350 = tpu.memref_squeeze %dma_start3A_1349 : memref<1x128x128xf32, #tpu.memory_space<vmem>> -> memref<128x128xf32, #tpu.memory_space<vmem>>
    %dma_start3A_1351 = arith.constant 0 : i32
    %dma_start3A_1352 = tpu.memref_slice %arg4[%add3A_1345, %dma_start3A_1351] : memref<819200x128xf32, #tpu.memory_space<hbm>> -> memref<128x128xf32, #tpu.memory_space<hbm>>
    %dma_start3A_1353 = arith.constant 0 : i32
    %dma_start3A_1354 = tpu.memref_slice %arg4[%add3A_1345, %dma_start3A_1353] : memref<819200x128xf32, #tpu.memory_space<hbm>> -> memref<128x128xf32, #tpu.memory_space<hbm>>
    %dma_start3A_1355 = arith.constant 0 : i32
    %dma_start3A_1356 = arith.constant 0 : i32
    %dma_start3A_1357 = tpu.memref_slice %arg6[%dma_start3A_1346, %dma_start3A_1355, %dma_start3A_1356] : memref<5x128x128xf32, #tpu.memory_space<vmem>> -> memref<1x128x128xf32, #tpu.memory_space<vmem>>
    %dma_start3A_1358 = tpu.memref_squeeze %dma_start3A_1357 : memref<1x128x128xf32, #tpu.memory_space<vmem>> -> memref<128x128xf32, #tpu.memory_space<vmem>>
    tpu.enqueue_dma source(%dma_start3A_1358 : memref<128x128xf32, #tpu.memory_space<vmem>>) target(%dma_start3A_1354 : memref<128x128xf32, #tpu.memory_space<hbm>>) target_semaphore(%arg8 : memref<!tpu.dma_semaphore, #tpu.memory_space<semaphore_mem>>)
    %dma_wait3A_1359 = arith.constant 8 : i32
    %dma_wait3A_1360 = arith.constant 0 : i32
    %dma_wait3A_1361 = tpu.memref_slice %arg5[%dma_wait3A_1359, %dma_wait3A_1360] : memref<10x128xi32, #tpu.memory_space<vmem>> -> memref<1x128xi32, #tpu.memory_space<vmem>>
    %dma_wait3A_1362 = tpu.memref_squeeze %dma_wait3A_1361 : memref<1x128xi32, #tpu.memory_space<vmem>> -> memref<128xi32, #tpu.memory_space<vmem>>
    %dma_wait3A_1363 = arith.constant 0 : i32
    %dma_wait3A_1364 = tpu.memref_slice %arg2[%mul3A_2, %dma_wait3A_1363] : memref<6400x128xi32, #tpu.memory_space<hbm>> -> memref<1x128xi32, #tpu.memory_space<hbm>>
    %dma_wait3A_1365 = tpu.memref_squeeze %dma_wait3A_1364 : memref<1x128xi32, #tpu.memory_space<hbm>> -> memref<128xi32, #tpu.memory_space<hbm>>
    %dma_wait3A_1366 = arith.constant 0 : i32
    %dma_wait3A_1367 = tpu.memref_slice %arg5[%dma_wait3A_1359, %dma_wait3A_1366] : memref<10x128xi32, #tpu.memory_space<vmem>> -> memref<1x128xi32, #tpu.memory_space<vmem>>
    %dma_wait3A_1368 = tpu.memref_squeeze %dma_wait3A_1367 : memref<1x128xi32, #tpu.memory_space<vmem>> -> memref<128xi32, #tpu.memory_space<vmem>>
    %dma_wait3A_1369 = arith.constant 0 : i32
    %dma_wait3A_1370 = tpu.memref_slice %arg2[%mul3A_2, %dma_wait3A_1369] : memref<6400x128xi32, #tpu.memory_space<hbm>> -> memref<1x128xi32, #tpu.memory_space<hbm>>
    %dma_wait3A_1371 = tpu.memref_squeeze %dma_wait3A_1370 : memref<1x128xi32, #tpu.memory_space<hbm>> -> memref<128xi32, #tpu.memory_space<hbm>>
    tpu.wait_dma2 semaphore(%arg9 : memref<!tpu.dma_semaphore, #tpu.memory_space<semaphore_mem>>) src(%dma_wait3A_1371 : memref<128xi32, #tpu.memory_space<hbm>>) dst(%dma_wait3A_1368 : memref<128xi32, #tpu.memory_space<vmem>>)
    %dma_wait3A_1372 = arith.constant 3 : i32
    %dma_wait3A_1373 = arith.constant 0 : i32
    %dma_wait3A_1374 = arith.constant 0 : i32
    %dma_wait3A_1375 = tpu.memref_slice %arg6[%dma_wait3A_1372, %dma_wait3A_1373, %dma_wait3A_1374] : memref<5x128x128xf32, #tpu.memory_space<vmem>> -> memref<1x128x128xf32, #tpu.memory_space<vmem>>
    %dma_wait3A_1376 = tpu.memref_squeeze %dma_wait3A_1375 : memref<1x128x128xf32, #tpu.memory_space<vmem>> -> memref<128x128xf32, #tpu.memory_space<vmem>>
    %dma_wait3A_1377 = arith.constant 0 : i32
    %dma_wait3A_1378 = tpu.memref_slice %arg4[%mul3A_4, %dma_wait3A_1377] : memref<819200x128xf32, #tpu.memory_space<hbm>> -> memref<128x128xf32, #tpu.memory_space<hbm>>
    %dma_wait3A_1379 = arith.constant 0 : i32
    %dma_wait3A_1380 = tpu.memref_slice %arg4[%mul3A_4, %dma_wait3A_1379] : memref<819200x128xf32, #tpu.memory_space<hbm>> -> memref<128x128xf32, #tpu.memory_space<hbm>>
    %dma_wait3A_1381 = arith.constant 0 : i32
    %dma_wait3A_1382 = arith.constant 0 : i32
    %dma_wait3A_1383 = tpu.memref_slice %arg6[%dma_wait3A_1372, %dma_wait3A_1381, %dma_wait3A_1382] : memref<5x128x128xf32, #tpu.memory_space<vmem>> -> memref<1x128x128xf32, #tpu.memory_space<vmem>>
    %dma_wait3A_1384 = tpu.memref_squeeze %dma_wait3A_1383 : memref<1x128x128xf32, #tpu.memory_space<vmem>> -> memref<128x128xf32, #tpu.memory_space<vmem>>
    tpu.wait_dma2 semaphore(%arg8 : memref<!tpu.dma_semaphore, #tpu.memory_space<semaphore_mem>>) src(%dma_wait3A_1384 : memref<128x128xf32, #tpu.memory_space<vmem>>) dst(%dma_wait3A_1380 : memref<128x128xf32, #tpu.memory_space<hbm>>)
    %dma_start3A_1385 = arith.constant 8 : i32
    %dma_start3A_1386 = arith.constant 3 : i32
    %dma_start3A_1387 = arith.constant 0 : i32
    %dma_start3A_1388 = arith.constant 0 : i32
    %dma_start3A_1389 = tpu.memref_slice %arg6[%dma_start3A_1386, %dma_start3A_1387, %dma_start3A_1388] : memref<5x128x128xf32, #tpu.memory_space<vmem>> -> memref<1x128x128xf32, #tpu.memory_space<vmem>>
    %dma_start3A_1390 = tpu.memref_squeeze %dma_start3A_1389 : memref<1x128x128xf32, #tpu.memory_space<vmem>> -> memref<128x128xf32, #tpu.memory_space<vmem>>
    %dma_start3A_1391 = arith.constant 0 : i32
    %dma_start3A_1392 = tpu.memref_slice %arg5[%dma_start3A_1385, %dma_start3A_1391] : memref<10x128xi32, #tpu.memory_space<vmem>> -> memref<1x128xi32, #tpu.memory_space<vmem>>
    %dma_start3A_1393 = tpu.memref_squeeze %dma_start3A_1392 : memref<1x128xi32, #tpu.memory_space<vmem>> -> memref<128xi32, #tpu.memory_space<vmem>>
    %dma_start3A_1394 = arith.constant 0 : i32
    %dma_start3A_1395 = arith.constant 0 : i32
    %dma_start3A_1396 = tpu.memref_slice %arg3[%dma_start3A_1394, %dma_start3A_1395] : memref<100000x128xf32, #tpu.memory_space<hbm>> -> memref<100000x128xf32, #tpu.memory_space<hbm>>
    tpu.enqueue_indirect_dma source(%dma_start3A_1396 : memref<100000x128xf32, #tpu.memory_space<hbm>>) target(%dma_start3A_1390 : memref<128x128xf32, #tpu.memory_space<vmem>>) offsets(%dma_start3A_1393 : memref<128xi32, #tpu.memory_space<vmem>>) semaphore(%arg7 : memref<!tpu.dma_semaphore, #tpu.memory_space<semaphore_mem>>)
    %dma_wait3A_1397 = arith.constant 6 : i32
    %dma_wait3A_1398 = arith.constant 1 : i32
    %dma_wait3A_1399 = arith.constant 0 : i32
    %dma_wait3A_1400 = arith.constant 0 : i32
    %dma_wait3A_1401 = tpu.memref_slice %arg6[%dma_wait3A_1398, %dma_wait3A_1399, %dma_wait3A_1400] : memref<5x128x128xf32, #tpu.memory_space<vmem>> -> memref<1x128x128xf32, #tpu.memory_space<vmem>>
    %dma_wait3A_1402 = tpu.memref_squeeze %dma_wait3A_1401 : memref<1x128x128xf32, #tpu.memory_space<vmem>> -> memref<128x128xf32, #tpu.memory_space<vmem>>
    %dma_wait3A_1403 = arith.constant 0 : i32
    %dma_wait3A_1404 = tpu.memref_slice %arg5[%dma_wait3A_1397, %dma_wait3A_1403] : memref<10x128xi32, #tpu.memory_space<vmem>> -> memref<1x128xi32, #tpu.memory_space<vmem>>
    %dma_wait3A_1405 = tpu.memref_squeeze %dma_wait3A_1404 : memref<1x128xi32, #tpu.memory_space<vmem>> -> memref<128xi32, #tpu.memory_space<vmem>>
    %dma_wait3A_1406 = arith.constant 0 : i32
    %dma_wait3A_1407 = arith.constant 0 : i32
    %dma_wait3A_1408 = tpu.memref_slice %arg3[%dma_wait3A_1406, %dma_wait3A_1407] : memref<100000x128xf32, #tpu.memory_space<hbm>> -> memref<100000x128xf32, #tpu.memory_space<hbm>>
    tpu.wait_indirect_dma semaphore(%arg7 : memref<!tpu.dma_semaphore, #tpu.memory_space<semaphore_mem>>) src(%dma_wait3A_1408 : memref<100000x128xf32, #tpu.memory_space<hbm>>) dst(%dma_wait3A_1402 : memref<128x128xf32, #tpu.memory_space<vmem>>)
    %add3A_1409 = arith.constant 25088 : i32
    %add3A_1410 = arith.addi %mul3A_4, %add3A_1409 : i32
    %dma_start3A_1411 = arith.constant 1 : i32
    %dma_start3A_1412 = arith.constant 0 : i32
    %dma_start3A_1413 = arith.constant 0 : i32
    %dma_start3A_1414 = tpu.memref_slice %arg6[%dma_start3A_1411, %dma_start3A_1412, %dma_start3A_1413] : memref<5x128x128xf32, #tpu.memory_space<vmem>> -> memref<1x128x128xf32, #tpu.memory_space<vmem>>
    %dma_start3A_1415 = tpu.memref_squeeze %dma_start3A_1414 : memref<1x128x128xf32, #tpu.memory_space<vmem>> -> memref<128x128xf32, #tpu.memory_space<vmem>>
    %dma_start3A_1416 = arith.constant 0 : i32
    %dma_start3A_1417 = tpu.memref_slice %arg4[%add3A_1410, %dma_start3A_1416] : memref<819200x128xf32, #tpu.memory_space<hbm>> -> memref<128x128xf32, #tpu.memory_space<hbm>>
    %dma_start3A_1418 = arith.constant 0 : i32
    %dma_start3A_1419 = tpu.memref_slice %arg4[%add3A_1410, %dma_start3A_1418] : memref<819200x128xf32, #tpu.memory_space<hbm>> -> memref<128x128xf32, #tpu.memory_space<hbm>>
    %dma_start3A_1420 = arith.constant 0 : i32
    %dma_start3A_1421 = arith.constant 0 : i32
    %dma_start3A_1422 = tpu.memref_slice %arg6[%dma_start3A_1411, %dma_start3A_1420, %dma_start3A_1421] : memref<5x128x128xf32, #tpu.memory_space<vmem>> -> memref<1x128x128xf32, #tpu.memory_space<vmem>>
    %dma_start3A_1423 = tpu.memref_squeeze %dma_start3A_1422 : memref<1x128x128xf32, #tpu.memory_space<vmem>> -> memref<128x128xf32, #tpu.memory_space<vmem>>
    tpu.enqueue_dma source(%dma_start3A_1423 : memref<128x128xf32, #tpu.memory_space<vmem>>) target(%dma_start3A_1419 : memref<128x128xf32, #tpu.memory_space<hbm>>) target_semaphore(%arg8 : memref<!tpu.dma_semaphore, #tpu.memory_space<semaphore_mem>>)
    %dma_wait3A_1424 = arith.constant 9 : i32
    %dma_wait3A_1425 = arith.constant 0 : i32
    %dma_wait3A_1426 = tpu.memref_slice %arg5[%dma_wait3A_1424, %dma_wait3A_1425] : memref<10x128xi32, #tpu.memory_space<vmem>> -> memref<1x128xi32, #tpu.memory_space<vmem>>
    %dma_wait3A_1427 = tpu.memref_squeeze %dma_wait3A_1426 : memref<1x128xi32, #tpu.memory_space<vmem>> -> memref<128xi32, #tpu.memory_space<vmem>>
    %dma_wait3A_1428 = arith.constant 0 : i32
    %dma_wait3A_1429 = tpu.memref_slice %arg2[%mul3A_2, %dma_wait3A_1428] : memref<6400x128xi32, #tpu.memory_space<hbm>> -> memref<1x128xi32, #tpu.memory_space<hbm>>
    %dma_wait3A_1430 = tpu.memref_squeeze %dma_wait3A_1429 : memref<1x128xi32, #tpu.memory_space<hbm>> -> memref<128xi32, #tpu.memory_space<hbm>>
    %dma_wait3A_1431 = arith.constant 0 : i32
    %dma_wait3A_1432 = tpu.memref_slice %arg5[%dma_wait3A_1424, %dma_wait3A_1431] : memref<10x128xi32, #tpu.memory_space<vmem>> -> memref<1x128xi32, #tpu.memory_space<vmem>>
    %dma_wait3A_1433 = tpu.memref_squeeze %dma_wait3A_1432 : memref<1x128xi32, #tpu.memory_space<vmem>> -> memref<128xi32, #tpu.memory_space<vmem>>
    %dma_wait3A_1434 = arith.constant 0 : i32
    %dma_wait3A_1435 = tpu.memref_slice %arg2[%mul3A_2, %dma_wait3A_1434] : memref<6400x128xi32, #tpu.memory_space<hbm>> -> memref<1x128xi32, #tpu.memory_space<hbm>>
    %dma_wait3A_1436 = tpu.memref_squeeze %dma_wait3A_1435 : memref<1x128xi32, #tpu.memory_space<hbm>> -> memref<128xi32, #tpu.memory_space<hbm>>
    tpu.wait_dma2 semaphore(%arg9 : memref<!tpu.dma_semaphore, #tpu.memory_space<semaphore_mem>>) src(%dma_wait3A_1436 : memref<128xi32, #tpu.memory_space<hbm>>) dst(%dma_wait3A_1433 : memref<128xi32, #tpu.memory_space<vmem>>)
    %dma_wait3A_1437 = arith.constant 4 : i32
    %dma_wait3A_1438 = arith.constant 0 : i32
    %dma_wait3A_1439 = arith.constant 0 : i32
    %dma_wait3A_1440 = tpu.memref_slice %arg6[%dma_wait3A_1437, %dma_wait3A_1438, %dma_wait3A_1439] : memref<5x128x128xf32, #tpu.memory_space<vmem>> -> memref<1x128x128xf32, #tpu.memory_space<vmem>>
    %dma_wait3A_1441 = tpu.memref_squeeze %dma_wait3A_1440 : memref<1x128x128xf32, #tpu.memory_space<vmem>> -> memref<128x128xf32, #tpu.memory_space<vmem>>
    %dma_wait3A_1442 = arith.constant 0 : i32
    %dma_wait3A_1443 = tpu.memref_slice %arg4[%mul3A_4, %dma_wait3A_1442] : memref<819200x128xf32, #tpu.memory_space<hbm>> -> memref<128x128xf32, #tpu.memory_space<hbm>>
    %dma_wait3A_1444 = arith.constant 0 : i32
    %dma_wait3A_1445 = tpu.memref_slice %arg4[%mul3A_4, %dma_wait3A_1444] : memref<819200x128xf32, #tpu.memory_space<hbm>> -> memref<128x128xf32, #tpu.memory_space<hbm>>
    %dma_wait3A_1446 = arith.constant 0 : i32
    %dma_wait3A_1447 = arith.constant 0 : i32
    %dma_wait3A_1448 = tpu.memref_slice %arg6[%dma_wait3A_1437, %dma_wait3A_1446, %dma_wait3A_1447] : memref<5x128x128xf32, #tpu.memory_space<vmem>> -> memref<1x128x128xf32, #tpu.memory_space<vmem>>
    %dma_wait3A_1449 = tpu.memref_squeeze %dma_wait3A_1448 : memref<1x128x128xf32, #tpu.memory_space<vmem>> -> memref<128x128xf32, #tpu.memory_space<vmem>>
    tpu.wait_dma2 semaphore(%arg8 : memref<!tpu.dma_semaphore, #tpu.memory_space<semaphore_mem>>) src(%dma_wait3A_1449 : memref<128x128xf32, #tpu.memory_space<vmem>>) dst(%dma_wait3A_1445 : memref<128x128xf32, #tpu.memory_space<hbm>>)
    %dma_start3A_1450 = arith.constant 9 : i32
    %dma_start3A_1451 = arith.constant 4 : i32
    %dma_start3A_1452 = arith.constant 0 : i32
    %dma_start3A_1453 = arith.constant 0 : i32
    %dma_start3A_1454 = tpu.memref_slice %arg6[%dma_start3A_1451, %dma_start3A_1452, %dma_start3A_1453] : memref<5x128x128xf32, #tpu.memory_space<vmem>> -> memref<1x128x128xf32, #tpu.memory_space<vmem>>
    %dma_start3A_1455 = tpu.memref_squeeze %dma_start3A_1454 : memref<1x128x128xf32, #tpu.memory_space<vmem>> -> memref<128x128xf32, #tpu.memory_space<vmem>>
    %dma_start3A_1456 = arith.constant 0 : i32
    %dma_start3A_1457 = tpu.memref_slice %arg5[%dma_start3A_1450, %dma_start3A_1456] : memref<10x128xi32, #tpu.memory_space<vmem>> -> memref<1x128xi32, #tpu.memory_space<vmem>>
    %dma_start3A_1458 = tpu.memref_squeeze %dma_start3A_1457 : memref<1x128xi32, #tpu.memory_space<vmem>> -> memref<128xi32, #tpu.memory_space<vmem>>
    %dma_start3A_1459 = arith.constant 0 : i32
    %dma_start3A_1460 = arith.constant 0 : i32
    %dma_start3A_1461 = tpu.memref_slice %arg3[%dma_start3A_1459, %dma_start3A_1460] : memref<100000x128xf32, #tpu.memory_space<hbm>> -> memref<100000x128xf32, #tpu.memory_space<hbm>>
    tpu.enqueue_indirect_dma source(%dma_start3A_1461 : memref<100000x128xf32, #tpu.memory_space<hbm>>) target(%dma_start3A_1455 : memref<128x128xf32, #tpu.memory_space<vmem>>) offsets(%dma_start3A_1458 : memref<128xi32, #tpu.memory_space<vmem>>) semaphore(%arg7 : memref<!tpu.dma_semaphore, #tpu.memory_space<semaphore_mem>>)
    %dma_wait3A_1462 = arith.constant 7 : i32
    %dma_wait3A_1463 = arith.constant 2 : i32
    %dma_wait3A_1464 = arith.constant 0 : i32
    %dma_wait3A_1465 = arith.constant 0 : i32
    %dma_wait3A_1466 = tpu.memref_slice %arg6[%dma_wait3A_1463, %dma_wait3A_1464, %dma_wait3A_1465] : memref<5x128x128xf32, #tpu.memory_space<vmem>> -> memref<1x128x128xf32, #tpu.memory_space<vmem>>
    %dma_wait3A_1467 = tpu.memref_squeeze %dma_wait3A_1466 : memref<1x128x128xf32, #tpu.memory_space<vmem>> -> memref<128x128xf32, #tpu.memory_space<vmem>>
    %dma_wait3A_1468 = arith.constant 0 : i32
    %dma_wait3A_1469 = tpu.memref_slice %arg5[%dma_wait3A_1462, %dma_wait3A_1468] : memref<10x128xi32, #tpu.memory_space<vmem>> -> memref<1x128xi32, #tpu.memory_space<vmem>>
    %dma_wait3A_1470 = tpu.memref_squeeze %dma_wait3A_1469 : memref<1x128xi32, #tpu.memory_space<vmem>> -> memref<128xi32, #tpu.memory_space<vmem>>
    %dma_wait3A_1471 = arith.constant 0 : i32
    %dma_wait3A_1472 = arith.constant 0 : i32
    %dma_wait3A_1473 = tpu.memref_slice %arg3[%dma_wait3A_1471, %dma_wait3A_1472] : memref<100000x128xf32, #tpu.memory_space<hbm>> -> memref<100000x128xf32, #tpu.memory_space<hbm>>
    tpu.wait_indirect_dma semaphore(%arg7 : memref<!tpu.dma_semaphore, #tpu.memory_space<semaphore_mem>>) src(%dma_wait3A_1473 : memref<100000x128xf32, #tpu.memory_space<hbm>>) dst(%dma_wait3A_1467 : memref<128x128xf32, #tpu.memory_space<vmem>>)
    %add3A_1474 = arith.constant 25216 : i32
    %add3A_1475 = arith.addi %mul3A_4, %add3A_1474 : i32
    %dma_start3A_1476 = arith.constant 2 : i32
    %dma_start3A_1477 = arith.constant 0 : i32
    %dma_start3A_1478 = arith.constant 0 : i32
    %dma_start3A_1479 = tpu.memref_slice %arg6[%dma_start3A_1476, %dma_start3A_1477, %dma_start3A_1478] : memref<5x128x128xf32, #tpu.memory_space<vmem>> -> memref<1x128x128xf32, #tpu.memory_space<vmem>>
    %dma_start3A_1480 = tpu.memref_squeeze %dma_start3A_1479 : memref<1x128x128xf32, #tpu.memory_space<vmem>> -> memref<128x128xf32, #tpu.memory_space<vmem>>
    %dma_start3A_1481 = arith.constant 0 : i32
    %dma_start3A_1482 = tpu.memref_slice %arg4[%add3A_1475, %dma_start3A_1481] : memref<819200x128xf32, #tpu.memory_space<hbm>> -> memref<128x128xf32, #tpu.memory_space<hbm>>
    %dma_start3A_1483 = arith.constant 0 : i32
    %dma_start3A_1484 = tpu.memref_slice %arg4[%add3A_1475, %dma_start3A_1483] : memref<819200x128xf32, #tpu.memory_space<hbm>> -> memref<128x128xf32, #tpu.memory_space<hbm>>
    %dma_start3A_1485 = arith.constant 0 : i32
    %dma_start3A_1486 = arith.constant 0 : i32
    %dma_start3A_1487 = tpu.memref_slice %arg6[%dma_start3A_1476, %dma_start3A_1485, %dma_start3A_1486] : memref<5x128x128xf32, #tpu.memory_space<vmem>> -> memref<1x128x128xf32, #tpu.memory_space<vmem>>
    %dma_start3A_1488 = tpu.memref_squeeze %dma_start3A_1487 : memref<1x128x128xf32, #tpu.memory_space<vmem>> -> memref<128x128xf32, #tpu.memory_space<vmem>>
    tpu.enqueue_dma source(%dma_start3A_1488 : memref<128x128xf32, #tpu.memory_space<vmem>>) target(%dma_start3A_1484 : memref<128x128xf32, #tpu.memory_space<hbm>>) target_semaphore(%arg8 : memref<!tpu.dma_semaphore, #tpu.memory_space<semaphore_mem>>)
    %dma_wait3A_1489 = arith.constant 8 : i32
    %dma_wait3A_1490 = arith.constant 3 : i32
    %dma_wait3A_1491 = arith.constant 0 : i32
    %dma_wait3A_1492 = arith.constant 0 : i32
    %dma_wait3A_1493 = tpu.memref_slice %arg6[%dma_wait3A_1490, %dma_wait3A_1491, %dma_wait3A_1492] : memref<5x128x128xf32, #tpu.memory_space<vmem>> -> memref<1x128x128xf32, #tpu.memory_space<vmem>>
    %dma_wait3A_1494 = tpu.memref_squeeze %dma_wait3A_1493 : memref<1x128x128xf32, #tpu.memory_space<vmem>> -> memref<128x128xf32, #tpu.memory_space<vmem>>
    %dma_wait3A_1495 = arith.constant 0 : i32
    %dma_wait3A_1496 = tpu.memref_slice %arg5[%dma_wait3A_1489, %dma_wait3A_1495] : memref<10x128xi32, #tpu.memory_space<vmem>> -> memref<1x128xi32, #tpu.memory_space<vmem>>
    %dma_wait3A_1497 = tpu.memref_squeeze %dma_wait3A_1496 : memref<1x128xi32, #tpu.memory_space<vmem>> -> memref<128xi32, #tpu.memory_space<vmem>>
    %dma_wait3A_1498 = arith.constant 0 : i32
    %dma_wait3A_1499 = arith.constant 0 : i32
    %dma_wait3A_1500 = tpu.memref_slice %arg3[%dma_wait3A_1498, %dma_wait3A_1499] : memref<100000x128xf32, #tpu.memory_space<hbm>> -> memref<100000x128xf32, #tpu.memory_space<hbm>>
    tpu.wait_indirect_dma semaphore(%arg7 : memref<!tpu.dma_semaphore, #tpu.memory_space<semaphore_mem>>) src(%dma_wait3A_1500 : memref<100000x128xf32, #tpu.memory_space<hbm>>) dst(%dma_wait3A_1494 : memref<128x128xf32, #tpu.memory_space<vmem>>)
    %add3A_1501 = arith.constant 25344 : i32
    %add3A_1502 = arith.addi %mul3A_4, %add3A_1501 : i32
    %dma_start3A_1503 = arith.constant 3 : i32
    %dma_start3A_1504 = arith.constant 0 : i32
    %dma_start3A_1505 = arith.constant 0 : i32
    %dma_start3A_1506 = tpu.memref_slice %arg6[%dma_start3A_1503, %dma_start3A_1504, %dma_start3A_1505] : memref<5x128x128xf32, #tpu.memory_space<vmem>> -> memref<1x128x128xf32, #tpu.memory_space<vmem>>
    %dma_start3A_1507 = tpu.memref_squeeze %dma_start3A_1506 : memref<1x128x128xf32, #tpu.memory_space<vmem>> -> memref<128x128xf32, #tpu.memory_space<vmem>>
    %dma_start3A_1508 = arith.constant 0 : i32
    %dma_start3A_1509 = tpu.memref_slice %arg4[%add3A_1502, %dma_start3A_1508] : memref<819200x128xf32, #tpu.memory_space<hbm>> -> memref<128x128xf32, #tpu.memory_space<hbm>>
    %dma_start3A_1510 = arith.constant 0 : i32
    %dma_start3A_1511 = tpu.memref_slice %arg4[%add3A_1502, %dma_start3A_1510] : memref<819200x128xf32, #tpu.memory_space<hbm>> -> memref<128x128xf32, #tpu.memory_space<hbm>>
    %dma_start3A_1512 = arith.constant 0 : i32
    %dma_start3A_1513 = arith.constant 0 : i32
    %dma_start3A_1514 = tpu.memref_slice %arg6[%dma_start3A_1503, %dma_start3A_1512, %dma_start3A_1513] : memref<5x128x128xf32, #tpu.memory_space<vmem>> -> memref<1x128x128xf32, #tpu.memory_space<vmem>>
    %dma_start3A_1515 = tpu.memref_squeeze %dma_start3A_1514 : memref<1x128x128xf32, #tpu.memory_space<vmem>> -> memref<128x128xf32, #tpu.memory_space<vmem>>
    tpu.enqueue_dma source(%dma_start3A_1515 : memref<128x128xf32, #tpu.memory_space<vmem>>) target(%dma_start3A_1511 : memref<128x128xf32, #tpu.memory_space<hbm>>) target_semaphore(%arg8 : memref<!tpu.dma_semaphore, #tpu.memory_space<semaphore_mem>>)
    %dma_wait3A_1516 = arith.constant 9 : i32
    %dma_wait3A_1517 = arith.constant 4 : i32
    %dma_wait3A_1518 = arith.constant 0 : i32
    %dma_wait3A_1519 = arith.constant 0 : i32
    %dma_wait3A_1520 = tpu.memref_slice %arg6[%dma_wait3A_1517, %dma_wait3A_1518, %dma_wait3A_1519] : memref<5x128x128xf32, #tpu.memory_space<vmem>> -> memref<1x128x128xf32, #tpu.memory_space<vmem>>
    %dma_wait3A_1521 = tpu.memref_squeeze %dma_wait3A_1520 : memref<1x128x128xf32, #tpu.memory_space<vmem>> -> memref<128x128xf32, #tpu.memory_space<vmem>>
    %dma_wait3A_1522 = arith.constant 0 : i32
    %dma_wait3A_1523 = tpu.memref_slice %arg5[%dma_wait3A_1516, %dma_wait3A_1522] : memref<10x128xi32, #tpu.memory_space<vmem>> -> memref<1x128xi32, #tpu.memory_space<vmem>>
    %dma_wait3A_1524 = tpu.memref_squeeze %dma_wait3A_1523 : memref<1x128xi32, #tpu.memory_space<vmem>> -> memref<128xi32, #tpu.memory_space<vmem>>
    %dma_wait3A_1525 = arith.constant 0 : i32
    %dma_wait3A_1526 = arith.constant 0 : i32
    %dma_wait3A_1527 = tpu.memref_slice %arg3[%dma_wait3A_1525, %dma_wait3A_1526] : memref<100000x128xf32, #tpu.memory_space<hbm>> -> memref<100000x128xf32, #tpu.memory_space<hbm>>
    tpu.wait_indirect_dma semaphore(%arg7 : memref<!tpu.dma_semaphore, #tpu.memory_space<semaphore_mem>>) src(%dma_wait3A_1527 : memref<100000x128xf32, #tpu.memory_space<hbm>>) dst(%dma_wait3A_1521 : memref<128x128xf32, #tpu.memory_space<vmem>>)
    %add3A_1528 = arith.constant 25472 : i32
    %add3A_1529 = arith.addi %mul3A_4, %add3A_1528 : i32
    %dma_start3A_1530 = arith.constant 4 : i32
    %dma_start3A_1531 = arith.constant 0 : i32
    %dma_start3A_1532 = arith.constant 0 : i32
    %dma_start3A_1533 = tpu.memref_slice %arg6[%dma_start3A_1530, %dma_start3A_1531, %dma_start3A_1532] : memref<5x128x128xf32, #tpu.memory_space<vmem>> -> memref<1x128x128xf32, #tpu.memory_space<vmem>>
    %dma_start3A_1534 = tpu.memref_squeeze %dma_start3A_1533 : memref<1x128x128xf32, #tpu.memory_space<vmem>> -> memref<128x128xf32, #tpu.memory_space<vmem>>
    %dma_start3A_1535 = arith.constant 0 : i32
    %dma_start3A_1536 = tpu.memref_slice %arg4[%add3A_1529, %dma_start3A_1535] : memref<819200x128xf32, #tpu.memory_space<hbm>> -> memref<128x128xf32, #tpu.memory_space<hbm>>
    %dma_start3A_1537 = arith.constant 0 : i32
    %dma_start3A_1538 = tpu.memref_slice %arg4[%add3A_1529, %dma_start3A_1537] : memref<819200x128xf32, #tpu.memory_space<hbm>> -> memref<128x128xf32, #tpu.memory_space<hbm>>
    %dma_start3A_1539 = arith.constant 0 : i32
    %dma_start3A_1540 = arith.constant 0 : i32
    %dma_start3A_1541 = tpu.memref_slice %arg6[%dma_start3A_1530, %dma_start3A_1539, %dma_start3A_1540] : memref<5x128x128xf32, #tpu.memory_space<vmem>> -> memref<1x128x128xf32, #tpu.memory_space<vmem>>
    %dma_start3A_1542 = tpu.memref_squeeze %dma_start3A_1541 : memref<1x128x128xf32, #tpu.memory_space<vmem>> -> memref<128x128xf32, #tpu.memory_space<vmem>>
    tpu.enqueue_dma source(%dma_start3A_1542 : memref<128x128xf32, #tpu.memory_space<vmem>>) target(%dma_start3A_1538 : memref<128x128xf32, #tpu.memory_space<hbm>>) target_semaphore(%arg8 : memref<!tpu.dma_semaphore, #tpu.memory_space<semaphore_mem>>)
    %dma_wait3A_1543 = arith.constant 0 : i32
    %dma_wait3A_1544 = arith.constant 0 : i32
    %dma_wait3A_1545 = arith.constant 0 : i32
    %dma_wait3A_1546 = tpu.memref_slice %arg6[%dma_wait3A_1543, %dma_wait3A_1544, %dma_wait3A_1545] : memref<5x128x128xf32, #tpu.memory_space<vmem>> -> memref<1x128x128xf32, #tpu.memory_space<vmem>>
    %dma_wait3A_1547 = tpu.memref_squeeze %dma_wait3A_1546 : memref<1x128x128xf32, #tpu.memory_space<vmem>> -> memref<128x128xf32, #tpu.memory_space<vmem>>
    %dma_wait3A_1548 = arith.constant 0 : i32
    %dma_wait3A_1549 = tpu.memref_slice %arg4[%mul3A_4, %dma_wait3A_1548] : memref<819200x128xf32, #tpu.memory_space<hbm>> -> memref<128x128xf32, #tpu.memory_space<hbm>>
    %dma_wait3A_1550 = arith.constant 0 : i32
    %dma_wait3A_1551 = tpu.memref_slice %arg4[%mul3A_4, %dma_wait3A_1550] : memref<819200x128xf32, #tpu.memory_space<hbm>> -> memref<128x128xf32, #tpu.memory_space<hbm>>
    %dma_wait3A_1552 = arith.constant 0 : i32
    %dma_wait3A_1553 = arith.constant 0 : i32
    %dma_wait3A_1554 = tpu.memref_slice %arg6[%dma_wait3A_1543, %dma_wait3A_1552, %dma_wait3A_1553] : memref<5x128x128xf32, #tpu.memory_space<vmem>> -> memref<1x128x128xf32, #tpu.memory_space<vmem>>
    %dma_wait3A_1555 = tpu.memref_squeeze %dma_wait3A_1554 : memref<1x128x128xf32, #tpu.memory_space<vmem>> -> memref<128x128xf32, #tpu.memory_space<vmem>>
    tpu.wait_dma2 semaphore(%arg8 : memref<!tpu.dma_semaphore, #tpu.memory_space<semaphore_mem>>) src(%dma_wait3A_1555 : memref<128x128xf32, #tpu.memory_space<vmem>>) dst(%dma_wait3A_1551 : memref<128x128xf32, #tpu.memory_space<hbm>>)
    %dma_wait3A_1556 = arith.constant 0 : i32
    %dma_wait3A_1557 = arith.constant 0 : i32
    %dma_wait3A_1558 = arith.constant 0 : i32
    %dma_wait3A_1559 = tpu.memref_slice %arg6[%dma_wait3A_1556, %dma_wait3A_1557, %dma_wait3A_1558] : memref<5x128x128xf32, #tpu.memory_space<vmem>> -> memref<1x128x128xf32, #tpu.memory_space<vmem>>
    %dma_wait3A_1560 = tpu.memref_squeeze %dma_wait3A_1559 : memref<1x128x128xf32, #tpu.memory_space<vmem>> -> memref<128x128xf32, #tpu.memory_space<vmem>>
    %dma_wait3A_1561 = arith.constant 0 : i32
    %dma_wait3A_1562 = tpu.memref_slice %arg4[%mul3A_4, %dma_wait3A_1561] : memref<819200x128xf32, #tpu.memory_space<hbm>> -> memref<128x128xf32, #tpu.memory_space<hbm>>
    %dma_wait3A_1563 = arith.constant 0 : i32
    %dma_wait3A_1564 = tpu.memref_slice %arg4[%mul3A_4, %dma_wait3A_1563] : memref<819200x128xf32, #tpu.memory_space<hbm>> -> memref<128x128xf32, #tpu.memory_space<hbm>>
    %dma_wait3A_1565 = arith.constant 0 : i32
    %dma_wait3A_1566 = arith.constant 0 : i32
    %dma_wait3A_1567 = tpu.memref_slice %arg6[%dma_wait3A_1556, %dma_wait3A_1565, %dma_wait3A_1566] : memref<5x128x128xf32, #tpu.memory_space<vmem>> -> memref<1x128x128xf32, #tpu.memory_space<vmem>>
    %dma_wait3A_1568 = tpu.memref_squeeze %dma_wait3A_1567 : memref<1x128x128xf32, #tpu.memory_space<vmem>> -> memref<128x128xf32, #tpu.memory_space<vmem>>
    tpu.wait_dma2 semaphore(%arg8 : memref<!tpu.dma_semaphore, #tpu.memory_space<semaphore_mem>>) src(%dma_wait3A_1568 : memref<128x128xf32, #tpu.memory_space<vmem>>) dst(%dma_wait3A_1564 : memref<128x128xf32, #tpu.memory_space<hbm>>)
    %dma_wait3A_1569 = arith.constant 0 : i32
    %dma_wait3A_1570 = arith.constant 0 : i32
    %dma_wait3A_1571 = arith.constant 0 : i32
    %dma_wait3A_1572 = tpu.memref_slice %arg6[%dma_wait3A_1569, %dma_wait3A_1570, %dma_wait3A_1571] : memref<5x128x128xf32, #tpu.memory_space<vmem>> -> memref<1x128x128xf32, #tpu.memory_space<vmem>>
    %dma_wait3A_1573 = tpu.memref_squeeze %dma_wait3A_1572 : memref<1x128x128xf32, #tpu.memory_space<vmem>> -> memref<128x128xf32, #tpu.memory_space<vmem>>
    %dma_wait3A_1574 = arith.constant 0 : i32
    %dma_wait3A_1575 = tpu.memref_slice %arg4[%mul3A_4, %dma_wait3A_1574] : memref<819200x128xf32, #tpu.memory_space<hbm>> -> memref<128x128xf32, #tpu.memory_space<hbm>>
    %dma_wait3A_1576 = arith.constant 0 : i32
    %dma_wait3A_1577 = tpu.memref_slice %arg4[%mul3A_4, %dma_wait3A_1576] : memref<819200x128xf32, #tpu.memory_space<hbm>> -> memref<128x128xf32, #tpu.memory_space<hbm>>
    %dma_wait3A_1578 = arith.constant 0 : i32
    %dma_wait3A_1579 = arith.constant 0 : i32
    %dma_wait3A_1580 = tpu.memref_slice %arg6[%dma_wait3A_1569, %dma_wait3A_1578, %dma_wait3A_1579] : memref<5x128x128xf32, #tpu.memory_space<vmem>> -> memref<1x128x128xf32, #tpu.memory_space<vmem>>
    %dma_wait3A_1581 = tpu.memref_squeeze %dma_wait3A_1580 : memref<1x128x128xf32, #tpu.memory_space<vmem>> -> memref<128x128xf32, #tpu.memory_space<vmem>>
    tpu.wait_dma2 semaphore(%arg8 : memref<!tpu.dma_semaphore, #tpu.memory_space<semaphore_mem>>) src(%dma_wait3A_1581 : memref<128x128xf32, #tpu.memory_space<vmem>>) dst(%dma_wait3A_1577 : memref<128x128xf32, #tpu.memory_space<hbm>>)
    %dma_wait3A_1582 = arith.constant 0 : i32
    %dma_wait3A_1583 = arith.constant 0 : i32
    %dma_wait3A_1584 = arith.constant 0 : i32
    %dma_wait3A_1585 = tpu.memref_slice %arg6[%dma_wait3A_1582, %dma_wait3A_1583, %dma_wait3A_1584] : memref<5x128x128xf32, #tpu.memory_space<vmem>> -> memref<1x128x128xf32, #tpu.memory_space<vmem>>
    %dma_wait3A_1586 = tpu.memref_squeeze %dma_wait3A_1585 : memref<1x128x128xf32, #tpu.memory_space<vmem>> -> memref<128x128xf32, #tpu.memory_space<vmem>>
    %dma_wait3A_1587 = arith.constant 0 : i32
    %dma_wait3A_1588 = tpu.memref_slice %arg4[%mul3A_4, %dma_wait3A_1587] : memref<819200x128xf32, #tpu.memory_space<hbm>> -> memref<128x128xf32, #tpu.memory_space<hbm>>
    %dma_wait3A_1589 = arith.constant 0 : i32
    %dma_wait3A_1590 = tpu.memref_slice %arg4[%mul3A_4, %dma_wait3A_1589] : memref<819200x128xf32, #tpu.memory_space<hbm>> -> memref<128x128xf32, #tpu.memory_space<hbm>>
    %dma_wait3A_1591 = arith.constant 0 : i32
    %dma_wait3A_1592 = arith.constant 0 : i32
    %dma_wait3A_1593 = tpu.memref_slice %arg6[%dma_wait3A_1582, %dma_wait3A_1591, %dma_wait3A_1592] : memref<5x128x128xf32, #tpu.memory_space<vmem>> -> memref<1x128x128xf32, #tpu.memory_space<vmem>>
    %dma_wait3A_1594 = tpu.memref_squeeze %dma_wait3A_1593 : memref<1x128x128xf32, #tpu.memory_space<vmem>> -> memref<128x128xf32, #tpu.memory_space<vmem>>
    tpu.wait_dma2 semaphore(%arg8 : memref<!tpu.dma_semaphore, #tpu.memory_space<semaphore_mem>>) src(%dma_wait3A_1594 : memref<128x128xf32, #tpu.memory_space<vmem>>) dst(%dma_wait3A_1590 : memref<128x128xf32, #tpu.memory_space<hbm>>)
    %dma_wait3A_1595 = arith.constant 0 : i32
    %dma_wait3A_1596 = arith.constant 0 : i32
    %dma_wait3A_1597 = arith.constant 0 : i32
    %dma_wait3A_1598 = tpu.memref_slice %arg6[%dma_wait3A_1595, %dma_wait3A_1596, %dma_wait3A_1597] : memref<5x128x128xf32, #tpu.memory_space<vmem>> -> memref<1x128x128xf32, #tpu.memory_space<vmem>>
    %dma_wait3A_1599 = tpu.memref_squeeze %dma_wait3A_1598 : memref<1x128x128xf32, #tpu.memory_space<vmem>> -> memref<128x128xf32, #tpu.memory_space<vmem>>
    %dma_wait3A_1600 = arith.constant 0 : i32
    %dma_wait3A_1601 = tpu.memref_slice %arg4[%mul3A_4, %dma_wait3A_1600] : memref<819200x128xf32, #tpu.memory_space<hbm>> -> memref<128x128xf32, #tpu.memory_space<hbm>>
    %dma_wait3A_1602 = arith.constant 0 : i32
    %dma_wait3A_1603 = tpu.memref_slice %arg4[%mul3A_4, %dma_wait3A_1602] : memref<819200x128xf32, #tpu.memory_space<hbm>> -> memref<128x128xf32, #tpu.memory_space<hbm>>
    %dma_wait3A_1604 = arith.constant 0 : i32
    %dma_wait3A_1605 = arith.constant 0 : i32
    %dma_wait3A_1606 = tpu.memref_slice %arg6[%dma_wait3A_1595, %dma_wait3A_1604, %dma_wait3A_1605] : memref<5x128x128xf32, #tpu.memory_space<vmem>> -> memref<1x128x128xf32, #tpu.memory_space<vmem>>
    %dma_wait3A_1607 = tpu.memref_squeeze %dma_wait3A_1606 : memref<1x128x128xf32, #tpu.memory_space<vmem>> -> memref<128x128xf32, #tpu.memory_space<vmem>>
    tpu.wait_dma2 semaphore(%arg8 : memref<!tpu.dma_semaphore, #tpu.memory_space<semaphore_mem>>) src(%dma_wait3A_1607 : memref<128x128xf32, #tpu.memory_space<vmem>>) dst(%dma_wait3A_1603 : memref<128x128xf32, #tpu.memory_space<hbm>>)
    return
  }
}

</mosaic_0001>

<sc_bundles>
// kernel: kernel.3.cloned.1.call-start
scs
__scs_entry_jumppad:
0x0: {  	(pc) =	sbr.rel $0x88, $3  }
0x1: {  	(tag) =	ssettag $0x0;
	lr =	simm.s32 $0x1  }
0x2: {  	[smem:$0x3F9F] =	sst lr;
	_ =	strace $0xD0000000  }
0x3: {  	_ = 	snop  }
0x4: {  	_ = 	snop  }
0x5: {  	_ = 	snop  }
0x6: {  	_ = 	snop  }
0x7: {  	_ = 	snop  }
__scs_overlays_trampoline_lowered:
0x8: {  	[smem:$0x3FAE] =	sst s0  }
0x9: {  	[smem:$0x3FAF] =	sst s1  }
0xa: {  	[smem:$0x3FB0] =	sst s2  }
0xb: {  	[smem:$0x3FB1] =	sst s3  }
0xc: {  	[smem:$0x3FB2] =	sst s4  }
0xd: {  	[smem:$0x3FB3] =	sst s5  }
0xe: {  	[smem:$0x3FB4] =	sst s6  }
0xf: {  	[smem:$0x3FB5] =	sst s7  }
0x10: {  	[smem:$0x3FB6] =	sst s8  }
0x11: {  	[smem:$0x3FB7] =	sst s9;
	s0 =	simm.s32 @!p0 $0x0  }
0x12: {  	s1 =	sld [smem:$0x3F9D];
	s0 =	simm.s32 @p0 $0x1  }
0x13: {  	[smem:$0x3FB8] =	sst s0;
	s0 =	simm.s32 @!p1 $0x0  }
0x14: {  	s2 =	sld [smem:$0x3F9C];
	s0 =	simm.s32 @p1 $0x1  }
0x15: {  	[smem:$0x3FB9] =	sst s0;
	s0 =	simm.s32 @!p2 $0x0  }
0x16: {  	s3 =	sld [smem:$0x3FDB];
	s0 =	simm.s32 @p2 $0x1  }
0x17: {  	s4 =	simm.s32 $0x1BF5;
	[smem:$0x3FBB] =	sst s0  }
0x18: {  	s0 =	sld [smem:$0x3F9E];
	_ =	swait.ge [sflag:s4], $0x0  }
0x19: {  	s7 =	sld [smem:$0x3F9F]  }
0x1a: {  	s8 =	sadd.s32 $0xFFFFE003, lr  }
0x1b: {  	s9 =	sadd.s32 $0xFFFFFEF7, lr;
	s5 =	simm.s32 $0xFFFFFFFF;
	p2 =	slt.u32 s8, $0xFFFFF086  }
0x1c: {  	p1 =	slt.u32 s9, $0xF7A;
	s5 =	simm.s32 @!p2 $0x0  }
0x1d: {  	s5 =	simm.s32 @p1 $0x1;
	p0 =	seq.s32 s7, s2  }
0x1e: {  	s7 =	smul.u32 @!p0 $0xF7A, s2;
	p2 =	seq.s32 @!p0 s5, $0x0  }
0x1f: {  	s9 =	smul.u32 $0xF7A, s1;
	s8 =	simm.s32 @!p0 $0x1BF5;
	p2 =	por !p2, p0  }
0x20: {  	[sflag:s8] =	ssyncset.s32 @!p0 $0xFFFFF086;
	s6 =	sadd.s32 @!p0 s3, s7;
	s7 =	simm.s32 @!p0 $0x108  }
0x21: {  	s3 =	sadd.s32 s3, s9;
	s6 =	sadd.s32 @!p0 $0x88, s6;
	s7 =	simm.s32 @p2 $0x1082  }
0x22: {  	[simem:s7], [sflag:s8] =	dma.local @!p0 [hbm:s6], $0xF7A  }
0x23: {  	s9 =	sor.u32 $0xD0000000, s2;
	s6 =	simm.s32 $0x108;
	_ =	swait.ge @!p0 [sflag:s8], $0x0  }
0x24: {  	s3 =	sadd.s32 $0x88, s3;
	s6 =	simm.s32 @!p1 $0x1082;
	[sflag:s4] =	ssyncset.s32 $0xFFFFF086  }
0x25: {  	[simem:s6], [sflag:s4] =	dma.local [hbm:s3], $0xF7A  }
0x26: {  	[smem:$0x3F9F] =	sst s1;
	(tag) =	ssettag s2;
	_ =	strace s9  }
0x27: {  	s1 =	sld [smem:$0x3FAF]  }
0x28: {  	s2 =	sld [smem:$0x3FB0]  }
0x29: {  	s4 =	sld [smem:$0x3FB2]  }
0x2a: {  	p0 =	seq.s32 s5, $0x0;
	s5 =	sld [smem:$0x3FB3]  }
0x2b: {  	s6 =	sld [smem:$0x3FB4]  }
0x2c: {  	s7 =	sld [smem:$0x3FB5]  }
0x2d: {  	s3 =	simm.s32 $0x108;
	s8 =	sld [smem:$0x3FB6]  }
0x2e: {  	s3 =	simm.s32 @!p0 $0x1082;
	s9 =	sld [smem:$0x3FB7]  }
0x2f: {  	lr =	sadd.s32 s0, s3;
	s0 =	sld [smem:$0x3FAE]  }
0x30: {  	s3 =	sld [smem:$0x3FB1]  }
0x31: {  	[smem:$0x3FBA] =	sst s10  }
0x32: {  	s10 =	sld [smem:$0x3FB8];
	_ =	sdelay $0x3  }
0x33: {  	p0 =	seq.s32 s10, $0x1;
	s10 =	sld [smem:$0x3FBA];
	_ =	sdelay $0x3  }
0x34: {  	[smem:$0x3FBA] =	sst s10  }
0x35: {  	s10 =	sld [smem:$0x3FB9];
	_ =	sdelay $0x3  }
0x36: {  	p1 =	seq.s32 s10, $0x1;
	s10 =	sld [smem:$0x3FBA];
	_ =	sdelay $0x3  }
0x37: {  	[smem:$0x3FBA] =	sst s10  }
0x38: {  	s10 =	sld [smem:$0x3FBB]  }
0x39: {  	_ = 	snop;
	(pc) =	sbr.ind lr, $3  }
0x3a: {  	_ = 	snop  }
0x3b: {  	_ = 	snop  }
0x3c: {  	p2 =	seq.s32 s10, $0x1;
	s10 =	sld [smem:$0x3FBA]  }
0x3d: {  	_ =	shalt  }
0x3e: {  	_ =	shalt  }
0x3f: {  	_ =	shalt  }
0x40: {  	_ =	shalt  }
0x41: {  	_ =	shalt  }
0x42: {  	_ =	shalt  }
0x43: {  	_ =	shalt  }
0x44: {  	_ =	shalt  }
0x45: {  	_ =	shalt  }
0x46: {  	_ =	shalt  }
0x47: {  	_ =	shalt  }
0x48: {  	_ =	shalt  }
0x49: {  	_ =	shalt  }
0x4a: {  	_ =	shalt  }
0x4b: {  	_ =	shalt  }
0x4c: {  	_ =	shalt  }
0x4d: {  	_ =	shalt  }
0x4e: {  	_ =	shalt  }
0x4f: {  	_ =	shalt  }
0x50: {  	_ =	shalt  }
0x51: {  	_ =	shalt  }
0x52: {  	_ =	shalt  }
0x53: {  	_ =	shalt  }
0x54: {  	_ =	shalt  }
0x55: {  	_ =	shalt  }
0x56: {  	_ =	shalt  }
0x57: {  	_ =	shalt  }
0x58: {  	_ =	shalt  }
0x59: {  	_ =	shalt  }
0x5a: {  	_ =	shalt  }
0x5b: {  	_ =	shalt  }
0x5c: {  	_ =	shalt  }
0x5d: {  	_ =	shalt  }
0x5e: {  	_ =	shalt  }
0x5f: {  	_ =	shalt  }
0x60: {  	_ =	shalt  }
0x61: {  	_ =	shalt  }
0x62: {  	_ =	shalt  }
0x63: {  	_ =	shalt  }
0x64: {  	_ =	shalt  }
0x65: {  	_ =	shalt  }
0x66: {  	_ =	shalt  }
0x67: {  	_ =	shalt  }
0x68: {  	_ =	shalt  }
0x69: {  	_ =	shalt  }
0x6a: {  	_ =	shalt  }
0x6b: {  	_ =	shalt  }
0x6c: {  	_ =	shalt  }
0x6d: {  	_ =	shalt  }
0x6e: {  	_ =	shalt  }
0x6f: {  	_ =	shalt  }
0x70: {  	_ =	shalt  }
0x71: {  	_ =	shalt  }
0x72: {  	_ =	shalt  }
0x73: {  	_ =	shalt  }
0x74: {  	_ =	shalt  }
0x75: {  	_ =	shalt  }
0x76: {  	_ =	shalt  }
0x77: {  	_ =	shalt  }
0x78: {  	_ =	shalt  }
0x79: {  	_ =	shalt  }
0x7a: {  	_ =	shalt  }
0x7b: {  	_ =	shalt  }
0x7c: {  	_ =	shalt  }
0x7d: {  	_ =	shalt  }
0x7e: {  	_ =	shalt  }
0x7f: {  	_ =	shalt  }
0x80: {  	_ =	shalt  }
0x81: {  	_ =	shalt  }
0x82: {  	_ =	shalt  }
0x83: {  	_ =	shalt  }
0x84: {  	_ =	shalt  }
0x85: {  	_ =	shalt  }
0x86: {  	_ =	shalt  }
0x87: {  	_ =	shalt  }
.Lfunc_end0:
.L_simem_size_0:
called_computation_lowered:
.L_overlay_start_0:
0x88: {  	s2 =	sld [smem:$0x3FD9]  }
0x89: {  	s3 =	sld [smem:$0x3FFE];
	_ =	sdelay $0x1  }
0x8a: {  	s1 =	srdreg.scid  }
0x8b: {  	s0 =	sand.u32 $0x1, s1  }
0x8c: {  	s17 =	sshll.u32 s0, $0xA;
	s2 =	sadd.s32 s3, s2  }
0x8d: {  	s2 =	sadd.s32 s2, s17  }
0x8e: {  	[smem:$0x3FC6] =	sst s2  }
0x8f: {  	_ = 	snop  }
0x90: {  	s2 =	sld [smem:$0x3FC8]  }
0x91: {  	s18 =	sld [smem:$0x3FD0];
	(tm) =	ssettm $0x1  }
0x92: {  	s4 =	sld [smem:$0x3FFB];
	_ =	sdelay $0x3  }
0x93: {  	_ =	strace s4  }
0x94: {  	s4 =	sld [smem:$0x3FFC];
	_ =	sdelay $0x3  }
0x95: {  	_ =	strace s4  }
0x96: {  	s4 =	sld [smem:$0x3FFD];
	_ =	sdelay $0x3  }
0x97: {  	_ =	strace s4  }
0x98: {  	_ =	strace $0x8FFFFFFF  }
0x99: {  	s19 =	sld [smem:$0x3FDB];
	_ =	sdelay $0x1  }
0x9a: {  	s5 =	simm.s32 $_scs_section_size  }
0x9b: {  	s6 =	simm.s32 $_size__tile_overlayer_lowered;
	s7 =	simm.s32 $_tile_overlayer_lowered  }
0x9c: {  	s22 =	simm.s32 $0x1BFF;
	s21 =	sshll.u32 s7, $0x1;
	s4 =	sadd.s32 s5, s19  }
0x9d: {  	s8 =	simm.s32 $0x0;
	s20 =	sshll.u32 s6, $0x1;
	s6 =	sadd.s32 s21, s4  }
0x9e: {  	[timem:s8], [sflag:s22] =	dma.local [hbm:s6], s20  }
0x9f: {  	_ =	swait.ge [sflag:s22], s20  }
0xa0: {  	s5 =	ssub.s32 $0x0, s20;
	[sflag:s22] =	ssyncset.done $0x0  }
0xa1: {  	[sflag:s22] =	ssyncadd.s32 s5;
	_ =	sdelay $0x1  }
0xa2: {  	s23 =	simm.s32 $0x1B8B  }
0xa3: {  	_ =	swait.ge [sflag:s23], $0x1  }
0xa4: {  	[sflag:s23] =	ssyncset.done $0x0  }
0xa5: {  	s25 =	simm.s32 $0x1B8E;
	s24 =	sld [smem:$0x3FFE];
	[sflag:s23] =	ssyncadd.s32 $0xFFFFFFFF  }
0xa6: {  	s26 =	simm.s32 $execute0_lowered;
	[smem:$0x3FD2] =	sst s25  }
0xa7: {  	s6 =	sshll.u32 s26, $0x1;
	_ =	strace $0x80000046;
	[dreg:$0x1] =	wrdreg $0xFFFFFFFF  }
0xa8: {  	s28 =	simm.s32 $_size_execute0_lowered;
	s4 =	sadd.s32 s4, s6;
	[dreg:$0x0] =	wrdreg $0x0  }
0xa9: {  	s6 =	sshll.u32 s28, $0x1;
	[dreg:$0x2] =	wrdreg s4  }
0xaa: {  	[dreg:$0x3] =	wrdreg s6  }
0xab: {  	[dreg:$0x4] =	wrdreg $0xC0  }
0xac: {  	_ =	task [dreg:s8], $0x5FFFF  }
0xad: {  	[dreg:$0x1] =	wrdreg $0xFFFFFFFF  }
0xae: {  	[dreg:$0x0] =	wrdreg $0x60  }
0xaf: {  	[dreg:$0x2] =	wrdreg s24  }
0xb0: {  	[dreg:$0x3] =	wrdreg s2  }
0xb1: {  	[dreg:$0x4] =	wrdreg s18  }
0xb2: {  	[dreg:$0x5] =	wrdreg $0x9  }
0xb3: {  	_ =	task.clear_ibuf [dreg:s8], $0x6FFFF;
	_ =	strace $0x90000046  }
0xb4: {  	s29 =	simm.s32 $0x9;
	_ =	strace $0x80000048  }
0xb5: {  	_ =	swait.ge [sflag:s29], $0x1  }
0xb6: {  	[sflag:s29] =	ssyncadd.s32 $0xFFFFFFFF  }
0xb7: {  	_ =	strace $0x90000048  }
0xb8: {  	_ =	sfence  }
0xb9: {  	s30 =	sld [smem:$0x0];
	_ =	sdelay $0x2  }
0xba: {  	s31 =	sshll.u32 s1, $0xD;
	s1 =	sshrl.u32 s1, $0x2  }
0xbb: {  	s3 =	sand.u32 $0x4000, s31;
	s1 =	sadd.s32 s1, s30  }
0xbc: {  	s0 =	sor.u32 s3, s0;
	s1 =	sshll.u32 s1, $0x11  }
0xbd: {  	s0 =	sor.u32 s1, s0  }
0xbe: {  	s0 =	sadd.s32 $0x8F2B, s0  }
0xbf: {  	[sflag:s0] =	ssyncadd.remote.s32 $0x1  }
0xc0: {  	_ =	sfence.sel $0xFFFF  }
0xc1: {  	[dreg:$0x0] =	wrdreg $0xFFFFFFFF;
	(pc) =	sbr.abs _section_cstart, $3  }
0xc2: {  	[dreg:$0x1] =	wrdreg $0xFFFFFFFF  }
0xc3: {  	_ =	task.clear_ibuf [dreg:s8], $0x2FFFF;
	_ =	strace $0x9FFFFFFF  }
0xc4: {  	(tm) =	ssettm $0x7FFFFFFF  }
0xc5: {  	_ =	shalt  }
tec
execute0_lowered:
.L_overlay_start_1:
0x0: {  	(tag) =	ssettag $0x1  }
0x1: {  	s0 =	rddreg [dreg:$0x0];
	s10 =	stileid.u32  }
0x2: {  	s1 =	srdreg.scid;
	s17 =	smul.u32 $0xC8000, s10  }
0x3: {  	s11 =	rddreg [dreg:$0x2];
	s1 =	sand.u32 $0x1, s1;
	s21 =	smul.u32 $0x1900, s10  }
0x4: {  	s4 =	simm.s32 $0x0;
	s3 =	sshll.u32 s10, $0x1;
	s19 =	smul.u32 $0x64000, s1  }
0x5: {  	[smem:$0x7FF] =	sst s4;
	s5 =	sadd.s32 $0x400, s0;
	s26 =	smul.u32 $0x320000, s1  }
0x6: {  	s3 =	sor.u32 s1, s3;
	s13 =	ssub.s32 $0x2, s1;
	s1 =	smul.u32 $0xC80, s1  }
0x7: {  	_ =	strace $0x80000047;
	s7 =	smul.u32 $0xC80, s3;
	s8 =	sshrl.u32 s13, $0x1  }
0x8: {  	s6 =	smul.u32 $0x6400, s3;
	s0 =	ssub.s32 s13, s8;
	s1 =	sadd.s32 s1, s21  }
0x9: {  	s12 =	sadd.s32 s5, s7;
	s7 =	sadd.s32 s19, s17;
	[dreg:$0x5] =	wrdreg s1  }
0xa: {  	s9 =	smul.u32 $0x64000, s3;
	s0 =	smax.u32 s0, $0x1;
	[dreg:$0x4] =	wrdreg s7  }
0xb: {  	s6 =	sshrl.u32 s6, $0x3;
	[smem:$0x7EF] =	sst s0  }
0xc: {  	s13 =	sadd.s32 s11, s9;
	s6 =	sadd.s32 s5, s6;
	[dreg:$0xa] =	wrdreg s12  }
0xd: {  	[dreg:$0xb] =	wrdreg s13;
	s14 =	sadd.s32 $0x80, s6  }
0xe: {  	s15 =	sadd.s32 $0x90, s6;
	[dreg:$0xc] =	wrdreg s14  }
0xf: {  	s3 =	smul.u32 $0x320000, s3;
	s16 =	sadd.s32 $0xA0, s6;
	[dreg:$0xd] =	wrdreg s15  }
0x10: {  	s18 =	sadd.s32 $0xB0, s6;
	[dreg:$0xe] =	wrdreg s16  }
0x11: {  	s3 =	sshrl.u32 s3, $0x3;
	s20 =	sadd.s32 $0xC0, s6;
	[dreg:$0xf] =	wrdreg s18  }
0x12: {  	s3 =	sadd.s32 s11, s3;
	s22 =	sadd.s32 $0xD0, s6;
	[dreg:$0x10] =	wrdreg s20  }
0x13: {  	s23 =	sadd.s32 $0x4000, s3;
	[dreg:$0x11] =	wrdreg s22  }
0x14: {  	s24 =	sadd.s32 $0xE0, s6;
	[dreg:$0x12] =	wrdreg s23  }
0x15: {  	s10 =	smul.u32 $0x640000, s10;
	s25 =	sadd.s32 $0x4800, s3;
	[dreg:$0x13] =	wrdreg s24  }
0x16: {  	s2 =	sadd.s32 $0xF0, s6;
	[dreg:$0x14] =	wrdreg s25  }
0x17: {  	s10 =	sadd.s32 s26, s10;
	s8 =	sadd.s32 $0x5F000, s3;
	[dreg:$0x15] =	wrdreg s2  }
0x18: {  	s7 =	sadd.s32 $0x40000, s10;
	s11 =	sadd.s32 $0xC40, s6;
	[dreg:$0x16] =	wrdreg s8  }
0x19: {  	s21 =	sshrl.u32 s7, $0x3;
	[dreg:$0x17] =	wrdreg s11  }
0x1a: {  	s26 =	sadd.s32 $0x60800, s3;
	[dreg:$0x9] =	wrdreg s21  }
0x1b: {  	s7 =	sadd.s32 $0x62000, s3;
	[dreg:$0x1d] =	wrdreg s26  }
0x1c: {  	s9 =	sadd.s32 $0x63000, s3;
	[smem:$0x7EB] =	sst s7  }
0x1d: {  	s20 =	sadd.s32 $0x5F800, s3;
	[smem:$0x7ED] =	sst s9  }
0x1e: {  	s22 =	sadd.s32 $0xC50, s6;
	[dreg:$0x18] =	wrdreg s20  }
0x1f: {  	s23 =	sadd.s32 $0xC60, s6;
	[dreg:$0x19] =	wrdreg s22  }
0x20: {  	s24 =	sadd.s32 $0xC70, s6;
	[dreg:$0x1a] =	wrdreg s23  }
0x21: {  	s25 =	sadd.s32 $0x60000, s3;
	[dreg:$0x1b] =	wrdreg s24  }
0x22: {  	s2 =	sadd.s32 $0x61000, s3;
	[dreg:$0x1c] =	wrdreg s25  }
0x23: {  	s14 =	sadd.s32 $0x4C000, s10;
	s6 =	sadd.s32 $0x61800, s3;
	[dreg:$0x1e] =	wrdreg s2  }
0x24: {  	s16 =	sadd.s32 $0x48000, s10;
	s8 =	sadd.s32 $0x62800, s3;
	[dreg:$0x1f] =	wrdreg s6  }
0x25: {  	s18 =	sadd.s32 $0x44000, s10;
	s10 =	sadd.s32 $0x63800, s3;
	[smem:$0x7EC] =	sst s8  }
0x26: {  	s11 =	sadd.s32 $0x10, s12;
	[smem:$0x7EE] =	sst s10  }
0x27: {  	s21 =	sadd.s32 $0x1000, s13;
	[smem:$0x7F0] =	sst s11  }
0x28: {  	s26 =	sadd.s32 $0x3800, s13;
	[smem:$0x7F8] =	sst s21  }
0x29: {  	s15 =	sshrl.u32 s14, $0x3;
	[smem:$0x7FD] =	sst s26  }
0x2a: {  	s17 =	sshrl.u32 s16, $0x3;
	[dreg:$0x6] =	wrdreg s15  }
0x2b: {  	s19 =	sshrl.u32 s18, $0x3;
	[dreg:$0x7] =	wrdreg s17  }
0x2c: {  	s14 =	sadd.s32 $0x20, s12;
	[dreg:$0x8] =	wrdreg s19  }
0x2d: {  	s16 =	sadd.s32 $0x40, s12;
	[smem:$0x7F1] =	sst s14  }
0x2e: {  	s18 =	sadd.s32 $0x60, s12;
	[smem:$0x7F3] =	sst s16  }
0x2f: {  	s20 =	sadd.s32 $0x70, s12;
	[smem:$0x7F5] =	sst s18  }
0x30: {  	s22 =	sadd.s32 $0x1800, s13;
	[smem:$0x7F7] =	sst s20  }
0x31: {  	s28 =	simm.s32 $0x3;
	s23 =	sadd.s32 $0x2000, s13;
	[smem:$0x7F9] =	sst s22  }
0x32: {  	s30 =	simm.s32 $0x800;
	s24 =	sadd.s32 $0x2800, s13;
	[smem:$0x7FA] =	sst s23  }
0x33: {  	s29 =	simm.s32 $0x300;
	s25 =	sadd.s32 $0x3000, s13;
	[smem:$0x7FB] =	sst s24  }
0x34: {  	s31 =	simm.s32 $0x4800;
	s15 =	sadd.s32 $0x30, s12;
	[smem:$0x7FC] =	sst s25  }
0x35: {  	s1 =	simm.s32 $0x0;
	s17 =	sadd.s32 $0x50, s12;
	[smem:$0x7F2] =	sst s15  }
0x36: {  	s0 =	simm.s32 $0x1;
	s19 =	sadd.s32 $0x800, s13;
	[smem:$0x7F4] =	sst s17  }
0x37: {  	s10 =	simm.s32 $0x80;
	s11 =	simm.s32 $0x2;
	[smem:$0x7F6] =	sst s19  }
.LBB2_1:
0x38: {  	s3 =	rddreg [dreg:$0xa]  }
0x39: {  	s16 =	sld [smem:$0x7F0]  }
0x3a: {  	[tilespmem:s4], [sflag:$0x3] =	stream.linear.gather [hbm4b:s3+s4], $0x80, $0x38;
	[tilespmem:$0x14800] =	vst v63  }
0x3b: {  	s17 =	sld [smem:$0x7F1]  }
0x3c: {  	[tilespmem:s10], [sflag:$0x3] =	stream.linear.gather [hbm4b:s16+s4], $0x80, $0x38;
	[tilespmem:$0x14800] =	vst v63  }
0x3d: {  	s18 =	sld [smem:$0x7F2];
	s16 =	simm.s32 $0x100  }
0x3e: {  	[tilespmem:s16], [sflag:$0x3] =	stream.linear.gather [hbm4b:s17+s4], $0x80, $0x38;
	[tilespmem:$0x14800] =	vst v63  }
0x3f: {  	s22 =	simm.s32 $0x180;
	s19 =	sld [smem:$0x7F3]  }
0x40: {  	[tilespmem:s22], [sflag:$0x3] =	stream.linear.gather [hbm4b:s18+s4], $0x80, $0x38;
	[tilespmem:$0x14800] =	vst v63  }
0x41: {  	s12 =	simm.s32 $0x200;
	s20 =	sld [smem:$0x7F4]  }
0x42: {  	[tilespmem:s12], [sflag:$0x3] =	stream.linear.gather [hbm4b:s19+s4], $0x80, $0x38;
	[tilespmem:$0x14800] =	vst v63  }
0x43: {  	[smem:$0x7EA] =	sst s1;
	s17 =	simm.s32 $0x280  }
0x44: {  	[tilespmem:s17], [sflag:$0x3] =	stream.linear.gather [hbm4b:s20+s4], $0x80, $0x38;
	[tilespmem:$0x14800] =	vst v63  }
0x45: {  	_ =	swait.ge [sflag:s28], $0x80  }
0x46: {  	[sflag:s28] =	ssyncset.done $0x0  }
0x47: {  	[sflag:s28] =	ssyncadd.s32 $0xFFFFFF80  }
0x48: {  	s18 =	simm.s32 $0x800;
	s2 =	rddreg [dreg:$0x1]  }
0x49: {  	[tilespmem:s18], [sflag:$0x1] =	stream.indirect.gather [hbm4b:s2+s10], $0x80, s4, s10, $0xb8;
	[tilespmem:$0x14800] =	vst v63  }
0x4a: {  	_ =	swait.ge [sflag:s28], $0x80  }
0x4b: {  	[sflag:s28] =	ssyncset.done $0x0  }
0x4c: {  	s19 =	simm.s32 $0x4800;
	[sflag:s28] =	ssyncadd.s32 $0xFFFFFF80  }
0x4d: {  	[tilespmem:s19], [sflag:$0x1] =	stream.indirect.gather [hbm4b:s2+s10], $0x80, s10, s10, $0xb8;
	[tilespmem:$0x14800] =	vst v63  }
0x4e: {  	_ =	swait.ge [sflag:s28], $0x80  }
0x4f: {  	[sflag:s28] =	ssyncset.done $0x0  }
0x50: {  	s1 =	simm.s32 $0x8800;
	[sflag:s28] =	ssyncadd.s32 $0xFFFFFF80  }
0x51: {  	[tilespmem:s1], [sflag:$0x1] =	stream.indirect.gather [hbm4b:s2+s10], $0x80, s16, s10, $0xb8;
	[tilespmem:$0x14800] =	vst v63  }
0x52: {  	_ =	swait.ge [sflag:s0], $0x4000  }
0x53: {  	[sflag:s0] =	ssyncset.done $0x0  }
0x54: {  	s21 =	rddreg [dreg:$0xb];
	[sflag:s0] =	ssyncadd.s32 $0xFFFFC000  }
0x55: {  	[hbm4b:s21+s4] =	stream.linear.scatter [tilespmem:s18], [sflag:$0x2], $0x4000, $0x38;
	[tilespmem:$0x14800] =	vst v63  }
0x56: {  	_ =	swait.ge [sflag:s28], $0x80  }
0x57: {  	[sflag:s28] =	ssyncset.done $0x0  }
0x58: {  	s20 =	simm.s32 $0xC800;
	s23 =	sld [smem:$0x7F5];
	[sflag:s28] =	ssyncadd.s32 $0xFFFFFF80  }
0x59: {  	[tilespmem:s20], [sflag:$0x1] =	stream.indirect.gather [hbm4b:s2+s10], $0x80, s22, s10, $0xb8;
	[tilespmem:$0x14800] =	vst v63  }
0x5a: {  	s13 =	simm.s32 $0x300  }
0x5b: {  	[tilespmem:s13], [sflag:$0x3] =	stream.linear.gather [hbm4b:s23+s4], $0x80, $0x38;
	[tilespmem:$0x14800] =	vst v63  }
0x5c: {  	_ =	swait.ge [sflag:s0], $0x4000  }
0x5d: {  	s24 =	sld [smem:$0x7F6]  }
0x5e: {  	[sflag:s0] =	ssyncset.done $0x0  }
0x5f: {  	[sflag:s0] =	ssyncadd.s32 $0xFFFFC000  }
0x60: {  	[hbm4b:s24+s4] =	stream.linear.scatter [tilespmem:s19], [sflag:$0x2], $0x4000, $0x38;
	[tilespmem:$0x14800] =	vst v63  }
0x61: {  	_ =	swait.ge [sflag:s28], $0x80  }
0x62: {  	[sflag:s28] =	ssyncset.done $0x0  }
0x63: {  	s9 =	simm.s32 $0x10800;
	s25 =	sld [smem:$0x7F7];
	[sflag:s28] =	ssyncadd.s32 $0xFFFFFF80  }
0x64: {  	[tilespmem:s9], [sflag:$0x1] =	stream.indirect.gather [hbm4b:s2+s10], $0x80, s12, s10, $0xb8;
	[tilespmem:$0x14800] =	vst v63  }
0x65: {  	s21 =	simm.s32 $0x380  }
0x66: {  	[tilespmem:s21], [sflag:$0x3] =	stream.linear.gather [hbm4b:s25+s4], $0x80, $0x38;
	[tilespmem:$0x14800] =	vst v63  }
0x67: {  	_ =	swait.ge [sflag:s0], $0x4000  }
0x68: {  	s26 =	sld [smem:$0x7F8]  }
0x69: {  	[sflag:s0] =	ssyncset.done $0x0  }
0x6a: {  	[sflag:s0] =	ssyncadd.s32 $0xFFFFC000  }
0x6b: {  	[hbm4b:s26+s4] =	stream.linear.scatter [tilespmem:s1], [sflag:$0x2], $0x4000, $0x38;
	[tilespmem:$0x14800] =	vst v63  }
0x6c: {  	_ =	swait.ge [sflag:s28], $0x80  }
0x6d: {  	[sflag:s28] =	ssyncset.done $0x0  }
0x6e: {  	[sflag:s28] =	ssyncadd.s32 $0xFFFFFF80  }
0x6f: {  	_ =	swait.ge [sflag:s11], $0x4000  }
0x70: {  	[sflag:s11] =	ssyncset.done $0x0  }
0x71: {  	[sflag:s11] =	ssyncadd.s32 $0xFFFFC000  }
0x72: {  	[tilespmem:s18], [sflag:$0x1] =	stream.indirect.gather [hbm4b:s2+s10], $0x80, s17, s10, $0xb8;
	[tilespmem:$0x14800] =	vst v63  }
0x73: {  	s23 =	simm.s32 $0x400;
	s6 =	rddreg [dreg:$0xc]  }
0x74: {  	[tilespmem:s23], [sflag:$0x3] =	stream.linear.gather [hbm4b:s6+s4], $0x80, $0x38;
	[tilespmem:$0x14800] =	vst v63  }
0x75: {  	_ =	swait.ge [sflag:s0], $0x4000  }
0x76: {  	s7 =	sld [smem:$0x7F9]  }
0x77: {  	[sflag:s0] =	ssyncset.done $0x0  }
0x78: {  	[sflag:s0] =	ssyncadd.s32 $0xFFFFC000  }
0x79: {  	[hbm4b:s7+s4] =	stream.linear.scatter [tilespmem:s20], [sflag:$0x2], $0x4000, $0x38;
	[tilespmem:$0x14800] =	vst v63  }
0x7a: {  	_ =	swait.ge [sflag:s28], $0x80  }
0x7b: {  	[sflag:s28] =	ssyncset.done $0x0  }
0x7c: {  	[sflag:s28] =	ssyncadd.s32 $0xFFFFFF80  }
0x7d: {  	_ =	swait.ge [sflag:s11], $0x4000  }
0x7e: {  	[sflag:s11] =	ssyncset.done $0x0  }
0x7f: {  	[sflag:s11] =	ssyncadd.s32 $0xFFFFC000  }
0x80: {  	[tilespmem:s19], [sflag:$0x1] =	stream.indirect.gather [hbm4b:s2+s10], $0x80, s13, s10, $0xb8;
	[tilespmem:$0x14800] =	vst v63  }
0x81: {  	s24 =	simm.s32 $0x480;
	s8 =	rddreg [dreg:$0xd]  }
0x82: {  	[tilespmem:s24], [sflag:$0x3] =	stream.linear.gather [hbm4b:s8+s4], $0x80, $0x38;
	[tilespmem:$0x14800] =	vst v63  }
0x83: {  	_ =	swait.ge [sflag:s0], $0x4000  }
0x84: {  	s14 =	sld [smem:$0x7FA]  }
0x85: {  	[sflag:s0] =	ssyncset.done $0x0  }
0x86: {  	[sflag:s0] =	ssyncadd.s32 $0xFFFFC000  }
0x87: {  	[hbm4b:s14+s4] =	stream.linear.scatter [tilespmem:s9], [sflag:$0x2], $0x4000, $0x38;
	[tilespmem:$0x14800] =	vst v63  }
0x88: {  	_ =	swait.ge [sflag:s28], $0x80  }
0x89: {  	[sflag:s28] =	ssyncset.done $0x0  }
0x8a: {  	[sflag:s28] =	ssyncadd.s32 $0xFFFFFF80  }
0x8b: {  	_ =	swait.ge [sflag:s11], $0x4000  }
0x8c: {  	[sflag:s11] =	ssyncset.done $0x0  }
0x8d: {  	[sflag:s11] =	ssyncadd.s32 $0xFFFFC000  }
0x8e: {  	[tilespmem:s1], [sflag:$0x1] =	stream.indirect.gather [hbm4b:s2+s10], $0x80, s21, s10, $0xb8;
	[tilespmem:$0x14800] =	vst v63  }
0x8f: {  	s15 =	rddreg [dreg:$0xe]  }
0x90: {  	[tilespmem:s4], [sflag:$0x3] =	stream.linear.gather [hbm4b:s15+s4], $0x80, $0x38;
	[tilespmem:$0x14800] =	vst v63  }
0x91: {  	_ =	swait.ge [sflag:s0], $0x4000  }
0x92: {  	s25 =	sld [smem:$0x7FB]  }
0x93: {  	[sflag:s0] =	ssyncset.done $0x0  }
0x94: {  	[sflag:s0] =	ssyncadd.s32 $0xFFFFC000  }
0x95: {  	[hbm4b:s25+s4] =	stream.linear.scatter [tilespmem:s18], [sflag:$0x2], $0x4000, $0x38;
	[tilespmem:$0x14800] =	vst v63  }
0x96: {  	_ =	swait.ge [sflag:s28], $0x80  }
0x97: {  	[sflag:s28] =	ssyncset.done $0x0  }
0x98: {  	[sflag:s28] =	ssyncadd.s32 $0xFFFFFF80  }
0x99: {  	_ =	swait.ge [sflag:s11], $0x4000  }
0x9a: {  	[sflag:s11] =	ssyncset.done $0x0  }
0x9b: {  	[sflag:s11] =	ssyncadd.s32 $0xFFFFC000  }
0x9c: {  	[tilespmem:s20], [sflag:$0x1] =	stream.indirect.gather [hbm4b:s2+s10], $0x80, s23, s10, $0xb8;
	[tilespmem:$0x14800] =	vst v63  }
0x9d: {  	s26 =	rddreg [dreg:$0xf]  }
0x9e: {  	[tilespmem:s10], [sflag:$0x3] =	stream.linear.gather [hbm4b:s26+s4], $0x80, $0x38;
	[tilespmem:$0x14800] =	vst v63  }
0x9f: {  	_ =	swait.ge [sflag:s0], $0x4000  }
0xa0: {  	s6 =	sld [smem:$0x7FC]  }
0xa1: {  	[sflag:s0] =	ssyncset.done $0x0  }
0xa2: {  	[sflag:s0] =	ssyncadd.s32 $0xFFFFC000  }
0xa3: {  	[hbm4b:s6+s4] =	stream.linear.scatter [tilespmem:s19], [sflag:$0x2], $0x4000, $0x38;
	[tilespmem:$0x14800] =	vst v63  }
0xa4: {  	_ =	swait.ge [sflag:s28], $0x80  }
0xa5: {  	[sflag:s28] =	ssyncset.done $0x0  }
0xa6: {  	[sflag:s28] =	ssyncadd.s32 $0xFFFFFF80  }
0xa7: {  	_ =	swait.ge [sflag:s11], $0x4000  }
0xa8: {  	[sflag:s11] =	ssyncset.done $0x0  }
0xa9: {  	[sflag:s11] =	ssyncadd.s32 $0xFFFFC000  }
0xaa: {  	[tilespmem:s9], [sflag:$0x1] =	stream.indirect.gather [hbm4b:s2+s10], $0x80, s24, s10, $0xb8;
	[tilespmem:$0x14800] =	vst v63  }
0xab: {  	s7 =	rddreg [dreg:$0x10]  }
0xac: {  	[tilespmem:s16], [sflag:$0x3] =	stream.linear.gather [hbm4b:s7+s4], $0x80, $0x38;
	[tilespmem:$0x14800] =	vst v63  }
0xad: {  	_ =	swait.ge [sflag:s0], $0x4000  }
0xae: {  	s8 =	sld [smem:$0x7FD]  }
0xaf: {  	[sflag:s0] =	ssyncset.done $0x0  }
0xb0: {  	[sflag:s0] =	ssyncadd.s32 $0xFFFFC000  }
0xb1: {  	[hbm4b:s8+s4] =	stream.linear.scatter [tilespmem:s1], [sflag:$0x2], $0x4000, $0x38;
	[tilespmem:$0x14800] =	vst v63  }
0xb2: {  	_ =	swait.ge [sflag:s28], $0x80  }
0xb3: {  	[sflag:s28] =	ssyncset.done $0x0  }
0xb4: {  	[sflag:s28] =	ssyncadd.s32 $0xFFFFFF80  }
0xb5: {  	_ =	swait.ge [sflag:s11], $0x4000  }
0xb6: {  	[sflag:s11] =	ssyncset.done $0x0  }
0xb7: {  	[sflag:s11] =	ssyncadd.s32 $0xFFFFC000  }
0xb8: {  	[tilespmem:s18], [sflag:$0x1] =	stream.indirect.gather [hbm4b:s2+s10], $0x80, s4, s10, $0xb8;
	[tilespmem:$0x14800] =	vst v63  }
0xb9: {  	s14 =	rddreg [dreg:$0x11]  }
0xba: {  	[tilespmem:s22], [sflag:$0x3] =	stream.linear.gather [hbm4b:s14+s4], $0x80, $0x38;
	[tilespmem:$0x14800] =	vst v63  }
0xbb: {  	_ =	swait.ge [sflag:s0], $0x4000  }
0xbc: {  	[sflag:s0] =	ssyncset.done $0x0  }
0xbd: {  	s15 =	rddreg [dreg:$0x12];
	[sflag:s0] =	ssyncadd.s32 $0xFFFFC000  }
0xbe: {  	[hbm4b:s15+s4] =	stream.linear.scatter [tilespmem:s20], [sflag:$0x2], $0x4000, $0x38;
	[tilespmem:$0x14800] =	vst v63  }
0xbf: {  	_ =	swait.ge [sflag:s28], $0x80  }
0xc0: {  	[sflag:s28] =	ssyncset.done $0x0  }
0xc1: {  	[sflag:s28] =	ssyncadd.s32 $0xFFFFFF80  }
0xc2: {  	_ =	swait.ge [sflag:s11], $0x4000  }
0xc3: {  	[sflag:s11] =	ssyncset.done $0x0  }
0xc4: {  	[sflag:s11] =	ssyncadd.s32 $0xFFFFC000  }
0xc5: {  	[tilespmem:s19], [sflag:$0x1] =	stream.indirect.gather [hbm4b:s2+s10], $0x80, s10, s10, $0xb8;
	[tilespmem:$0x14800] =	vst v63  }
0xc6: {  	s25 =	rddreg [dreg:$0x13]  }
0xc7: {  	[tilespmem:s12], [sflag:$0x3] =	stream.linear.gather [hbm4b:s25+s4], $0x80, $0x38;
	[tilespmem:$0x14800] =	vst v63  }
0xc8: {  	_ =	swait.ge [sflag:s0], $0x4000  }
0xc9: {  	[sflag:s0] =	ssyncset.done $0x0  }
0xca: {  	s26 =	rddreg [dreg:$0x14];
	[sflag:s0] =	ssyncadd.s32 $0xFFFFC000  }
0xcb: {  	[hbm4b:s26+s4] =	stream.linear.scatter [tilespmem:s9], [sflag:$0x2], $0x4000, $0x38;
	[tilespmem:$0x14800] =	vst v63  }
0xcc: {  	_ =	swait.ge [sflag:s28], $0x80  }
0xcd: {  	[sflag:s28] =	ssyncset.done $0x0  }
0xce: {  	[sflag:s28] =	ssyncadd.s32 $0xFFFFFF80  }
0xcf: {  	_ =	swait.ge [sflag:s11], $0x4000  }
0xd0: {  	[sflag:s11] =	ssyncset.done $0x0  }
0xd1: {  	[sflag:s11] =	ssyncadd.s32 $0xFFFFC000  }
0xd2: {  	[tilespmem:s1], [sflag:$0x1] =	stream.indirect.gather [hbm4b:s2+s10], $0x80, s16, s10, $0xb8;
	[tilespmem:$0x14800] =	vst v63  }
0xd3: {  	s6 =	rddreg [dreg:$0x15]  }
0xd4: {  	[tilespmem:s17], [sflag:$0x3] =	stream.linear.gather [hbm4b:s6+s4], $0x80, $0x38;
	[tilespmem:$0x14800] =	vst v63  }
0xd5: {  	_ =	swait.ge [sflag:s0], $0x4000  }
0xd6: {  	s7 =	rddreg [dreg:$0x4];
	[sflag:s0] =	ssyncset.done $0x0  }
0xd7: {  	s8 =	rddreg [dreg:$0x2]  }
0xd8: {  	s3 =	sadd.s32 s8, s7  }
0xd9: {  	[sflag:s0] =	ssyncadd.s32 $0xFFFFC000;
	s6 =	sadd.s32 $0x5000, s3  }
0xda: {  	[hbm4b:s6+s4] =	stream.linear.scatter [tilespmem:s18], [sflag:$0x2], $0x4000, $0x38;
	[tilespmem:$0x14800] =	vst v63  }
0xdb: {  	_ =	swait.ge [sflag:s28], $0x80  }
0xdc: {  	[sflag:s28] =	ssyncset.done $0x0  }
0xdd: {  	[sflag:s28] =	ssyncadd.s32 $0xFFFFFF80  }
0xde: {  	_ =	swait.ge [sflag:s11], $0x4000  }
0xdf: {  	[sflag:s11] =	ssyncset.done $0x0;
	s14 =	rddreg [dreg:$0x5]  }
0xe0: {  	s7 =	simm.s32 $0x100;
	[sflag:s11] =	ssyncadd.s32 $0xFFFFC000;
	s6 =	sadd.s32 $0x190, s14  }
0xe1: {  	[tilespmem:s20], [sflag:$0x1] =	stream.indirect.gather [hbm4b:s2+s10], $0x80, s22, s10, $0xb8;
	[tilespmem:$0x14800] =	vst v63  }
0xe2: {  	s7 =	sand.u32 $0x60, s7;
	s14 =	sadd.s32 $0xFFFFFF70, s6  }
0xe3: {  	s7 =	sadd.s32 s5, s7;
	s14 =	sand.u32 $0xFFFFF80, s14  }
0xe4: {  	s7 =	sadd.s32 s14, s7  }
0xe5: {  	[tilespmem:s13], [sflag:$0x3] =	stream.linear.gather [hbm4b:s7+s4], $0x80, $0x38;
	[tilespmem:$0x14800] =	vst v63  }
0xe6: {  	_ =	swait.ge [sflag:s0], $0x4000  }
0xe7: {  	[sflag:s0] =	ssyncset.done $0x0  }
0xe8: {  	s15 =	sadd.s32 $0x5800, s3;
	[sflag:s0] =	ssyncadd.s32 $0xFFFFC000  }
0xe9: {  	[hbm4b:s15+s4] =	stream.linear.scatter [tilespmem:s19], [sflag:$0x2], $0x4000, $0x38;
	[tilespmem:$0x14800] =	vst v63  }
0xea: {  	_ =	swait.ge [sflag:s28], $0x80  }
0xeb: {  	[sflag:s28] =	ssyncset.done $0x0  }
0xec: {  	[sflag:s28] =	ssyncadd.s32 $0xFFFFFF80  }
0xed: {  	s25 =	simm.s32 $0x110;
	_ =	swait.ge [sflag:s11], $0x4000  }
0xee: {  	s26 =	sadd.s32 $0xFFFFFF80, s6;
	s7 =	sand.u32 $0x70, s25;
	[sflag:s11] =	ssyncset.done $0x0  }
0xef: {  	s14 =	sand.u32 $0xFFFFF80, s26;
	s7 =	sadd.s32 s5, s7;
	[sflag:s11] =	ssyncadd.s32 $0xFFFFC000  }
0xf0: {  	[tilespmem:s9], [sflag:$0x1] =	stream.indirect.gather [hbm4b:s2+s10], $0x80, s12, s10, $0xb8;
	[tilespmem:$0x14800] =	vst v63  }
0xf1: {  	s7 =	sadd.s32 s14, s7  }
0xf2: {  	[tilespmem:s21], [sflag:$0x3] =	stream.linear.gather [hbm4b:s7+s4], $0x80, $0x38;
	[tilespmem:$0x14800] =	vst v63  }
0xf3: {  	_ =	swait.ge [sflag:s0], $0x4000  }
0xf4: {  	[sflag:s0] =	ssyncset.done $0x0  }
0xf5: {  	s15 =	sadd.s32 $0x6000, s3;
	[sflag:s0] =	ssyncadd.s32 $0xFFFFC000  }
0xf6: {  	[hbm4b:s15+s4] =	stream.linear.scatter [tilespmem:s1], [sflag:$0x2], $0x4000, $0x38;
	[tilespmem:$0x14800] =	vst v63  }
0xf7: {  	_ =	swait.ge [sflag:s28], $0x80  }
0xf8: {  	[sflag:s28] =	ssyncset.done $0x0  }
0xf9: {  	[sflag:s28] =	ssyncadd.s32 $0xFFFFFF80  }
0xfa: {  	s15 =	simm.s32 $0x20;
	_ =	swait.ge [sflag:s11], $0x4000  }
0xfb: {  	s25 =	sadd.s32 $0xFFFFFF90, s6;
	s26 =	sand.u32 $0x60, s15;
	[sflag:s11] =	ssyncset.done $0x0  }
0xfc: {  	s7 =	sand.u32 $0xFFFFF80, s25;
	s14 =	sadd.s32 s5, s26;
	[sflag:s11] =	ssyncadd.s32 $0xFFFFC000  }
0xfd: {  	[tilespmem:s18], [sflag:$0x1] =	stream.indirect.gather [hbm4b:s2+s10], $0x80, s17, s10, $0xb8;
	[tilespmem:$0x14800] =	vst v63  }
0xfe: {  	s7 =	sadd.s32 s7, s14  }
0xff: {  	[tilespmem:s23], [sflag:$0x3] =	stream.linear.gather [hbm4b:s7+s4], $0x80, $0x38;
	[tilespmem:$0x14800] =	vst v63  }
0x100: {  	_ =	swait.ge [sflag:s0], $0x4000  }
0x101: {  	[sflag:s0] =	ssyncset.done $0x0  }
0x102: {  	s17 =	sadd.s32 $0x6800, s3;
	[sflag:s0] =	ssyncadd.s32 $0xFFFFC000  }
0x103: {  	[hbm4b:s17+s4] =	stream.linear.scatter [tilespmem:s20], [sflag:$0x2], $0x4000, $0x38;
	[tilespmem:$0x14800] =	vst v63  }
0x104: {  	_ =	swait.ge [sflag:s28], $0x80  }
0x105: {  	[sflag:s28] =	ssyncset.done $0x0  }
0x106: {  	[sflag:s28] =	ssyncadd.s32 $0xFFFFFF80  }
0x107: {  	s25 =	simm.s32 $0x130;
	_ =	swait.ge [sflag:s11], $0x4000  }
0x108: {  	s26 =	sadd.s32 $0xFFFFFFA0, s6;
	s7 =	sand.u32 $0x70, s25;
	[sflag:s11] =	ssyncset.done $0x0  }
0x109: {  	s14 =	sand.u32 $0xFFFFF80, s26;
	s7 =	sadd.s32 s5, s7;
	[sflag:s11] =	ssyncadd.s32 $0xFFFFC000  }
0x10a: {  	[tilespmem:s19], [sflag:$0x1] =	stream.indirect.gather [hbm4b:s2+s10], $0x80, s13, s10, $0xb8;
	[tilespmem:$0x14800] =	vst v63  }
0x10b: {  	s7 =	sadd.s32 s14, s7  }
0x10c: {  	[tilespmem:s24], [sflag:$0x3] =	stream.linear.gather [hbm4b:s7+s4], $0x80, $0x38;
	[tilespmem:$0x14800] =	vst v63  }
0x10d: {  	_ =	swait.ge [sflag:s0], $0x4000  }
0x10e: {  	[sflag:s0] =	ssyncset.done $0x0  }
0x10f: {  	s13 =	sadd.s32 $0x7000, s3;
	[sflag:s0] =	ssyncadd.s32 $0xFFFFC000  }
0x110: {  	[hbm4b:s13+s4] =	stream.linear.scatter [tilespmem:s9], [sflag:$0x2], $0x4000, $0x38;
	[tilespmem:$0x14800] =	vst v63  }
0x111: {  	_ =	swait.ge [sflag:s28], $0x80  }
0x112: {  	[sflag:s28] =	ssyncset.done $0x0  }
0x113: {  	[sflag:s28] =	ssyncadd.s32 $0xFFFFFF80  }
0x114: {  	s14 =	simm.s32 $0x140;
	_ =	swait.ge [sflag:s11], $0x4000  }
0x115: {  	s17 =	sadd.s32 $0xFFFFFFB0, s6;
	s7 =	sand.u32 $0x60, s14;
	[sflag:s11] =	ssyncset.done $0x0  }
0x116: {  	s14 =	sand.u32 $0xFFFFF80, s17;
	s7 =	sadd.s32 s5, s7;
	[sflag:s11] =	ssyncadd.s32 $0xFFFFC000  }
0x117: {  	[tilespmem:s1], [sflag:$0x1] =	stream.indirect.gather [hbm4b:s2+s10], $0x80, s21, s10, $0xb8;
	[tilespmem:$0x14800] =	vst v63  }
0x118: {  	s7 =	sadd.s32 s14, s7  }
0x119: {  	[tilespmem:s4], [sflag:$0x3] =	stream.linear.gather [hbm4b:s7+s4], $0x80, $0x38;
	[tilespmem:$0x14800] =	vst v63  }
0x11a: {  	_ =	swait.ge [sflag:s0], $0x4000  }
0x11b: {  	[sflag:s0] =	ssyncset.done $0x0  }
0x11c: {  	s3 =	sadd.s32 $0x7800, s3;
	[sflag:s0] =	ssyncadd.s32 $0xFFFFC000  }
0x11d: {  	[hbm4b:s3+s4] =	stream.linear.scatter [tilespmem:s18], [sflag:$0x2], $0x4000, $0x38;
	[tilespmem:$0x14800] =	vst v63  }
0x11e: {  	_ =	swait.ge [sflag:s28], $0x80  }
0x11f: {  	[sflag:s28] =	ssyncset.done $0x0  }
0x120: {  	[sflag:s28] =	ssyncadd.s32 $0xFFFFFF80  }
0x121: {  	s25 =	simm.s32 $0x150;
	_ =	swait.ge [sflag:s11], $0x4000  }
0x122: {  	s26 =	sadd.s32 $0xFFFFFFC0, s6;
	s3 =	sand.u32 $0x70, s25;
	[sflag:s11] =	ssyncset.done $0x0  }
0x123: {  	s7 =	sand.u32 $0xFFFFF80, s26;
	s3 =	sadd.s32 s5, s3;
	[sflag:s11] =	ssyncadd.s32 $0xFFFFC000  }
0x124: {  	[tilespmem:s20], [sflag:$0x1] =	stream.indirect.gather [hbm4b:s2+s10], $0x80, s23, s10, $0xb8;
	[tilespmem:$0x14800] =	vst v63  }
0x125: {  	s3 =	sadd.s32 s7, s3  }
0x126: {  	[tilespmem:s10], [sflag:$0x3] =	stream.linear.gather [hbm4b:s3+s4], $0x80, $0x38;
	[tilespmem:$0x14800] =	vst v63  }
0x127: {  	_ =	swait.ge [sflag:s0], $0x4000  }
0x128: {  	s7 =	rddreg [dreg:$0x9];
	[sflag:s0] =	ssyncset.done $0x0  }
0x129: {  	[sflag:s0] =	ssyncadd.s32 $0xFFFFC000;
	s3 =	sadd.s32 s8, s7  }
0x12a: {  	[hbm4b:s3+s4] =	stream.linear.scatter [tilespmem:s19], [sflag:$0x2], $0x4000, $0x38;
	[tilespmem:$0x14800] =	vst v63  }
0x12b: {  	_ =	swait.ge [sflag:s28], $0x80  }
0x12c: {  	[sflag:s28] =	ssyncset.done $0x0  }
0x12d: {  	[sflag:s28] =	ssyncadd.s32 $0xFFFFFF80  }
0x12e: {  	s13 =	simm.s32 $0x160;
	_ =	swait.ge [sflag:s11], $0x4000  }
0x12f: {  	s14 =	sadd.s32 $0xFFFFFFD0, s6;
	s3 =	sand.u32 $0x60, s13;
	[sflag:s11] =	ssyncset.done $0x0  }
0x130: {  	s7 =	sand.u32 $0xFFFFF80, s14;
	s3 =	sadd.s32 s5, s3;
	[sflag:s11] =	ssyncadd.s32 $0xFFFFC000  }
0x131: {  	[tilespmem:s9], [sflag:$0x1] =	stream.indirect.gather [hbm4b:s2+s10], $0x80, s24, s10, $0xb8;
	[tilespmem:$0x14800] =	vst v63  }
0x132: {  	s3 =	sadd.s32 s7, s3  }
0x133: {  	[tilespmem:s16], [sflag:$0x3] =	stream.linear.gather [hbm4b:s3+s4], $0x80, $0x38;
	[tilespmem:$0x14800] =	vst v63  }
0x134: {  	_ =	swait.ge [sflag:s0], $0x4000  }
0x135: {  	s16 =	rddreg [dreg:$0x8];
	[sflag:s0] =	ssyncset.done $0x0  }
0x136: {  	[sflag:s0] =	ssyncadd.s32 $0xFFFFC000;
	s3 =	sadd.s32 s8, s16  }
0x137: {  	[hbm4b:s3+s4] =	stream.linear.scatter [tilespmem:s1], [sflag:$0x2], $0x4000, $0x38;
	[tilespmem:$0x14800] =	vst v63  }
0x138: {  	_ =	swait.ge [sflag:s28], $0x80  }
0x139: {  	[sflag:s28] =	ssyncset.done $0x0  }
0x13a: {  	[sflag:s28] =	ssyncadd.s32 $0xFFFFFF80  }
0x13b: {  	s17 =	simm.s32 $0x170;
	_ =	swait.ge [sflag:s11], $0x4000  }
0x13c: {  	s21 =	sadd.s32 $0xFFFFFFE0, s6;
	s3 =	sand.u32 $0x70, s17;
	[sflag:s11] =	ssyncset.done $0x0  }
0x13d: {  	s7 =	sand.u32 $0xFFFFF80, s21;
	s3 =	sadd.s32 s5, s3;
	[sflag:s11] =	ssyncadd.s32 $0xFFFFC000  }
0x13e: {  	[tilespmem:s18], [sflag:$0x1] =	stream.indirect.gather [hbm4b:s2+s10], $0x80, s4, s10, $0xb8;
	[tilespmem:$0x14800] =	vst v63  }
0x13f: {  	s3 =	sadd.s32 s7, s3  }
0x140: {  	[tilespmem:s22], [sflag:$0x3] =	stream.linear.gather [hbm4b:s3+s4], $0x80, $0x38;
	[tilespmem:$0x14800] =	vst v63  }
0x141: {  	_ =	swait.ge [sflag:s0], $0x4000  }
0x142: {  	s22 =	rddreg [dreg:$0x7];
	[sflag:s0] =	ssyncset.done $0x0  }
0x143: {  	[sflag:s0] =	ssyncadd.s32 $0xFFFFC000;
	s3 =	sadd.s32 s8, s22  }
0x144: {  	[hbm4b:s3+s4] =	stream.linear.scatter [tilespmem:s20], [sflag:$0x2], $0x4000, $0x38;
	[tilespmem:$0x14800] =	vst v63  }
0x145: {  	_ =	swait.ge [sflag:s28], $0x80  }
0x146: {  	[sflag:s28] =	ssyncset.done $0x0  }
0x147: {  	[sflag:s28] =	ssyncadd.s32 $0xFFFFFF80  }
0x148: {  	s23 =	simm.s32 $0x180;
	_ =	swait.ge [sflag:s11], $0x4000  }
0x149: {  	s24 =	sadd.s32 $0xFFFFFFF0, s6;
	s3 =	sand.u32 $0x60, s23;
	[sflag:s11] =	ssyncset.done $0x0  }
0x14a: {  	s7 =	sand.u32 $0xFFFFF80, s24;
	s3 =	sadd.s32 s5, s3;
	[sflag:s11] =	ssyncadd.s32 $0xFFFFC000  }
0x14b: {  	[tilespmem:s19], [sflag:$0x1] =	stream.indirect.gather [hbm4b:s2+s10], $0x80, s10, s10, $0xb8;
	[tilespmem:$0x14800] =	vst v63  }
0x14c: {  	s3 =	sadd.s32 s7, s3  }
0x14d: {  	[tilespmem:s12], [sflag:$0x3] =	stream.linear.gather [hbm4b:s3+s4], $0x80, $0x38;
	[tilespmem:$0x14800] =	vst v63  }
0x14e: {  	_ =	swait.ge [sflag:s0], $0x4000  }
0x14f: {  	s25 =	rddreg [dreg:$0x6];
	[sflag:s0] =	ssyncset.done $0x0  }
0x150: {  	[sflag:s0] =	ssyncadd.s32 $0xFFFFC000;
	s3 =	sadd.s32 s8, s25  }
0x151: {  	[hbm4b:s3+s4] =	stream.linear.scatter [tilespmem:s9], [sflag:$0x2], $0x4000, $0x38;
	[tilespmem:$0x14800] =	vst v63  }
0x152: {  	_ =	swait.ge [sflag:s28], $0x80  }
0x153: {  	[sflag:s28] =	ssyncset.done $0x0  }
0x154: {  	s26 =	simm.s32 $0x190;
	s16 =	simm.s32 $0x230;
	[sflag:s28] =	ssyncadd.s32 $0xFFFFFF80  }
0x155: {  	s17 =	sadd.s32 $0x5000, s8;
	s3 =	sand.u32 $0x70, s26;
	_ =	swait.ge [sflag:s11], $0x4000  }
0x156: {  	s19 =	sand.u32 $0xFFFFF80, s6;
	s3 =	sadd.s32 s5, s3;
	[sflag:s11] =	ssyncset.done $0x0  }
.LBB2_2:
0x157: {  	[sflag:s11] =	ssyncadd.s32 $0xFFFFC000  }
0x158: {  	s2 =	simm.s32 $0x100;
	s1 =	simm.s32 $0x8800;
	s22 =	rddreg [dreg:$0x1]  }
0x159: {  	[tilespmem:s1], [sflag:$0x1] =	stream.indirect.gather [hbm4b:s22+s10], $0x80, s2, s10, $0xb8;
	[tilespmem:$0x14800] =	vst v63  }
0x15a: {  	s3 =	sadd.s32 s19, s3;
	s13 =	simm.s32 $0x280  }
0x15b: {  	[tilespmem:s13], [sflag:$0x3] =	stream.linear.gather [hbm4b:s3+s4], $0x80, $0x38;
	[tilespmem:$0x14800] =	vst v63  }
0x15c: {  	_ =	swait.ge [sflag:s0], $0x4000  }
0x15d: {  	s7 =	rddreg [dreg:$0x4]  }
0x15e: {  	[sflag:s0] =	ssyncset.done $0x0;
	s6 =	sadd.s32 s17, s7  }
0x15f: {  	[sflag:s0] =	ssyncadd.s32 $0xFFFFC000;
	s3 =	sadd.s32 $0x5000, s6  }
0x160: {  	[hbm4b:s3+s4] =	stream.linear.scatter [tilespmem:s30], [sflag:$0x2], $0x4000, $0x38;
	[tilespmem:$0x14800] =	vst v63  }
0x161: {  	_ =	swait.ge [sflag:s28], $0x80  }
0x162: {  	[sflag:s28] =	ssyncset.done $0x0  }
0x163: {  	[sflag:s28] =	ssyncadd.s32 $0xFFFFFF80  }
0x164: {  	s18 =	smov.u32 s16;
	s12 =	simm.s32 $0x180;
	_ =	swait.ge [sflag:s11], $0x4000  }
0x165: {  	s9 =	simm.s32 $0xC800;
	[sflag:s11] =	ssyncset.done $0x0;
	s8 =	rddreg [dreg:$0x5]  }
0x166: {  	s7 =	sadd.s32 $0xFFFFFF70, s18;
	[sflag:s11] =	ssyncadd.s32 $0xFFFFC000;
	s19 =	sadd.s32 s18, s8  }
0x167: {  	[tilespmem:s9], [sflag:$0x1] =	stream.indirect.gather [hbm4b:s22+s10], $0x80, s12, s10, $0xb8;
	[tilespmem:$0x14800] =	vst v63  }
0x168: {  	s14 =	sand.u32 $0x60, s7;
	s20 =	sadd.s32 $0xFFFFFF70, s19  }
0x169: {  	s3 =	sadd.s32 s5, s14;
	s7 =	sand.u32 $0xFFFFF80, s20  }
0x16a: {  	s3 =	sadd.s32 s7, s3  }
0x16b: {  	[tilespmem:s29], [sflag:$0x3] =	stream.linear.gather [hbm4b:s3+s4], $0x80, $0x38;
	[tilespmem:$0x14800] =	vst v63  }
0x16c: {  	s2 =	sadd.s32 $0x5800, s6;
	_ =	swait.ge [sflag:s0], $0x4000  }
0x16d: {  	s14 =	sadd.s32 $0xFFFFFF80, s19;
	s26 =	sadd.s32 $0xFFFFFFB0, s19;
	[sflag:s0] =	ssyncset.done $0x0  }
0x16e: {  	s8 =	sadd.s32 $0xFFFFFFC0, s19;
	s25 =	sand.u32 $0xFFFFF80, s14;
	[sflag:s0] =	ssyncadd.s32 $0xFFFFC000  }
0x16f: {  	[hbm4b:s2+s4] =	stream.linear.scatter [tilespmem:s31], [sflag:$0x2], $0x4000, $0x38;
	[tilespmem:$0x14800] =	vst v63  }
0x170: {  	s14 =	sand.u32 $0xFFFFF80, s26;
	s20 =	sadd.s32 $0xFFFFFFD0, s19;
	_ =	swait.ge [sflag:s28], $0x80  }
0x171: {  	s26 =	sadd.s32 $0xFFFFFFF0, s19;
	s7 =	sand.u32 $0xFFFFF80, s20;
	[sflag:s28] =	ssyncset.done $0x0  }
0x172: {  	s3 =	sand.u32 $0xFFFFF80, s8;
	s8 =	sadd.s32 $0xFFFFFF80, s18;
	[sflag:s28] =	ssyncadd.s32 $0xFFFFFF80  }
0x173: {  	s20 =	sand.u32 $0xFFFFF80, s26;
	s8 =	sand.u32 $0x70, s8;
	_ =	swait.ge [sflag:s11], $0x4000  }
0x174: {  	s26 =	simm.s32 $0x10800;
	s8 =	sadd.s32 s5, s8;
	[sflag:s11] =	ssyncset.done $0x0  }
0x175: {  	s8 =	sadd.s32 s25, s8;
	s25 =	simm.s32 $0x200;
	[sflag:s11] =	ssyncadd.s32 $0xFFFFC000  }
0x176: {  	[tilespmem:s26], [sflag:$0x1] =	stream.indirect.gather [hbm4b:s22+s10], $0x80, s25, s10, $0xb8;
	[tilespmem:$0x14800] =	vst v63  }
0x177: {  	s2 =	simm.s32 $0x380  }
0x178: {  	[tilespmem:s2], [sflag:$0x3] =	stream.linear.gather [hbm4b:s8+s4], $0x80, $0x38;
	[tilespmem:$0x14800] =	vst v63  }
0x179: {  	_ =	swait.ge [sflag:s0], $0x4000  }
0x17a: {  	[sflag:s0] =	ssyncset.done $0x0  }
0x17b: {  	s8 =	sadd.s32 $0x6000, s6;
	[sflag:s0] =	ssyncadd.s32 $0xFFFFC000  }
0x17c: {  	[hbm4b:s8+s4] =	stream.linear.scatter [tilespmem:s1], [sflag:$0x2], $0x4000, $0x38;
	[tilespmem:$0x14800] =	vst v63  }
0x17d: {  	_ =	swait.ge [sflag:s28], $0x80  }
0x17e: {  	[sflag:s28] =	ssyncset.done $0x0  }
0x17f: {  	[sflag:s28] =	ssyncadd.s32 $0xFFFFFF80  }
0x180: {  	s15 =	sadd.s32 $0x20, s15;
	_ =	swait.ge [sflag:s11], $0x4000  }
0x181: {  	s21 =	sadd.s32 $0xFFFFFF90, s19;
	s8 =	sand.u32 $0x60, s15;
	[sflag:s11] =	ssyncset.done $0x0  }
0x182: {  	s24 =	sand.u32 $0xFFFFF80, s21;
	s8 =	sadd.s32 s5, s8;
	[sflag:s11] =	ssyncadd.s32 $0xFFFFC000  }
0x183: {  	[tilespmem:s30], [sflag:$0x1] =	stream.indirect.gather [hbm4b:s22+s10], $0x80, s13, s10, $0xb8;
	[tilespmem:$0x14800] =	vst v63  }
0x184: {  	s8 =	sadd.s32 s24, s8;
	s13 =	simm.s32 $0x400  }
0x185: {  	[tilespmem:s13], [sflag:$0x3] =	stream.linear.gather [hbm4b:s8+s4], $0x80, $0x38;
	[tilespmem:$0x14800] =	vst v63  }
0x186: {  	_ =	swait.ge [sflag:s0], $0x4000  }
0x187: {  	[sflag:s0] =	ssyncset.done $0x0  }
0x188: {  	s24 =	sadd.s32 $0x6800, s6;
	[sflag:s0] =	ssyncadd.s32 $0xFFFFC000  }
0x189: {  	[hbm4b:s24+s4] =	stream.linear.scatter [tilespmem:s9], [sflag:$0x2], $0x4000, $0x38;
	[tilespmem:$0x14800] =	vst v63  }
0x18a: {  	_ =	swait.ge [sflag:s28], $0x80  }
0x18b: {  	[sflag:s28] =	ssyncset.done $0x0  }
0x18c: {  	[sflag:s28] =	ssyncadd.s32 $0xFFFFFF80  }
0x18d: {  	s24 =	sadd.s32 $0xFFFFFFA0, s18;
	_ =	swait.ge [sflag:s11], $0x4000  }
0x18e: {  	s23 =	sadd.s32 $0xFFFFFFA0, s19;
	s8 =	sand.u32 $0x70, s24;
	[sflag:s11] =	ssyncset.done $0x0  }
0x18f: {  	s23 =	sand.u32 $0xFFFFF80, s23;
	s8 =	sadd.s32 s5, s8;
	[sflag:s11] =	ssyncadd.s32 $0xFFFFC000  }
0x190: {  	[tilespmem:s31], [sflag:$0x1] =	stream.indirect.gather [hbm4b:s22+s10], $0x80, s29, s10, $0xb8;
	[tilespmem:$0x14800] =	vst v63  }
0x191: {  	s8 =	sadd.s32 s23, s8;
	s23 =	simm.s32 $0x480  }
0x192: {  	[tilespmem:s23], [sflag:$0x3] =	stream.linear.gather [hbm4b:s8+s4], $0x80, $0x38;
	[tilespmem:$0x14800] =	vst v63  }
0x193: {  	_ =	swait.ge [sflag:s0], $0x4000  }
0x194: {  	[sflag:s0] =	ssyncset.done $0x0  }
0x195: {  	s24 =	sadd.s32 $0x7000, s6;
	[sflag:s0] =	ssyncadd.s32 $0xFFFFC000  }
0x196: {  	[hbm4b:s24+s4] =	stream.linear.scatter [tilespmem:s26], [sflag:$0x2], $0x4000, $0x38;
	[tilespmem:$0x14800] =	vst v63  }
0x197: {  	_ =	swait.ge [sflag:s28], $0x80  }
0x198: {  	[sflag:s28] =	ssyncset.done $0x0  }
0x199: {  	[sflag:s28] =	ssyncadd.s32 $0xFFFFFF80  }
0x19a: {  	s24 =	sadd.s32 $0xFFFFFFB0, s18;
	_ =	swait.ge [sflag:s11], $0x4000  }
0x19b: {  	s8 =	sand.u32 $0x60, s24;
	[sflag:s11] =	ssyncset.done $0x0  }
0x19c: {  	s8 =	sadd.s32 s5, s8;
	[sflag:s11] =	ssyncadd.s32 $0xFFFFC000  }
0x19d: {  	[tilespmem:s1], [sflag:$0x1] =	stream.indirect.gather [hbm4b:s22+s10], $0x80, s2, s10, $0xb8;
	[tilespmem:$0x14800] =	vst v63  }
0x19e: {  	s8 =	sadd.s32 s14, s8  }
0x19f: {  	[tilespmem:s4], [sflag:$0x3] =	stream.linear.gather [hbm4b:s8+s4], $0x80, $0x38;
	[tilespmem:$0x14800] =	vst v63  }
0x1a0: {  	_ =	swait.ge [sflag:s0], $0x4000  }
0x1a1: {  	[sflag:s0] =	ssyncset.done $0x0  }
0x1a2: {  	s6 =	sadd.s32 $0x7800, s6;
	[sflag:s0] =	ssyncadd.s32 $0xFFFFC000  }
0x1a3: {  	[hbm4b:s6+s4] =	stream.linear.scatter [tilespmem:s30], [sflag:$0x2], $0x4000, $0x38;
	[tilespmem:$0x14800] =	vst v63  }
0x1a4: {  	_ =	swait.ge [sflag:s28], $0x80  }
0x1a5: {  	[sflag:s28] =	ssyncset.done $0x0  }
0x1a6: {  	[sflag:s28] =	ssyncadd.s32 $0xFFFFFF80  }
0x1a7: {  	s24 =	sadd.s32 $0xFFFFFFC0, s18;
	_ =	swait.ge [sflag:s11], $0x4000  }
0x1a8: {  	s6 =	sand.u32 $0x70, s24;
	[sflag:s11] =	ssyncset.done $0x0  }
0x1a9: {  	s6 =	sadd.s32 s5, s6;
	[sflag:s11] =	ssyncadd.s32 $0xFFFFC000  }
0x1aa: {  	[tilespmem:s9], [sflag:$0x1] =	stream.indirect.gather [hbm4b:s22+s10], $0x80, s13, s10, $0xb8;
	[tilespmem:$0x14800] =	vst v63  }
0x1ab: {  	s3 =	sadd.s32 s3, s6  }
0x1ac: {  	[tilespmem:s10], [sflag:$0x3] =	stream.linear.gather [hbm4b:s3+s4], $0x80, $0x38;
	[tilespmem:$0x14800] =	vst v63  }
0x1ad: {  	_ =	swait.ge [sflag:s0], $0x4000  }
0x1ae: {  	s2 =	rddreg [dreg:$0x9];
	[sflag:s0] =	ssyncset.done $0x0  }
0x1af: {  	[sflag:s0] =	ssyncadd.s32 $0xFFFFC000;
	s3 =	sadd.s32 s17, s2  }
0x1b0: {  	[hbm4b:s3+s4] =	stream.linear.scatter [tilespmem:s31], [sflag:$0x2], $0x4000, $0x38;
	[tilespmem:$0x14800] =	vst v63  }
0x1b1: {  	_ =	swait.ge [sflag:s28], $0x80  }
0x1b2: {  	[sflag:s28] =	ssyncset.done $0x0  }
0x1b3: {  	[sflag:s28] =	ssyncadd.s32 $0xFFFFFF80  }
0x1b4: {  	s6 =	sadd.s32 $0xFFFFFFD0, s18;
	_ =	swait.ge [sflag:s11], $0x4000  }
0x1b5: {  	s3 =	sand.u32 $0x60, s6;
	[sflag:s11] =	ssyncset.done $0x0  }
0x1b6: {  	s3 =	sadd.s32 s5, s3;
	[sflag:s11] =	ssyncadd.s32 $0xFFFFC000  }
0x1b7: {  	[tilespmem:s26], [sflag:$0x1] =	stream.indirect.gather [hbm4b:s22+s10], $0x80, s23, s10, $0xb8;
	[tilespmem:$0x14800] =	vst v63  }
0x1b8: {  	s8 =	simm.s32 $0x100;
	s3 =	sadd.s32 s7, s3  }
0x1b9: {  	[tilespmem:s8], [sflag:$0x3] =	stream.linear.gather [hbm4b:s3+s4], $0x80, $0x38;
	[tilespmem:$0x14800] =	vst v63  }
0x1ba: {  	_ =	swait.ge [sflag:s0], $0x4000  }
0x1bb: {  	s13 =	rddreg [dreg:$0x8];
	[sflag:s0] =	ssyncset.done $0x0  }
0x1bc: {  	[sflag:s0] =	ssyncadd.s32 $0xFFFFC000;
	s3 =	sadd.s32 s17, s13  }
0x1bd: {  	[hbm4b:s3+s4] =	stream.linear.scatter [tilespmem:s1], [sflag:$0x2], $0x4000, $0x38;
	[tilespmem:$0x14800] =	vst v63  }
0x1be: {  	_ =	swait.ge [sflag:s28], $0x80  }
0x1bf: {  	[sflag:s28] =	ssyncset.done $0x0  }
0x1c0: {  	[sflag:s28] =	ssyncadd.s32 $0xFFFFFF80  }
0x1c1: {  	s14 =	sadd.s32 $0xFFFFFFE0, s18;
	_ =	swait.ge [sflag:s11], $0x4000  }
0x1c2: {  	s21 =	sadd.s32 $0xFFFFFFE0, s19;
	s3 =	sand.u32 $0x70, s14;
	[sflag:s11] =	ssyncset.done $0x0  }
0x1c3: {  	s21 =	sand.u32 $0xFFFFF80, s21;
	s3 =	sadd.s32 s5, s3;
	[sflag:s11] =	ssyncadd.s32 $0xFFFFC000  }
0x1c4: {  	[tilespmem:s30], [sflag:$0x1] =	stream.indirect.gather [hbm4b:s22+s10], $0x80, s4, s10, $0xb8;
	[tilespmem:$0x14800] =	vst v63  }
0x1c5: {  	s3 =	sadd.s32 s21, s3  }
0x1c6: {  	[tilespmem:s12], [sflag:$0x3] =	stream.linear.gather [hbm4b:s3+s4], $0x80, $0x38;
	[tilespmem:$0x14800] =	vst v63  }
0x1c7: {  	_ =	swait.ge [sflag:s0], $0x4000  }
0x1c8: {  	s23 =	rddreg [dreg:$0x7];
	[sflag:s0] =	ssyncset.done $0x0  }
0x1c9: {  	[sflag:s0] =	ssyncadd.s32 $0xFFFFC000;
	s3 =	sadd.s32 s17, s23  }
0x1ca: {  	[hbm4b:s3+s4] =	stream.linear.scatter [tilespmem:s9], [sflag:$0x2], $0x4000, $0x38;
	[tilespmem:$0x14800] =	vst v63  }
0x1cb: {  	_ =	swait.ge [sflag:s28], $0x80  }
0x1cc: {  	[sflag:s28] =	ssyncset.done $0x0  }
0x1cd: {  	[sflag:s28] =	ssyncadd.s32 $0xFFFFFF80  }
0x1ce: {  	s24 =	sadd.s32 $0xFFFFFFF0, s18;
	_ =	swait.ge [sflag:s11], $0x4000  }
0x1cf: {  	s3 =	sand.u32 $0x60, s24;
	[sflag:s11] =	ssyncset.done $0x0  }
0x1d0: {  	s3 =	sadd.s32 s5, s3;
	[sflag:s11] =	ssyncadd.s32 $0xFFFFC000  }
0x1d1: {  	[tilespmem:s31], [sflag:$0x1] =	stream.indirect.gather [hbm4b:s22+s10], $0x80, s10, s10, $0xb8;
	[tilespmem:$0x14800] =	vst v63  }
0x1d2: {  	s3 =	sadd.s32 s20, s3  }
0x1d3: {  	[tilespmem:s25], [sflag:$0x3] =	stream.linear.gather [hbm4b:s3+s4], $0x80, $0x38;
	[tilespmem:$0x14800] =	vst v63  }
0x1d4: {  	_ =	swait.ge [sflag:s0], $0x4000  }
0x1d5: {  	s25 =	rddreg [dreg:$0x6];
	[sflag:s0] =	ssyncset.done $0x0  }
0x1d6: {  	p0 =	sne.s32 s16, $0xC30;
	[sflag:s0] =	ssyncadd.s32 $0xFFFFC000;
	s3 =	sadd.s32 s17, s25  }
0x1d7: {  	[hbm4b:s3+s4] =	stream.linear.scatter [tilespmem:s26], [sflag:$0x2], $0x4000, $0x38;
	[tilespmem:$0x14800] =	vst v63  }
.Ltmp0:
0x1d8: {  	_ =	swait.ge [sflag:s28], $0x80;
	(pc) =	sbr.rel @p0 .LBB2_2-.Ltmp0, $4  }
0x1d9: {  	s16 =	sadd.s32 $0xA0, s16;
	s19 =	sand.u32 $0xFFFFF80, s19;
	[sflag:s28] =	ssyncset.done $0x0  }
0x1da: {  	s6 =	simm.s32 $0x100;
	s7 =	simm.s32 $0x180;
	[sflag:s28] =	ssyncadd.s32 $0xFFFFFF80  }
0x1db: {  	s8 =	simm.s32 $0x200;
	s26 =	sand.u32 $0x70, s18;
	_ =	swait.ge [sflag:s11], $0x4000  }
0x1dc: {  	s17 =	sadd.s32 $0x5000, s17;
	s3 =	sadd.s32 s5, s26;
	[sflag:s11] =	ssyncset.done $0x0  }
0x1dd: {  	[sflag:s11] =	ssyncadd.s32 $0xFFFFC000  }
0x1de: {  	s1 =	simm.s32 $0x8800;
	s14 =	rddreg [dreg:$0x1]  }
0x1df: {  	[tilespmem:s1], [sflag:$0x1] =	stream.indirect.gather [hbm4b:s14+s10], $0x80, s6, s10, $0xb8;
	[tilespmem:$0x14800] =	vst v63  }
0x1e0: {  	s3 =	sadd.s32 s19, s3;
	s20 =	simm.s32 $0x280  }
0x1e1: {  	[tilespmem:s20], [sflag:$0x3] =	stream.linear.gather [hbm4b:s3+s4], $0x80, $0x38;
	[tilespmem:$0x14800] =	vst v63  }
0x1e2: {  	_ =	swait.ge [sflag:s0], $0x4000  }
0x1e3: {  	[sflag:s0] =	ssyncset.done $0x0  }
0x1e4: {  	s15 =	simm.s32 $0x800;
	s21 =	rddreg [dreg:$0x16];
	[sflag:s0] =	ssyncadd.s32 $0xFFFFC000  }
0x1e5: {  	[hbm4b:s21+s4] =	stream.linear.scatter [tilespmem:s15], [sflag:$0x2], $0x4000, $0x38;
	[tilespmem:$0x14800] =	vst v63  }
0x1e6: {  	_ =	swait.ge [sflag:s28], $0x80  }
0x1e7: {  	[sflag:s28] =	ssyncset.done $0x0  }
0x1e8: {  	[sflag:s28] =	ssyncadd.s32 $0xFFFFFF80  }
0x1e9: {  	_ =	swait.ge [sflag:s11], $0x4000  }
0x1ea: {  	[sflag:s11] =	ssyncset.done $0x0  }
0x1eb: {  	s9 =	simm.s32 $0xC800;
	[sflag:s11] =	ssyncadd.s32 $0xFFFFC000  }
0x1ec: {  	[tilespmem:s9], [sflag:$0x1] =	stream.indirect.gather [hbm4b:s14+s10], $0x80, s7, s10, $0xb8;
	[tilespmem:$0x14800] =	vst v63  }
0x1ed: {  	s23 =	simm.s32 $0x300;
	s22 =	rddreg [dreg:$0x17]  }
0x1ee: {  	[tilespmem:s23], [sflag:$0x3] =	stream.linear.gather [hbm4b:s22+s4], $0x80, $0x38;
	[tilespmem:$0x14800] =	vst v63  }
0x1ef: {  	_ =	swait.ge [sflag:s0], $0x4000  }
0x1f0: {  	[sflag:s0] =	ssyncset.done $0x0  }
0x1f1: {  	s12 =	simm.s32 $0x4800;
	s24 =	rddreg [dreg:$0x18];
	[sflag:s0] =	ssyncadd.s32 $0xFFFFC000  }
0x1f2: {  	[hbm4b:s24+s4] =	stream.linear.scatter [tilespmem:s12], [sflag:$0x2], $0x4000, $0x38;
	[tilespmem:$0x14800] =	vst v63  }
0x1f3: {  	_ =	swait.ge [sflag:s28], $0x80  }
0x1f4: {  	[sflag:s28] =	ssyncset.done $0x0  }
0x1f5: {  	[sflag:s28] =	ssyncadd.s32 $0xFFFFFF80  }
0x1f6: {  	_ =	swait.ge [sflag:s11], $0x4000  }
0x1f7: {  	[sflag:s11] =	ssyncset.done $0x0  }
0x1f8: {  	s13 =	simm.s32 $0x10800;
	[sflag:s11] =	ssyncadd.s32 $0xFFFFC000  }
0x1f9: {  	[tilespmem:s13], [sflag:$0x1] =	stream.indirect.gather [hbm4b:s14+s10], $0x80, s8, s10, $0xb8;
	[tilespmem:$0x14800] =	vst v63  }
0x1fa: {  	s2 =	simm.s32 $0x380;
	s25 =	rddreg [dreg:$0x19]  }
0x1fb: {  	[tilespmem:s2], [sflag:$0x3] =	stream.linear.gather [hbm4b:s25+s4], $0x80, $0x38;
	[tilespmem:$0x14800] =	vst v63  }
0x1fc: {  	_ =	swait.ge [sflag:s0], $0x4000  }
0x1fd: {  	[sflag:s0] =	ssyncset.done $0x0  }
0x1fe: {  	s26 =	rddreg [dreg:$0x1c];
	[sflag:s0] =	ssyncadd.s32 $0xFFFFC000  }
0x1ff: {  	[hbm4b:s26+s4] =	stream.linear.scatter [tilespmem:s1], [sflag:$0x2], $0x4000, $0x38;
	[tilespmem:$0x14800] =	vst v63  }
0x200: {  	_ =	swait.ge [sflag:s28], $0x80  }
0x201: {  	[sflag:s28] =	ssyncset.done $0x0  }
0x202: {  	[sflag:s28] =	ssyncadd.s32 $0xFFFFFF80  }
0x203: {  	_ =	swait.ge [sflag:s11], $0x4000  }
0x204: {  	[sflag:s11] =	ssyncset.done $0x0  }
0x205: {  	[sflag:s11] =	ssyncadd.s32 $0xFFFFC000  }
0x206: {  	[tilespmem:s15], [sflag:$0x1] =	stream.indirect.gather [hbm4b:s14+s10], $0x80, s20, s10, $0xb8;
	[tilespmem:$0x14800] =	vst v63  }
0x207: {  	s8 =	simm.s32 $0x400;
	s6 =	rddreg [dreg:$0x1a]  }
0x208: {  	[tilespmem:s8], [sflag:$0x3] =	stream.linear.gather [hbm4b:s6+s4], $0x80, $0x38;
	[tilespmem:$0x14800] =	vst v63  }
0x209: {  	_ =	swait.ge [sflag:s0], $0x4000  }
0x20a: {  	[sflag:s0] =	ssyncset.done $0x0  }
0x20b: {  	s16 =	rddreg [dreg:$0x1d];
	[sflag:s0] =	ssyncadd.s32 $0xFFFFC000  }
0x20c: {  	[hbm4b:s16+s4] =	stream.linear.scatter [tilespmem:s9], [sflag:$0x2], $0x4000, $0x38;
	[tilespmem:$0x14800] =	vst v63  }
0x20d: {  	_ =	swait.ge [sflag:s28], $0x80  }
0x20e: {  	[sflag:s28] =	ssyncset.done $0x0  }
0x20f: {  	[sflag:s28] =	ssyncadd.s32 $0xFFFFFF80  }
0x210: {  	_ =	swait.ge [sflag:s11], $0x4000  }
0x211: {  	[sflag:s11] =	ssyncset.done $0x0  }
0x212: {  	[sflag:s11] =	ssyncadd.s32 $0xFFFFC000  }
0x213: {  	[tilespmem:s12], [sflag:$0x1] =	stream.indirect.gather [hbm4b:s14+s10], $0x80, s23, s10, $0xb8;
	[tilespmem:$0x14800] =	vst v63  }
0x214: {  	s18 =	simm.s32 $0x480;
	s17 =	rddreg [dreg:$0x1b]  }
0x215: {  	[tilespmem:s18], [sflag:$0x3] =	stream.linear.gather [hbm4b:s17+s4], $0x80, $0x38;
	[tilespmem:$0x14800] =	vst v63  }
0x216: {  	_ =	swait.ge [sflag:s0], $0x4000  }
0x217: {  	[sflag:s0] =	ssyncset.done $0x0  }
0x218: {  	s19 =	rddreg [dreg:$0x1e];
	[sflag:s0] =	ssyncadd.s32 $0xFFFFC000  }
0x219: {  	[hbm4b:s19+s4] =	stream.linear.scatter [tilespmem:s13], [sflag:$0x2], $0x4000, $0x38;
	[tilespmem:$0x14800] =	vst v63  }
0x21a: {  	_ =	swait.ge [sflag:s28], $0x80  }
0x21b: {  	[sflag:s28] =	ssyncset.done $0x0  }
0x21c: {  	[sflag:s28] =	ssyncadd.s32 $0xFFFFFF80  }
0x21d: {  	_ =	swait.ge [sflag:s11], $0x4000  }
0x21e: {  	[sflag:s11] =	ssyncset.done $0x0  }
0x21f: {  	[sflag:s11] =	ssyncadd.s32 $0xFFFFC000  }
0x220: {  	[tilespmem:s1], [sflag:$0x1] =	stream.indirect.gather [hbm4b:s14+s10], $0x80, s2, s10, $0xb8;
	[tilespmem:$0x14800] =	vst v63  }
0x221: {  	_ =	swait.ge [sflag:s0], $0x4000  }
0x222: {  	[sflag:s0] =	ssyncset.done $0x0  }
0x223: {  	s20 =	rddreg [dreg:$0x1f];
	[sflag:s0] =	ssyncadd.s32 $0xFFFFC000  }
0x224: {  	[hbm4b:s20+s4] =	stream.linear.scatter [tilespmem:s15], [sflag:$0x2], $0x4000, $0x38;
	[tilespmem:$0x14800] =	vst v63  }
0x225: {  	_ =	swait.ge [sflag:s28], $0x80  }
0x226: {  	[sflag:s28] =	ssyncset.done $0x0  }
0x227: {  	[sflag:s28] =	ssyncadd.s32 $0xFFFFFF80  }
0x228: {  	_ =	swait.ge [sflag:s11], $0x4000  }
0x229: {  	[sflag:s11] =	ssyncset.done $0x0  }
0x22a: {  	[sflag:s11] =	ssyncadd.s32 $0xFFFFC000  }
0x22b: {  	[tilespmem:s9], [sflag:$0x1] =	stream.indirect.gather [hbm4b:s14+s10], $0x80, s8, s10, $0xb8;
	[tilespmem:$0x14800] =	vst v63  }
0x22c: {  	_ =	swait.ge [sflag:s0], $0x4000  }
0x22d: {  	s21 =	sld [smem:$0x7EB]  }
0x22e: {  	[sflag:s0] =	ssyncset.done $0x0  }
0x22f: {  	[sflag:s0] =	ssyncadd.s32 $0xFFFFC000  }
0x230: {  	[hbm4b:s21+s4] =	stream.linear.scatter [tilespmem:s12], [sflag:$0x2], $0x4000, $0x38;
	[tilespmem:$0x14800] =	vst v63  }
0x231: {  	_ =	swait.ge [sflag:s28], $0x80  }
0x232: {  	[sflag:s28] =	ssyncset.done $0x0  }
0x233: {  	[sflag:s28] =	ssyncadd.s32 $0xFFFFFF80  }
0x234: {  	_ =	swait.ge [sflag:s11], $0x4000  }
0x235: {  	[sflag:s11] =	ssyncset.done $0x0  }
0x236: {  	[sflag:s11] =	ssyncadd.s32 $0xFFFFC000  }
0x237: {  	[tilespmem:s13], [sflag:$0x1] =	stream.indirect.gather [hbm4b:s14+s10], $0x80, s18, s10, $0xb8;
	[tilespmem:$0x14800] =	vst v63  }
0x238: {  	_ =	swait.ge [sflag:s0], $0x4000  }
0x239: {  	s22 =	sld [smem:$0x7EC]  }
0x23a: {  	[sflag:s0] =	ssyncset.done $0x0  }
0x23b: {  	[sflag:s0] =	ssyncadd.s32 $0xFFFFC000  }
0x23c: {  	[hbm4b:s22+s4] =	stream.linear.scatter [tilespmem:s1], [sflag:$0x2], $0x4000, $0x38;
	[tilespmem:$0x14800] =	vst v63  }
0x23d: {  	_ =	swait.ge [sflag:s0], $0x4000  }
0x23e: {  	s23 =	sld [smem:$0x7ED]  }
0x23f: {  	[sflag:s0] =	ssyncset.done $0x0  }
0x240: {  	[sflag:s0] =	ssyncadd.s32 $0xFFFFC000  }
0x241: {  	[hbm4b:s23+s4] =	stream.linear.scatter [tilespmem:s9], [sflag:$0x2], $0x4000, $0x38;
	[tilespmem:$0x14800] =	vst v63  }
0x242: {  	_ =	swait.ge [sflag:s0], $0x4000  }
0x243: {  	s24 =	sld [smem:$0x7EE]  }
0x244: {  	[sflag:s0] =	ssyncset.done $0x0  }
0x245: {  	[sflag:s0] =	ssyncadd.s32 $0xFFFFC000  }
0x246: {  	[hbm4b:s24+s4] =	stream.linear.scatter [tilespmem:s13], [sflag:$0x2], $0x4000, $0x38;
	[tilespmem:$0x14800] =	vst v63  }
0x247: {  	_ =	swait.ge [sflag:s11], $0x4000  }
0x248: {  	[sflag:s11] =	ssyncset.done $0x0  }
0x249: {  	[sflag:s11] =	ssyncadd.s32 $0xFFFFC000  }
0x24a: {  	_ =	swait.ge [sflag:s11], $0x4000  }
0x24b: {  	[sflag:s11] =	ssyncset.done $0x0  }
0x24c: {  	[sflag:s11] =	ssyncadd.s32 $0xFFFFC000  }
0x24d: {  	_ =	swait.ge [sflag:s11], $0x4000  }
0x24e: {  	[sflag:s11] =	ssyncset.done $0x0  }
0x24f: {  	[sflag:s11] =	ssyncadd.s32 $0xFFFFC000  }
0x250: {  	_ =	swait.ge [sflag:s11], $0x4000  }
0x251: {  	[sflag:s11] =	ssyncset.done $0x0  }
0x252: {  	[sflag:s11] =	ssyncadd.s32 $0xFFFFC000  }
0x253: {  	_ =	swait.ge [sflag:s11], $0x4000  }
0x254: {  	s25 =	sld [smem:$0x7EA]  }
0x255: {  	s26 =	sld [smem:$0x7EF];
	_ =	sdelay $0x1  }
0x256: {  	s1 =	sadd.s32 $0x1, s25  }
0x257: {  	p0 =	sne.s32 s1, s26  }
.Ltmp1:
0x258: {  	_ = 	snop;
	(pc) =	sbr.rel @p0 .LBB2_1-.Ltmp1, $3  }
0x259: {  	_ =	sdelay $0x1  }
0x25a: {  	[sflag:s11] =	ssyncset.done $0x0  }
0x25b: {  	[sflag:s11] =	ssyncadd.s32 $0xFFFFC000  }
0x25c: {  	_ =	sfence.sel $0x180000  }
0x25d: {  	[bflag:$0x0] =	sbarrier.arrive $0xFFFF  }
0x25e: {  	_ =	strace $0x90000047  }
0x25f: {  	s0 =	stileid.u32;
	[bflag:$0x2] =	sbarrier.arrive $0xFFFF  }
0x260: {  	p0 =	sne.s32 s0, $0x0;
	s0 =	rddreg [dreg:$0x3]  }
0x261: {  	s0 =	sadd.s32 @!p0 $0x100000, s0  }
0x262: {  	[sflag:s0] =	ssyncadd.tile.s32 @!p0 $0x1;
	_ =	shalt  }
.Lfunc_end2:
_tile_overlayer_lowered:
.L_overlay_start_2:
0x263: {  	(tag) =	ssettag $0x2  }
0x264: {  	s0 =	rddreg [dreg:$0x0];
	s2 =	stileid.u32  }
0x265: {  	s1 =	rddreg [dreg:$0x1];
	p0 =	sne.s32 s2, $0x0  }
0x266: {  	s3 =	rddreg [dreg:$0x2];
	[bflag:$0x3] =	sbarrier.arrive $0xFFFF;
	s2 =	simm.s32 @!p0 $0x1C04  }
0x267: {  	[timem:s3], [sflag:s2] =	dma.local @!p0 [hbm:s0], s1  }
0x268: {  	s0 =	simm.s32 @!p0 $0x4  }
0x269: {  	_ =	swait.ge @!p0 [sflag:s0], s1  }
0x26a: {  	s1 =	ssub.s32 @!p0 $0x0, s1;
	[sflag:s0] =	ssyncset.done @!p0 $0x0  }
0x26b: {  	[sflag:s0] =	ssyncadd.s32 @!p0 s1  }
0x26c: {  	[bflag:$0x3] =	sbarrier.arrive $0xFFFF  }
0x26d: {  	_ =	shalt  }

</sc_bundles>
